<compile_context>
chip_gen: v7x
topology: tpu7x:2x2x1
jax: 0.10.2.dev20260603
libtpu: 0.0.44.dev20260713+nightly
codegen_flags: <defaults>
</compile_context>

<pallas_src>
import functools

import jax
import jax.numpy as jnp
from jax import lax
from jax.experimental import pallas as pl
from jax.experimental.pallas import tpu as pltpu
from jax.experimental.pallas import tpu_sc as plsc

_NUM_FIELDS = 26
_FIELD_SIZE = 100000
_BATCH = 16384
_NC = 2
_NS = 16
_NW = _NC * _NS
_BPW = _BATCH // _NW
_LANES = 16
_IPW = _NUM_FIELDS * _BPW
_VPF = _BPW // _LANES


def _sc_embed_sum(xw, table_flat):
    mesh = plsc.VectorSubcoreMesh(core_axis_name="c", subcore_axis_name="s")

    @functools.partial(
        pl.kernel,
        out_type=jax.ShapeDtypeStruct((_BATCH,), jnp.float32),
        mesh=mesh,
        cost_estimate=pl.CostEstimate(
            flops=0, transcendentals=0, bytes_accessed=1024
        ),
        scratch_types=[
            pltpu.VMEM((_IPW,), jnp.int32),
            pltpu.VMEM((_IPW,), jnp.float32),
            pltpu.VMEM((_BPW,), jnp.float32),
            pltpu.SemaphoreType.DMA,
            pltpu.SemaphoreType.DMA,
        ],
    )
    def k(xw_hbm, table_hbm, out_hbm, idx_v, vals_v, out_v, sem, sem2):
        wid = lax.axis_index("s") * _NC + lax.axis_index("c")
        pltpu.sync_copy(xw_hbm.at[wid], idx_v)

        _H = _IPW // 2
        c1 = pltpu.async_copy(
            table_hbm.at[0].at[idx_v.at[pl.ds(0, _H)]],
            vals_v.at[pl.ds(0, _H)],
            sem,
        )
        c2 = pltpu.async_copy(
            table_hbm.at[0].at[idx_v.at[pl.ds(_H, _H)]],
            vals_v.at[pl.ds(_H, _H)],
            sem2,
        )
        _FH = _NUM_FIELDS // 2
        c1.wait()
        for v in range(_VPF):
            base = v * _LANES
            acc = vals_v[pl.ds(base, _LANES)]
            for f in range(1, _FH):
                acc = acc + vals_v[pl.ds(f * _BPW + base, _LANES)]
            out_v[pl.ds(base, _LANES)] = acc

        c2.wait()
        for v in range(_VPF):
            base = v * _LANES
            acc = out_v[pl.ds(base, _LANES)]
            for f in range(_FH, _NUM_FIELDS):
                acc = acc + vals_v[pl.ds(f * _BPW + base, _LANES)]
            out_v[pl.ds(base, _LANES)] = acc

        pltpu.sync_copy(out_v, out_hbm.at[pl.ds(wid * _BPW, _BPW)])

    return k(xw, table_flat)


def kernel(x, table):
    x = x.astype(jnp.int32)
    offsets = jnp.arange(_NUM_FIELDS, dtype=jnp.int32) * _FIELD_SIZE
    xw = (
        (x + offsets[None, :])
        .reshape(_NW, _BPW, _NUM_FIELDS)
        .transpose(0, 2, 1)
        .reshape(_NW, _IPW)
    )
    out = _sc_embed_sum(xw, table.reshape(1, -1))
    return out.reshape(_BATCH, 1)

# --- scband reference (transcript-rebuilt; emitter-appended) ---
"""Pipeline reference for scband-features-linear-flax-21036749815821 (READ-ONLY COPY).

The authoritative reference and input builder live on the scoring server;
editing this copy changes nothing except your own understanding.
"""

import jax, jax.numpy as jnp
import numpy as np

FIELD_DIMS = np.array([100000] * 26, dtype=np.int64)
OUTPUT_DIM = 1
NUM_EMBEDDINGS = int(FIELD_DIMS.sum())
BATCH = 16384


def setup_inputs(seed: int = 0) -> dict:
    key = jax.random.key(seed)
    k_x, k_w = jax.random.split(key)
    x = jax.random.randint(k_x, (BATCH, len(FIELD_DIMS)), 0, 100000, dtype=jnp.int64)
    # Embedding table for nn.Embed(sum(field_dims), output_dim)
    table = jax.random.normal(k_w, (NUM_EMBEDDINGS, OUTPUT_DIM), dtype=jnp.float32) * 0.02
    return {"x": x, "table": table}


def reference(x, table):
    # offsets = (0, cumsum(field_dims)[:-1])
    offsets = jnp.asarray(np.concatenate(([0], np.cumsum(FIELD_DIMS)[:-1])), dtype=jnp.int64)
    x = x + offsets  # [B, F], global indices into the concatenated table
    emb = jnp.take(table, x, axis=0)  # [B, F, output_dim]
    return jnp.sum(emb, axis=1)  # [B, output_dim]

if __name__ == "__main__":
    import jax
    _d = setup_inputs()
    print(jax.jit(kernel)(*tuple(_d.values())))

</pallas_src>

<mosaic_0001>
#map = affine_map<(d0, d1) -> (0, 0)>
#map1 = affine_map<(d0, d1) -> (0)>
module attributes {stable_mosaic.version = 14 : i64} {
  func.func @k(%arg0: i32, %arg1: i32, %arg2: memref<32x13312xi32, #tpu.memory_space<hbm>>, %arg3: memref<1x2600000xf32, #tpu.memory_space<hbm>>, %arg4: memref<16384xf32, #tpu.memory_space<hbm>>, %arg5: memref<13312xi32, #tpu.memory_space<vmem>>, %arg6: memref<13312xf32, #tpu.memory_space<vmem>>, %arg7: memref<512xf32, #tpu.memory_space<vmem>>, %arg8: memref<!tpu.dma_semaphore, #tpu.memory_space<semaphore_mem>>, %arg9: memref<!tpu.dma_semaphore, #tpu.memory_space<semaphore_mem>>) attributes {dimension_semantics = [#tpu.dimension_semantics<core_parallel>, #tpu.dimension_semantics<subcore_parallel>], iteration_bounds = array<i64: 2, 16>, scalar_prefetch = 0 : i64, scratch_operands = 5 : i64, tpu.core_type = #tpu.core_type<sc_vector_subcore>, window_params = [{transform_indices = #map}, {transform_indices = #map}, {transform_indices = #map1}]} {
    %mul3A = arith.constant 2 : i32
    %mul3A_0 = arith.muli %arg1, %mul3A : i32
    %add3A = arith.addi %mul3A_0, %arg0 : i32
    "tpu.region"() ({
      %run_scoped3A = tpu.sem_alloc : memref<!tpu.dma_semaphore, #tpu.memory_space<semaphore_mem>>
      %dma_start3A_3687 = arith.constant 0 : i32
      %dma_start3A_3688 = tpu.memref_slice %arg2[%add3A, %dma_start3A_3687] : memref<32x13312xi32, #tpu.memory_space<hbm>> -> memref<1x13312xi32, #tpu.memory_space<hbm>>
      %dma_start3A_3689 = tpu.memref_squeeze %dma_start3A_3688 : memref<1x13312xi32, #tpu.memory_space<hbm>> -> memref<13312xi32, #tpu.memory_space<hbm>>
      %dma_start3A_3690 = arith.constant 0 : i32
      %dma_start3A_3691 = tpu.memref_slice %arg2[%add3A, %dma_start3A_3690] : memref<32x13312xi32, #tpu.memory_space<hbm>> -> memref<1x13312xi32, #tpu.memory_space<hbm>>
      %dma_start3A_3692 = tpu.memref_squeeze %dma_start3A_3691 : memref<1x13312xi32, #tpu.memory_space<hbm>> -> memref<13312xi32, #tpu.memory_space<hbm>>
      tpu.enqueue_dma source(%dma_start3A_3692 : memref<13312xi32, #tpu.memory_space<hbm>>) target(%arg5 : memref<13312xi32, #tpu.memory_space<vmem>>) target_semaphore(%run_scoped3A : memref<!tpu.dma_semaphore, #tpu.memory_space<semaphore_mem>>)
      %dma_wait3A_3693 = arith.constant 0 : i32
      %dma_wait3A_3694 = tpu.memref_slice %arg2[%add3A, %dma_wait3A_3693] : memref<32x13312xi32, #tpu.memory_space<hbm>> -> memref<1x13312xi32, #tpu.memory_space<hbm>>
      %dma_wait3A_3695 = tpu.memref_squeeze %dma_wait3A_3694 : memref<1x13312xi32, #tpu.memory_space<hbm>> -> memref<13312xi32, #tpu.memory_space<hbm>>
      %dma_wait3A_3696 = arith.constant 0 : i32
      %dma_wait3A_3697 = tpu.memref_slice %arg2[%add3A, %dma_wait3A_3696] : memref<32x13312xi32, #tpu.memory_space<hbm>> -> memref<1x13312xi32, #tpu.memory_space<hbm>>
      %dma_wait3A_3698 = tpu.memref_squeeze %dma_wait3A_3697 : memref<1x13312xi32, #tpu.memory_space<hbm>> -> memref<13312xi32, #tpu.memory_space<hbm>>
      tpu.wait_dma2 semaphore(%run_scoped3A : memref<!tpu.dma_semaphore, #tpu.memory_space<semaphore_mem>>) src(%dma_wait3A_3698 : memref<13312xi32, #tpu.memory_space<hbm>>) dst(%arg5 : memref<13312xi32, #tpu.memory_space<vmem>>)
      tpu.yield
    }) : () -> ()
    %dma_start3A = arith.constant 0 : i32
    %dma_start3A_1 = arith.constant 0 : i32
    %dma_start3A_2 = tpu.memref_slice %arg6[%dma_start3A_1] : memref<13312xf32, #tpu.memory_space<vmem>> -> memref<6656xf32, #tpu.memory_space<vmem>>
    %dma_start3A_3 = arith.constant 0 : i32
    %dma_start3A_4 = tpu.memref_slice %arg5[%dma_start3A_3] : memref<13312xi32, #tpu.memory_space<vmem>> -> memref<6656xi32, #tpu.memory_space<vmem>>
    %dma_start3A_5 = arith.constant 0 : i32
    %dma_start3A_6 = tpu.memref_slice %arg3[%dma_start3A, %dma_start3A_5] : memref<1x2600000xf32, #tpu.memory_space<hbm>> -> memref<1x2600000xf32, #tpu.memory_space<hbm>>
    %dma_start3A_7 = tpu.memref_squeeze %dma_start3A_6 : memref<1x2600000xf32, #tpu.memory_space<hbm>> -> memref<2600000xf32, #tpu.memory_space<hbm>>
    %dma_start3A_8 = arith.constant 0 : i32
    %dma_start3A_9 = tpu.memref_slice %dma_start3A_7[%dma_start3A_8] : memref<2600000xf32, #tpu.memory_space<hbm>> -> memref<2600000xf32, #tpu.memory_space<hbm>>
    tpu.enqueue_indirect_dma source(%dma_start3A_9 : memref<2600000xf32, #tpu.memory_space<hbm>>) target(%dma_start3A_2 : memref<6656xf32, #tpu.memory_space<vmem>>) offsets(%dma_start3A_4 : memref<6656xi32, #tpu.memory_space<vmem>>) semaphore(%arg8 : memref<!tpu.dma_semaphore, #tpu.memory_space<semaphore_mem>>)
    %dma_start3A_10 = arith.constant 0 : i32
    %dma_start3A_11 = arith.constant 6656 : i32
    %dma_start3A_12 = tpu.memref_slice %arg6[%dma_start3A_11] : memref<13312xf32, #tpu.memory_space<vmem>> -> memref<6656xf32, #tpu.memory_space<vmem>>
    %dma_start3A_13 = arith.constant 6656 : i32
    %dma_start3A_14 = tpu.memref_slice %arg5[%dma_start3A_13] : memref<13312xi32, #tpu.memory_space<vmem>> -> memref<6656xi32, #tpu.memory_space<vmem>>
    %dma_start3A_15 = arith.constant 0 : i32
    %dma_start3A_16 = tpu.memref_slice %arg3[%dma_start3A_10, %dma_start3A_15] : memref<1x2600000xf32, #tpu.memory_space<hbm>> -> memref<1x2600000xf32, #tpu.memory_space<hbm>>
    %dma_start3A_17 = tpu.memref_squeeze %dma_start3A_16 : memref<1x2600000xf32, #tpu.memory_space<hbm>> -> memref<2600000xf32, #tpu.memory_space<hbm>>
    %dma_start3A_18 = arith.constant 0 : i32
    %dma_start3A_19 = tpu.memref_slice %dma_start3A_17[%dma_start3A_18] : memref<2600000xf32, #tpu.memory_space<hbm>> -> memref<2600000xf32, #tpu.memory_space<hbm>>
    tpu.enqueue_indirect_dma source(%dma_start3A_19 : memref<2600000xf32, #tpu.memory_space<hbm>>) target(%dma_start3A_12 : memref<6656xf32, #tpu.memory_space<vmem>>) offsets(%dma_start3A_14 : memref<6656xi32, #tpu.memory_space<vmem>>) semaphore(%arg9 : memref<!tpu.dma_semaphore, #tpu.memory_space<semaphore_mem>>)
    %dma_wait3A = arith.constant 0 : i32
    %dma_wait3A_20 = arith.constant 0 : i32
    %dma_wait3A_21 = tpu.memref_slice %arg6[%dma_wait3A_20] : memref<13312xf32, #tpu.memory_space<vmem>> -> memref<6656xf32, #tpu.memory_space<vmem>>
    %dma_wait3A_22 = arith.constant 0 : i32
    %dma_wait3A_23 = tpu.memref_slice %arg5[%dma_wait3A_22] : memref<13312xi32, #tpu.memory_space<vmem>> -> memref<6656xi32, #tpu.memory_space<vmem>>
    %dma_wait3A_24 = arith.constant 0 : i32
    %dma_wait3A_25 = tpu.memref_slice %arg3[%dma_wait3A, %dma_wait3A_24] : memref<1x2600000xf32, #tpu.memory_space<hbm>> -> memref<1x2600000xf32, #tpu.memory_space<hbm>>
    %dma_wait3A_26 = tpu.memref_squeeze %dma_wait3A_25 : memref<1x2600000xf32, #tpu.memory_space<hbm>> -> memref<2600000xf32, #tpu.memory_space<hbm>>
    %dma_wait3A_27 = arith.constant 0 : i32
    %dma_wait3A_28 = tpu.memref_slice %dma_wait3A_26[%dma_wait3A_27] : memref<2600000xf32, #tpu.memory_space<hbm>> -> memref<2600000xf32, #tpu.memory_space<hbm>>
    tpu.wait_indirect_dma semaphore(%arg8 : memref<!tpu.dma_semaphore, #tpu.memory_space<semaphore_mem>>) src(%dma_wait3A_28 : memref<2600000xf32, #tpu.memory_space<hbm>>) dst(%dma_wait3A_21 : memref<6656xf32, #tpu.memory_space<vmem>>)
    %get3A = arith.constant 0 : index
    %get3A_29 = tpu.vector_load %arg6[%get3A] {strides = array<i32>} : memref<13312xf32, #tpu.memory_space<vmem>>, vector<16xf32>,
    %get3A_30 = vector.shape_cast %get3A_29 : vector<16xf32> to vector<16xf32>
    %get3A_31 = arith.constant 512 : index
    %get3A_32 = tpu.vector_load %arg6[%get3A_31] {strides = array<i32>} : memref<13312xf32, #tpu.memory_space<vmem>>, vector<16xf32>,
    %get3A_33 = vector.shape_cast %get3A_32 : vector<16xf32> to vector<16xf32>
    %add3A_34 = arith.addf %get3A_30, %get3A_33 : vector<16xf32>
    %get3A_35 = arith.constant 1024 : index
    %get3A_36 = tpu.vector_load %arg6[%get3A_35] {strides = array<i32>} : memref<13312xf32, #tpu.memory_space<vmem>>, vector<16xf32>,
    %get3A_37 = vector.shape_cast %get3A_36 : vector<16xf32> to vector<16xf32>
    %add3A_38 = arith.addf %add3A_34, %get3A_37 : vector<16xf32>
    %get3A_39 = arith.constant 1536 : index
    %get3A_40 = tpu.vector_load %arg6[%get3A_39] {strides = array<i32>} : memref<13312xf32, #tpu.memory_space<vmem>>, vector<16xf32>,
    %get3A_41 = vector.shape_cast %get3A_40 : vector<16xf32> to vector<16xf32>
    %add3A_42 = arith.addf %add3A_38, %get3A_41 : vector<16xf32>
    %get3A_43 = arith.constant 2048 : index
    %get3A_44 = tpu.vector_load %arg6[%get3A_43] {strides = array<i32>} : memref<13312xf32, #tpu.memory_space<vmem>>, vector<16xf32>,
    %get3A_45 = vector.shape_cast %get3A_44 : vector<16xf32> to vector<16xf32>
    %add3A_46 = arith.addf %add3A_42, %get3A_45 : vector<16xf32>
    %get3A_47 = arith.constant 2560 : index
    %get3A_48 = tpu.vector_load %arg6[%get3A_47] {strides = array<i32>} : memref<13312xf32, #tpu.memory_space<vmem>>, vector<16xf32>,
    %get3A_49 = vector.shape_cast %get3A_48 : vector<16xf32> to vector<16xf32>
    %add3A_50 = arith.addf %add3A_46, %get3A_49 : vector<16xf32>
    %get3A_51 = arith.constant 3072 : index
    %get3A_52 = tpu.vector_load %arg6[%get3A_51] {strides = array<i32>} : memref<13312xf32, #tpu.memory_space<vmem>>, vector<16xf32>,
    %get3A_53 = vector.shape_cast %get3A_52 : vector<16xf32> to vector<16xf32>
    %add3A_54 = arith.addf %add3A_50, %get3A_53 : vector<16xf32>
    %get3A_55 = arith.constant 3584 : index
    %get3A_56 = tpu.vector_load %arg6[%get3A_55] {strides = array<i32>} : memref<13312xf32, #tpu.memory_space<vmem>>, vector<16xf32>,
    %get3A_57 = vector.shape_cast %get3A_56 : vector<16xf32> to vector<16xf32>
    %add3A_58 = arith.addf %add3A_54, %get3A_57 : vector<16xf32>
    %get3A_59 = arith.constant 4096 : index
    %get3A_60 = tpu.vector_load %arg6[%get3A_59] {strides = array<i32>} : memref<13312xf32, #tpu.memory_space<vmem>>, vector<16xf32>,
    %get3A_61 = vector.shape_cast %get3A_60 : vector<16xf32> to vector<16xf32>
    %add3A_62 = arith.addf %add3A_58, %get3A_61 : vector<16xf32>
    %get3A_63 = arith.constant 4608 : index
    %get3A_64 = tpu.vector_load %arg6[%get3A_63] {strides = array<i32>} : memref<13312xf32, #tpu.memory_space<vmem>>, vector<16xf32>,
    %get3A_65 = vector.shape_cast %get3A_64 : vector<16xf32> to vector<16xf32>
    %add3A_66 = arith.addf %add3A_62, %get3A_65 : vector<16xf32>
    %get3A_67 = arith.constant 5120 : index
    %get3A_68 = tpu.vector_load %arg6[%get3A_67] {strides = array<i32>} : memref<13312xf32, #tpu.memory_space<vmem>>, vector<16xf32>,
    %get3A_69 = vector.shape_cast %get3A_68 : vector<16xf32> to vector<16xf32>
    %add3A_70 = arith.addf %add3A_66, %get3A_69 : vector<16xf32>
    %get3A_71 = arith.constant 5632 : index
    %get3A_72 = tpu.vector_load %arg6[%get3A_71] {strides = array<i32>} : memref<13312xf32, #tpu.memory_space<vmem>>, vector<16xf32>,
    %get3A_73 = vector.shape_cast %get3A_72 : vector<16xf32> to vector<16xf32>
    %add3A_74 = arith.addf %add3A_70, %get3A_73 : vector<16xf32>
    %get3A_75 = arith.constant 6144 : index
    %get3A_76 = tpu.vector_load %arg6[%get3A_75] {strides = array<i32>} : memref<13312xf32, #tpu.memory_space<vmem>>, vector<16xf32>,
    %get3A_77 = vector.shape_cast %get3A_76 : vector<16xf32> to vector<16xf32>
    %add3A_78 = arith.addf %add3A_74, %get3A_77 : vector<16xf32>
    %swap3A = arith.constant 0 : index
    %swap3A_79 = tpu.vector_load %arg7[%swap3A] {strides = array<i32>} : memref<512xf32, #tpu.memory_space<vmem>>, vector<16xf32>,
    %swap3A_80 = vector.shape_cast %swap3A_79 : vector<16xf32> to vector<16xf32>
    %swap3A_81 = vector.shape_cast %add3A_78 : vector<16xf32> to vector<16xf32>
    tpu.vector_store %arg7[%swap3A], %swap3A_81 {strides = array<i32>} : memref<512xf32, #tpu.memory_space<vmem>>, vector<16xf32>,
    %get3A_82 = arith.constant 16 : index
    %get3A_83 = tpu.vector_load %arg6[%get3A_82] {strides = array<i32>} : memref<13312xf32, #tpu.memory_space<vmem>>, vector<16xf32>,
    %get3A_84 = vector.shape_cast %get3A_83 : vector<16xf32> to vector<16xf32>
    %get3A_85 = arith.constant 528 : index
    %get3A_86 = tpu.vector_load %arg6[%get3A_85] {strides = array<i32>} : memref<13312xf32, #tpu.memory_space<vmem>>, vector<16xf32>,
    %get3A_87 = vector.shape_cast %get3A_86 : vector<16xf32> to vector<16xf32>
    %add3A_88 = arith.addf %get3A_84, %get3A_87 : vector<16xf32>
    %get3A_89 = arith.constant 1040 : index
    %get3A_90 = tpu.vector_load %arg6[%get3A_89] {strides = array<i32>} : memref<13312xf32, #tpu.memory_space<vmem>>, vector<16xf32>,
    %get3A_91 = vector.shape_cast %get3A_90 : vector<16xf32> to vector<16xf32>
    %add3A_92 = arith.addf %add3A_88, %get3A_91 : vector<16xf32>
    %get3A_93 = arith.constant 1552 : index
    %get3A_94 = tpu.vector_load %arg6[%get3A_93] {strides = array<i32>} : memref<13312xf32, #tpu.memory_space<vmem>>, vector<16xf32>,
    %get3A_95 = vector.shape_cast %get3A_94 : vector<16xf32> to vector<16xf32>
    %add3A_96 = arith.addf %add3A_92, %get3A_95 : vector<16xf32>
    %get3A_97 = arith.constant 2064 : index
    %get3A_98 = tpu.vector_load %arg6[%get3A_97] {strides = array<i32>} : memref<13312xf32, #tpu.memory_space<vmem>>, vector<16xf32>,
    %get3A_99 = vector.shape_cast %get3A_98 : vector<16xf32> to vector<16xf32>
    %add3A_100 = arith.addf %add3A_96, %get3A_99 : vector<16xf32>
    %get3A_101 = arith.constant 2576 : index
    %get3A_102 = tpu.vector_load %arg6[%get3A_101] {strides = array<i32>} : memref<13312xf32, #tpu.memory_space<vmem>>, vector<16xf32>,
    %get3A_103 = vector.shape_cast %get3A_102 : vector<16xf32> to vector<16xf32>
    %add3A_104 = arith.addf %add3A_100, %get3A_103 : vector<16xf32>
    %get3A_105 = arith.constant 3088 : index
    %get3A_106 = tpu.vector_load %arg6[%get3A_105] {strides = array<i32>} : memref<13312xf32, #tpu.memory_space<vmem>>, vector<16xf32>,
    %get3A_107 = vector.shape_cast %get3A_106 : vector<16xf32> to vector<16xf32>
    %add3A_108 = arith.addf %add3A_104, %get3A_107 : vector<16xf32>
    %get3A_109 = arith.constant 3600 : index
    %get3A_110 = tpu.vector_load %arg6[%get3A_109] {strides = array<i32>} : memref<13312xf32, #tpu.memory_space<vmem>>, vector<16xf32>,
    %get3A_111 = vector.shape_cast %get3A_110 : vector<16xf32> to vector<16xf32>
    %add3A_112 = arith.addf %add3A_108, %get3A_111 : vector<16xf32>
    %get3A_113 = arith.constant 4112 : index
    %get3A_114 = tpu.vector_load %arg6[%get3A_113] {strides = array<i32>} : memref<13312xf32, #tpu.memory_space<vmem>>, vector<16xf32>,
    %get3A_115 = vector.shape_cast %get3A_114 : vector<16xf32> to vector<16xf32>
    %add3A_116 = arith.addf %add3A_112, %get3A_115 : vector<16xf32>
    %get3A_117 = arith.constant 4624 : index
    %get3A_118 = tpu.vector_load %arg6[%get3A_117] {strides = array<i32>} : memref<13312xf32, #tpu.memory_space<vmem>>, vector<16xf32>,
    %get3A_119 = vector.shape_cast %get3A_118 : vector<16xf32> to vector<16xf32>
    %add3A_120 = arith.addf %add3A_116, %get3A_119 : vector<16xf32>
    %get3A_121 = arith.constant 5136 : index
    %get3A_122 = tpu.vector_load %arg6[%get3A_121] {strides = array<i32>} : memref<13312xf32, #tpu.memory_space<vmem>>, vector<16xf32>,
    %get3A_123 = vector.shape_cast %get3A_122 : vector<16xf32> to vector<16xf32>
    %add3A_124 = arith.addf %add3A_120, %get3A_123 : vector<16xf32>
    %get3A_125 = arith.constant 5648 : index
    %get3A_126 = tpu.vector_load %arg6[%get3A_125] {strides = array<i32>} : memref<13312xf32, #tpu.memory_space<vmem>>, vector<16xf32>,
    %get3A_127 = vector.shape_cast %get3A_126 : vector<16xf32> to vector<16xf32>
    %add3A_128 = arith.addf %add3A_124, %get3A_127 : vector<16xf32>
    %get3A_129 = arith.constant 6160 : index
    %get3A_130 = tpu.vector_load %arg6[%get3A_129] {strides = array<i32>} : memref<13312xf32, #tpu.memory_space<vmem>>, vector<16xf32>,
    %get3A_131 = vector.shape_cast %get3A_130 : vector<16xf32> to vector<16xf32>
    %add3A_132 = arith.addf %add3A_128, %get3A_131 : vector<16xf32>
    %swap3A_133 = arith.constant 16 : index
    %swap3A_134 = tpu.vector_load %arg7[%swap3A_133] {strides = array<i32>} : memref<512xf32, #tpu.memory_space<vmem>>, vector<16xf32>,
    %swap3A_135 = vector.shape_cast %swap3A_134 : vector<16xf32> to vector<16xf32>
    %swap3A_136 = vector.shape_cast %add3A_132 : vector<16xf32> to vector<16xf32>
    tpu.vector_store %arg7[%swap3A_133], %swap3A_136 {strides = array<i32>} : memref<512xf32, #tpu.memory_space<vmem>>, vector<16xf32>,
    %get3A_137 = arith.constant 32 : index
    %get3A_138 = tpu.vector_load %arg6[%get3A_137] {strides = array<i32>} : memref<13312xf32, #tpu.memory_space<vmem>>, vector<16xf32>,
    %get3A_139 = vector.shape_cast %get3A_138 : vector<16xf32> to vector<16xf32>
    %get3A_140 = arith.constant 544 : index
    %get3A_141 = tpu.vector_load %arg6[%get3A_140] {strides = array<i32>} : memref<13312xf32, #tpu.memory_space<vmem>>, vector<16xf32>,
    %get3A_142 = vector.shape_cast %get3A_141 : vector<16xf32> to vector<16xf32>
    %add3A_143 = arith.addf %get3A_139, %get3A_142 : vector<16xf32>
    %get3A_144 = arith.constant 1056 : index
    %get3A_145 = tpu.vector_load %arg6[%get3A_144] {strides = array<i32>} : memref<13312xf32, #tpu.memory_space<vmem>>, vector<16xf32>,
    %get3A_146 = vector.shape_cast %get3A_145 : vector<16xf32> to vector<16xf32>
    %add3A_147 = arith.addf %add3A_143, %get3A_146 : vector<16xf32>
    %get3A_148 = arith.constant 1568 : index
    %get3A_149 = tpu.vector_load %arg6[%get3A_148] {strides = array<i32>} : memref<13312xf32, #tpu.memory_space<vmem>>, vector<16xf32>,
    %get3A_150 = vector.shape_cast %get3A_149 : vector<16xf32> to vector<16xf32>
    %add3A_151 = arith.addf %add3A_147, %get3A_150 : vector<16xf32>
    %get3A_152 = arith.constant 2080 : index
    %get3A_153 = tpu.vector_load %arg6[%get3A_152] {strides = array<i32>} : memref<13312xf32, #tpu.memory_space<vmem>>, vector<16xf32>,
    %get3A_154 = vector.shape_cast %get3A_153 : vector<16xf32> to vector<16xf32>
    %add3A_155 = arith.addf %add3A_151, %get3A_154 : vector<16xf32>
    %get3A_156 = arith.constant 2592 : index
    %get3A_157 = tpu.vector_load %arg6[%get3A_156] {strides = array<i32>} : memref<13312xf32, #tpu.memory_space<vmem>>, vector<16xf32>,
    %get3A_158 = vector.shape_cast %get3A_157 : vector<16xf32> to vector<16xf32>
    %add3A_159 = arith.addf %add3A_155, %get3A_158 : vector<16xf32>
    %get3A_160 = arith.constant 3104 : index
    %get3A_161 = tpu.vector_load %arg6[%get3A_160] {strides = array<i32>} : memref<13312xf32, #tpu.memory_space<vmem>>, vector<16xf32>,
    %get3A_162 = vector.shape_cast %get3A_161 : vector<16xf32> to vector<16xf32>
    %add3A_163 = arith.addf %add3A_159, %get3A_162 : vector<16xf32>
    %get3A_164 = arith.constant 3616 : index
    %get3A_165 = tpu.vector_load %arg6[%get3A_164] {strides = array<i32>} : memref<13312xf32, #tpu.memory_space<vmem>>, vector<16xf32>,
    %get3A_166 = vector.shape_cast %get3A_165 : vector<16xf32> to vector<16xf32>
    %add3A_167 = arith.addf %add3A_163, %get3A_166 : vector<16xf32>
    %get3A_168 = arith.constant 4128 : index
    %get3A_169 = tpu.vector_load %arg6[%get3A_168] {strides = array<i32>} : memref<13312xf32, #tpu.memory_space<vmem>>, vector<16xf32>,
    %get3A_170 = vector.shape_cast %get3A_169 : vector<16xf32> to vector<16xf32>
    %add3A_171 = arith.addf %add3A_167, %get3A_170 : vector<16xf32>
    %get3A_172 = arith.constant 4640 : index
    %get3A_173 = tpu.vector_load %arg6[%get3A_172] {strides = array<i32>} : memref<13312xf32, #tpu.memory_space<vmem>>, vector<16xf32>,
    %get3A_174 = vector.shape_cast %get3A_173 : vector<16xf32> to vector<16xf32>
    %add3A_175 = arith.addf %add3A_171, %get3A_174 : vector<16xf32>
    %get3A_176 = arith.constant 5152 : index
    %get3A_177 = tpu.vector_load %arg6[%get3A_176] {strides = array<i32>} : memref<13312xf32, #tpu.memory_space<vmem>>, vector<16xf32>,
    %get3A_178 = vector.shape_cast %get3A_177 : vector<16xf32> to vector<16xf32>
    %add3A_179 = arith.addf %add3A_175, %get3A_178 : vector<16xf32>
    %get3A_180 = arith.constant 5664 : index
    %get3A_181 = tpu.vector_load %arg6[%get3A_180] {strides = array<i32>} : memref<13312xf32, #tpu.memory_space<vmem>>, vector<16xf32>,
    %get3A_182 = vector.shape_cast %get3A_181 : vector<16xf32> to vector<16xf32>
    %add3A_183 = arith.addf %add3A_179, %get3A_182 : vector<16xf32>
    %get3A_184 = arith.constant 6176 : index
    %get3A_185 = tpu.vector_load %arg6[%get3A_184] {strides = array<i32>} : memref<13312xf32, #tpu.memory_space<vmem>>, vector<16xf32>,
    %get3A_186 = vector.shape_cast %get3A_185 : vector<16xf32> to vector<16xf32>
    %add3A_187 = arith.addf %add3A_183, %get3A_186 : vector<16xf32>
    %swap3A_188 = arith.constant 32 : index
    %swap3A_189 = tpu.vector_load %arg7[%swap3A_188] {strides = array<i32>} : memref<512xf32, #tpu.memory_space<vmem>>, vector<16xf32>,
    %swap3A_190 = vector.shape_cast %swap3A_189 : vector<16xf32> to vector<16xf32>
    %swap3A_191 = vector.shape_cast %add3A_187 : vector<16xf32> to vector<16xf32>
    tpu.vector_store %arg7[%swap3A_188], %swap3A_191 {strides = array<i32>} : memref<512xf32, #tpu.memory_space<vmem>>, vector<16xf32>,
    %get3A_192 = arith.constant 48 : index
    %get3A_193 = tpu.vector_load %arg6[%get3A_192] {strides = array<i32>} : memref<13312xf32, #tpu.memory_space<vmem>>, vector<16xf32>,
    %get3A_194 = vector.shape_cast %get3A_193 : vector<16xf32> to vector<16xf32>
    %get3A_195 = arith.constant 560 : index
    %get3A_196 = tpu.vector_load %arg6[%get3A_195] {strides = array<i32>} : memref<13312xf32, #tpu.memory_space<vmem>>, vector<16xf32>,
    %get3A_197 = vector.shape_cast %get3A_196 : vector<16xf32> to vector<16xf32>
    %add3A_198 = arith.addf %get3A_194, %get3A_197 : vector<16xf32>
    %get3A_199 = arith.constant 1072 : index
    %get3A_200 = tpu.vector_load %arg6[%get3A_199] {strides = array<i32>} : memref<13312xf32, #tpu.memory_space<vmem>>, vector<16xf32>,
    %get3A_201 = vector.shape_cast %get3A_200 : vector<16xf32> to vector<16xf32>
    %add3A_202 = arith.addf %add3A_198, %get3A_201 : vector<16xf32>
    %get3A_203 = arith.constant 1584 : index
    %get3A_204 = tpu.vector_load %arg6[%get3A_203] {strides = array<i32>} : memref<13312xf32, #tpu.memory_space<vmem>>, vector<16xf32>,
    %get3A_205 = vector.shape_cast %get3A_204 : vector<16xf32> to vector<16xf32>
    %add3A_206 = arith.addf %add3A_202, %get3A_205 : vector<16xf32>
    %get3A_207 = arith.constant 2096 : index
    %get3A_208 = tpu.vector_load %arg6[%get3A_207] {strides = array<i32>} : memref<13312xf32, #tpu.memory_space<vmem>>, vector<16xf32>,
    %get3A_209 = vector.shape_cast %get3A_208 : vector<16xf32> to vector<16xf32>
    %add3A_210 = arith.addf %add3A_206, %get3A_209 : vector<16xf32>
    %get3A_211 = arith.constant 2608 : index
    %get3A_212 = tpu.vector_load %arg6[%get3A_211] {strides = array<i32>} : memref<13312xf32, #tpu.memory_space<vmem>>, vector<16xf32>,
    %get3A_213 = vector.shape_cast %get3A_212 : vector<16xf32> to vector<16xf32>
    %add3A_214 = arith.addf %add3A_210, %get3A_213 : vector<16xf32>
    %get3A_215 = arith.constant 3120 : index
    %get3A_216 = tpu.vector_load %arg6[%get3A_215] {strides = array<i32>} : memref<13312xf32, #tpu.memory_space<vmem>>, vector<16xf32>,
    %get3A_217 = vector.shape_cast %get3A_216 : vector<16xf32> to vector<16xf32>
    %add3A_218 = arith.addf %add3A_214, %get3A_217 : vector<16xf32>
    %get3A_219 = arith.constant 3632 : index
    %get3A_220 = tpu.vector_load %arg6[%get3A_219] {strides = array<i32>} : memref<13312xf32, #tpu.memory_space<vmem>>, vector<16xf32>,
    %get3A_221 = vector.shape_cast %get3A_220 : vector<16xf32> to vector<16xf32>
    %add3A_222 = arith.addf %add3A_218, %get3A_221 : vector<16xf32>
    %get3A_223 = arith.constant 4144 : index
    %get3A_224 = tpu.vector_load %arg6[%get3A_223] {strides = array<i32>} : memref<13312xf32, #tpu.memory_space<vmem>>, vector<16xf32>,
    %get3A_225 = vector.shape_cast %get3A_224 : vector<16xf32> to vector<16xf32>
    %add3A_226 = arith.addf %add3A_222, %get3A_225 : vector<16xf32>
    %get3A_227 = arith.constant 4656 : index
    %get3A_228 = tpu.vector_load %arg6[%get3A_227] {strides = array<i32>} : memref<13312xf32, #tpu.memory_space<vmem>>, vector<16xf32>,
    %get3A_229 = vector.shape_cast %get3A_228 : vector<16xf32> to vector<16xf32>
    %add3A_230 = arith.addf %add3A_226, %get3A_229 : vector<16xf32>
    %get3A_231 = arith.constant 5168 : index
    %get3A_232 = tpu.vector_load %arg6[%get3A_231] {strides = array<i32>} : memref<13312xf32, #tpu.memory_space<vmem>>, vector<16xf32>,
    %get3A_233 = vector.shape_cast %get3A_232 : vector<16xf32> to vector<16xf32>
    %add3A_234 = arith.addf %add3A_230, %get3A_233 : vector<16xf32>
    %get3A_235 = arith.constant 5680 : index
    %get3A_236 = tpu.vector_load %arg6[%get3A_235] {strides = array<i32>} : memref<13312xf32, #tpu.memory_space<vmem>>, vector<16xf32>,
    %get3A_237 = vector.shape_cast %get3A_236 : vector<16xf32> to vector<16xf32>
    %add3A_238 = arith.addf %add3A_234, %get3A_237 : vector<16xf32>
    %get3A_239 = arith.constant 6192 : index
    %get3A_240 = tpu.vector_load %arg6[%get3A_239] {strides = array<i32>} : memref<13312xf32, #tpu.memory_space<vmem>>, vector<16xf32>,
    %get3A_241 = vector.shape_cast %get3A_240 : vector<16xf32> to vector<16xf32>
    %add3A_242 = arith.addf %add3A_238, %get3A_241 : vector<16xf32>
    %swap3A_243 = arith.constant 48 : index
    %swap3A_244 = tpu.vector_load %arg7[%swap3A_243] {strides = array<i32>} : memref<512xf32, #tpu.memory_space<vmem>>, vector<16xf32>,
    %swap3A_245 = vector.shape_cast %swap3A_244 : vector<16xf32> to vector<16xf32>
    %swap3A_246 = vector.shape_cast %add3A_242 : vector<16xf32> to vector<16xf32>
    tpu.vector_store %arg7[%swap3A_243], %swap3A_246 {strides = array<i32>} : memref<512xf32, #tpu.memory_space<vmem>>, vector<16xf32>,
    %get3A_247 = arith.constant 64 : index
    %get3A_248 = tpu.vector_load %arg6[%get3A_247] {strides = array<i32>} : memref<13312xf32, #tpu.memory_space<vmem>>, vector<16xf32>,
    %get3A_249 = vector.shape_cast %get3A_248 : vector<16xf32> to vector<16xf32>
    %get3A_250 = arith.constant 576 : index
    %get3A_251 = tpu.vector_load %arg6[%get3A_250] {strides = array<i32>} : memref<13312xf32, #tpu.memory_space<vmem>>, vector<16xf32>,
    %get3A_252 = vector.shape_cast %get3A_251 : vector<16xf32> to vector<16xf32>
    %add3A_253 = arith.addf %get3A_249, %get3A_252 : vector<16xf32>
    %get3A_254 = arith.constant 1088 : index
    %get3A_255 = tpu.vector_load %arg6[%get3A_254] {strides = array<i32>} : memref<13312xf32, #tpu.memory_space<vmem>>, vector<16xf32>,
    %get3A_256 = vector.shape_cast %get3A_255 : vector<16xf32> to vector<16xf32>
    %add3A_257 = arith.addf %add3A_253, %get3A_256 : vector<16xf32>
    %get3A_258 = arith.constant 1600 : index
    %get3A_259 = tpu.vector_load %arg6[%get3A_258] {strides = array<i32>} : memref<13312xf32, #tpu.memory_space<vmem>>, vector<16xf32>,
    %get3A_260 = vector.shape_cast %get3A_259 : vector<16xf32> to vector<16xf32>
    %add3A_261 = arith.addf %add3A_257, %get3A_260 : vector<16xf32>
    %get3A_262 = arith.constant 2112 : index
    %get3A_263 = tpu.vector_load %arg6[%get3A_262] {strides = array<i32>} : memref<13312xf32, #tpu.memory_space<vmem>>, vector<16xf32>,
    %get3A_264 = vector.shape_cast %get3A_263 : vector<16xf32> to vector<16xf32>
    %add3A_265 = arith.addf %add3A_261, %get3A_264 : vector<16xf32>
    %get3A_266 = arith.constant 2624 : index
    %get3A_267 = tpu.vector_load %arg6[%get3A_266] {strides = array<i32>} : memref<13312xf32, #tpu.memory_space<vmem>>, vector<16xf32>,
    %get3A_268 = vector.shape_cast %get3A_267 : vector<16xf32> to vector<16xf32>
    %add3A_269 = arith.addf %add3A_265, %get3A_268 : vector<16xf32>
    %get3A_270 = arith.constant 3136 : index
    %get3A_271 = tpu.vector_load %arg6[%get3A_270] {strides = array<i32>} : memref<13312xf32, #tpu.memory_space<vmem>>, vector<16xf32>,
    %get3A_272 = vector.shape_cast %get3A_271 : vector<16xf32> to vector<16xf32>
    %add3A_273 = arith.addf %add3A_269, %get3A_272 : vector<16xf32>
    %get3A_274 = arith.constant 3648 : index
    %get3A_275 = tpu.vector_load %arg6[%get3A_274] {strides = array<i32>} : memref<13312xf32, #tpu.memory_space<vmem>>, vector<16xf32>,
    %get3A_276 = vector.shape_cast %get3A_275 : vector<16xf32> to vector<16xf32>
    %add3A_277 = arith.addf %add3A_273, %get3A_276 : vector<16xf32>
    %get3A_278 = arith.constant 4160 : index
    %get3A_279 = tpu.vector_load %arg6[%get3A_278] {strides = array<i32>} : memref<13312xf32, #tpu.memory_space<vmem>>, vector<16xf32>,
    %get3A_280 = vector.shape_cast %get3A_279 : vector<16xf32> to vector<16xf32>
    %add3A_281 = arith.addf %add3A_277, %get3A_280 : vector<16xf32>
    %get3A_282 = arith.constant 4672 : index
    %get3A_283 = tpu.vector_load %arg6[%get3A_282] {strides = array<i32>} : memref<13312xf32, #tpu.memory_space<vmem>>, vector<16xf32>,
    %get3A_284 = vector.shape_cast %get3A_283 : vector<16xf32> to vector<16xf32>
    %add3A_285 = arith.addf %add3A_281, %get3A_284 : vector<16xf32>
    %get3A_286 = arith.constant 5184 : index
    %get3A_287 = tpu.vector_load %arg6[%get3A_286] {strides = array<i32>} : memref<13312xf32, #tpu.memory_space<vmem>>, vector<16xf32>,
    %get3A_288 = vector.shape_cast %get3A_287 : vector<16xf32> to vector<16xf32>
    %add3A_289 = arith.addf %add3A_285, %get3A_288 : vector<16xf32>
    %get3A_290 = arith.constant 5696 : index
    %get3A_291 = tpu.vector_load %arg6[%get3A_290] {strides = array<i32>} : memref<13312xf32, #tpu.memory_space<vmem>>, vector<16xf32>,
    %get3A_292 = vector.shape_cast %get3A_291 : vector<16xf32> to vector<16xf32>
    %add3A_293 = arith.addf %add3A_289, %get3A_292 : vector<16xf32>
    %get3A_294 = arith.constant 6208 : index
    %get3A_295 = tpu.vector_load %arg6[%get3A_294] {strides = array<i32>} : memref<13312xf32, #tpu.memory_space<vmem>>, vector<16xf32>,
    %get3A_296 = vector.shape_cast %get3A_295 : vector<16xf32> to vector<16xf32>
    %add3A_297 = arith.addf %add3A_293, %get3A_296 : vector<16xf32>
    %swap3A_298 = arith.constant 64 : index
    %swap3A_299 = tpu.vector_load %arg7[%swap3A_298] {strides = array<i32>} : memref<512xf32, #tpu.memory_space<vmem>>, vector<16xf32>,
    %swap3A_300 = vector.shape_cast %swap3A_299 : vector<16xf32> to vector<16xf32>
    %swap3A_301 = vector.shape_cast %add3A_297 : vector<16xf32> to vector<16xf32>
    tpu.vector_store %arg7[%swap3A_298], %swap3A_301 {strides = array<i32>} : memref<512xf32, #tpu.memory_space<vmem>>, vector<16xf32>,
    %get3A_302 = arith.constant 80 : index
    %get3A_303 = tpu.vector_load %arg6[%get3A_302] {strides = array<i32>} : memref<13312xf32, #tpu.memory_space<vmem>>, vector<16xf32>,
    %get3A_304 = vector.shape_cast %get3A_303 : vector<16xf32> to vector<16xf32>
    %get3A_305 = arith.constant 592 : index
    %get3A_306 = tpu.vector_load %arg6[%get3A_305] {strides = array<i32>} : memref<13312xf32, #tpu.memory_space<vmem>>, vector<16xf32>,
    %get3A_307 = vector.shape_cast %get3A_306 : vector<16xf32> to vector<16xf32>
    %add3A_308 = arith.addf %get3A_304, %get3A_307 : vector<16xf32>
    %get3A_309 = arith.constant 1104 : index
    %get3A_310 = tpu.vector_load %arg6[%get3A_309] {strides = array<i32>} : memref<13312xf32, #tpu.memory_space<vmem>>, vector<16xf32>,
    %get3A_311 = vector.shape_cast %get3A_310 : vector<16xf32> to vector<16xf32>
    %add3A_312 = arith.addf %add3A_308, %get3A_311 : vector<16xf32>
    %get3A_313 = arith.constant 1616 : index
    %get3A_314 = tpu.vector_load %arg6[%get3A_313] {strides = array<i32>} : memref<13312xf32, #tpu.memory_space<vmem>>, vector<16xf32>,
    %get3A_315 = vector.shape_cast %get3A_314 : vector<16xf32> to vector<16xf32>
    %add3A_316 = arith.addf %add3A_312, %get3A_315 : vector<16xf32>
    %get3A_317 = arith.constant 2128 : index
    %get3A_318 = tpu.vector_load %arg6[%get3A_317] {strides = array<i32>} : memref<13312xf32, #tpu.memory_space<vmem>>, vector<16xf32>,
    %get3A_319 = vector.shape_cast %get3A_318 : vector<16xf32> to vector<16xf32>
    %add3A_320 = arith.addf %add3A_316, %get3A_319 : vector<16xf32>
    %get3A_321 = arith.constant 2640 : index
    %get3A_322 = tpu.vector_load %arg6[%get3A_321] {strides = array<i32>} : memref<13312xf32, #tpu.memory_space<vmem>>, vector<16xf32>,
    %get3A_323 = vector.shape_cast %get3A_322 : vector<16xf32> to vector<16xf32>
    %add3A_324 = arith.addf %add3A_320, %get3A_323 : vector<16xf32>
    %get3A_325 = arith.constant 3152 : index
    %get3A_326 = tpu.vector_load %arg6[%get3A_325] {strides = array<i32>} : memref<13312xf32, #tpu.memory_space<vmem>>, vector<16xf32>,
    %get3A_327 = vector.shape_cast %get3A_326 : vector<16xf32> to vector<16xf32>
    %add3A_328 = arith.addf %add3A_324, %get3A_327 : vector<16xf32>
    %get3A_329 = arith.constant 3664 : index
    %get3A_330 = tpu.vector_load %arg6[%get3A_329] {strides = array<i32>} : memref<13312xf32, #tpu.memory_space<vmem>>, vector<16xf32>,
    %get3A_331 = vector.shape_cast %get3A_330 : vector<16xf32> to vector<16xf32>
    %add3A_332 = arith.addf %add3A_328, %get3A_331 : vector<16xf32>
    %get3A_333 = arith.constant 4176 : index
    %get3A_334 = tpu.vector_load %arg6[%get3A_333] {strides = array<i32>} : memref<13312xf32, #tpu.memory_space<vmem>>, vector<16xf32>,
    %get3A_335 = vector.shape_cast %get3A_334 : vector<16xf32> to vector<16xf32>
    %add3A_336 = arith.addf %add3A_332, %get3A_335 : vector<16xf32>
    %get3A_337 = arith.constant 4688 : index
    %get3A_338 = tpu.vector_load %arg6[%get3A_337] {strides = array<i32>} : memref<13312xf32, #tpu.memory_space<vmem>>, vector<16xf32>,
    %get3A_339 = vector.shape_cast %get3A_338 : vector<16xf32> to vector<16xf32>
    %add3A_340 = arith.addf %add3A_336, %get3A_339 : vector<16xf32>
    %get3A_341 = arith.constant 5200 : index
    %get3A_342 = tpu.vector_load %arg6[%get3A_341] {strides = array<i32>} : memref<13312xf32, #tpu.memory_space<vmem>>, vector<16xf32>,
    %get3A_343 = vector.shape_cast %get3A_342 : vector<16xf32> to vector<16xf32>
    %add3A_344 = arith.addf %add3A_340, %get3A_343 : vector<16xf32>
    %get3A_345 = arith.constant 5712 : index
    %get3A_346 = tpu.vector_load %arg6[%get3A_345] {strides = array<i32>} : memref<13312xf32, #tpu.memory_space<vmem>>, vector<16xf32>,
    %get3A_347 = vector.shape_cast %get3A_346 : vector<16xf32> to vector<16xf32>
    %add3A_348 = arith.addf %add3A_344, %get3A_347 : vector<16xf32>
    %get3A_349 = arith.constant 6224 : index
    %get3A_350 = tpu.vector_load %arg6[%get3A_349] {strides = array<i32>} : memref<13312xf32, #tpu.memory_space<vmem>>, vector<16xf32>,
    %get3A_351 = vector.shape_cast %get3A_350 : vector<16xf32> to vector<16xf32>
    %add3A_352 = arith.addf %add3A_348, %get3A_351 : vector<16xf32>
    %swap3A_353 = arith.constant 80 : index
    %swap3A_354 = tpu.vector_load %arg7[%swap3A_353] {strides = array<i32>} : memref<512xf32, #tpu.memory_space<vmem>>, vector<16xf32>,
    %swap3A_355 = vector.shape_cast %swap3A_354 : vector<16xf32> to vector<16xf32>
    %swap3A_356 = vector.shape_cast %add3A_352 : vector<16xf32> to vector<16xf32>
    tpu.vector_store %arg7[%swap3A_353], %swap3A_356 {strides = array<i32>} : memref<512xf32, #tpu.memory_space<vmem>>, vector<16xf32>,
    %get3A_357 = arith.constant 96 : index
    %get3A_358 = tpu.vector_load %arg6[%get3A_357] {strides = array<i32>} : memref<13312xf32, #tpu.memory_space<vmem>>, vector<16xf32>,
    %get3A_359 = vector.shape_cast %get3A_358 : vector<16xf32> to vector<16xf32>
    %get3A_360 = arith.constant 608 : index
    %get3A_361 = tpu.vector_load %arg6[%get3A_360] {strides = array<i32>} : memref<13312xf32, #tpu.memory_space<vmem>>, vector<16xf32>,
    %get3A_362 = vector.shape_cast %get3A_361 : vector<16xf32> to vector<16xf32>
    %add3A_363 = arith.addf %get3A_359, %get3A_362 : vector<16xf32>
    %get3A_364 = arith.constant 1120 : index
    %get3A_365 = tpu.vector_load %arg6[%get3A_364] {strides = array<i32>} : memref<13312xf32, #tpu.memory_space<vmem>>, vector<16xf32>,
    %get3A_366 = vector.shape_cast %get3A_365 : vector<16xf32> to vector<16xf32>
    %add3A_367 = arith.addf %add3A_363, %get3A_366 : vector<16xf32>
    %get3A_368 = arith.constant 1632 : index
    %get3A_369 = tpu.vector_load %arg6[%get3A_368] {strides = array<i32>} : memref<13312xf32, #tpu.memory_space<vmem>>, vector<16xf32>,
    %get3A_370 = vector.shape_cast %get3A_369 : vector<16xf32> to vector<16xf32>
    %add3A_371 = arith.addf %add3A_367, %get3A_370 : vector<16xf32>
    %get3A_372 = arith.constant 2144 : index
    %get3A_373 = tpu.vector_load %arg6[%get3A_372] {strides = array<i32>} : memref<13312xf32, #tpu.memory_space<vmem>>, vector<16xf32>,
    %get3A_374 = vector.shape_cast %get3A_373 : vector<16xf32> to vector<16xf32>
    %add3A_375 = arith.addf %add3A_371, %get3A_374 : vector<16xf32>
    %get3A_376 = arith.constant 2656 : index
    %get3A_377 = tpu.vector_load %arg6[%get3A_376] {strides = array<i32>} : memref<13312xf32, #tpu.memory_space<vmem>>, vector<16xf32>,
    %get3A_378 = vector.shape_cast %get3A_377 : vector<16xf32> to vector<16xf32>
    %add3A_379 = arith.addf %add3A_375, %get3A_378 : vector<16xf32>
    %get3A_380 = arith.constant 3168 : index
    %get3A_381 = tpu.vector_load %arg6[%get3A_380] {strides = array<i32>} : memref<13312xf32, #tpu.memory_space<vmem>>, vector<16xf32>,
    %get3A_382 = vector.shape_cast %get3A_381 : vector<16xf32> to vector<16xf32>
    %add3A_383 = arith.addf %add3A_379, %get3A_382 : vector<16xf32>
    %get3A_384 = arith.constant 3680 : index
    %get3A_385 = tpu.vector_load %arg6[%get3A_384] {strides = array<i32>} : memref<13312xf32, #tpu.memory_space<vmem>>, vector<16xf32>,
    %get3A_386 = vector.shape_cast %get3A_385 : vector<16xf32> to vector<16xf32>
    %add3A_387 = arith.addf %add3A_383, %get3A_386 : vector<16xf32>
    %get3A_388 = arith.constant 4192 : index
    %get3A_389 = tpu.vector_load %arg6[%get3A_388] {strides = array<i32>} : memref<13312xf32, #tpu.memory_space<vmem>>, vector<16xf32>,
    %get3A_390 = vector.shape_cast %get3A_389 : vector<16xf32> to vector<16xf32>
    %add3A_391 = arith.addf %add3A_387, %get3A_390 : vector<16xf32>
    %get3A_392 = arith.constant 4704 : index
    %get3A_393 = tpu.vector_load %arg6[%get3A_392] {strides = array<i32>} : memref<13312xf32, #tpu.memory_space<vmem>>, vector<16xf32>,
    %get3A_394 = vector.shape_cast %get3A_393 : vector<16xf32> to vector<16xf32>
    %add3A_395 = arith.addf %add3A_391, %get3A_394 : vector<16xf32>
    %get3A_396 = arith.constant 5216 : index
    %get3A_397 = tpu.vector_load %arg6[%get3A_396] {strides = array<i32>} : memref<13312xf32, #tpu.memory_space<vmem>>, vector<16xf32>,
    %get3A_398 = vector.shape_cast %get3A_397 : vector<16xf32> to vector<16xf32>
    %add3A_399 = arith.addf %add3A_395, %get3A_398 : vector<16xf32>
    %get3A_400 = arith.constant 5728 : index
    %get3A_401 = tpu.vector_load %arg6[%get3A_400] {strides = array<i32>} : memref<13312xf32, #tpu.memory_space<vmem>>, vector<16xf32>,
    %get3A_402 = vector.shape_cast %get3A_401 : vector<16xf32> to vector<16xf32>
    %add3A_403 = arith.addf %add3A_399, %get3A_402 : vector<16xf32>
    %get3A_404 = arith.constant 6240 : index
    %get3A_405 = tpu.vector_load %arg6[%get3A_404] {strides = array<i32>} : memref<13312xf32, #tpu.memory_space<vmem>>, vector<16xf32>,
    %get3A_406 = vector.shape_cast %get3A_405 : vector<16xf32> to vector<16xf32>
    %add3A_407 = arith.addf %add3A_403, %get3A_406 : vector<16xf32>
    %swap3A_408 = arith.constant 96 : index
    %swap3A_409 = tpu.vector_load %arg7[%swap3A_408] {strides = array<i32>} : memref<512xf32, #tpu.memory_space<vmem>>, vector<16xf32>,
    %swap3A_410 = vector.shape_cast %swap3A_409 : vector<16xf32> to vector<16xf32>
    %swap3A_411 = vector.shape_cast %add3A_407 : vector<16xf32> to vector<16xf32>
    tpu.vector_store %arg7[%swap3A_408], %swap3A_411 {strides = array<i32>} : memref<512xf32, #tpu.memory_space<vmem>>, vector<16xf32>,
    %get3A_412 = arith.constant 112 : index
    %get3A_413 = tpu.vector_load %arg6[%get3A_412] {strides = array<i32>} : memref<13312xf32, #tpu.memory_space<vmem>>, vector<16xf32>,
    %get3A_414 = vector.shape_cast %get3A_413 : vector<16xf32> to vector<16xf32>
    %get3A_415 = arith.constant 624 : index
    %get3A_416 = tpu.vector_load %arg6[%get3A_415] {strides = array<i32>} : memref<13312xf32, #tpu.memory_space<vmem>>, vector<16xf32>,
    %get3A_417 = vector.shape_cast %get3A_416 : vector<16xf32> to vector<16xf32>
    %add3A_418 = arith.addf %get3A_414, %get3A_417 : vector<16xf32>
    %get3A_419 = arith.constant 1136 : index
    %get3A_420 = tpu.vector_load %arg6[%get3A_419] {strides = array<i32>} : memref<13312xf32, #tpu.memory_space<vmem>>, vector<16xf32>,
    %get3A_421 = vector.shape_cast %get3A_420 : vector<16xf32> to vector<16xf32>
    %add3A_422 = arith.addf %add3A_418, %get3A_421 : vector<16xf32>
    %get3A_423 = arith.constant 1648 : index
    %get3A_424 = tpu.vector_load %arg6[%get3A_423] {strides = array<i32>} : memref<13312xf32, #tpu.memory_space<vmem>>, vector<16xf32>,
    %get3A_425 = vector.shape_cast %get3A_424 : vector<16xf32> to vector<16xf32>
    %add3A_426 = arith.addf %add3A_422, %get3A_425 : vector<16xf32>
    %get3A_427 = arith.constant 2160 : index
    %get3A_428 = tpu.vector_load %arg6[%get3A_427] {strides = array<i32>} : memref<13312xf32, #tpu.memory_space<vmem>>, vector<16xf32>,
    %get3A_429 = vector.shape_cast %get3A_428 : vector<16xf32> to vector<16xf32>
    %add3A_430 = arith.addf %add3A_426, %get3A_429 : vector<16xf32>
    %get3A_431 = arith.constant 2672 : index
    %get3A_432 = tpu.vector_load %arg6[%get3A_431] {strides = array<i32>} : memref<13312xf32, #tpu.memory_space<vmem>>, vector<16xf32>,
    %get3A_433 = vector.shape_cast %get3A_432 : vector<16xf32> to vector<16xf32>
    %add3A_434 = arith.addf %add3A_430, %get3A_433 : vector<16xf32>
    %get3A_435 = arith.constant 3184 : index
    %get3A_436 = tpu.vector_load %arg6[%get3A_435] {strides = array<i32>} : memref<13312xf32, #tpu.memory_space<vmem>>, vector<16xf32>,
    %get3A_437 = vector.shape_cast %get3A_436 : vector<16xf32> to vector<16xf32>
    %add3A_438 = arith.addf %add3A_434, %get3A_437 : vector<16xf32>
    %get3A_439 = arith.constant 3696 : index
    %get3A_440 = tpu.vector_load %arg6[%get3A_439] {strides = array<i32>} : memref<13312xf32, #tpu.memory_space<vmem>>, vector<16xf32>,
    %get3A_441 = vector.shape_cast %get3A_440 : vector<16xf32> to vector<16xf32>
    %add3A_442 = arith.addf %add3A_438, %get3A_441 : vector<16xf32>
    %get3A_443 = arith.constant 4208 : index
    %get3A_444 = tpu.vector_load %arg6[%get3A_443] {strides = array<i32>} : memref<13312xf32, #tpu.memory_space<vmem>>, vector<16xf32>,
    %get3A_445 = vector.shape_cast %get3A_444 : vector<16xf32> to vector<16xf32>
    %add3A_446 = arith.addf %add3A_442, %get3A_445 : vector<16xf32>
    %get3A_447 = arith.constant 4720 : index
    %get3A_448 = tpu.vector_load %arg6[%get3A_447] {strides = array<i32>} : memref<13312xf32, #tpu.memory_space<vmem>>, vector<16xf32>,
    %get3A_449 = vector.shape_cast %get3A_448 : vector<16xf32> to vector<16xf32>
    %add3A_450 = arith.addf %add3A_446, %get3A_449 : vector<16xf32>
    %get3A_451 = arith.constant 5232 : index
    %get3A_452 = tpu.vector_load %arg6[%get3A_451] {strides = array<i32>} : memref<13312xf32, #tpu.memory_space<vmem>>, vector<16xf32>,
    %get3A_453 = vector.shape_cast %get3A_452 : vector<16xf32> to vector<16xf32>
    %add3A_454 = arith.addf %add3A_450, %get3A_453 : vector<16xf32>
    %get3A_455 = arith.constant 5744 : index
    %get3A_456 = tpu.vector_load %arg6[%get3A_455] {strides = array<i32>} : memref<13312xf32, #tpu.memory_space<vmem>>, vector<16xf32>,
    %get3A_457 = vector.shape_cast %get3A_456 : vector<16xf32> to vector<16xf32>
    %add3A_458 = arith.addf %add3A_454, %get3A_457 : vector<16xf32>
    %get3A_459 = arith.constant 6256 : index
    %get3A_460 = tpu.vector_load %arg6[%get3A_459] {strides = array<i32>} : memref<13312xf32, #tpu.memory_space<vmem>>, vector<16xf32>,
    %get3A_461 = vector.shape_cast %get3A_460 : vector<16xf32> to vector<16xf32>
    %add3A_462 = arith.addf %add3A_458, %get3A_461 : vector<16xf32>
    %swap3A_463 = arith.constant 112 : index
    %swap3A_464 = tpu.vector_load %arg7[%swap3A_463] {strides = array<i32>} : memref<512xf32, #tpu.memory_space<vmem>>, vector<16xf32>,
    %swap3A_465 = vector.shape_cast %swap3A_464 : vector<16xf32> to vector<16xf32>
    %swap3A_466 = vector.shape_cast %add3A_462 : vector<16xf32> to vector<16xf32>
    tpu.vector_store %arg7[%swap3A_463], %swap3A_466 {strides = array<i32>} : memref<512xf32, #tpu.memory_space<vmem>>, vector<16xf32>,
    %get3A_467 = arith.constant 128 : index
    %get3A_468 = tpu.vector_load %arg6[%get3A_467] {strides = array<i32>} : memref<13312xf32, #tpu.memory_space<vmem>>, vector<16xf32>,
    %get3A_469 = vector.shape_cast %get3A_468 : vector<16xf32> to vector<16xf32>
    %get3A_470 = arith.constant 640 : index
    %get3A_471 = tpu.vector_load %arg6[%get3A_470] {strides = array<i32>} : memref<13312xf32, #tpu.memory_space<vmem>>, vector<16xf32>,
    %get3A_472 = vector.shape_cast %get3A_471 : vector<16xf32> to vector<16xf32>
    %add3A_473 = arith.addf %get3A_469, %get3A_472 : vector<16xf32>
    %get3A_474 = arith.constant 1152 : index
    %get3A_475 = tpu.vector_load %arg6[%get3A_474] {strides = array<i32>} : memref<13312xf32, #tpu.memory_space<vmem>>, vector<16xf32>,
    %get3A_476 = vector.shape_cast %get3A_475 : vector<16xf32> to vector<16xf32>
    %add3A_477 = arith.addf %add3A_473, %get3A_476 : vector<16xf32>
    %get3A_478 = arith.constant 1664 : index
    %get3A_479 = tpu.vector_load %arg6[%get3A_478] {strides = array<i32>} : memref<13312xf32, #tpu.memory_space<vmem>>, vector<16xf32>,
    %get3A_480 = vector.shape_cast %get3A_479 : vector<16xf32> to vector<16xf32>
    %add3A_481 = arith.addf %add3A_477, %get3A_480 : vector<16xf32>
    %get3A_482 = arith.constant 2176 : index
    %get3A_483 = tpu.vector_load %arg6[%get3A_482] {strides = array<i32>} : memref<13312xf32, #tpu.memory_space<vmem>>, vector<16xf32>,
    %get3A_484 = vector.shape_cast %get3A_483 : vector<16xf32> to vector<16xf32>
    %add3A_485 = arith.addf %add3A_481, %get3A_484 : vector<16xf32>
    %get3A_486 = arith.constant 2688 : index
    %get3A_487 = tpu.vector_load %arg6[%get3A_486] {strides = array<i32>} : memref<13312xf32, #tpu.memory_space<vmem>>, vector<16xf32>,
    %get3A_488 = vector.shape_cast %get3A_487 : vector<16xf32> to vector<16xf32>
    %add3A_489 = arith.addf %add3A_485, %get3A_488 : vector<16xf32>
    %get3A_490 = arith.constant 3200 : index
    %get3A_491 = tpu.vector_load %arg6[%get3A_490] {strides = array<i32>} : memref<13312xf32, #tpu.memory_space<vmem>>, vector<16xf32>,
    %get3A_492 = vector.shape_cast %get3A_491 : vector<16xf32> to vector<16xf32>
    %add3A_493 = arith.addf %add3A_489, %get3A_492 : vector<16xf32>
    %get3A_494 = arith.constant 3712 : index
    %get3A_495 = tpu.vector_load %arg6[%get3A_494] {strides = array<i32>} : memref<13312xf32, #tpu.memory_space<vmem>>, vector<16xf32>,
    %get3A_496 = vector.shape_cast %get3A_495 : vector<16xf32> to vector<16xf32>
    %add3A_497 = arith.addf %add3A_493, %get3A_496 : vector<16xf32>
    %get3A_498 = arith.constant 4224 : index
    %get3A_499 = tpu.vector_load %arg6[%get3A_498] {strides = array<i32>} : memref<13312xf32, #tpu.memory_space<vmem>>, vector<16xf32>,
    %get3A_500 = vector.shape_cast %get3A_499 : vector<16xf32> to vector<16xf32>
    %add3A_501 = arith.addf %add3A_497, %get3A_500 : vector<16xf32>
    %get3A_502 = arith.constant 4736 : index
    %get3A_503 = tpu.vector_load %arg6[%get3A_502] {strides = array<i32>} : memref<13312xf32, #tpu.memory_space<vmem>>, vector<16xf32>,
    %get3A_504 = vector.shape_cast %get3A_503 : vector<16xf32> to vector<16xf32>
    %add3A_505 = arith.addf %add3A_501, %get3A_504 : vector<16xf32>
    %get3A_506 = arith.constant 5248 : index
    %get3A_507 = tpu.vector_load %arg6[%get3A_506] {strides = array<i32>} : memref<13312xf32, #tpu.memory_space<vmem>>, vector<16xf32>,
    %get3A_508 = vector.shape_cast %get3A_507 : vector<16xf32> to vector<16xf32>
    %add3A_509 = arith.addf %add3A_505, %get3A_508 : vector<16xf32>
    %get3A_510 = arith.constant 5760 : index
    %get3A_511 = tpu.vector_load %arg6[%get3A_510] {strides = array<i32>} : memref<13312xf32, #tpu.memory_space<vmem>>, vector<16xf32>,
    %get3A_512 = vector.shape_cast %get3A_511 : vector<16xf32> to vector<16xf32>
    %add3A_513 = arith.addf %add3A_509, %get3A_512 : vector<16xf32>
    %get3A_514 = arith.constant 6272 : index
    %get3A_515 = tpu.vector_load %arg6[%get3A_514] {strides = array<i32>} : memref<13312xf32, #tpu.memory_space<vmem>>, vector<16xf32>,
    %get3A_516 = vector.shape_cast %get3A_515 : vector<16xf32> to vector<16xf32>
    %add3A_517 = arith.addf %add3A_513, %get3A_516 : vector<16xf32>
    %swap3A_518 = arith.constant 128 : index
    %swap3A_519 = tpu.vector_load %arg7[%swap3A_518] {strides = array<i32>} : memref<512xf32, #tpu.memory_space<vmem>>, vector<16xf32>,
    %swap3A_520 = vector.shape_cast %swap3A_519 : vector<16xf32> to vector<16xf32>
    %swap3A_521 = vector.shape_cast %add3A_517 : vector<16xf32> to vector<16xf32>
    tpu.vector_store %arg7[%swap3A_518], %swap3A_521 {strides = array<i32>} : memref<512xf32, #tpu.memory_space<vmem>>, vector<16xf32>,
    %get3A_522 = arith.constant 144 : index
    %get3A_523 = tpu.vector_load %arg6[%get3A_522] {strides = array<i32>} : memref<13312xf32, #tpu.memory_space<vmem>>, vector<16xf32>,
    %get3A_524 = vector.shape_cast %get3A_523 : vector<16xf32> to vector<16xf32>
    %get3A_525 = arith.constant 656 : index
    %get3A_526 = tpu.vector_load %arg6[%get3A_525] {strides = array<i32>} : memref<13312xf32, #tpu.memory_space<vmem>>, vector<16xf32>,
    %get3A_527 = vector.shape_cast %get3A_526 : vector<16xf32> to vector<16xf32>
    %add3A_528 = arith.addf %get3A_524, %get3A_527 : vector<16xf32>
    %get3A_529 = arith.constant 1168 : index
    %get3A_530 = tpu.vector_load %arg6[%get3A_529] {strides = array<i32>} : memref<13312xf32, #tpu.memory_space<vmem>>, vector<16xf32>,
    %get3A_531 = vector.shape_cast %get3A_530 : vector<16xf32> to vector<16xf32>
    %add3A_532 = arith.addf %add3A_528, %get3A_531 : vector<16xf32>
    %get3A_533 = arith.constant 1680 : index
    %get3A_534 = tpu.vector_load %arg6[%get3A_533] {strides = array<i32>} : memref<13312xf32, #tpu.memory_space<vmem>>, vector<16xf32>,
    %get3A_535 = vector.shape_cast %get3A_534 : vector<16xf32> to vector<16xf32>
    %add3A_536 = arith.addf %add3A_532, %get3A_535 : vector<16xf32>
    %get3A_537 = arith.constant 2192 : index
    %get3A_538 = tpu.vector_load %arg6[%get3A_537] {strides = array<i32>} : memref<13312xf32, #tpu.memory_space<vmem>>, vector<16xf32>,
    %get3A_539 = vector.shape_cast %get3A_538 : vector<16xf32> to vector<16xf32>
    %add3A_540 = arith.addf %add3A_536, %get3A_539 : vector<16xf32>
    %get3A_541 = arith.constant 2704 : index
    %get3A_542 = tpu.vector_load %arg6[%get3A_541] {strides = array<i32>} : memref<13312xf32, #tpu.memory_space<vmem>>, vector<16xf32>,
    %get3A_543 = vector.shape_cast %get3A_542 : vector<16xf32> to vector<16xf32>
    %add3A_544 = arith.addf %add3A_540, %get3A_543 : vector<16xf32>
    %get3A_545 = arith.constant 3216 : index
    %get3A_546 = tpu.vector_load %arg6[%get3A_545] {strides = array<i32>} : memref<13312xf32, #tpu.memory_space<vmem>>, vector<16xf32>,
    %get3A_547 = vector.shape_cast %get3A_546 : vector<16xf32> to vector<16xf32>
    %add3A_548 = arith.addf %add3A_544, %get3A_547 : vector<16xf32>
    %get3A_549 = arith.constant 3728 : index
    %get3A_550 = tpu.vector_load %arg6[%get3A_549] {strides = array<i32>} : memref<13312xf32, #tpu.memory_space<vmem>>, vector<16xf32>,
    %get3A_551 = vector.shape_cast %get3A_550 : vector<16xf32> to vector<16xf32>
    %add3A_552 = arith.addf %add3A_548, %get3A_551 : vector<16xf32>
    %get3A_553 = arith.constant 4240 : index
    %get3A_554 = tpu.vector_load %arg6[%get3A_553] {strides = array<i32>} : memref<13312xf32, #tpu.memory_space<vmem>>, vector<16xf32>,
    %get3A_555 = vector.shape_cast %get3A_554 : vector<16xf32> to vector<16xf32>
    %add3A_556 = arith.addf %add3A_552, %get3A_555 : vector<16xf32>
    %get3A_557 = arith.constant 4752 : index
    %get3A_558 = tpu.vector_load %arg6[%get3A_557] {strides = array<i32>} : memref<13312xf32, #tpu.memory_space<vmem>>, vector<16xf32>,
    %get3A_559 = vector.shape_cast %get3A_558 : vector<16xf32> to vector<16xf32>
    %add3A_560 = arith.addf %add3A_556, %get3A_559 : vector<16xf32>
    %get3A_561 = arith.constant 5264 : index
    %get3A_562 = tpu.vector_load %arg6[%get3A_561] {strides = array<i32>} : memref<13312xf32, #tpu.memory_space<vmem>>, vector<16xf32>,
    %get3A_563 = vector.shape_cast %get3A_562 : vector<16xf32> to vector<16xf32>
    %add3A_564 = arith.addf %add3A_560, %get3A_563 : vector<16xf32>
    %get3A_565 = arith.constant 5776 : index
    %get3A_566 = tpu.vector_load %arg6[%get3A_565] {strides = array<i32>} : memref<13312xf32, #tpu.memory_space<vmem>>, vector<16xf32>,
    %get3A_567 = vector.shape_cast %get3A_566 : vector<16xf32> to vector<16xf32>
    %add3A_568 = arith.addf %add3A_564, %get3A_567 : vector<16xf32>
    %get3A_569 = arith.constant 6288 : index
    %get3A_570 = tpu.vector_load %arg6[%get3A_569] {strides = array<i32>} : memref<13312xf32, #tpu.memory_space<vmem>>, vector<16xf32>,
    %get3A_571 = vector.shape_cast %get3A_570 : vector<16xf32> to vector<16xf32>
    %add3A_572 = arith.addf %add3A_568, %get3A_571 : vector<16xf32>
    %swap3A_573 = arith.constant 144 : index
    %swap3A_574 = tpu.vector_load %arg7[%swap3A_573] {strides = array<i32>} : memref<512xf32, #tpu.memory_space<vmem>>, vector<16xf32>,
    %swap3A_575 = vector.shape_cast %swap3A_574 : vector<16xf32> to vector<16xf32>
    %swap3A_576 = vector.shape_cast %add3A_572 : vector<16xf32> to vector<16xf32>
    tpu.vector_store %arg7[%swap3A_573], %swap3A_576 {strides = array<i32>} : memref<512xf32, #tpu.memory_space<vmem>>, vector<16xf32>,
    %get3A_577 = arith.constant 160 : index
    %get3A_578 = tpu.vector_load %arg6[%get3A_577] {strides = array<i32>} : memref<13312xf32, #tpu.memory_space<vmem>>, vector<16xf32>,
    %get3A_579 = vector.shape_cast %get3A_578 : vector<16xf32> to vector<16xf32>
    %get3A_580 = arith.constant 672 : index
    %get3A_581 = tpu.vector_load %arg6[%get3A_580] {strides = array<i32>} : memref<13312xf32, #tpu.memory_space<vmem>>, vector<16xf32>,
    %get3A_582 = vector.shape_cast %get3A_581 : vector<16xf32> to vector<16xf32>
    %add3A_583 = arith.addf %get3A_579, %get3A_582 : vector<16xf32>
    %get3A_584 = arith.constant 1184 : index
    %get3A_585 = tpu.vector_load %arg6[%get3A_584] {strides = array<i32>} : memref<13312xf32, #tpu.memory_space<vmem>>, vector<16xf32>,
    %get3A_586 = vector.shape_cast %get3A_585 : vector<16xf32> to vector<16xf32>
    %add3A_587 = arith.addf %add3A_583, %get3A_586 : vector<16xf32>
    %get3A_588 = arith.constant 1696 : index
    %get3A_589 = tpu.vector_load %arg6[%get3A_588] {strides = array<i32>} : memref<13312xf32, #tpu.memory_space<vmem>>, vector<16xf32>,
    %get3A_590 = vector.shape_cast %get3A_589 : vector<16xf32> to vector<16xf32>
    %add3A_591 = arith.addf %add3A_587, %get3A_590 : vector<16xf32>
    %get3A_592 = arith.constant 2208 : index
    %get3A_593 = tpu.vector_load %arg6[%get3A_592] {strides = array<i32>} : memref<13312xf32, #tpu.memory_space<vmem>>, vector<16xf32>,
    %get3A_594 = vector.shape_cast %get3A_593 : vector<16xf32> to vector<16xf32>
    %add3A_595 = arith.addf %add3A_591, %get3A_594 : vector<16xf32>
    %get3A_596 = arith.constant 2720 : index
    %get3A_597 = tpu.vector_load %arg6[%get3A_596] {strides = array<i32>} : memref<13312xf32, #tpu.memory_space<vmem>>, vector<16xf32>,
    %get3A_598 = vector.shape_cast %get3A_597 : vector<16xf32> to vector<16xf32>
    %add3A_599 = arith.addf %add3A_595, %get3A_598 : vector<16xf32>
    %get3A_600 = arith.constant 3232 : index
    %get3A_601 = tpu.vector_load %arg6[%get3A_600] {strides = array<i32>} : memref<13312xf32, #tpu.memory_space<vmem>>, vector<16xf32>,
    %get3A_602 = vector.shape_cast %get3A_601 : vector<16xf32> to vector<16xf32>
    %add3A_603 = arith.addf %add3A_599, %get3A_602 : vector<16xf32>
    %get3A_604 = arith.constant 3744 : index
    %get3A_605 = tpu.vector_load %arg6[%get3A_604] {strides = array<i32>} : memref<13312xf32, #tpu.memory_space<vmem>>, vector<16xf32>,
    %get3A_606 = vector.shape_cast %get3A_605 : vector<16xf32> to vector<16xf32>
    %add3A_607 = arith.addf %add3A_603, %get3A_606 : vector<16xf32>
    %get3A_608 = arith.constant 4256 : index
    %get3A_609 = tpu.vector_load %arg6[%get3A_608] {strides = array<i32>} : memref<13312xf32, #tpu.memory_space<vmem>>, vector<16xf32>,
    %get3A_610 = vector.shape_cast %get3A_609 : vector<16xf32> to vector<16xf32>
    %add3A_611 = arith.addf %add3A_607, %get3A_610 : vector<16xf32>
    %get3A_612 = arith.constant 4768 : index
    %get3A_613 = tpu.vector_load %arg6[%get3A_612] {strides = array<i32>} : memref<13312xf32, #tpu.memory_space<vmem>>, vector<16xf32>,
    %get3A_614 = vector.shape_cast %get3A_613 : vector<16xf32> to vector<16xf32>
    %add3A_615 = arith.addf %add3A_611, %get3A_614 : vector<16xf32>
    %get3A_616 = arith.constant 5280 : index
    %get3A_617 = tpu.vector_load %arg6[%get3A_616] {strides = array<i32>} : memref<13312xf32, #tpu.memory_space<vmem>>, vector<16xf32>,
    %get3A_618 = vector.shape_cast %get3A_617 : vector<16xf32> to vector<16xf32>
    %add3A_619 = arith.addf %add3A_615, %get3A_618 : vector<16xf32>
    %get3A_620 = arith.constant 5792 : index
    %get3A_621 = tpu.vector_load %arg6[%get3A_620] {strides = array<i32>} : memref<13312xf32, #tpu.memory_space<vmem>>, vector<16xf32>,
    %get3A_622 = vector.shape_cast %get3A_621 : vector<16xf32> to vector<16xf32>
    %add3A_623 = arith.addf %add3A_619, %get3A_622 : vector<16xf32>
    %get3A_624 = arith.constant 6304 : index
    %get3A_625 = tpu.vector_load %arg6[%get3A_624] {strides = array<i32>} : memref<13312xf32, #tpu.memory_space<vmem>>, vector<16xf32>,
    %get3A_626 = vector.shape_cast %get3A_625 : vector<16xf32> to vector<16xf32>
    %add3A_627 = arith.addf %add3A_623, %get3A_626 : vector<16xf32>
    %swap3A_628 = arith.constant 160 : index
    %swap3A_629 = tpu.vector_load %arg7[%swap3A_628] {strides = array<i32>} : memref<512xf32, #tpu.memory_space<vmem>>, vector<16xf32>,
    %swap3A_630 = vector.shape_cast %swap3A_629 : vector<16xf32> to vector<16xf32>
    %swap3A_631 = vector.shape_cast %add3A_627 : vector<16xf32> to vector<16xf32>
    tpu.vector_store %arg7[%swap3A_628], %swap3A_631 {strides = array<i32>} : memref<512xf32, #tpu.memory_space<vmem>>, vector<16xf32>,
    %get3A_632 = arith.constant 176 : index
    %get3A_633 = tpu.vector_load %arg6[%get3A_632] {strides = array<i32>} : memref<13312xf32, #tpu.memory_space<vmem>>, vector<16xf32>,
    %get3A_634 = vector.shape_cast %get3A_633 : vector<16xf32> to vector<16xf32>
    %get3A_635 = arith.constant 688 : index
    %get3A_636 = tpu.vector_load %arg6[%get3A_635] {strides = array<i32>} : memref<13312xf32, #tpu.memory_space<vmem>>, vector<16xf32>,
    %get3A_637 = vector.shape_cast %get3A_636 : vector<16xf32> to vector<16xf32>
    %add3A_638 = arith.addf %get3A_634, %get3A_637 : vector<16xf32>
    %get3A_639 = arith.constant 1200 : index
    %get3A_640 = tpu.vector_load %arg6[%get3A_639] {strides = array<i32>} : memref<13312xf32, #tpu.memory_space<vmem>>, vector<16xf32>,
    %get3A_641 = vector.shape_cast %get3A_640 : vector<16xf32> to vector<16xf32>
    %add3A_642 = arith.addf %add3A_638, %get3A_641 : vector<16xf32>
    %get3A_643 = arith.constant 1712 : index
    %get3A_644 = tpu.vector_load %arg6[%get3A_643] {strides = array<i32>} : memref<13312xf32, #tpu.memory_space<vmem>>, vector<16xf32>,
    %get3A_645 = vector.shape_cast %get3A_644 : vector<16xf32> to vector<16xf32>
    %add3A_646 = arith.addf %add3A_642, %get3A_645 : vector<16xf32>
    %get3A_647 = arith.constant 2224 : index
    %get3A_648 = tpu.vector_load %arg6[%get3A_647] {strides = array<i32>} : memref<13312xf32, #tpu.memory_space<vmem>>, vector<16xf32>,
    %get3A_649 = vector.shape_cast %get3A_648 : vector<16xf32> to vector<16xf32>
    %add3A_650 = arith.addf %add3A_646, %get3A_649 : vector<16xf32>
    %get3A_651 = arith.constant 2736 : index
    %get3A_652 = tpu.vector_load %arg6[%get3A_651] {strides = array<i32>} : memref<13312xf32, #tpu.memory_space<vmem>>, vector<16xf32>,
    %get3A_653 = vector.shape_cast %get3A_652 : vector<16xf32> to vector<16xf32>
    %add3A_654 = arith.addf %add3A_650, %get3A_653 : vector<16xf32>
    %get3A_655 = arith.constant 3248 : index
    %get3A_656 = tpu.vector_load %arg6[%get3A_655] {strides = array<i32>} : memref<13312xf32, #tpu.memory_space<vmem>>, vector<16xf32>,
    %get3A_657 = vector.shape_cast %get3A_656 : vector<16xf32> to vector<16xf32>
    %add3A_658 = arith.addf %add3A_654, %get3A_657 : vector<16xf32>
    %get3A_659 = arith.constant 3760 : index
    %get3A_660 = tpu.vector_load %arg6[%get3A_659] {strides = array<i32>} : memref<13312xf32, #tpu.memory_space<vmem>>, vector<16xf32>,
    %get3A_661 = vector.shape_cast %get3A_660 : vector<16xf32> to vector<16xf32>
    %add3A_662 = arith.addf %add3A_658, %get3A_661 : vector<16xf32>
    %get3A_663 = arith.constant 4272 : index
    %get3A_664 = tpu.vector_load %arg6[%get3A_663] {strides = array<i32>} : memref<13312xf32, #tpu.memory_space<vmem>>, vector<16xf32>,
    %get3A_665 = vector.shape_cast %get3A_664 : vector<16xf32> to vector<16xf32>
    %add3A_666 = arith.addf %add3A_662, %get3A_665 : vector<16xf32>
    %get3A_667 = arith.constant 4784 : index
    %get3A_668 = tpu.vector_load %arg6[%get3A_667] {strides = array<i32>} : memref<13312xf32, #tpu.memory_space<vmem>>, vector<16xf32>,
    %get3A_669 = vector.shape_cast %get3A_668 : vector<16xf32> to vector<16xf32>
    %add3A_670 = arith.addf %add3A_666, %get3A_669 : vector<16xf32>
    %get3A_671 = arith.constant 5296 : index
    %get3A_672 = tpu.vector_load %arg6[%get3A_671] {strides = array<i32>} : memref<13312xf32, #tpu.memory_space<vmem>>, vector<16xf32>,
    %get3A_673 = vector.shape_cast %get3A_672 : vector<16xf32> to vector<16xf32>
    %add3A_674 = arith.addf %add3A_670, %get3A_673 : vector<16xf32>
    %get3A_675 = arith.constant 5808 : index
    %get3A_676 = tpu.vector_load %arg6[%get3A_675] {strides = array<i32>} : memref<13312xf32, #tpu.memory_space<vmem>>, vector<16xf32>,
    %get3A_677 = vector.shape_cast %get3A_676 : vector<16xf32> to vector<16xf32>
    %add3A_678 = arith.addf %add3A_674, %get3A_677 : vector<16xf32>
    %get3A_679 = arith.constant 6320 : index
    %get3A_680 = tpu.vector_load %arg6[%get3A_679] {strides = array<i32>} : memref<13312xf32, #tpu.memory_space<vmem>>, vector<16xf32>,
    %get3A_681 = vector.shape_cast %get3A_680 : vector<16xf32> to vector<16xf32>
    %add3A_682 = arith.addf %add3A_678, %get3A_681 : vector<16xf32>
    %swap3A_683 = arith.constant 176 : index
    %swap3A_684 = tpu.vector_load %arg7[%swap3A_683] {strides = array<i32>} : memref<512xf32, #tpu.memory_space<vmem>>, vector<16xf32>,
    %swap3A_685 = vector.shape_cast %swap3A_684 : vector<16xf32> to vector<16xf32>
    %swap3A_686 = vector.shape_cast %add3A_682 : vector<16xf32> to vector<16xf32>
    tpu.vector_store %arg7[%swap3A_683], %swap3A_686 {strides = array<i32>} : memref<512xf32, #tpu.memory_space<vmem>>, vector<16xf32>,
    %get3A_687 = arith.constant 192 : index
    %get3A_688 = tpu.vector_load %arg6[%get3A_687] {strides = array<i32>} : memref<13312xf32, #tpu.memory_space<vmem>>, vector<16xf32>,
    %get3A_689 = vector.shape_cast %get3A_688 : vector<16xf32> to vector<16xf32>
    %get3A_690 = arith.constant 704 : index
    %get3A_691 = tpu.vector_load %arg6[%get3A_690] {strides = array<i32>} : memref<13312xf32, #tpu.memory_space<vmem>>, vector<16xf32>,
    %get3A_692 = vector.shape_cast %get3A_691 : vector<16xf32> to vector<16xf32>
    %add3A_693 = arith.addf %get3A_689, %get3A_692 : vector<16xf32>
    %get3A_694 = arith.constant 1216 : index
    %get3A_695 = tpu.vector_load %arg6[%get3A_694] {strides = array<i32>} : memref<13312xf32, #tpu.memory_space<vmem>>, vector<16xf32>,
    %get3A_696 = vector.shape_cast %get3A_695 : vector<16xf32> to vector<16xf32>
    %add3A_697 = arith.addf %add3A_693, %get3A_696 : vector<16xf32>
    %get3A_698 = arith.constant 1728 : index
    %get3A_699 = tpu.vector_load %arg6[%get3A_698] {strides = array<i32>} : memref<13312xf32, #tpu.memory_space<vmem>>, vector<16xf32>,
    %get3A_700 = vector.shape_cast %get3A_699 : vector<16xf32> to vector<16xf32>
    %add3A_701 = arith.addf %add3A_697, %get3A_700 : vector<16xf32>
    %get3A_702 = arith.constant 2240 : index
    %get3A_703 = tpu.vector_load %arg6[%get3A_702] {strides = array<i32>} : memref<13312xf32, #tpu.memory_space<vmem>>, vector<16xf32>,
    %get3A_704 = vector.shape_cast %get3A_703 : vector<16xf32> to vector<16xf32>
    %add3A_705 = arith.addf %add3A_701, %get3A_704 : vector<16xf32>
    %get3A_706 = arith.constant 2752 : index
    %get3A_707 = tpu.vector_load %arg6[%get3A_706] {strides = array<i32>} : memref<13312xf32, #tpu.memory_space<vmem>>, vector<16xf32>,
    %get3A_708 = vector.shape_cast %get3A_707 : vector<16xf32> to vector<16xf32>
    %add3A_709 = arith.addf %add3A_705, %get3A_708 : vector<16xf32>
    %get3A_710 = arith.constant 3264 : index
    %get3A_711 = tpu.vector_load %arg6[%get3A_710] {strides = array<i32>} : memref<13312xf32, #tpu.memory_space<vmem>>, vector<16xf32>,
    %get3A_712 = vector.shape_cast %get3A_711 : vector<16xf32> to vector<16xf32>
    %add3A_713 = arith.addf %add3A_709, %get3A_712 : vector<16xf32>
    %get3A_714 = arith.constant 3776 : index
    %get3A_715 = tpu.vector_load %arg6[%get3A_714] {strides = array<i32>} : memref<13312xf32, #tpu.memory_space<vmem>>, vector<16xf32>,
    %get3A_716 = vector.shape_cast %get3A_715 : vector<16xf32> to vector<16xf32>
    %add3A_717 = arith.addf %add3A_713, %get3A_716 : vector<16xf32>
    %get3A_718 = arith.constant 4288 : index
    %get3A_719 = tpu.vector_load %arg6[%get3A_718] {strides = array<i32>} : memref<13312xf32, #tpu.memory_space<vmem>>, vector<16xf32>,
    %get3A_720 = vector.shape_cast %get3A_719 : vector<16xf32> to vector<16xf32>
    %add3A_721 = arith.addf %add3A_717, %get3A_720 : vector<16xf32>
    %get3A_722 = arith.constant 4800 : index
    %get3A_723 = tpu.vector_load %arg6[%get3A_722] {strides = array<i32>} : memref<13312xf32, #tpu.memory_space<vmem>>, vector<16xf32>,
    %get3A_724 = vector.shape_cast %get3A_723 : vector<16xf32> to vector<16xf32>
    %add3A_725 = arith.addf %add3A_721, %get3A_724 : vector<16xf32>
    %get3A_726 = arith.constant 5312 : index
    %get3A_727 = tpu.vector_load %arg6[%get3A_726] {strides = array<i32>} : memref<13312xf32, #tpu.memory_space<vmem>>, vector<16xf32>,
    %get3A_728 = vector.shape_cast %get3A_727 : vector<16xf32> to vector<16xf32>
    %add3A_729 = arith.addf %add3A_725, %get3A_728 : vector<16xf32>
    %get3A_730 = arith.constant 5824 : index
    %get3A_731 = tpu.vector_load %arg6[%get3A_730] {strides = array<i32>} : memref<13312xf32, #tpu.memory_space<vmem>>, vector<16xf32>,
    %get3A_732 = vector.shape_cast %get3A_731 : vector<16xf32> to vector<16xf32>
    %add3A_733 = arith.addf %add3A_729, %get3A_732 : vector<16xf32>
    %get3A_734 = arith.constant 6336 : index
    %get3A_735 = tpu.vector_load %arg6[%get3A_734] {strides = array<i32>} : memref<13312xf32, #tpu.memory_space<vmem>>, vector<16xf32>,
    %get3A_736 = vector.shape_cast %get3A_735 : vector<16xf32> to vector<16xf32>
    %add3A_737 = arith.addf %add3A_733, %get3A_736 : vector<16xf32>
    %swap3A_738 = arith.constant 192 : index
    %swap3A_739 = tpu.vector_load %arg7[%swap3A_738] {strides = array<i32>} : memref<512xf32, #tpu.memory_space<vmem>>, vector<16xf32>,
    %swap3A_740 = vector.shape_cast %swap3A_739 : vector<16xf32> to vector<16xf32>
    %swap3A_741 = vector.shape_cast %add3A_737 : vector<16xf32> to vector<16xf32>
    tpu.vector_store %arg7[%swap3A_738], %swap3A_741 {strides = array<i32>} : memref<512xf32, #tpu.memory_space<vmem>>, vector<16xf32>,
    %get3A_742 = arith.constant 208 : index
    %get3A_743 = tpu.vector_load %arg6[%get3A_742] {strides = array<i32>} : memref<13312xf32, #tpu.memory_space<vmem>>, vector<16xf32>,
    %get3A_744 = vector.shape_cast %get3A_743 : vector<16xf32> to vector<16xf32>
    %get3A_745 = arith.constant 720 : index
    %get3A_746 = tpu.vector_load %arg6[%get3A_745] {strides = array<i32>} : memref<13312xf32, #tpu.memory_space<vmem>>, vector<16xf32>,
    %get3A_747 = vector.shape_cast %get3A_746 : vector<16xf32> to vector<16xf32>
    %add3A_748 = arith.addf %get3A_744, %get3A_747 : vector<16xf32>
    %get3A_749 = arith.constant 1232 : index
    %get3A_750 = tpu.vector_load %arg6[%get3A_749] {strides = array<i32>} : memref<13312xf32, #tpu.memory_space<vmem>>, vector<16xf32>,
    %get3A_751 = vector.shape_cast %get3A_750 : vector<16xf32> to vector<16xf32>
    %add3A_752 = arith.addf %add3A_748, %get3A_751 : vector<16xf32>
    %get3A_753 = arith.constant 1744 : index
    %get3A_754 = tpu.vector_load %arg6[%get3A_753] {strides = array<i32>} : memref<13312xf32, #tpu.memory_space<vmem>>, vector<16xf32>,
    %get3A_755 = vector.shape_cast %get3A_754 : vector<16xf32> to vector<16xf32>
    %add3A_756 = arith.addf %add3A_752, %get3A_755 : vector<16xf32>
    %get3A_757 = arith.constant 2256 : index
    %get3A_758 = tpu.vector_load %arg6[%get3A_757] {strides = array<i32>} : memref<13312xf32, #tpu.memory_space<vmem>>, vector<16xf32>,
    %get3A_759 = vector.shape_cast %get3A_758 : vector<16xf32> to vector<16xf32>
    %add3A_760 = arith.addf %add3A_756, %get3A_759 : vector<16xf32>
    %get3A_761 = arith.constant 2768 : index
    %get3A_762 = tpu.vector_load %arg6[%get3A_761] {strides = array<i32>} : memref<13312xf32, #tpu.memory_space<vmem>>, vector<16xf32>,
    %get3A_763 = vector.shape_cast %get3A_762 : vector<16xf32> to vector<16xf32>
    %add3A_764 = arith.addf %add3A_760, %get3A_763 : vector<16xf32>
    %get3A_765 = arith.constant 3280 : index
    %get3A_766 = tpu.vector_load %arg6[%get3A_765] {strides = array<i32>} : memref<13312xf32, #tpu.memory_space<vmem>>, vector<16xf32>,
    %get3A_767 = vector.shape_cast %get3A_766 : vector<16xf32> to vector<16xf32>
    %add3A_768 = arith.addf %add3A_764, %get3A_767 : vector<16xf32>
    %get3A_769 = arith.constant 3792 : index
    %get3A_770 = tpu.vector_load %arg6[%get3A_769] {strides = array<i32>} : memref<13312xf32, #tpu.memory_space<vmem>>, vector<16xf32>,
    %get3A_771 = vector.shape_cast %get3A_770 : vector<16xf32> to vector<16xf32>
    %add3A_772 = arith.addf %add3A_768, %get3A_771 : vector<16xf32>
    %get3A_773 = arith.constant 4304 : index
    %get3A_774 = tpu.vector_load %arg6[%get3A_773] {strides = array<i32>} : memref<13312xf32, #tpu.memory_space<vmem>>, vector<16xf32>,
    %get3A_775 = vector.shape_cast %get3A_774 : vector<16xf32> to vector<16xf32>
    %add3A_776 = arith.addf %add3A_772, %get3A_775 : vector<16xf32>
    %get3A_777 = arith.constant 4816 : index
    %get3A_778 = tpu.vector_load %arg6[%get3A_777] {strides = array<i32>} : memref<13312xf32, #tpu.memory_space<vmem>>, vector<16xf32>,
    %get3A_779 = vector.shape_cast %get3A_778 : vector<16xf32> to vector<16xf32>
    %add3A_780 = arith.addf %add3A_776, %get3A_779 : vector<16xf32>
    %get3A_781 = arith.constant 5328 : index
    %get3A_782 = tpu.vector_load %arg6[%get3A_781] {strides = array<i32>} : memref<13312xf32, #tpu.memory_space<vmem>>, vector<16xf32>,
    %get3A_783 = vector.shape_cast %get3A_782 : vector<16xf32> to vector<16xf32>
    %add3A_784 = arith.addf %add3A_780, %get3A_783 : vector<16xf32>
    %get3A_785 = arith.constant 5840 : index
    %get3A_786 = tpu.vector_load %arg6[%get3A_785] {strides = array<i32>} : memref<13312xf32, #tpu.memory_space<vmem>>, vector<16xf32>,
    %get3A_787 = vector.shape_cast %get3A_786 : vector<16xf32> to vector<16xf32>
    %add3A_788 = arith.addf %add3A_784, %get3A_787 : vector<16xf32>
    %get3A_789 = arith.constant 6352 : index
    %get3A_790 = tpu.vector_load %arg6[%get3A_789] {strides = array<i32>} : memref<13312xf32, #tpu.memory_space<vmem>>, vector<16xf32>,
    %get3A_791 = vector.shape_cast %get3A_790 : vector<16xf32> to vector<16xf32>
    %add3A_792 = arith.addf %add3A_788, %get3A_791 : vector<16xf32>
    %swap3A_793 = arith.constant 208 : index
    %swap3A_794 = tpu.vector_load %arg7[%swap3A_793] {strides = array<i32>} : memref<512xf32, #tpu.memory_space<vmem>>, vector<16xf32>,
    %swap3A_795 = vector.shape_cast %swap3A_794 : vector<16xf32> to vector<16xf32>
    %swap3A_796 = vector.shape_cast %add3A_792 : vector<16xf32> to vector<16xf32>
    tpu.vector_store %arg7[%swap3A_793], %swap3A_796 {strides = array<i32>} : memref<512xf32, #tpu.memory_space<vmem>>, vector<16xf32>,
    %get3A_797 = arith.constant 224 : index
    %get3A_798 = tpu.vector_load %arg6[%get3A_797] {strides = array<i32>} : memref<13312xf32, #tpu.memory_space<vmem>>, vector<16xf32>,
    %get3A_799 = vector.shape_cast %get3A_798 : vector<16xf32> to vector<16xf32>
    %get3A_800 = arith.constant 736 : index
    %get3A_801 = tpu.vector_load %arg6[%get3A_800] {strides = array<i32>} : memref<13312xf32, #tpu.memory_space<vmem>>, vector<16xf32>,
    %get3A_802 = vector.shape_cast %get3A_801 : vector<16xf32> to vector<16xf32>
    %add3A_803 = arith.addf %get3A_799, %get3A_802 : vector<16xf32>
    %get3A_804 = arith.constant 1248 : index
    %get3A_805 = tpu.vector_load %arg6[%get3A_804] {strides = array<i32>} : memref<13312xf32, #tpu.memory_space<vmem>>, vector<16xf32>,
    %get3A_806 = vector.shape_cast %get3A_805 : vector<16xf32> to vector<16xf32>
    %add3A_807 = arith.addf %add3A_803, %get3A_806 : vector<16xf32>
    %get3A_808 = arith.constant 1760 : index
    %get3A_809 = tpu.vector_load %arg6[%get3A_808] {strides = array<i32>} : memref<13312xf32, #tpu.memory_space<vmem>>, vector<16xf32>,
    %get3A_810 = vector.shape_cast %get3A_809 : vector<16xf32> to vector<16xf32>
    %add3A_811 = arith.addf %add3A_807, %get3A_810 : vector<16xf32>
    %get3A_812 = arith.constant 2272 : index
    %get3A_813 = tpu.vector_load %arg6[%get3A_812] {strides = array<i32>} : memref<13312xf32, #tpu.memory_space<vmem>>, vector<16xf32>,
    %get3A_814 = vector.shape_cast %get3A_813 : vector<16xf32> to vector<16xf32>
    %add3A_815 = arith.addf %add3A_811, %get3A_814 : vector<16xf32>
    %get3A_816 = arith.constant 2784 : index
    %get3A_817 = tpu.vector_load %arg6[%get3A_816] {strides = array<i32>} : memref<13312xf32, #tpu.memory_space<vmem>>, vector<16xf32>,
    %get3A_818 = vector.shape_cast %get3A_817 : vector<16xf32> to vector<16xf32>
    %add3A_819 = arith.addf %add3A_815, %get3A_818 : vector<16xf32>
    %get3A_820 = arith.constant 3296 : index
    %get3A_821 = tpu.vector_load %arg6[%get3A_820] {strides = array<i32>} : memref<13312xf32, #tpu.memory_space<vmem>>, vector<16xf32>,
    %get3A_822 = vector.shape_cast %get3A_821 : vector<16xf32> to vector<16xf32>
    %add3A_823 = arith.addf %add3A_819, %get3A_822 : vector<16xf32>
    %get3A_824 = arith.constant 3808 : index
    %get3A_825 = tpu.vector_load %arg6[%get3A_824] {strides = array<i32>} : memref<13312xf32, #tpu.memory_space<vmem>>, vector<16xf32>,
    %get3A_826 = vector.shape_cast %get3A_825 : vector<16xf32> to vector<16xf32>
    %add3A_827 = arith.addf %add3A_823, %get3A_826 : vector<16xf32>
    %get3A_828 = arith.constant 4320 : index
    %get3A_829 = tpu.vector_load %arg6[%get3A_828] {strides = array<i32>} : memref<13312xf32, #tpu.memory_space<vmem>>, vector<16xf32>,
    %get3A_830 = vector.shape_cast %get3A_829 : vector<16xf32> to vector<16xf32>
    %add3A_831 = arith.addf %add3A_827, %get3A_830 : vector<16xf32>
    %get3A_832 = arith.constant 4832 : index
    %get3A_833 = tpu.vector_load %arg6[%get3A_832] {strides = array<i32>} : memref<13312xf32, #tpu.memory_space<vmem>>, vector<16xf32>,
    %get3A_834 = vector.shape_cast %get3A_833 : vector<16xf32> to vector<16xf32>
    %add3A_835 = arith.addf %add3A_831, %get3A_834 : vector<16xf32>
    %get3A_836 = arith.constant 5344 : index
    %get3A_837 = tpu.vector_load %arg6[%get3A_836] {strides = array<i32>} : memref<13312xf32, #tpu.memory_space<vmem>>, vector<16xf32>,
    %get3A_838 = vector.shape_cast %get3A_837 : vector<16xf32> to vector<16xf32>
    %add3A_839 = arith.addf %add3A_835, %get3A_838 : vector<16xf32>
    %get3A_840 = arith.constant 5856 : index
    %get3A_841 = tpu.vector_load %arg6[%get3A_840] {strides = array<i32>} : memref<13312xf32, #tpu.memory_space<vmem>>, vector<16xf32>,
    %get3A_842 = vector.shape_cast %get3A_841 : vector<16xf32> to vector<16xf32>
    %add3A_843 = arith.addf %add3A_839, %get3A_842 : vector<16xf32>
    %get3A_844 = arith.constant 6368 : index
    %get3A_845 = tpu.vector_load %arg6[%get3A_844] {strides = array<i32>} : memref<13312xf32, #tpu.memory_space<vmem>>, vector<16xf32>,
    %get3A_846 = vector.shape_cast %get3A_845 : vector<16xf32> to vector<16xf32>
    %add3A_847 = arith.addf %add3A_843, %get3A_846 : vector<16xf32>
    %swap3A_848 = arith.constant 224 : index
    %swap3A_849 = tpu.vector_load %arg7[%swap3A_848] {strides = array<i32>} : memref<512xf32, #tpu.memory_space<vmem>>, vector<16xf32>,
    %swap3A_850 = vector.shape_cast %swap3A_849 : vector<16xf32> to vector<16xf32>
    %swap3A_851 = vector.shape_cast %add3A_847 : vector<16xf32> to vector<16xf32>
    tpu.vector_store %arg7[%swap3A_848], %swap3A_851 {strides = array<i32>} : memref<512xf32, #tpu.memory_space<vmem>>, vector<16xf32>,
    %get3A_852 = arith.constant 240 : index
    %get3A_853 = tpu.vector_load %arg6[%get3A_852] {strides = array<i32>} : memref<13312xf32, #tpu.memory_space<vmem>>, vector<16xf32>,
    %get3A_854 = vector.shape_cast %get3A_853 : vector<16xf32> to vector<16xf32>
    %get3A_855 = arith.constant 752 : index
    %get3A_856 = tpu.vector_load %arg6[%get3A_855] {strides = array<i32>} : memref<13312xf32, #tpu.memory_space<vmem>>, vector<16xf32>,
    %get3A_857 = vector.shape_cast %get3A_856 : vector<16xf32> to vector<16xf32>
    %add3A_858 = arith.addf %get3A_854, %get3A_857 : vector<16xf32>
    %get3A_859 = arith.constant 1264 : index
    %get3A_860 = tpu.vector_load %arg6[%get3A_859] {strides = array<i32>} : memref<13312xf32, #tpu.memory_space<vmem>>, vector<16xf32>,
    %get3A_861 = vector.shape_cast %get3A_860 : vector<16xf32> to vector<16xf32>
    %add3A_862 = arith.addf %add3A_858, %get3A_861 : vector<16xf32>
    %get3A_863 = arith.constant 1776 : index
    %get3A_864 = tpu.vector_load %arg6[%get3A_863] {strides = array<i32>} : memref<13312xf32, #tpu.memory_space<vmem>>, vector<16xf32>,
    %get3A_865 = vector.shape_cast %get3A_864 : vector<16xf32> to vector<16xf32>
    %add3A_866 = arith.addf %add3A_862, %get3A_865 : vector<16xf32>
    %get3A_867 = arith.constant 2288 : index
    %get3A_868 = tpu.vector_load %arg6[%get3A_867] {strides = array<i32>} : memref<13312xf32, #tpu.memory_space<vmem>>, vector<16xf32>,
    %get3A_869 = vector.shape_cast %get3A_868 : vector<16xf32> to vector<16xf32>
    %add3A_870 = arith.addf %add3A_866, %get3A_869 : vector<16xf32>
    %get3A_871 = arith.constant 2800 : index
    %get3A_872 = tpu.vector_load %arg6[%get3A_871] {strides = array<i32>} : memref<13312xf32, #tpu.memory_space<vmem>>, vector<16xf32>,
    %get3A_873 = vector.shape_cast %get3A_872 : vector<16xf32> to vector<16xf32>
    %add3A_874 = arith.addf %add3A_870, %get3A_873 : vector<16xf32>
    %get3A_875 = arith.constant 3312 : index
    %get3A_876 = tpu.vector_load %arg6[%get3A_875] {strides = array<i32>} : memref<13312xf32, #tpu.memory_space<vmem>>, vector<16xf32>,
    %get3A_877 = vector.shape_cast %get3A_876 : vector<16xf32> to vector<16xf32>
    %add3A_878 = arith.addf %add3A_874, %get3A_877 : vector<16xf32>
    %get3A_879 = arith.constant 3824 : index
    %get3A_880 = tpu.vector_load %arg6[%get3A_879] {strides = array<i32>} : memref<13312xf32, #tpu.memory_space<vmem>>, vector<16xf32>,
    %get3A_881 = vector.shape_cast %get3A_880 : vector<16xf32> to vector<16xf32>
    %add3A_882 = arith.addf %add3A_878, %get3A_881 : vector<16xf32>
    %get3A_883 = arith.constant 4336 : index
    %get3A_884 = tpu.vector_load %arg6[%get3A_883] {strides = array<i32>} : memref<13312xf32, #tpu.memory_space<vmem>>, vector<16xf32>,
    %get3A_885 = vector.shape_cast %get3A_884 : vector<16xf32> to vector<16xf32>
    %add3A_886 = arith.addf %add3A_882, %get3A_885 : vector<16xf32>
    %get3A_887 = arith.constant 4848 : index
    %get3A_888 = tpu.vector_load %arg6[%get3A_887] {strides = array<i32>} : memref<13312xf32, #tpu.memory_space<vmem>>, vector<16xf32>,
    %get3A_889 = vector.shape_cast %get3A_888 : vector<16xf32> to vector<16xf32>
    %add3A_890 = arith.addf %add3A_886, %get3A_889 : vector<16xf32>
    %get3A_891 = arith.constant 5360 : index
    %get3A_892 = tpu.vector_load %arg6[%get3A_891] {strides = array<i32>} : memref<13312xf32, #tpu.memory_space<vmem>>, vector<16xf32>,
    %get3A_893 = vector.shape_cast %get3A_892 : vector<16xf32> to vector<16xf32>
    %add3A_894 = arith.addf %add3A_890, %get3A_893 : vector<16xf32>
    %get3A_895 = arith.constant 5872 : index
    %get3A_896 = tpu.vector_load %arg6[%get3A_895] {strides = array<i32>} : memref<13312xf32, #tpu.memory_space<vmem>>, vector<16xf32>,
    %get3A_897 = vector.shape_cast %get3A_896 : vector<16xf32> to vector<16xf32>
    %add3A_898 = arith.addf %add3A_894, %get3A_897 : vector<16xf32>
    %get3A_899 = arith.constant 6384 : index
    %get3A_900 = tpu.vector_load %arg6[%get3A_899] {strides = array<i32>} : memref<13312xf32, #tpu.memory_space<vmem>>, vector<16xf32>,
    %get3A_901 = vector.shape_cast %get3A_900 : vector<16xf32> to vector<16xf32>
    %add3A_902 = arith.addf %add3A_898, %get3A_901 : vector<16xf32>
    %swap3A_903 = arith.constant 240 : index
    %swap3A_904 = tpu.vector_load %arg7[%swap3A_903] {strides = array<i32>} : memref<512xf32, #tpu.memory_space<vmem>>, vector<16xf32>,
    %swap3A_905 = vector.shape_cast %swap3A_904 : vector<16xf32> to vector<16xf32>
    %swap3A_906 = vector.shape_cast %add3A_902 : vector<16xf32> to vector<16xf32>
    tpu.vector_store %arg7[%swap3A_903], %swap3A_906 {strides = array<i32>} : memref<512xf32, #tpu.memory_space<vmem>>, vector<16xf32>,
    %get3A_907 = arith.constant 256 : index
    %get3A_908 = tpu.vector_load %arg6[%get3A_907] {strides = array<i32>} : memref<13312xf32, #tpu.memory_space<vmem>>, vector<16xf32>,
    %get3A_909 = vector.shape_cast %get3A_908 : vector<16xf32> to vector<16xf32>
    %get3A_910 = arith.constant 768 : index
    %get3A_911 = tpu.vector_load %arg6[%get3A_910] {strides = array<i32>} : memref<13312xf32, #tpu.memory_space<vmem>>, vector<16xf32>,
    %get3A_912 = vector.shape_cast %get3A_911 : vector<16xf32> to vector<16xf32>
    %add3A_913 = arith.addf %get3A_909, %get3A_912 : vector<16xf32>
    %get3A_914 = arith.constant 1280 : index
    %get3A_915 = tpu.vector_load %arg6[%get3A_914] {strides = array<i32>} : memref<13312xf32, #tpu.memory_space<vmem>>, vector<16xf32>,
    %get3A_916 = vector.shape_cast %get3A_915 : vector<16xf32> to vector<16xf32>
    %add3A_917 = arith.addf %add3A_913, %get3A_916 : vector<16xf32>
    %get3A_918 = arith.constant 1792 : index
    %get3A_919 = tpu.vector_load %arg6[%get3A_918] {strides = array<i32>} : memref<13312xf32, #tpu.memory_space<vmem>>, vector<16xf32>,
    %get3A_920 = vector.shape_cast %get3A_919 : vector<16xf32> to vector<16xf32>
    %add3A_921 = arith.addf %add3A_917, %get3A_920 : vector<16xf32>
    %get3A_922 = arith.constant 2304 : index
    %get3A_923 = tpu.vector_load %arg6[%get3A_922] {strides = array<i32>} : memref<13312xf32, #tpu.memory_space<vmem>>, vector<16xf32>,
    %get3A_924 = vector.shape_cast %get3A_923 : vector<16xf32> to vector<16xf32>
    %add3A_925 = arith.addf %add3A_921, %get3A_924 : vector<16xf32>
    %get3A_926 = arith.constant 2816 : index
    %get3A_927 = tpu.vector_load %arg6[%get3A_926] {strides = array<i32>} : memref<13312xf32, #tpu.memory_space<vmem>>, vector<16xf32>,
    %get3A_928 = vector.shape_cast %get3A_927 : vector<16xf32> to vector<16xf32>
    %add3A_929 = arith.addf %add3A_925, %get3A_928 : vector<16xf32>
    %get3A_930 = arith.constant 3328 : index
    %get3A_931 = tpu.vector_load %arg6[%get3A_930] {strides = array<i32>} : memref<13312xf32, #tpu.memory_space<vmem>>, vector<16xf32>,
    %get3A_932 = vector.shape_cast %get3A_931 : vector<16xf32> to vector<16xf32>
    %add3A_933 = arith.addf %add3A_929, %get3A_932 : vector<16xf32>
    %get3A_934 = arith.constant 3840 : index
    %get3A_935 = tpu.vector_load %arg6[%get3A_934] {strides = array<i32>} : memref<13312xf32, #tpu.memory_space<vmem>>, vector<16xf32>,
    %get3A_936 = vector.shape_cast %get3A_935 : vector<16xf32> to vector<16xf32>
    %add3A_937 = arith.addf %add3A_933, %get3A_936 : vector<16xf32>
    %get3A_938 = arith.constant 4352 : index
    %get3A_939 = tpu.vector_load %arg6[%get3A_938] {strides = array<i32>} : memref<13312xf32, #tpu.memory_space<vmem>>, vector<16xf32>,
    %get3A_940 = vector.shape_cast %get3A_939 : vector<16xf32> to vector<16xf32>
    %add3A_941 = arith.addf %add3A_937, %get3A_940 : vector<16xf32>
    %get3A_942 = arith.constant 4864 : index
    %get3A_943 = tpu.vector_load %arg6[%get3A_942] {strides = array<i32>} : memref<13312xf32, #tpu.memory_space<vmem>>, vector<16xf32>,
    %get3A_944 = vector.shape_cast %get3A_943 : vector<16xf32> to vector<16xf32>
    %add3A_945 = arith.addf %add3A_941, %get3A_944 : vector<16xf32>
    %get3A_946 = arith.constant 5376 : index
    %get3A_947 = tpu.vector_load %arg6[%get3A_946] {strides = array<i32>} : memref<13312xf32, #tpu.memory_space<vmem>>, vector<16xf32>,
    %get3A_948 = vector.shape_cast %get3A_947 : vector<16xf32> to vector<16xf32>
    %add3A_949 = arith.addf %add3A_945, %get3A_948 : vector<16xf32>
    %get3A_950 = arith.constant 5888 : index
    %get3A_951 = tpu.vector_load %arg6[%get3A_950] {strides = array<i32>} : memref<13312xf32, #tpu.memory_space<vmem>>, vector<16xf32>,
    %get3A_952 = vector.shape_cast %get3A_951 : vector<16xf32> to vector<16xf32>
    %add3A_953 = arith.addf %add3A_949, %get3A_952 : vector<16xf32>
    %get3A_954 = arith.constant 6400 : index
    %get3A_955 = tpu.vector_load %arg6[%get3A_954] {strides = array<i32>} : memref<13312xf32, #tpu.memory_space<vmem>>, vector<16xf32>,
    %get3A_956 = vector.shape_cast %get3A_955 : vector<16xf32> to vector<16xf32>
    %add3A_957 = arith.addf %add3A_953, %get3A_956 : vector<16xf32>
    %swap3A_958 = arith.constant 256 : index
    %swap3A_959 = tpu.vector_load %arg7[%swap3A_958] {strides = array<i32>} : memref<512xf32, #tpu.memory_space<vmem>>, vector<16xf32>,
    %swap3A_960 = vector.shape_cast %swap3A_959 : vector<16xf32> to vector<16xf32>
    %swap3A_961 = vector.shape_cast %add3A_957 : vector<16xf32> to vector<16xf32>
    tpu.vector_store %arg7[%swap3A_958], %swap3A_961 {strides = array<i32>} : memref<512xf32, #tpu.memory_space<vmem>>, vector<16xf32>,
    %get3A_962 = arith.constant 272 : index
    %get3A_963 = tpu.vector_load %arg6[%get3A_962] {strides = array<i32>} : memref<13312xf32, #tpu.memory_space<vmem>>, vector<16xf32>,
    %get3A_964 = vector.shape_cast %get3A_963 : vector<16xf32> to vector<16xf32>
    %get3A_965 = arith.constant 784 : index
    %get3A_966 = tpu.vector_load %arg6[%get3A_965] {strides = array<i32>} : memref<13312xf32, #tpu.memory_space<vmem>>, vector<16xf32>,
    %get3A_967 = vector.shape_cast %get3A_966 : vector<16xf32> to vector<16xf32>
    %add3A_968 = arith.addf %get3A_964, %get3A_967 : vector<16xf32>
    %get3A_969 = arith.constant 1296 : index
    %get3A_970 = tpu.vector_load %arg6[%get3A_969] {strides = array<i32>} : memref<13312xf32, #tpu.memory_space<vmem>>, vector<16xf32>,
    %get3A_971 = vector.shape_cast %get3A_970 : vector<16xf32> to vector<16xf32>
    %add3A_972 = arith.addf %add3A_968, %get3A_971 : vector<16xf32>
    %get3A_973 = arith.constant 1808 : index
    %get3A_974 = tpu.vector_load %arg6[%get3A_973] {strides = array<i32>} : memref<13312xf32, #tpu.memory_space<vmem>>, vector<16xf32>,
    %get3A_975 = vector.shape_cast %get3A_974 : vector<16xf32> to vector<16xf32>
    %add3A_976 = arith.addf %add3A_972, %get3A_975 : vector<16xf32>
    %get3A_977 = arith.constant 2320 : index
    %get3A_978 = tpu.vector_load %arg6[%get3A_977] {strides = array<i32>} : memref<13312xf32, #tpu.memory_space<vmem>>, vector<16xf32>,
    %get3A_979 = vector.shape_cast %get3A_978 : vector<16xf32> to vector<16xf32>
    %add3A_980 = arith.addf %add3A_976, %get3A_979 : vector<16xf32>
    %get3A_981 = arith.constant 2832 : index
    %get3A_982 = tpu.vector_load %arg6[%get3A_981] {strides = array<i32>} : memref<13312xf32, #tpu.memory_space<vmem>>, vector<16xf32>,
    %get3A_983 = vector.shape_cast %get3A_982 : vector<16xf32> to vector<16xf32>
    %add3A_984 = arith.addf %add3A_980, %get3A_983 : vector<16xf32>
    %get3A_985 = arith.constant 3344 : index
    %get3A_986 = tpu.vector_load %arg6[%get3A_985] {strides = array<i32>} : memref<13312xf32, #tpu.memory_space<vmem>>, vector<16xf32>,
    %get3A_987 = vector.shape_cast %get3A_986 : vector<16xf32> to vector<16xf32>
    %add3A_988 = arith.addf %add3A_984, %get3A_987 : vector<16xf32>
    %get3A_989 = arith.constant 3856 : index
    %get3A_990 = tpu.vector_load %arg6[%get3A_989] {strides = array<i32>} : memref<13312xf32, #tpu.memory_space<vmem>>, vector<16xf32>,
    %get3A_991 = vector.shape_cast %get3A_990 : vector<16xf32> to vector<16xf32>
    %add3A_992 = arith.addf %add3A_988, %get3A_991 : vector<16xf32>
    %get3A_993 = arith.constant 4368 : index
    %get3A_994 = tpu.vector_load %arg6[%get3A_993] {strides = array<i32>} : memref<13312xf32, #tpu.memory_space<vmem>>, vector<16xf32>,
    %get3A_995 = vector.shape_cast %get3A_994 : vector<16xf32> to vector<16xf32>
    %add3A_996 = arith.addf %add3A_992, %get3A_995 : vector<16xf32>
    %get3A_997 = arith.constant 4880 : index
    %get3A_998 = tpu.vector_load %arg6[%get3A_997] {strides = array<i32>} : memref<13312xf32, #tpu.memory_space<vmem>>, vector<16xf32>,
    %get3A_999 = vector.shape_cast %get3A_998 : vector<16xf32> to vector<16xf32>
    %add3A_1000 = arith.addf %add3A_996, %get3A_999 : vector<16xf32>
    %get3A_1001 = arith.constant 5392 : index
    %get3A_1002 = tpu.vector_load %arg6[%get3A_1001] {strides = array<i32>} : memref<13312xf32, #tpu.memory_space<vmem>>, vector<16xf32>,
    %get3A_1003 = vector.shape_cast %get3A_1002 : vector<16xf32> to vector<16xf32>
    %add3A_1004 = arith.addf %add3A_1000, %get3A_1003 : vector<16xf32>
    %get3A_1005 = arith.constant 5904 : index
    %get3A_1006 = tpu.vector_load %arg6[%get3A_1005] {strides = array<i32>} : memref<13312xf32, #tpu.memory_space<vmem>>, vector<16xf32>,
    %get3A_1007 = vector.shape_cast %get3A_1006 : vector<16xf32> to vector<16xf32>
    %add3A_1008 = arith.addf %add3A_1004, %get3A_1007 : vector<16xf32>
    %get3A_1009 = arith.constant 6416 : index
    %get3A_1010 = tpu.vector_load %arg6[%get3A_1009] {strides = array<i32>} : memref<13312xf32, #tpu.memory_space<vmem>>, vector<16xf32>,
    %get3A_1011 = vector.shape_cast %get3A_1010 : vector<16xf32> to vector<16xf32>
    %add3A_1012 = arith.addf %add3A_1008, %get3A_1011 : vector<16xf32>
    %swap3A_1013 = arith.constant 272 : index
    %swap3A_1014 = tpu.vector_load %arg7[%swap3A_1013] {strides = array<i32>} : memref<512xf32, #tpu.memory_space<vmem>>, vector<16xf32>,
    %swap3A_1015 = vector.shape_cast %swap3A_1014 : vector<16xf32> to vector<16xf32>
    %swap3A_1016 = vector.shape_cast %add3A_1012 : vector<16xf32> to vector<16xf32>
    tpu.vector_store %arg7[%swap3A_1013], %swap3A_1016 {strides = array<i32>} : memref<512xf32, #tpu.memory_space<vmem>>, vector<16xf32>,
    %get3A_1017 = arith.constant 288 : index
    %get3A_1018 = tpu.vector_load %arg6[%get3A_1017] {strides = array<i32>} : memref<13312xf32, #tpu.memory_space<vmem>>, vector<16xf32>,
    %get3A_1019 = vector.shape_cast %get3A_1018 : vector<16xf32> to vector<16xf32>
    %get3A_1020 = arith.constant 800 : index
    %get3A_1021 = tpu.vector_load %arg6[%get3A_1020] {strides = array<i32>} : memref<13312xf32, #tpu.memory_space<vmem>>, vector<16xf32>,
    %get3A_1022 = vector.shape_cast %get3A_1021 : vector<16xf32> to vector<16xf32>
    %add3A_1023 = arith.addf %get3A_1019, %get3A_1022 : vector<16xf32>
    %get3A_1024 = arith.constant 1312 : index
    %get3A_1025 = tpu.vector_load %arg6[%get3A_1024] {strides = array<i32>} : memref<13312xf32, #tpu.memory_space<vmem>>, vector<16xf32>,
    %get3A_1026 = vector.shape_cast %get3A_1025 : vector<16xf32> to vector<16xf32>
    %add3A_1027 = arith.addf %add3A_1023, %get3A_1026 : vector<16xf32>
    %get3A_1028 = arith.constant 1824 : index
    %get3A_1029 = tpu.vector_load %arg6[%get3A_1028] {strides = array<i32>} : memref<13312xf32, #tpu.memory_space<vmem>>, vector<16xf32>,
    %get3A_1030 = vector.shape_cast %get3A_1029 : vector<16xf32> to vector<16xf32>
    %add3A_1031 = arith.addf %add3A_1027, %get3A_1030 : vector<16xf32>
    %get3A_1032 = arith.constant 2336 : index
    %get3A_1033 = tpu.vector_load %arg6[%get3A_1032] {strides = array<i32>} : memref<13312xf32, #tpu.memory_space<vmem>>, vector<16xf32>,
    %get3A_1034 = vector.shape_cast %get3A_1033 : vector<16xf32> to vector<16xf32>
    %add3A_1035 = arith.addf %add3A_1031, %get3A_1034 : vector<16xf32>
    %get3A_1036 = arith.constant 2848 : index
    %get3A_1037 = tpu.vector_load %arg6[%get3A_1036] {strides = array<i32>} : memref<13312xf32, #tpu.memory_space<vmem>>, vector<16xf32>,
    %get3A_1038 = vector.shape_cast %get3A_1037 : vector<16xf32> to vector<16xf32>
    %add3A_1039 = arith.addf %add3A_1035, %get3A_1038 : vector<16xf32>
    %get3A_1040 = arith.constant 3360 : index
    %get3A_1041 = tpu.vector_load %arg6[%get3A_1040] {strides = array<i32>} : memref<13312xf32, #tpu.memory_space<vmem>>, vector<16xf32>,
    %get3A_1042 = vector.shape_cast %get3A_1041 : vector<16xf32> to vector<16xf32>
    %add3A_1043 = arith.addf %add3A_1039, %get3A_1042 : vector<16xf32>
    %get3A_1044 = arith.constant 3872 : index
    %get3A_1045 = tpu.vector_load %arg6[%get3A_1044] {strides = array<i32>} : memref<13312xf32, #tpu.memory_space<vmem>>, vector<16xf32>,
    %get3A_1046 = vector.shape_cast %get3A_1045 : vector<16xf32> to vector<16xf32>
    %add3A_1047 = arith.addf %add3A_1043, %get3A_1046 : vector<16xf32>
    %get3A_1048 = arith.constant 4384 : index
    %get3A_1049 = tpu.vector_load %arg6[%get3A_1048] {strides = array<i32>} : memref<13312xf32, #tpu.memory_space<vmem>>, vector<16xf32>,
    %get3A_1050 = vector.shape_cast %get3A_1049 : vector<16xf32> to vector<16xf32>
    %add3A_1051 = arith.addf %add3A_1047, %get3A_1050 : vector<16xf32>
    %get3A_1052 = arith.constant 4896 : index
    %get3A_1053 = tpu.vector_load %arg6[%get3A_1052] {strides = array<i32>} : memref<13312xf32, #tpu.memory_space<vmem>>, vector<16xf32>,
    %get3A_1054 = vector.shape_cast %get3A_1053 : vector<16xf32> to vector<16xf32>
    %add3A_1055 = arith.addf %add3A_1051, %get3A_1054 : vector<16xf32>
    %get3A_1056 = arith.constant 5408 : index
    %get3A_1057 = tpu.vector_load %arg6[%get3A_1056] {strides = array<i32>} : memref<13312xf32, #tpu.memory_space<vmem>>, vector<16xf32>,
    %get3A_1058 = vector.shape_cast %get3A_1057 : vector<16xf32> to vector<16xf32>
    %add3A_1059 = arith.addf %add3A_1055, %get3A_1058 : vector<16xf32>
    %get3A_1060 = arith.constant 5920 : index
    %get3A_1061 = tpu.vector_load %arg6[%get3A_1060] {strides = array<i32>} : memref<13312xf32, #tpu.memory_space<vmem>>, vector<16xf32>,
    %get3A_1062 = vector.shape_cast %get3A_1061 : vector<16xf32> to vector<16xf32>
    %add3A_1063 = arith.addf %add3A_1059, %get3A_1062 : vector<16xf32>
    %get3A_1064 = arith.constant 6432 : index
    %get3A_1065 = tpu.vector_load %arg6[%get3A_1064] {strides = array<i32>} : memref<13312xf32, #tpu.memory_space<vmem>>, vector<16xf32>,
    %get3A_1066 = vector.shape_cast %get3A_1065 : vector<16xf32> to vector<16xf32>
    %add3A_1067 = arith.addf %add3A_1063, %get3A_1066 : vector<16xf32>
    %swap3A_1068 = arith.constant 288 : index
    %swap3A_1069 = tpu.vector_load %arg7[%swap3A_1068] {strides = array<i32>} : memref<512xf32, #tpu.memory_space<vmem>>, vector<16xf32>,
    %swap3A_1070 = vector.shape_cast %swap3A_1069 : vector<16xf32> to vector<16xf32>
    %swap3A_1071 = vector.shape_cast %add3A_1067 : vector<16xf32> to vector<16xf32>
    tpu.vector_store %arg7[%swap3A_1068], %swap3A_1071 {strides = array<i32>} : memref<512xf32, #tpu.memory_space<vmem>>, vector<16xf32>,
    %get3A_1072 = arith.constant 304 : index
    %get3A_1073 = tpu.vector_load %arg6[%get3A_1072] {strides = array<i32>} : memref<13312xf32, #tpu.memory_space<vmem>>, vector<16xf32>,
    %get3A_1074 = vector.shape_cast %get3A_1073 : vector<16xf32> to vector<16xf32>
    %get3A_1075 = arith.constant 816 : index
    %get3A_1076 = tpu.vector_load %arg6[%get3A_1075] {strides = array<i32>} : memref<13312xf32, #tpu.memory_space<vmem>>, vector<16xf32>,
    %get3A_1077 = vector.shape_cast %get3A_1076 : vector<16xf32> to vector<16xf32>
    %add3A_1078 = arith.addf %get3A_1074, %get3A_1077 : vector<16xf32>
    %get3A_1079 = arith.constant 1328 : index
    %get3A_1080 = tpu.vector_load %arg6[%get3A_1079] {strides = array<i32>} : memref<13312xf32, #tpu.memory_space<vmem>>, vector<16xf32>,
    %get3A_1081 = vector.shape_cast %get3A_1080 : vector<16xf32> to vector<16xf32>
    %add3A_1082 = arith.addf %add3A_1078, %get3A_1081 : vector<16xf32>
    %get3A_1083 = arith.constant 1840 : index
    %get3A_1084 = tpu.vector_load %arg6[%get3A_1083] {strides = array<i32>} : memref<13312xf32, #tpu.memory_space<vmem>>, vector<16xf32>,
    %get3A_1085 = vector.shape_cast %get3A_1084 : vector<16xf32> to vector<16xf32>
    %add3A_1086 = arith.addf %add3A_1082, %get3A_1085 : vector<16xf32>
    %get3A_1087 = arith.constant 2352 : index
    %get3A_1088 = tpu.vector_load %arg6[%get3A_1087] {strides = array<i32>} : memref<13312xf32, #tpu.memory_space<vmem>>, vector<16xf32>,
    %get3A_1089 = vector.shape_cast %get3A_1088 : vector<16xf32> to vector<16xf32>
    %add3A_1090 = arith.addf %add3A_1086, %get3A_1089 : vector<16xf32>
    %get3A_1091 = arith.constant 2864 : index
    %get3A_1092 = tpu.vector_load %arg6[%get3A_1091] {strides = array<i32>} : memref<13312xf32, #tpu.memory_space<vmem>>, vector<16xf32>,
    %get3A_1093 = vector.shape_cast %get3A_1092 : vector<16xf32> to vector<16xf32>
    %add3A_1094 = arith.addf %add3A_1090, %get3A_1093 : vector<16xf32>
    %get3A_1095 = arith.constant 3376 : index
    %get3A_1096 = tpu.vector_load %arg6[%get3A_1095] {strides = array<i32>} : memref<13312xf32, #tpu.memory_space<vmem>>, vector<16xf32>,
    %get3A_1097 = vector.shape_cast %get3A_1096 : vector<16xf32> to vector<16xf32>
    %add3A_1098 = arith.addf %add3A_1094, %get3A_1097 : vector<16xf32>
    %get3A_1099 = arith.constant 3888 : index
    %get3A_1100 = tpu.vector_load %arg6[%get3A_1099] {strides = array<i32>} : memref<13312xf32, #tpu.memory_space<vmem>>, vector<16xf32>,
    %get3A_1101 = vector.shape_cast %get3A_1100 : vector<16xf32> to vector<16xf32>
    %add3A_1102 = arith.addf %add3A_1098, %get3A_1101 : vector<16xf32>
    %get3A_1103 = arith.constant 4400 : index
    %get3A_1104 = tpu.vector_load %arg6[%get3A_1103] {strides = array<i32>} : memref<13312xf32, #tpu.memory_space<vmem>>, vector<16xf32>,
    %get3A_1105 = vector.shape_cast %get3A_1104 : vector<16xf32> to vector<16xf32>
    %add3A_1106 = arith.addf %add3A_1102, %get3A_1105 : vector<16xf32>
    %get3A_1107 = arith.constant 4912 : index
    %get3A_1108 = tpu.vector_load %arg6[%get3A_1107] {strides = array<i32>} : memref<13312xf32, #tpu.memory_space<vmem>>, vector<16xf32>,
    %get3A_1109 = vector.shape_cast %get3A_1108 : vector<16xf32> to vector<16xf32>
    %add3A_1110 = arith.addf %add3A_1106, %get3A_1109 : vector<16xf32>
    %get3A_1111 = arith.constant 5424 : index
    %get3A_1112 = tpu.vector_load %arg6[%get3A_1111] {strides = array<i32>} : memref<13312xf32, #tpu.memory_space<vmem>>, vector<16xf32>,
    %get3A_1113 = vector.shape_cast %get3A_1112 : vector<16xf32> to vector<16xf32>
    %add3A_1114 = arith.addf %add3A_1110, %get3A_1113 : vector<16xf32>
    %get3A_1115 = arith.constant 5936 : index
    %get3A_1116 = tpu.vector_load %arg6[%get3A_1115] {strides = array<i32>} : memref<13312xf32, #tpu.memory_space<vmem>>, vector<16xf32>,
    %get3A_1117 = vector.shape_cast %get3A_1116 : vector<16xf32> to vector<16xf32>
    %add3A_1118 = arith.addf %add3A_1114, %get3A_1117 : vector<16xf32>
    %get3A_1119 = arith.constant 6448 : index
    %get3A_1120 = tpu.vector_load %arg6[%get3A_1119] {strides = array<i32>} : memref<13312xf32, #tpu.memory_space<vmem>>, vector<16xf32>,
    %get3A_1121 = vector.shape_cast %get3A_1120 : vector<16xf32> to vector<16xf32>
    %add3A_1122 = arith.addf %add3A_1118, %get3A_1121 : vector<16xf32>
    %swap3A_1123 = arith.constant 304 : index
    %swap3A_1124 = tpu.vector_load %arg7[%swap3A_1123] {strides = array<i32>} : memref<512xf32, #tpu.memory_space<vmem>>, vector<16xf32>,
    %swap3A_1125 = vector.shape_cast %swap3A_1124 : vector<16xf32> to vector<16xf32>
    %swap3A_1126 = vector.shape_cast %add3A_1122 : vector<16xf32> to vector<16xf32>
    tpu.vector_store %arg7[%swap3A_1123], %swap3A_1126 {strides = array<i32>} : memref<512xf32, #tpu.memory_space<vmem>>, vector<16xf32>,
    %get3A_1127 = arith.constant 320 : index
    %get3A_1128 = tpu.vector_load %arg6[%get3A_1127] {strides = array<i32>} : memref<13312xf32, #tpu.memory_space<vmem>>, vector<16xf32>,
    %get3A_1129 = vector.shape_cast %get3A_1128 : vector<16xf32> to vector<16xf32>
    %get3A_1130 = arith.constant 832 : index
    %get3A_1131 = tpu.vector_load %arg6[%get3A_1130] {strides = array<i32>} : memref<13312xf32, #tpu.memory_space<vmem>>, vector<16xf32>,
    %get3A_1132 = vector.shape_cast %get3A_1131 : vector<16xf32> to vector<16xf32>
    %add3A_1133 = arith.addf %get3A_1129, %get3A_1132 : vector<16xf32>
    %get3A_1134 = arith.constant 1344 : index
    %get3A_1135 = tpu.vector_load %arg6[%get3A_1134] {strides = array<i32>} : memref<13312xf32, #tpu.memory_space<vmem>>, vector<16xf32>,
    %get3A_1136 = vector.shape_cast %get3A_1135 : vector<16xf32> to vector<16xf32>
    %add3A_1137 = arith.addf %add3A_1133, %get3A_1136 : vector<16xf32>
    %get3A_1138 = arith.constant 1856 : index
    %get3A_1139 = tpu.vector_load %arg6[%get3A_1138] {strides = array<i32>} : memref<13312xf32, #tpu.memory_space<vmem>>, vector<16xf32>,
    %get3A_1140 = vector.shape_cast %get3A_1139 : vector<16xf32> to vector<16xf32>
    %add3A_1141 = arith.addf %add3A_1137, %get3A_1140 : vector<16xf32>
    %get3A_1142 = arith.constant 2368 : index
    %get3A_1143 = tpu.vector_load %arg6[%get3A_1142] {strides = array<i32>} : memref<13312xf32, #tpu.memory_space<vmem>>, vector<16xf32>,
    %get3A_1144 = vector.shape_cast %get3A_1143 : vector<16xf32> to vector<16xf32>
    %add3A_1145 = arith.addf %add3A_1141, %get3A_1144 : vector<16xf32>
    %get3A_1146 = arith.constant 2880 : index
    %get3A_1147 = tpu.vector_load %arg6[%get3A_1146] {strides = array<i32>} : memref<13312xf32, #tpu.memory_space<vmem>>, vector<16xf32>,
    %get3A_1148 = vector.shape_cast %get3A_1147 : vector<16xf32> to vector<16xf32>
    %add3A_1149 = arith.addf %add3A_1145, %get3A_1148 : vector<16xf32>
    %get3A_1150 = arith.constant 3392 : index
    %get3A_1151 = tpu.vector_load %arg6[%get3A_1150] {strides = array<i32>} : memref<13312xf32, #tpu.memory_space<vmem>>, vector<16xf32>,
    %get3A_1152 = vector.shape_cast %get3A_1151 : vector<16xf32> to vector<16xf32>
    %add3A_1153 = arith.addf %add3A_1149, %get3A_1152 : vector<16xf32>
    %get3A_1154 = arith.constant 3904 : index
    %get3A_1155 = tpu.vector_load %arg6[%get3A_1154] {strides = array<i32>} : memref<13312xf32, #tpu.memory_space<vmem>>, vector<16xf32>,
    %get3A_1156 = vector.shape_cast %get3A_1155 : vector<16xf32> to vector<16xf32>
    %add3A_1157 = arith.addf %add3A_1153, %get3A_1156 : vector<16xf32>
    %get3A_1158 = arith.constant 4416 : index
    %get3A_1159 = tpu.vector_load %arg6[%get3A_1158] {strides = array<i32>} : memref<13312xf32, #tpu.memory_space<vmem>>, vector<16xf32>,
    %get3A_1160 = vector.shape_cast %get3A_1159 : vector<16xf32> to vector<16xf32>
    %add3A_1161 = arith.addf %add3A_1157, %get3A_1160 : vector<16xf32>
    %get3A_1162 = arith.constant 4928 : index
    %get3A_1163 = tpu.vector_load %arg6[%get3A_1162] {strides = array<i32>} : memref<13312xf32, #tpu.memory_space<vmem>>, vector<16xf32>,
    %get3A_1164 = vector.shape_cast %get3A_1163 : vector<16xf32> to vector<16xf32>
    %add3A_1165 = arith.addf %add3A_1161, %get3A_1164 : vector<16xf32>
    %get3A_1166 = arith.constant 5440 : index
    %get3A_1167 = tpu.vector_load %arg6[%get3A_1166] {strides = array<i32>} : memref<13312xf32, #tpu.memory_space<vmem>>, vector<16xf32>,
    %get3A_1168 = vector.shape_cast %get3A_1167 : vector<16xf32> to vector<16xf32>
    %add3A_1169 = arith.addf %add3A_1165, %get3A_1168 : vector<16xf32>
    %get3A_1170 = arith.constant 5952 : index
    %get3A_1171 = tpu.vector_load %arg6[%get3A_1170] {strides = array<i32>} : memref<13312xf32, #tpu.memory_space<vmem>>, vector<16xf32>,
    %get3A_1172 = vector.shape_cast %get3A_1171 : vector<16xf32> to vector<16xf32>
    %add3A_1173 = arith.addf %add3A_1169, %get3A_1172 : vector<16xf32>
    %get3A_1174 = arith.constant 6464 : index
    %get3A_1175 = tpu.vector_load %arg6[%get3A_1174] {strides = array<i32>} : memref<13312xf32, #tpu.memory_space<vmem>>, vector<16xf32>,
    %get3A_1176 = vector.shape_cast %get3A_1175 : vector<16xf32> to vector<16xf32>
    %add3A_1177 = arith.addf %add3A_1173, %get3A_1176 : vector<16xf32>
    %swap3A_1178 = arith.constant 320 : index
    %swap3A_1179 = tpu.vector_load %arg7[%swap3A_1178] {strides = array<i32>} : memref<512xf32, #tpu.memory_space<vmem>>, vector<16xf32>,
    %swap3A_1180 = vector.shape_cast %swap3A_1179 : vector<16xf32> to vector<16xf32>
    %swap3A_1181 = vector.shape_cast %add3A_1177 : vector<16xf32> to vector<16xf32>
    tpu.vector_store %arg7[%swap3A_1178], %swap3A_1181 {strides = array<i32>} : memref<512xf32, #tpu.memory_space<vmem>>, vector<16xf32>,
    %get3A_1182 = arith.constant 336 : index
    %get3A_1183 = tpu.vector_load %arg6[%get3A_1182] {strides = array<i32>} : memref<13312xf32, #tpu.memory_space<vmem>>, vector<16xf32>,
    %get3A_1184 = vector.shape_cast %get3A_1183 : vector<16xf32> to vector<16xf32>
    %get3A_1185 = arith.constant 848 : index
    %get3A_1186 = tpu.vector_load %arg6[%get3A_1185] {strides = array<i32>} : memref<13312xf32, #tpu.memory_space<vmem>>, vector<16xf32>,
    %get3A_1187 = vector.shape_cast %get3A_1186 : vector<16xf32> to vector<16xf32>
    %add3A_1188 = arith.addf %get3A_1184, %get3A_1187 : vector<16xf32>
    %get3A_1189 = arith.constant 1360 : index
    %get3A_1190 = tpu.vector_load %arg6[%get3A_1189] {strides = array<i32>} : memref<13312xf32, #tpu.memory_space<vmem>>, vector<16xf32>,
    %get3A_1191 = vector.shape_cast %get3A_1190 : vector<16xf32> to vector<16xf32>
    %add3A_1192 = arith.addf %add3A_1188, %get3A_1191 : vector<16xf32>
    %get3A_1193 = arith.constant 1872 : index
    %get3A_1194 = tpu.vector_load %arg6[%get3A_1193] {strides = array<i32>} : memref<13312xf32, #tpu.memory_space<vmem>>, vector<16xf32>,
    %get3A_1195 = vector.shape_cast %get3A_1194 : vector<16xf32> to vector<16xf32>
    %add3A_1196 = arith.addf %add3A_1192, %get3A_1195 : vector<16xf32>
    %get3A_1197 = arith.constant 2384 : index
    %get3A_1198 = tpu.vector_load %arg6[%get3A_1197] {strides = array<i32>} : memref<13312xf32, #tpu.memory_space<vmem>>, vector<16xf32>,
    %get3A_1199 = vector.shape_cast %get3A_1198 : vector<16xf32> to vector<16xf32>
    %add3A_1200 = arith.addf %add3A_1196, %get3A_1199 : vector<16xf32>
    %get3A_1201 = arith.constant 2896 : index
    %get3A_1202 = tpu.vector_load %arg6[%get3A_1201] {strides = array<i32>} : memref<13312xf32, #tpu.memory_space<vmem>>, vector<16xf32>,
    %get3A_1203 = vector.shape_cast %get3A_1202 : vector<16xf32> to vector<16xf32>
    %add3A_1204 = arith.addf %add3A_1200, %get3A_1203 : vector<16xf32>
    %get3A_1205 = arith.constant 3408 : index
    %get3A_1206 = tpu.vector_load %arg6[%get3A_1205] {strides = array<i32>} : memref<13312xf32, #tpu.memory_space<vmem>>, vector<16xf32>,
    %get3A_1207 = vector.shape_cast %get3A_1206 : vector<16xf32> to vector<16xf32>
    %add3A_1208 = arith.addf %add3A_1204, %get3A_1207 : vector<16xf32>
    %get3A_1209 = arith.constant 3920 : index
    %get3A_1210 = tpu.vector_load %arg6[%get3A_1209] {strides = array<i32>} : memref<13312xf32, #tpu.memory_space<vmem>>, vector<16xf32>,
    %get3A_1211 = vector.shape_cast %get3A_1210 : vector<16xf32> to vector<16xf32>
    %add3A_1212 = arith.addf %add3A_1208, %get3A_1211 : vector<16xf32>
    %get3A_1213 = arith.constant 4432 : index
    %get3A_1214 = tpu.vector_load %arg6[%get3A_1213] {strides = array<i32>} : memref<13312xf32, #tpu.memory_space<vmem>>, vector<16xf32>,
    %get3A_1215 = vector.shape_cast %get3A_1214 : vector<16xf32> to vector<16xf32>
    %add3A_1216 = arith.addf %add3A_1212, %get3A_1215 : vector<16xf32>
    %get3A_1217 = arith.constant 4944 : index
    %get3A_1218 = tpu.vector_load %arg6[%get3A_1217] {strides = array<i32>} : memref<13312xf32, #tpu.memory_space<vmem>>, vector<16xf32>,
    %get3A_1219 = vector.shape_cast %get3A_1218 : vector<16xf32> to vector<16xf32>
    %add3A_1220 = arith.addf %add3A_1216, %get3A_1219 : vector<16xf32>
    %get3A_1221 = arith.constant 5456 : index
    %get3A_1222 = tpu.vector_load %arg6[%get3A_1221] {strides = array<i32>} : memref<13312xf32, #tpu.memory_space<vmem>>, vector<16xf32>,
    %get3A_1223 = vector.shape_cast %get3A_1222 : vector<16xf32> to vector<16xf32>
    %add3A_1224 = arith.addf %add3A_1220, %get3A_1223 : vector<16xf32>
    %get3A_1225 = arith.constant 5968 : index
    %get3A_1226 = tpu.vector_load %arg6[%get3A_1225] {strides = array<i32>} : memref<13312xf32, #tpu.memory_space<vmem>>, vector<16xf32>,
    %get3A_1227 = vector.shape_cast %get3A_1226 : vector<16xf32> to vector<16xf32>
    %add3A_1228 = arith.addf %add3A_1224, %get3A_1227 : vector<16xf32>
    %get3A_1229 = arith.constant 6480 : index
    %get3A_1230 = tpu.vector_load %arg6[%get3A_1229] {strides = array<i32>} : memref<13312xf32, #tpu.memory_space<vmem>>, vector<16xf32>,
    %get3A_1231 = vector.shape_cast %get3A_1230 : vector<16xf32> to vector<16xf32>
    %add3A_1232 = arith.addf %add3A_1228, %get3A_1231 : vector<16xf32>
    %swap3A_1233 = arith.constant 336 : index
    %swap3A_1234 = tpu.vector_load %arg7[%swap3A_1233] {strides = array<i32>} : memref<512xf32, #tpu.memory_space<vmem>>, vector<16xf32>,
    %swap3A_1235 = vector.shape_cast %swap3A_1234 : vector<16xf32> to vector<16xf32>
    %swap3A_1236 = vector.shape_cast %add3A_1232 : vector<16xf32> to vector<16xf32>
    tpu.vector_store %arg7[%swap3A_1233], %swap3A_1236 {strides = array<i32>} : memref<512xf32, #tpu.memory_space<vmem>>, vector<16xf32>,
    %get3A_1237 = arith.constant 352 : index
    %get3A_1238 = tpu.vector_load %arg6[%get3A_1237] {strides = array<i32>} : memref<13312xf32, #tpu.memory_space<vmem>>, vector<16xf32>,
    %get3A_1239 = vector.shape_cast %get3A_1238 : vector<16xf32> to vector<16xf32>
    %get3A_1240 = arith.constant 864 : index
    %get3A_1241 = tpu.vector_load %arg6[%get3A_1240] {strides = array<i32>} : memref<13312xf32, #tpu.memory_space<vmem>>, vector<16xf32>,
    %get3A_1242 = vector.shape_cast %get3A_1241 : vector<16xf32> to vector<16xf32>
    %add3A_1243 = arith.addf %get3A_1239, %get3A_1242 : vector<16xf32>
    %get3A_1244 = arith.constant 1376 : index
    %get3A_1245 = tpu.vector_load %arg6[%get3A_1244] {strides = array<i32>} : memref<13312xf32, #tpu.memory_space<vmem>>, vector<16xf32>,
    %get3A_1246 = vector.shape_cast %get3A_1245 : vector<16xf32> to vector<16xf32>
    %add3A_1247 = arith.addf %add3A_1243, %get3A_1246 : vector<16xf32>
    %get3A_1248 = arith.constant 1888 : index
    %get3A_1249 = tpu.vector_load %arg6[%get3A_1248] {strides = array<i32>} : memref<13312xf32, #tpu.memory_space<vmem>>, vector<16xf32>,
    %get3A_1250 = vector.shape_cast %get3A_1249 : vector<16xf32> to vector<16xf32>
    %add3A_1251 = arith.addf %add3A_1247, %get3A_1250 : vector<16xf32>
    %get3A_1252 = arith.constant 2400 : index
    %get3A_1253 = tpu.vector_load %arg6[%get3A_1252] {strides = array<i32>} : memref<13312xf32, #tpu.memory_space<vmem>>, vector<16xf32>,
    %get3A_1254 = vector.shape_cast %get3A_1253 : vector<16xf32> to vector<16xf32>
    %add3A_1255 = arith.addf %add3A_1251, %get3A_1254 : vector<16xf32>
    %get3A_1256 = arith.constant 2912 : index
    %get3A_1257 = tpu.vector_load %arg6[%get3A_1256] {strides = array<i32>} : memref<13312xf32, #tpu.memory_space<vmem>>, vector<16xf32>,
    %get3A_1258 = vector.shape_cast %get3A_1257 : vector<16xf32> to vector<16xf32>
    %add3A_1259 = arith.addf %add3A_1255, %get3A_1258 : vector<16xf32>
    %get3A_1260 = arith.constant 3424 : index
    %get3A_1261 = tpu.vector_load %arg6[%get3A_1260] {strides = array<i32>} : memref<13312xf32, #tpu.memory_space<vmem>>, vector<16xf32>,
    %get3A_1262 = vector.shape_cast %get3A_1261 : vector<16xf32> to vector<16xf32>
    %add3A_1263 = arith.addf %add3A_1259, %get3A_1262 : vector<16xf32>
    %get3A_1264 = arith.constant 3936 : index
    %get3A_1265 = tpu.vector_load %arg6[%get3A_1264] {strides = array<i32>} : memref<13312xf32, #tpu.memory_space<vmem>>, vector<16xf32>,
    %get3A_1266 = vector.shape_cast %get3A_1265 : vector<16xf32> to vector<16xf32>
    %add3A_1267 = arith.addf %add3A_1263, %get3A_1266 : vector<16xf32>
    %get3A_1268 = arith.constant 4448 : index
    %get3A_1269 = tpu.vector_load %arg6[%get3A_1268] {strides = array<i32>} : memref<13312xf32, #tpu.memory_space<vmem>>, vector<16xf32>,
    %get3A_1270 = vector.shape_cast %get3A_1269 : vector<16xf32> to vector<16xf32>
    %add3A_1271 = arith.addf %add3A_1267, %get3A_1270 : vector<16xf32>
    %get3A_1272 = arith.constant 4960 : index
    %get3A_1273 = tpu.vector_load %arg6[%get3A_1272] {strides = array<i32>} : memref<13312xf32, #tpu.memory_space<vmem>>, vector<16xf32>,
    %get3A_1274 = vector.shape_cast %get3A_1273 : vector<16xf32> to vector<16xf32>
    %add3A_1275 = arith.addf %add3A_1271, %get3A_1274 : vector<16xf32>
    %get3A_1276 = arith.constant 5472 : index
    %get3A_1277 = tpu.vector_load %arg6[%get3A_1276] {strides = array<i32>} : memref<13312xf32, #tpu.memory_space<vmem>>, vector<16xf32>,
    %get3A_1278 = vector.shape_cast %get3A_1277 : vector<16xf32> to vector<16xf32>
    %add3A_1279 = arith.addf %add3A_1275, %get3A_1278 : vector<16xf32>
    %get3A_1280 = arith.constant 5984 : index
    %get3A_1281 = tpu.vector_load %arg6[%get3A_1280] {strides = array<i32>} : memref<13312xf32, #tpu.memory_space<vmem>>, vector<16xf32>,
    %get3A_1282 = vector.shape_cast %get3A_1281 : vector<16xf32> to vector<16xf32>
    %add3A_1283 = arith.addf %add3A_1279, %get3A_1282 : vector<16xf32>
    %get3A_1284 = arith.constant 6496 : index
    %get3A_1285 = tpu.vector_load %arg6[%get3A_1284] {strides = array<i32>} : memref<13312xf32, #tpu.memory_space<vmem>>, vector<16xf32>,
    %get3A_1286 = vector.shape_cast %get3A_1285 : vector<16xf32> to vector<16xf32>
    %add3A_1287 = arith.addf %add3A_1283, %get3A_1286 : vector<16xf32>
    %swap3A_1288 = arith.constant 352 : index
    %swap3A_1289 = tpu.vector_load %arg7[%swap3A_1288] {strides = array<i32>} : memref<512xf32, #tpu.memory_space<vmem>>, vector<16xf32>,
    %swap3A_1290 = vector.shape_cast %swap3A_1289 : vector<16xf32> to vector<16xf32>
    %swap3A_1291 = vector.shape_cast %add3A_1287 : vector<16xf32> to vector<16xf32>
    tpu.vector_store %arg7[%swap3A_1288], %swap3A_1291 {strides = array<i32>} : memref<512xf32, #tpu.memory_space<vmem>>, vector<16xf32>,
    %get3A_1292 = arith.constant 368 : index
    %get3A_1293 = tpu.vector_load %arg6[%get3A_1292] {strides = array<i32>} : memref<13312xf32, #tpu.memory_space<vmem>>, vector<16xf32>,
    %get3A_1294 = vector.shape_cast %get3A_1293 : vector<16xf32> to vector<16xf32>
    %get3A_1295 = arith.constant 880 : index
    %get3A_1296 = tpu.vector_load %arg6[%get3A_1295] {strides = array<i32>} : memref<13312xf32, #tpu.memory_space<vmem>>, vector<16xf32>,
    %get3A_1297 = vector.shape_cast %get3A_1296 : vector<16xf32> to vector<16xf32>
    %add3A_1298 = arith.addf %get3A_1294, %get3A_1297 : vector<16xf32>
    %get3A_1299 = arith.constant 1392 : index
    %get3A_1300 = tpu.vector_load %arg6[%get3A_1299] {strides = array<i32>} : memref<13312xf32, #tpu.memory_space<vmem>>, vector<16xf32>,
    %get3A_1301 = vector.shape_cast %get3A_1300 : vector<16xf32> to vector<16xf32>
    %add3A_1302 = arith.addf %add3A_1298, %get3A_1301 : vector<16xf32>
    %get3A_1303 = arith.constant 1904 : index
    %get3A_1304 = tpu.vector_load %arg6[%get3A_1303] {strides = array<i32>} : memref<13312xf32, #tpu.memory_space<vmem>>, vector<16xf32>,
    %get3A_1305 = vector.shape_cast %get3A_1304 : vector<16xf32> to vector<16xf32>
    %add3A_1306 = arith.addf %add3A_1302, %get3A_1305 : vector<16xf32>
    %get3A_1307 = arith.constant 2416 : index
    %get3A_1308 = tpu.vector_load %arg6[%get3A_1307] {strides = array<i32>} : memref<13312xf32, #tpu.memory_space<vmem>>, vector<16xf32>,
    %get3A_1309 = vector.shape_cast %get3A_1308 : vector<16xf32> to vector<16xf32>
    %add3A_1310 = arith.addf %add3A_1306, %get3A_1309 : vector<16xf32>
    %get3A_1311 = arith.constant 2928 : index
    %get3A_1312 = tpu.vector_load %arg6[%get3A_1311] {strides = array<i32>} : memref<13312xf32, #tpu.memory_space<vmem>>, vector<16xf32>,
    %get3A_1313 = vector.shape_cast %get3A_1312 : vector<16xf32> to vector<16xf32>
    %add3A_1314 = arith.addf %add3A_1310, %get3A_1313 : vector<16xf32>
    %get3A_1315 = arith.constant 3440 : index
    %get3A_1316 = tpu.vector_load %arg6[%get3A_1315] {strides = array<i32>} : memref<13312xf32, #tpu.memory_space<vmem>>, vector<16xf32>,
    %get3A_1317 = vector.shape_cast %get3A_1316 : vector<16xf32> to vector<16xf32>
    %add3A_1318 = arith.addf %add3A_1314, %get3A_1317 : vector<16xf32>
    %get3A_1319 = arith.constant 3952 : index
    %get3A_1320 = tpu.vector_load %arg6[%get3A_1319] {strides = array<i32>} : memref<13312xf32, #tpu.memory_space<vmem>>, vector<16xf32>,
    %get3A_1321 = vector.shape_cast %get3A_1320 : vector<16xf32> to vector<16xf32>
    %add3A_1322 = arith.addf %add3A_1318, %get3A_1321 : vector<16xf32>
    %get3A_1323 = arith.constant 4464 : index
    %get3A_1324 = tpu.vector_load %arg6[%get3A_1323] {strides = array<i32>} : memref<13312xf32, #tpu.memory_space<vmem>>, vector<16xf32>,
    %get3A_1325 = vector.shape_cast %get3A_1324 : vector<16xf32> to vector<16xf32>
    %add3A_1326 = arith.addf %add3A_1322, %get3A_1325 : vector<16xf32>
    %get3A_1327 = arith.constant 4976 : index
    %get3A_1328 = tpu.vector_load %arg6[%get3A_1327] {strides = array<i32>} : memref<13312xf32, #tpu.memory_space<vmem>>, vector<16xf32>,
    %get3A_1329 = vector.shape_cast %get3A_1328 : vector<16xf32> to vector<16xf32>
    %add3A_1330 = arith.addf %add3A_1326, %get3A_1329 : vector<16xf32>
    %get3A_1331 = arith.constant 5488 : index
    %get3A_1332 = tpu.vector_load %arg6[%get3A_1331] {strides = array<i32>} : memref<13312xf32, #tpu.memory_space<vmem>>, vector<16xf32>,
    %get3A_1333 = vector.shape_cast %get3A_1332 : vector<16xf32> to vector<16xf32>
    %add3A_1334 = arith.addf %add3A_1330, %get3A_1333 : vector<16xf32>
    %get3A_1335 = arith.constant 6000 : index
    %get3A_1336 = tpu.vector_load %arg6[%get3A_1335] {strides = array<i32>} : memref<13312xf32, #tpu.memory_space<vmem>>, vector<16xf32>,
    %get3A_1337 = vector.shape_cast %get3A_1336 : vector<16xf32> to vector<16xf32>
    %add3A_1338 = arith.addf %add3A_1334, %get3A_1337 : vector<16xf32>
    %get3A_1339 = arith.constant 6512 : index
    %get3A_1340 = tpu.vector_load %arg6[%get3A_1339] {strides = array<i32>} : memref<13312xf32, #tpu.memory_space<vmem>>, vector<16xf32>,
    %get3A_1341 = vector.shape_cast %get3A_1340 : vector<16xf32> to vector<16xf32>
    %add3A_1342 = arith.addf %add3A_1338, %get3A_1341 : vector<16xf32>
    %swap3A_1343 = arith.constant 368 : index
    %swap3A_1344 = tpu.vector_load %arg7[%swap3A_1343] {strides = array<i32>} : memref<512xf32, #tpu.memory_space<vmem>>, vector<16xf32>,
    %swap3A_1345 = vector.shape_cast %swap3A_1344 : vector<16xf32> to vector<16xf32>
    %swap3A_1346 = vector.shape_cast %add3A_1342 : vector<16xf32> to vector<16xf32>
    tpu.vector_store %arg7[%swap3A_1343], %swap3A_1346 {strides = array<i32>} : memref<512xf32, #tpu.memory_space<vmem>>, vector<16xf32>,
    %get3A_1347 = arith.constant 384 : index
    %get3A_1348 = tpu.vector_load %arg6[%get3A_1347] {strides = array<i32>} : memref<13312xf32, #tpu.memory_space<vmem>>, vector<16xf32>,
    %get3A_1349 = vector.shape_cast %get3A_1348 : vector<16xf32> to vector<16xf32>
    %get3A_1350 = arith.constant 896 : index
    %get3A_1351 = tpu.vector_load %arg6[%get3A_1350] {strides = array<i32>} : memref<13312xf32, #tpu.memory_space<vmem>>, vector<16xf32>,
    %get3A_1352 = vector.shape_cast %get3A_1351 : vector<16xf32> to vector<16xf32>
    %add3A_1353 = arith.addf %get3A_1349, %get3A_1352 : vector<16xf32>
    %get3A_1354 = arith.constant 1408 : index
    %get3A_1355 = tpu.vector_load %arg6[%get3A_1354] {strides = array<i32>} : memref<13312xf32, #tpu.memory_space<vmem>>, vector<16xf32>,
    %get3A_1356 = vector.shape_cast %get3A_1355 : vector<16xf32> to vector<16xf32>
    %add3A_1357 = arith.addf %add3A_1353, %get3A_1356 : vector<16xf32>
    %get3A_1358 = arith.constant 1920 : index
    %get3A_1359 = tpu.vector_load %arg6[%get3A_1358] {strides = array<i32>} : memref<13312xf32, #tpu.memory_space<vmem>>, vector<16xf32>,
    %get3A_1360 = vector.shape_cast %get3A_1359 : vector<16xf32> to vector<16xf32>
    %add3A_1361 = arith.addf %add3A_1357, %get3A_1360 : vector<16xf32>
    %get3A_1362 = arith.constant 2432 : index
    %get3A_1363 = tpu.vector_load %arg6[%get3A_1362] {strides = array<i32>} : memref<13312xf32, #tpu.memory_space<vmem>>, vector<16xf32>,
    %get3A_1364 = vector.shape_cast %get3A_1363 : vector<16xf32> to vector<16xf32>
    %add3A_1365 = arith.addf %add3A_1361, %get3A_1364 : vector<16xf32>
    %get3A_1366 = arith.constant 2944 : index
    %get3A_1367 = tpu.vector_load %arg6[%get3A_1366] {strides = array<i32>} : memref<13312xf32, #tpu.memory_space<vmem>>, vector<16xf32>,
    %get3A_1368 = vector.shape_cast %get3A_1367 : vector<16xf32> to vector<16xf32>
    %add3A_1369 = arith.addf %add3A_1365, %get3A_1368 : vector<16xf32>
    %get3A_1370 = arith.constant 3456 : index
    %get3A_1371 = tpu.vector_load %arg6[%get3A_1370] {strides = array<i32>} : memref<13312xf32, #tpu.memory_space<vmem>>, vector<16xf32>,
    %get3A_1372 = vector.shape_cast %get3A_1371 : vector<16xf32> to vector<16xf32>
    %add3A_1373 = arith.addf %add3A_1369, %get3A_1372 : vector<16xf32>
    %get3A_1374 = arith.constant 3968 : index
    %get3A_1375 = tpu.vector_load %arg6[%get3A_1374] {strides = array<i32>} : memref<13312xf32, #tpu.memory_space<vmem>>, vector<16xf32>,
    %get3A_1376 = vector.shape_cast %get3A_1375 : vector<16xf32> to vector<16xf32>
    %add3A_1377 = arith.addf %add3A_1373, %get3A_1376 : vector<16xf32>
    %get3A_1378 = arith.constant 4480 : index
    %get3A_1379 = tpu.vector_load %arg6[%get3A_1378] {strides = array<i32>} : memref<13312xf32, #tpu.memory_space<vmem>>, vector<16xf32>,
    %get3A_1380 = vector.shape_cast %get3A_1379 : vector<16xf32> to vector<16xf32>
    %add3A_1381 = arith.addf %add3A_1377, %get3A_1380 : vector<16xf32>
    %get3A_1382 = arith.constant 4992 : index
    %get3A_1383 = tpu.vector_load %arg6[%get3A_1382] {strides = array<i32>} : memref<13312xf32, #tpu.memory_space<vmem>>, vector<16xf32>,
    %get3A_1384 = vector.shape_cast %get3A_1383 : vector<16xf32> to vector<16xf32>
    %add3A_1385 = arith.addf %add3A_1381, %get3A_1384 : vector<16xf32>
    %get3A_1386 = arith.constant 5504 : index
    %get3A_1387 = tpu.vector_load %arg6[%get3A_1386] {strides = array<i32>} : memref<13312xf32, #tpu.memory_space<vmem>>, vector<16xf32>,
    %get3A_1388 = vector.shape_cast %get3A_1387 : vector<16xf32> to vector<16xf32>
    %add3A_1389 = arith.addf %add3A_1385, %get3A_1388 : vector<16xf32>
    %get3A_1390 = arith.constant 6016 : index
    %get3A_1391 = tpu.vector_load %arg6[%get3A_1390] {strides = array<i32>} : memref<13312xf32, #tpu.memory_space<vmem>>, vector<16xf32>,
    %get3A_1392 = vector.shape_cast %get3A_1391 : vector<16xf32> to vector<16xf32>
    %add3A_1393 = arith.addf %add3A_1389, %get3A_1392 : vector<16xf32>
    %get3A_1394 = arith.constant 6528 : index
    %get3A_1395 = tpu.vector_load %arg6[%get3A_1394] {strides = array<i32>} : memref<13312xf32, #tpu.memory_space<vmem>>, vector<16xf32>,
    %get3A_1396 = vector.shape_cast %get3A_1395 : vector<16xf32> to vector<16xf32>
    %add3A_1397 = arith.addf %add3A_1393, %get3A_1396 : vector<16xf32>
    %swap3A_1398 = arith.constant 384 : index
    %swap3A_1399 = tpu.vector_load %arg7[%swap3A_1398] {strides = array<i32>} : memref<512xf32, #tpu.memory_space<vmem>>, vector<16xf32>,
    %swap3A_1400 = vector.shape_cast %swap3A_1399 : vector<16xf32> to vector<16xf32>
    %swap3A_1401 = vector.shape_cast %add3A_1397 : vector<16xf32> to vector<16xf32>
    tpu.vector_store %arg7[%swap3A_1398], %swap3A_1401 {strides = array<i32>} : memref<512xf32, #tpu.memory_space<vmem>>, vector<16xf32>,
    %get3A_1402 = arith.constant 400 : index
    %get3A_1403 = tpu.vector_load %arg6[%get3A_1402] {strides = array<i32>} : memref<13312xf32, #tpu.memory_space<vmem>>, vector<16xf32>,
    %get3A_1404 = vector.shape_cast %get3A_1403 : vector<16xf32> to vector<16xf32>
    %get3A_1405 = arith.constant 912 : index
    %get3A_1406 = tpu.vector_load %arg6[%get3A_1405] {strides = array<i32>} : memref<13312xf32, #tpu.memory_space<vmem>>, vector<16xf32>,
    %get3A_1407 = vector.shape_cast %get3A_1406 : vector<16xf32> to vector<16xf32>
    %add3A_1408 = arith.addf %get3A_1404, %get3A_1407 : vector<16xf32>
    %get3A_1409 = arith.constant 1424 : index
    %get3A_1410 = tpu.vector_load %arg6[%get3A_1409] {strides = array<i32>} : memref<13312xf32, #tpu.memory_space<vmem>>, vector<16xf32>,
    %get3A_1411 = vector.shape_cast %get3A_1410 : vector<16xf32> to vector<16xf32>
    %add3A_1412 = arith.addf %add3A_1408, %get3A_1411 : vector<16xf32>
    %get3A_1413 = arith.constant 1936 : index
    %get3A_1414 = tpu.vector_load %arg6[%get3A_1413] {strides = array<i32>} : memref<13312xf32, #tpu.memory_space<vmem>>, vector<16xf32>,
    %get3A_1415 = vector.shape_cast %get3A_1414 : vector<16xf32> to vector<16xf32>
    %add3A_1416 = arith.addf %add3A_1412, %get3A_1415 : vector<16xf32>
    %get3A_1417 = arith.constant 2448 : index
    %get3A_1418 = tpu.vector_load %arg6[%get3A_1417] {strides = array<i32>} : memref<13312xf32, #tpu.memory_space<vmem>>, vector<16xf32>,
    %get3A_1419 = vector.shape_cast %get3A_1418 : vector<16xf32> to vector<16xf32>
    %add3A_1420 = arith.addf %add3A_1416, %get3A_1419 : vector<16xf32>
    %get3A_1421 = arith.constant 2960 : index
    %get3A_1422 = tpu.vector_load %arg6[%get3A_1421] {strides = array<i32>} : memref<13312xf32, #tpu.memory_space<vmem>>, vector<16xf32>,
    %get3A_1423 = vector.shape_cast %get3A_1422 : vector<16xf32> to vector<16xf32>
    %add3A_1424 = arith.addf %add3A_1420, %get3A_1423 : vector<16xf32>
    %get3A_1425 = arith.constant 3472 : index
    %get3A_1426 = tpu.vector_load %arg6[%get3A_1425] {strides = array<i32>} : memref<13312xf32, #tpu.memory_space<vmem>>, vector<16xf32>,
    %get3A_1427 = vector.shape_cast %get3A_1426 : vector<16xf32> to vector<16xf32>
    %add3A_1428 = arith.addf %add3A_1424, %get3A_1427 : vector<16xf32>
    %get3A_1429 = arith.constant 3984 : index
    %get3A_1430 = tpu.vector_load %arg6[%get3A_1429] {strides = array<i32>} : memref<13312xf32, #tpu.memory_space<vmem>>, vector<16xf32>,
    %get3A_1431 = vector.shape_cast %get3A_1430 : vector<16xf32> to vector<16xf32>
    %add3A_1432 = arith.addf %add3A_1428, %get3A_1431 : vector<16xf32>
    %get3A_1433 = arith.constant 4496 : index
    %get3A_1434 = tpu.vector_load %arg6[%get3A_1433] {strides = array<i32>} : memref<13312xf32, #tpu.memory_space<vmem>>, vector<16xf32>,
    %get3A_1435 = vector.shape_cast %get3A_1434 : vector<16xf32> to vector<16xf32>
    %add3A_1436 = arith.addf %add3A_1432, %get3A_1435 : vector<16xf32>
    %get3A_1437 = arith.constant 5008 : index
    %get3A_1438 = tpu.vector_load %arg6[%get3A_1437] {strides = array<i32>} : memref<13312xf32, #tpu.memory_space<vmem>>, vector<16xf32>,
    %get3A_1439 = vector.shape_cast %get3A_1438 : vector<16xf32> to vector<16xf32>
    %add3A_1440 = arith.addf %add3A_1436, %get3A_1439 : vector<16xf32>
    %get3A_1441 = arith.constant 5520 : index
    %get3A_1442 = tpu.vector_load %arg6[%get3A_1441] {strides = array<i32>} : memref<13312xf32, #tpu.memory_space<vmem>>, vector<16xf32>,
    %get3A_1443 = vector.shape_cast %get3A_1442 : vector<16xf32> to vector<16xf32>
    %add3A_1444 = arith.addf %add3A_1440, %get3A_1443 : vector<16xf32>
    %get3A_1445 = arith.constant 6032 : index
    %get3A_1446 = tpu.vector_load %arg6[%get3A_1445] {strides = array<i32>} : memref<13312xf32, #tpu.memory_space<vmem>>, vector<16xf32>,
    %get3A_1447 = vector.shape_cast %get3A_1446 : vector<16xf32> to vector<16xf32>
    %add3A_1448 = arith.addf %add3A_1444, %get3A_1447 : vector<16xf32>
    %get3A_1449 = arith.constant 6544 : index
    %get3A_1450 = tpu.vector_load %arg6[%get3A_1449] {strides = array<i32>} : memref<13312xf32, #tpu.memory_space<vmem>>, vector<16xf32>,
    %get3A_1451 = vector.shape_cast %get3A_1450 : vector<16xf32> to vector<16xf32>
    %add3A_1452 = arith.addf %add3A_1448, %get3A_1451 : vector<16xf32>
    %swap3A_1453 = arith.constant 400 : index
    %swap3A_1454 = tpu.vector_load %arg7[%swap3A_1453] {strides = array<i32>} : memref<512xf32, #tpu.memory_space<vmem>>, vector<16xf32>,
    %swap3A_1455 = vector.shape_cast %swap3A_1454 : vector<16xf32> to vector<16xf32>
    %swap3A_1456 = vector.shape_cast %add3A_1452 : vector<16xf32> to vector<16xf32>
    tpu.vector_store %arg7[%swap3A_1453], %swap3A_1456 {strides = array<i32>} : memref<512xf32, #tpu.memory_space<vmem>>, vector<16xf32>,
    %get3A_1457 = arith.constant 416 : index
    %get3A_1458 = tpu.vector_load %arg6[%get3A_1457] {strides = array<i32>} : memref<13312xf32, #tpu.memory_space<vmem>>, vector<16xf32>,
    %get3A_1459 = vector.shape_cast %get3A_1458 : vector<16xf32> to vector<16xf32>
    %get3A_1460 = arith.constant 928 : index
    %get3A_1461 = tpu.vector_load %arg6[%get3A_1460] {strides = array<i32>} : memref<13312xf32, #tpu.memory_space<vmem>>, vector<16xf32>,
    %get3A_1462 = vector.shape_cast %get3A_1461 : vector<16xf32> to vector<16xf32>
    %add3A_1463 = arith.addf %get3A_1459, %get3A_1462 : vector<16xf32>
    %get3A_1464 = arith.constant 1440 : index
    %get3A_1465 = tpu.vector_load %arg6[%get3A_1464] {strides = array<i32>} : memref<13312xf32, #tpu.memory_space<vmem>>, vector<16xf32>,
    %get3A_1466 = vector.shape_cast %get3A_1465 : vector<16xf32> to vector<16xf32>
    %add3A_1467 = arith.addf %add3A_1463, %get3A_1466 : vector<16xf32>
    %get3A_1468 = arith.constant 1952 : index
    %get3A_1469 = tpu.vector_load %arg6[%get3A_1468] {strides = array<i32>} : memref<13312xf32, #tpu.memory_space<vmem>>, vector<16xf32>,
    %get3A_1470 = vector.shape_cast %get3A_1469 : vector<16xf32> to vector<16xf32>
    %add3A_1471 = arith.addf %add3A_1467, %get3A_1470 : vector<16xf32>
    %get3A_1472 = arith.constant 2464 : index
    %get3A_1473 = tpu.vector_load %arg6[%get3A_1472] {strides = array<i32>} : memref<13312xf32, #tpu.memory_space<vmem>>, vector<16xf32>,
    %get3A_1474 = vector.shape_cast %get3A_1473 : vector<16xf32> to vector<16xf32>
    %add3A_1475 = arith.addf %add3A_1471, %get3A_1474 : vector<16xf32>
    %get3A_1476 = arith.constant 2976 : index
    %get3A_1477 = tpu.vector_load %arg6[%get3A_1476] {strides = array<i32>} : memref<13312xf32, #tpu.memory_space<vmem>>, vector<16xf32>,
    %get3A_1478 = vector.shape_cast %get3A_1477 : vector<16xf32> to vector<16xf32>
    %add3A_1479 = arith.addf %add3A_1475, %get3A_1478 : vector<16xf32>
    %get3A_1480 = arith.constant 3488 : index
    %get3A_1481 = tpu.vector_load %arg6[%get3A_1480] {strides = array<i32>} : memref<13312xf32, #tpu.memory_space<vmem>>, vector<16xf32>,
    %get3A_1482 = vector.shape_cast %get3A_1481 : vector<16xf32> to vector<16xf32>
    %add3A_1483 = arith.addf %add3A_1479, %get3A_1482 : vector<16xf32>
    %get3A_1484 = arith.constant 4000 : index
    %get3A_1485 = tpu.vector_load %arg6[%get3A_1484] {strides = array<i32>} : memref<13312xf32, #tpu.memory_space<vmem>>, vector<16xf32>,
    %get3A_1486 = vector.shape_cast %get3A_1485 : vector<16xf32> to vector<16xf32>
    %add3A_1487 = arith.addf %add3A_1483, %get3A_1486 : vector<16xf32>
    %get3A_1488 = arith.constant 4512 : index
    %get3A_1489 = tpu.vector_load %arg6[%get3A_1488] {strides = array<i32>} : memref<13312xf32, #tpu.memory_space<vmem>>, vector<16xf32>,
    %get3A_1490 = vector.shape_cast %get3A_1489 : vector<16xf32> to vector<16xf32>
    %add3A_1491 = arith.addf %add3A_1487, %get3A_1490 : vector<16xf32>
    %get3A_1492 = arith.constant 5024 : index
    %get3A_1493 = tpu.vector_load %arg6[%get3A_1492] {strides = array<i32>} : memref<13312xf32, #tpu.memory_space<vmem>>, vector<16xf32>,
    %get3A_1494 = vector.shape_cast %get3A_1493 : vector<16xf32> to vector<16xf32>
    %add3A_1495 = arith.addf %add3A_1491, %get3A_1494 : vector<16xf32>
    %get3A_1496 = arith.constant 5536 : index
    %get3A_1497 = tpu.vector_load %arg6[%get3A_1496] {strides = array<i32>} : memref<13312xf32, #tpu.memory_space<vmem>>, vector<16xf32>,
    %get3A_1498 = vector.shape_cast %get3A_1497 : vector<16xf32> to vector<16xf32>
    %add3A_1499 = arith.addf %add3A_1495, %get3A_1498 : vector<16xf32>
    %get3A_1500 = arith.constant 6048 : index
    %get3A_1501 = tpu.vector_load %arg6[%get3A_1500] {strides = array<i32>} : memref<13312xf32, #tpu.memory_space<vmem>>, vector<16xf32>,
    %get3A_1502 = vector.shape_cast %get3A_1501 : vector<16xf32> to vector<16xf32>
    %add3A_1503 = arith.addf %add3A_1499, %get3A_1502 : vector<16xf32>
    %get3A_1504 = arith.constant 6560 : index
    %get3A_1505 = tpu.vector_load %arg6[%get3A_1504] {strides = array<i32>} : memref<13312xf32, #tpu.memory_space<vmem>>, vector<16xf32>,
    %get3A_1506 = vector.shape_cast %get3A_1505 : vector<16xf32> to vector<16xf32>
    %add3A_1507 = arith.addf %add3A_1503, %get3A_1506 : vector<16xf32>
    %swap3A_1508 = arith.constant 416 : index
    %swap3A_1509 = tpu.vector_load %arg7[%swap3A_1508] {strides = array<i32>} : memref<512xf32, #tpu.memory_space<vmem>>, vector<16xf32>,
    %swap3A_1510 = vector.shape_cast %swap3A_1509 : vector<16xf32> to vector<16xf32>
    %swap3A_1511 = vector.shape_cast %add3A_1507 : vector<16xf32> to vector<16xf32>
    tpu.vector_store %arg7[%swap3A_1508], %swap3A_1511 {strides = array<i32>} : memref<512xf32, #tpu.memory_space<vmem>>, vector<16xf32>,
    %get3A_1512 = arith.constant 432 : index
    %get3A_1513 = tpu.vector_load %arg6[%get3A_1512] {strides = array<i32>} : memref<13312xf32, #tpu.memory_space<vmem>>, vector<16xf32>,
    %get3A_1514 = vector.shape_cast %get3A_1513 : vector<16xf32> to vector<16xf32>
    %get3A_1515 = arith.constant 944 : index
    %get3A_1516 = tpu.vector_load %arg6[%get3A_1515] {strides = array<i32>} : memref<13312xf32, #tpu.memory_space<vmem>>, vector<16xf32>,
    %get3A_1517 = vector.shape_cast %get3A_1516 : vector<16xf32> to vector<16xf32>
    %add3A_1518 = arith.addf %get3A_1514, %get3A_1517 : vector<16xf32>
    %get3A_1519 = arith.constant 1456 : index
    %get3A_1520 = tpu.vector_load %arg6[%get3A_1519] {strides = array<i32>} : memref<13312xf32, #tpu.memory_space<vmem>>, vector<16xf32>,
    %get3A_1521 = vector.shape_cast %get3A_1520 : vector<16xf32> to vector<16xf32>
    %add3A_1522 = arith.addf %add3A_1518, %get3A_1521 : vector<16xf32>
    %get3A_1523 = arith.constant 1968 : index
    %get3A_1524 = tpu.vector_load %arg6[%get3A_1523] {strides = array<i32>} : memref<13312xf32, #tpu.memory_space<vmem>>, vector<16xf32>,
    %get3A_1525 = vector.shape_cast %get3A_1524 : vector<16xf32> to vector<16xf32>
    %add3A_1526 = arith.addf %add3A_1522, %get3A_1525 : vector<16xf32>
    %get3A_1527 = arith.constant 2480 : index
    %get3A_1528 = tpu.vector_load %arg6[%get3A_1527] {strides = array<i32>} : memref<13312xf32, #tpu.memory_space<vmem>>, vector<16xf32>,
    %get3A_1529 = vector.shape_cast %get3A_1528 : vector<16xf32> to vector<16xf32>
    %add3A_1530 = arith.addf %add3A_1526, %get3A_1529 : vector<16xf32>
    %get3A_1531 = arith.constant 2992 : index
    %get3A_1532 = tpu.vector_load %arg6[%get3A_1531] {strides = array<i32>} : memref<13312xf32, #tpu.memory_space<vmem>>, vector<16xf32>,
    %get3A_1533 = vector.shape_cast %get3A_1532 : vector<16xf32> to vector<16xf32>
    %add3A_1534 = arith.addf %add3A_1530, %get3A_1533 : vector<16xf32>
    %get3A_1535 = arith.constant 3504 : index
    %get3A_1536 = tpu.vector_load %arg6[%get3A_1535] {strides = array<i32>} : memref<13312xf32, #tpu.memory_space<vmem>>, vector<16xf32>,
    %get3A_1537 = vector.shape_cast %get3A_1536 : vector<16xf32> to vector<16xf32>
    %add3A_1538 = arith.addf %add3A_1534, %get3A_1537 : vector<16xf32>
    %get3A_1539 = arith.constant 4016 : index
    %get3A_1540 = tpu.vector_load %arg6[%get3A_1539] {strides = array<i32>} : memref<13312xf32, #tpu.memory_space<vmem>>, vector<16xf32>,
    %get3A_1541 = vector.shape_cast %get3A_1540 : vector<16xf32> to vector<16xf32>
    %add3A_1542 = arith.addf %add3A_1538, %get3A_1541 : vector<16xf32>
    %get3A_1543 = arith.constant 4528 : index
    %get3A_1544 = tpu.vector_load %arg6[%get3A_1543] {strides = array<i32>} : memref<13312xf32, #tpu.memory_space<vmem>>, vector<16xf32>,
    %get3A_1545 = vector.shape_cast %get3A_1544 : vector<16xf32> to vector<16xf32>
    %add3A_1546 = arith.addf %add3A_1542, %get3A_1545 : vector<16xf32>
    %get3A_1547 = arith.constant 5040 : index
    %get3A_1548 = tpu.vector_load %arg6[%get3A_1547] {strides = array<i32>} : memref<13312xf32, #tpu.memory_space<vmem>>, vector<16xf32>,
    %get3A_1549 = vector.shape_cast %get3A_1548 : vector<16xf32> to vector<16xf32>
    %add3A_1550 = arith.addf %add3A_1546, %get3A_1549 : vector<16xf32>
    %get3A_1551 = arith.constant 5552 : index
    %get3A_1552 = tpu.vector_load %arg6[%get3A_1551] {strides = array<i32>} : memref<13312xf32, #tpu.memory_space<vmem>>, vector<16xf32>,
    %get3A_1553 = vector.shape_cast %get3A_1552 : vector<16xf32> to vector<16xf32>
    %add3A_1554 = arith.addf %add3A_1550, %get3A_1553 : vector<16xf32>
    %get3A_1555 = arith.constant 6064 : index
    %get3A_1556 = tpu.vector_load %arg6[%get3A_1555] {strides = array<i32>} : memref<13312xf32, #tpu.memory_space<vmem>>, vector<16xf32>,
    %get3A_1557 = vector.shape_cast %get3A_1556 : vector<16xf32> to vector<16xf32>
    %add3A_1558 = arith.addf %add3A_1554, %get3A_1557 : vector<16xf32>
    %get3A_1559 = arith.constant 6576 : index
    %get3A_1560 = tpu.vector_load %arg6[%get3A_1559] {strides = array<i32>} : memref<13312xf32, #tpu.memory_space<vmem>>, vector<16xf32>,
    %get3A_1561 = vector.shape_cast %get3A_1560 : vector<16xf32> to vector<16xf32>
    %add3A_1562 = arith.addf %add3A_1558, %get3A_1561 : vector<16xf32>
    %swap3A_1563 = arith.constant 432 : index
    %swap3A_1564 = tpu.vector_load %arg7[%swap3A_1563] {strides = array<i32>} : memref<512xf32, #tpu.memory_space<vmem>>, vector<16xf32>,
    %swap3A_1565 = vector.shape_cast %swap3A_1564 : vector<16xf32> to vector<16xf32>
    %swap3A_1566 = vector.shape_cast %add3A_1562 : vector<16xf32> to vector<16xf32>
    tpu.vector_store %arg7[%swap3A_1563], %swap3A_1566 {strides = array<i32>} : memref<512xf32, #tpu.memory_space<vmem>>, vector<16xf32>,
    %get3A_1567 = arith.constant 448 : index
    %get3A_1568 = tpu.vector_load %arg6[%get3A_1567] {strides = array<i32>} : memref<13312xf32, #tpu.memory_space<vmem>>, vector<16xf32>,
    %get3A_1569 = vector.shape_cast %get3A_1568 : vector<16xf32> to vector<16xf32>
    %get3A_1570 = arith.constant 960 : index
    %get3A_1571 = tpu.vector_load %arg6[%get3A_1570] {strides = array<i32>} : memref<13312xf32, #tpu.memory_space<vmem>>, vector<16xf32>,
    %get3A_1572 = vector.shape_cast %get3A_1571 : vector<16xf32> to vector<16xf32>
    %add3A_1573 = arith.addf %get3A_1569, %get3A_1572 : vector<16xf32>
    %get3A_1574 = arith.constant 1472 : index
    %get3A_1575 = tpu.vector_load %arg6[%get3A_1574] {strides = array<i32>} : memref<13312xf32, #tpu.memory_space<vmem>>, vector<16xf32>,
    %get3A_1576 = vector.shape_cast %get3A_1575 : vector<16xf32> to vector<16xf32>
    %add3A_1577 = arith.addf %add3A_1573, %get3A_1576 : vector<16xf32>
    %get3A_1578 = arith.constant 1984 : index
    %get3A_1579 = tpu.vector_load %arg6[%get3A_1578] {strides = array<i32>} : memref<13312xf32, #tpu.memory_space<vmem>>, vector<16xf32>,
    %get3A_1580 = vector.shape_cast %get3A_1579 : vector<16xf32> to vector<16xf32>
    %add3A_1581 = arith.addf %add3A_1577, %get3A_1580 : vector<16xf32>
    %get3A_1582 = arith.constant 2496 : index
    %get3A_1583 = tpu.vector_load %arg6[%get3A_1582] {strides = array<i32>} : memref<13312xf32, #tpu.memory_space<vmem>>, vector<16xf32>,
    %get3A_1584 = vector.shape_cast %get3A_1583 : vector<16xf32> to vector<16xf32>
    %add3A_1585 = arith.addf %add3A_1581, %get3A_1584 : vector<16xf32>
    %get3A_1586 = arith.constant 3008 : index
    %get3A_1587 = tpu.vector_load %arg6[%get3A_1586] {strides = array<i32>} : memref<13312xf32, #tpu.memory_space<vmem>>, vector<16xf32>,
    %get3A_1588 = vector.shape_cast %get3A_1587 : vector<16xf32> to vector<16xf32>
    %add3A_1589 = arith.addf %add3A_1585, %get3A_1588 : vector<16xf32>
    %get3A_1590 = arith.constant 3520 : index
    %get3A_1591 = tpu.vector_load %arg6[%get3A_1590] {strides = array<i32>} : memref<13312xf32, #tpu.memory_space<vmem>>, vector<16xf32>,
    %get3A_1592 = vector.shape_cast %get3A_1591 : vector<16xf32> to vector<16xf32>
    %add3A_1593 = arith.addf %add3A_1589, %get3A_1592 : vector<16xf32>
    %get3A_1594 = arith.constant 4032 : index
    %get3A_1595 = tpu.vector_load %arg6[%get3A_1594] {strides = array<i32>} : memref<13312xf32, #tpu.memory_space<vmem>>, vector<16xf32>,
    %get3A_1596 = vector.shape_cast %get3A_1595 : vector<16xf32> to vector<16xf32>
    %add3A_1597 = arith.addf %add3A_1593, %get3A_1596 : vector<16xf32>
    %get3A_1598 = arith.constant 4544 : index
    %get3A_1599 = tpu.vector_load %arg6[%get3A_1598] {strides = array<i32>} : memref<13312xf32, #tpu.memory_space<vmem>>, vector<16xf32>,
    %get3A_1600 = vector.shape_cast %get3A_1599 : vector<16xf32> to vector<16xf32>
    %add3A_1601 = arith.addf %add3A_1597, %get3A_1600 : vector<16xf32>
    %get3A_1602 = arith.constant 5056 : index
    %get3A_1603 = tpu.vector_load %arg6[%get3A_1602] {strides = array<i32>} : memref<13312xf32, #tpu.memory_space<vmem>>, vector<16xf32>,
    %get3A_1604 = vector.shape_cast %get3A_1603 : vector<16xf32> to vector<16xf32>
    %add3A_1605 = arith.addf %add3A_1601, %get3A_1604 : vector<16xf32>
    %get3A_1606 = arith.constant 5568 : index
    %get3A_1607 = tpu.vector_load %arg6[%get3A_1606] {strides = array<i32>} : memref<13312xf32, #tpu.memory_space<vmem>>, vector<16xf32>,
    %get3A_1608 = vector.shape_cast %get3A_1607 : vector<16xf32> to vector<16xf32>
    %add3A_1609 = arith.addf %add3A_1605, %get3A_1608 : vector<16xf32>
    %get3A_1610 = arith.constant 6080 : index
    %get3A_1611 = tpu.vector_load %arg6[%get3A_1610] {strides = array<i32>} : memref<13312xf32, #tpu.memory_space<vmem>>, vector<16xf32>,
    %get3A_1612 = vector.shape_cast %get3A_1611 : vector<16xf32> to vector<16xf32>
    %add3A_1613 = arith.addf %add3A_1609, %get3A_1612 : vector<16xf32>
    %get3A_1614 = arith.constant 6592 : index
    %get3A_1615 = tpu.vector_load %arg6[%get3A_1614] {strides = array<i32>} : memref<13312xf32, #tpu.memory_space<vmem>>, vector<16xf32>,
    %get3A_1616 = vector.shape_cast %get3A_1615 : vector<16xf32> to vector<16xf32>
    %add3A_1617 = arith.addf %add3A_1613, %get3A_1616 : vector<16xf32>
    %swap3A_1618 = arith.constant 448 : index
    %swap3A_1619 = tpu.vector_load %arg7[%swap3A_1618] {strides = array<i32>} : memref<512xf32, #tpu.memory_space<vmem>>, vector<16xf32>,
    %swap3A_1620 = vector.shape_cast %swap3A_1619 : vector<16xf32> to vector<16xf32>
    %swap3A_1621 = vector.shape_cast %add3A_1617 : vector<16xf32> to vector<16xf32>
    tpu.vector_store %arg7[%swap3A_1618], %swap3A_1621 {strides = array<i32>} : memref<512xf32, #tpu.memory_space<vmem>>, vector<16xf32>,
    %get3A_1622 = arith.constant 464 : index
    %get3A_1623 = tpu.vector_load %arg6[%get3A_1622] {strides = array<i32>} : memref<13312xf32, #tpu.memory_space<vmem>>, vector<16xf32>,
    %get3A_1624 = vector.shape_cast %get3A_1623 : vector<16xf32> to vector<16xf32>
    %get3A_1625 = arith.constant 976 : index
    %get3A_1626 = tpu.vector_load %arg6[%get3A_1625] {strides = array<i32>} : memref<13312xf32, #tpu.memory_space<vmem>>, vector<16xf32>,
    %get3A_1627 = vector.shape_cast %get3A_1626 : vector<16xf32> to vector<16xf32>
    %add3A_1628 = arith.addf %get3A_1624, %get3A_1627 : vector<16xf32>
    %get3A_1629 = arith.constant 1488 : index
    %get3A_1630 = tpu.vector_load %arg6[%get3A_1629] {strides = array<i32>} : memref<13312xf32, #tpu.memory_space<vmem>>, vector<16xf32>,
    %get3A_1631 = vector.shape_cast %get3A_1630 : vector<16xf32> to vector<16xf32>
    %add3A_1632 = arith.addf %add3A_1628, %get3A_1631 : vector<16xf32>
    %get3A_1633 = arith.constant 2000 : index
    %get3A_1634 = tpu.vector_load %arg6[%get3A_1633] {strides = array<i32>} : memref<13312xf32, #tpu.memory_space<vmem>>, vector<16xf32>,
    %get3A_1635 = vector.shape_cast %get3A_1634 : vector<16xf32> to vector<16xf32>
    %add3A_1636 = arith.addf %add3A_1632, %get3A_1635 : vector<16xf32>
    %get3A_1637 = arith.constant 2512 : index
    %get3A_1638 = tpu.vector_load %arg6[%get3A_1637] {strides = array<i32>} : memref<13312xf32, #tpu.memory_space<vmem>>, vector<16xf32>,
    %get3A_1639 = vector.shape_cast %get3A_1638 : vector<16xf32> to vector<16xf32>
    %add3A_1640 = arith.addf %add3A_1636, %get3A_1639 : vector<16xf32>
    %get3A_1641 = arith.constant 3024 : index
    %get3A_1642 = tpu.vector_load %arg6[%get3A_1641] {strides = array<i32>} : memref<13312xf32, #tpu.memory_space<vmem>>, vector<16xf32>,
    %get3A_1643 = vector.shape_cast %get3A_1642 : vector<16xf32> to vector<16xf32>
    %add3A_1644 = arith.addf %add3A_1640, %get3A_1643 : vector<16xf32>
    %get3A_1645 = arith.constant 3536 : index
    %get3A_1646 = tpu.vector_load %arg6[%get3A_1645] {strides = array<i32>} : memref<13312xf32, #tpu.memory_space<vmem>>, vector<16xf32>,
    %get3A_1647 = vector.shape_cast %get3A_1646 : vector<16xf32> to vector<16xf32>
    %add3A_1648 = arith.addf %add3A_1644, %get3A_1647 : vector<16xf32>
    %get3A_1649 = arith.constant 4048 : index
    %get3A_1650 = tpu.vector_load %arg6[%get3A_1649] {strides = array<i32>} : memref<13312xf32, #tpu.memory_space<vmem>>, vector<16xf32>,
    %get3A_1651 = vector.shape_cast %get3A_1650 : vector<16xf32> to vector<16xf32>
    %add3A_1652 = arith.addf %add3A_1648, %get3A_1651 : vector<16xf32>
    %get3A_1653 = arith.constant 4560 : index
    %get3A_1654 = tpu.vector_load %arg6[%get3A_1653] {strides = array<i32>} : memref<13312xf32, #tpu.memory_space<vmem>>, vector<16xf32>,
    %get3A_1655 = vector.shape_cast %get3A_1654 : vector<16xf32> to vector<16xf32>
    %add3A_1656 = arith.addf %add3A_1652, %get3A_1655 : vector<16xf32>
    %get3A_1657 = arith.constant 5072 : index
    %get3A_1658 = tpu.vector_load %arg6[%get3A_1657] {strides = array<i32>} : memref<13312xf32, #tpu.memory_space<vmem>>, vector<16xf32>,
    %get3A_1659 = vector.shape_cast %get3A_1658 : vector<16xf32> to vector<16xf32>
    %add3A_1660 = arith.addf %add3A_1656, %get3A_1659 : vector<16xf32>
    %get3A_1661 = arith.constant 5584 : index
    %get3A_1662 = tpu.vector_load %arg6[%get3A_1661] {strides = array<i32>} : memref<13312xf32, #tpu.memory_space<vmem>>, vector<16xf32>,
    %get3A_1663 = vector.shape_cast %get3A_1662 : vector<16xf32> to vector<16xf32>
    %add3A_1664 = arith.addf %add3A_1660, %get3A_1663 : vector<16xf32>
    %get3A_1665 = arith.constant 6096 : index
    %get3A_1666 = tpu.vector_load %arg6[%get3A_1665] {strides = array<i32>} : memref<13312xf32, #tpu.memory_space<vmem>>, vector<16xf32>,
    %get3A_1667 = vector.shape_cast %get3A_1666 : vector<16xf32> to vector<16xf32>
    %add3A_1668 = arith.addf %add3A_1664, %get3A_1667 : vector<16xf32>
    %get3A_1669 = arith.constant 6608 : index
    %get3A_1670 = tpu.vector_load %arg6[%get3A_1669] {strides = array<i32>} : memref<13312xf32, #tpu.memory_space<vmem>>, vector<16xf32>,
    %get3A_1671 = vector.shape_cast %get3A_1670 : vector<16xf32> to vector<16xf32>
    %add3A_1672 = arith.addf %add3A_1668, %get3A_1671 : vector<16xf32>
    %swap3A_1673 = arith.constant 464 : index
    %swap3A_1674 = tpu.vector_load %arg7[%swap3A_1673] {strides = array<i32>} : memref<512xf32, #tpu.memory_space<vmem>>, vector<16xf32>,
    %swap3A_1675 = vector.shape_cast %swap3A_1674 : vector<16xf32> to vector<16xf32>
    %swap3A_1676 = vector.shape_cast %add3A_1672 : vector<16xf32> to vector<16xf32>
    tpu.vector_store %arg7[%swap3A_1673], %swap3A_1676 {strides = array<i32>} : memref<512xf32, #tpu.memory_space<vmem>>, vector<16xf32>,
    %get3A_1677 = arith.constant 480 : index
    %get3A_1678 = tpu.vector_load %arg6[%get3A_1677] {strides = array<i32>} : memref<13312xf32, #tpu.memory_space<vmem>>, vector<16xf32>,
    %get3A_1679 = vector.shape_cast %get3A_1678 : vector<16xf32> to vector<16xf32>
    %get3A_1680 = arith.constant 992 : index
    %get3A_1681 = tpu.vector_load %arg6[%get3A_1680] {strides = array<i32>} : memref<13312xf32, #tpu.memory_space<vmem>>, vector<16xf32>,
    %get3A_1682 = vector.shape_cast %get3A_1681 : vector<16xf32> to vector<16xf32>
    %add3A_1683 = arith.addf %get3A_1679, %get3A_1682 : vector<16xf32>
    %get3A_1684 = arith.constant 1504 : index
    %get3A_1685 = tpu.vector_load %arg6[%get3A_1684] {strides = array<i32>} : memref<13312xf32, #tpu.memory_space<vmem>>, vector<16xf32>,
    %get3A_1686 = vector.shape_cast %get3A_1685 : vector<16xf32> to vector<16xf32>
    %add3A_1687 = arith.addf %add3A_1683, %get3A_1686 : vector<16xf32>
    %get3A_1688 = arith.constant 2016 : index
    %get3A_1689 = tpu.vector_load %arg6[%get3A_1688] {strides = array<i32>} : memref<13312xf32, #tpu.memory_space<vmem>>, vector<16xf32>,
    %get3A_1690 = vector.shape_cast %get3A_1689 : vector<16xf32> to vector<16xf32>
    %add3A_1691 = arith.addf %add3A_1687, %get3A_1690 : vector<16xf32>
    %get3A_1692 = arith.constant 2528 : index
    %get3A_1693 = tpu.vector_load %arg6[%get3A_1692] {strides = array<i32>} : memref<13312xf32, #tpu.memory_space<vmem>>, vector<16xf32>,
    %get3A_1694 = vector.shape_cast %get3A_1693 : vector<16xf32> to vector<16xf32>
    %add3A_1695 = arith.addf %add3A_1691, %get3A_1694 : vector<16xf32>
    %get3A_1696 = arith.constant 3040 : index
    %get3A_1697 = tpu.vector_load %arg6[%get3A_1696] {strides = array<i32>} : memref<13312xf32, #tpu.memory_space<vmem>>, vector<16xf32>,
    %get3A_1698 = vector.shape_cast %get3A_1697 : vector<16xf32> to vector<16xf32>
    %add3A_1699 = arith.addf %add3A_1695, %get3A_1698 : vector<16xf32>
    %get3A_1700 = arith.constant 3552 : index
    %get3A_1701 = tpu.vector_load %arg6[%get3A_1700] {strides = array<i32>} : memref<13312xf32, #tpu.memory_space<vmem>>, vector<16xf32>,
    %get3A_1702 = vector.shape_cast %get3A_1701 : vector<16xf32> to vector<16xf32>
    %add3A_1703 = arith.addf %add3A_1699, %get3A_1702 : vector<16xf32>
    %get3A_1704 = arith.constant 4064 : index
    %get3A_1705 = tpu.vector_load %arg6[%get3A_1704] {strides = array<i32>} : memref<13312xf32, #tpu.memory_space<vmem>>, vector<16xf32>,
    %get3A_1706 = vector.shape_cast %get3A_1705 : vector<16xf32> to vector<16xf32>
    %add3A_1707 = arith.addf %add3A_1703, %get3A_1706 : vector<16xf32>
    %get3A_1708 = arith.constant 4576 : index
    %get3A_1709 = tpu.vector_load %arg6[%get3A_1708] {strides = array<i32>} : memref<13312xf32, #tpu.memory_space<vmem>>, vector<16xf32>,
    %get3A_1710 = vector.shape_cast %get3A_1709 : vector<16xf32> to vector<16xf32>
    %add3A_1711 = arith.addf %add3A_1707, %get3A_1710 : vector<16xf32>
    %get3A_1712 = arith.constant 5088 : index
    %get3A_1713 = tpu.vector_load %arg6[%get3A_1712] {strides = array<i32>} : memref<13312xf32, #tpu.memory_space<vmem>>, vector<16xf32>,
    %get3A_1714 = vector.shape_cast %get3A_1713 : vector<16xf32> to vector<16xf32>
    %add3A_1715 = arith.addf %add3A_1711, %get3A_1714 : vector<16xf32>
    %get3A_1716 = arith.constant 5600 : index
    %get3A_1717 = tpu.vector_load %arg6[%get3A_1716] {strides = array<i32>} : memref<13312xf32, #tpu.memory_space<vmem>>, vector<16xf32>,
    %get3A_1718 = vector.shape_cast %get3A_1717 : vector<16xf32> to vector<16xf32>
    %add3A_1719 = arith.addf %add3A_1715, %get3A_1718 : vector<16xf32>
    %get3A_1720 = arith.constant 6112 : index
    %get3A_1721 = tpu.vector_load %arg6[%get3A_1720] {strides = array<i32>} : memref<13312xf32, #tpu.memory_space<vmem>>, vector<16xf32>,
    %get3A_1722 = vector.shape_cast %get3A_1721 : vector<16xf32> to vector<16xf32>
    %add3A_1723 = arith.addf %add3A_1719, %get3A_1722 : vector<16xf32>
    %get3A_1724 = arith.constant 6624 : index
    %get3A_1725 = tpu.vector_load %arg6[%get3A_1724] {strides = array<i32>} : memref<13312xf32, #tpu.memory_space<vmem>>, vector<16xf32>,
    %get3A_1726 = vector.shape_cast %get3A_1725 : vector<16xf32> to vector<16xf32>
    %add3A_1727 = arith.addf %add3A_1723, %get3A_1726 : vector<16xf32>
    %swap3A_1728 = arith.constant 480 : index
    %swap3A_1729 = tpu.vector_load %arg7[%swap3A_1728] {strides = array<i32>} : memref<512xf32, #tpu.memory_space<vmem>>, vector<16xf32>,
    %swap3A_1730 = vector.shape_cast %swap3A_1729 : vector<16xf32> to vector<16xf32>
    %swap3A_1731 = vector.shape_cast %add3A_1727 : vector<16xf32> to vector<16xf32>
    tpu.vector_store %arg7[%swap3A_1728], %swap3A_1731 {strides = array<i32>} : memref<512xf32, #tpu.memory_space<vmem>>, vector<16xf32>,
    %get3A_1732 = arith.constant 496 : index
    %get3A_1733 = tpu.vector_load %arg6[%get3A_1732] {strides = array<i32>} : memref<13312xf32, #tpu.memory_space<vmem>>, vector<16xf32>,
    %get3A_1734 = vector.shape_cast %get3A_1733 : vector<16xf32> to vector<16xf32>
    %get3A_1735 = arith.constant 1008 : index
    %get3A_1736 = tpu.vector_load %arg6[%get3A_1735] {strides = array<i32>} : memref<13312xf32, #tpu.memory_space<vmem>>, vector<16xf32>,
    %get3A_1737 = vector.shape_cast %get3A_1736 : vector<16xf32> to vector<16xf32>
    %add3A_1738 = arith.addf %get3A_1734, %get3A_1737 : vector<16xf32>
    %get3A_1739 = arith.constant 1520 : index
    %get3A_1740 = tpu.vector_load %arg6[%get3A_1739] {strides = array<i32>} : memref<13312xf32, #tpu.memory_space<vmem>>, vector<16xf32>,
    %get3A_1741 = vector.shape_cast %get3A_1740 : vector<16xf32> to vector<16xf32>
    %add3A_1742 = arith.addf %add3A_1738, %get3A_1741 : vector<16xf32>
    %get3A_1743 = arith.constant 2032 : index
    %get3A_1744 = tpu.vector_load %arg6[%get3A_1743] {strides = array<i32>} : memref<13312xf32, #tpu.memory_space<vmem>>, vector<16xf32>,
    %get3A_1745 = vector.shape_cast %get3A_1744 : vector<16xf32> to vector<16xf32>
    %add3A_1746 = arith.addf %add3A_1742, %get3A_1745 : vector<16xf32>
    %get3A_1747 = arith.constant 2544 : index
    %get3A_1748 = tpu.vector_load %arg6[%get3A_1747] {strides = array<i32>} : memref<13312xf32, #tpu.memory_space<vmem>>, vector<16xf32>,
    %get3A_1749 = vector.shape_cast %get3A_1748 : vector<16xf32> to vector<16xf32>
    %add3A_1750 = arith.addf %add3A_1746, %get3A_1749 : vector<16xf32>
    %get3A_1751 = arith.constant 3056 : index
    %get3A_1752 = tpu.vector_load %arg6[%get3A_1751] {strides = array<i32>} : memref<13312xf32, #tpu.memory_space<vmem>>, vector<16xf32>,
    %get3A_1753 = vector.shape_cast %get3A_1752 : vector<16xf32> to vector<16xf32>
    %add3A_1754 = arith.addf %add3A_1750, %get3A_1753 : vector<16xf32>
    %get3A_1755 = arith.constant 3568 : index
    %get3A_1756 = tpu.vector_load %arg6[%get3A_1755] {strides = array<i32>} : memref<13312xf32, #tpu.memory_space<vmem>>, vector<16xf32>,
    %get3A_1757 = vector.shape_cast %get3A_1756 : vector<16xf32> to vector<16xf32>
    %add3A_1758 = arith.addf %add3A_1754, %get3A_1757 : vector<16xf32>
    %get3A_1759 = arith.constant 4080 : index
    %get3A_1760 = tpu.vector_load %arg6[%get3A_1759] {strides = array<i32>} : memref<13312xf32, #tpu.memory_space<vmem>>, vector<16xf32>,
    %get3A_1761 = vector.shape_cast %get3A_1760 : vector<16xf32> to vector<16xf32>
    %add3A_1762 = arith.addf %add3A_1758, %get3A_1761 : vector<16xf32>
    %get3A_1763 = arith.constant 4592 : index
    %get3A_1764 = tpu.vector_load %arg6[%get3A_1763] {strides = array<i32>} : memref<13312xf32, #tpu.memory_space<vmem>>, vector<16xf32>,
    %get3A_1765 = vector.shape_cast %get3A_1764 : vector<16xf32> to vector<16xf32>
    %add3A_1766 = arith.addf %add3A_1762, %get3A_1765 : vector<16xf32>
    %get3A_1767 = arith.constant 5104 : index
    %get3A_1768 = tpu.vector_load %arg6[%get3A_1767] {strides = array<i32>} : memref<13312xf32, #tpu.memory_space<vmem>>, vector<16xf32>,
    %get3A_1769 = vector.shape_cast %get3A_1768 : vector<16xf32> to vector<16xf32>
    %add3A_1770 = arith.addf %add3A_1766, %get3A_1769 : vector<16xf32>
    %get3A_1771 = arith.constant 5616 : index
    %get3A_1772 = tpu.vector_load %arg6[%get3A_1771] {strides = array<i32>} : memref<13312xf32, #tpu.memory_space<vmem>>, vector<16xf32>,
    %get3A_1773 = vector.shape_cast %get3A_1772 : vector<16xf32> to vector<16xf32>
    %add3A_1774 = arith.addf %add3A_1770, %get3A_1773 : vector<16xf32>
    %get3A_1775 = arith.constant 6128 : index
    %get3A_1776 = tpu.vector_load %arg6[%get3A_1775] {strides = array<i32>} : memref<13312xf32, #tpu.memory_space<vmem>>, vector<16xf32>,
    %get3A_1777 = vector.shape_cast %get3A_1776 : vector<16xf32> to vector<16xf32>
    %add3A_1778 = arith.addf %add3A_1774, %get3A_1777 : vector<16xf32>
    %get3A_1779 = arith.constant 6640 : index
    %get3A_1780 = tpu.vector_load %arg6[%get3A_1779] {strides = array<i32>} : memref<13312xf32, #tpu.memory_space<vmem>>, vector<16xf32>,
    %get3A_1781 = vector.shape_cast %get3A_1780 : vector<16xf32> to vector<16xf32>
    %add3A_1782 = arith.addf %add3A_1778, %get3A_1781 : vector<16xf32>
    %swap3A_1783 = arith.constant 496 : index
    %swap3A_1784 = tpu.vector_load %arg7[%swap3A_1783] {strides = array<i32>} : memref<512xf32, #tpu.memory_space<vmem>>, vector<16xf32>,
    %swap3A_1785 = vector.shape_cast %swap3A_1784 : vector<16xf32> to vector<16xf32>
    %swap3A_1786 = vector.shape_cast %add3A_1782 : vector<16xf32> to vector<16xf32>
    tpu.vector_store %arg7[%swap3A_1783], %swap3A_1786 {strides = array<i32>} : memref<512xf32, #tpu.memory_space<vmem>>, vector<16xf32>,
    %dma_wait3A_1787 = arith.constant 0 : i32
    %dma_wait3A_1788 = arith.constant 6656 : i32
    %dma_wait3A_1789 = tpu.memref_slice %arg6[%dma_wait3A_1788] : memref<13312xf32, #tpu.memory_space<vmem>> -> memref<6656xf32, #tpu.memory_space<vmem>>
    %dma_wait3A_1790 = arith.constant 6656 : i32
    %dma_wait3A_1791 = tpu.memref_slice %arg5[%dma_wait3A_1790] : memref<13312xi32, #tpu.memory_space<vmem>> -> memref<6656xi32, #tpu.memory_space<vmem>>
    %dma_wait3A_1792 = arith.constant 0 : i32
    %dma_wait3A_1793 = tpu.memref_slice %arg3[%dma_wait3A_1787, %dma_wait3A_1792] : memref<1x2600000xf32, #tpu.memory_space<hbm>> -> memref<1x2600000xf32, #tpu.memory_space<hbm>>
    %dma_wait3A_1794 = tpu.memref_squeeze %dma_wait3A_1793 : memref<1x2600000xf32, #tpu.memory_space<hbm>> -> memref<2600000xf32, #tpu.memory_space<hbm>>
    %dma_wait3A_1795 = arith.constant 0 : i32
    %dma_wait3A_1796 = tpu.memref_slice %dma_wait3A_1794[%dma_wait3A_1795] : memref<2600000xf32, #tpu.memory_space<hbm>> -> memref<2600000xf32, #tpu.memory_space<hbm>>
    tpu.wait_indirect_dma semaphore(%arg9 : memref<!tpu.dma_semaphore, #tpu.memory_space<semaphore_mem>>) src(%dma_wait3A_1796 : memref<2600000xf32, #tpu.memory_space<hbm>>) dst(%dma_wait3A_1789 : memref<6656xf32, #tpu.memory_space<vmem>>)
    %get3A_1797 = arith.constant 0 : index
    %get3A_1798 = tpu.vector_load %arg7[%get3A_1797] {strides = array<i32>} : memref<512xf32, #tpu.memory_space<vmem>>, vector<16xf32>,
    %get3A_1799 = vector.shape_cast %get3A_1798 : vector<16xf32> to vector<16xf32>
    %get3A_1800 = arith.constant 6656 : index
    %get3A_1801 = tpu.vector_load %arg6[%get3A_1800] {strides = array<i32>} : memref<13312xf32, #tpu.memory_space<vmem>>, vector<16xf32>,
    %get3A_1802 = vector.shape_cast %get3A_1801 : vector<16xf32> to vector<16xf32>
    %add3A_1803 = arith.addf %get3A_1799, %get3A_1802 : vector<16xf32>
    %get3A_1804 = arith.constant 7168 : index
    %get3A_1805 = tpu.vector_load %arg6[%get3A_1804] {strides = array<i32>} : memref<13312xf32, #tpu.memory_space<vmem>>, vector<16xf32>,
    %get3A_1806 = vector.shape_cast %get3A_1805 : vector<16xf32> to vector<16xf32>
    %add3A_1807 = arith.addf %add3A_1803, %get3A_1806 : vector<16xf32>
    %get3A_1808 = arith.constant 7680 : index
    %get3A_1809 = tpu.vector_load %arg6[%get3A_1808] {strides = array<i32>} : memref<13312xf32, #tpu.memory_space<vmem>>, vector<16xf32>,
    %get3A_1810 = vector.shape_cast %get3A_1809 : vector<16xf32> to vector<16xf32>
    %add3A_1811 = arith.addf %add3A_1807, %get3A_1810 : vector<16xf32>
    %get3A_1812 = arith.constant 8192 : index
    %get3A_1813 = tpu.vector_load %arg6[%get3A_1812] {strides = array<i32>} : memref<13312xf32, #tpu.memory_space<vmem>>, vector<16xf32>,
    %get3A_1814 = vector.shape_cast %get3A_1813 : vector<16xf32> to vector<16xf32>
    %add3A_1815 = arith.addf %add3A_1811, %get3A_1814 : vector<16xf32>
    %get3A_1816 = arith.constant 8704 : index
    %get3A_1817 = tpu.vector_load %arg6[%get3A_1816] {strides = array<i32>} : memref<13312xf32, #tpu.memory_space<vmem>>, vector<16xf32>,
    %get3A_1818 = vector.shape_cast %get3A_1817 : vector<16xf32> to vector<16xf32>
    %add3A_1819 = arith.addf %add3A_1815, %get3A_1818 : vector<16xf32>
    %get3A_1820 = arith.constant 9216 : index
    %get3A_1821 = tpu.vector_load %arg6[%get3A_1820] {strides = array<i32>} : memref<13312xf32, #tpu.memory_space<vmem>>, vector<16xf32>,
    %get3A_1822 = vector.shape_cast %get3A_1821 : vector<16xf32> to vector<16xf32>
    %add3A_1823 = arith.addf %add3A_1819, %get3A_1822 : vector<16xf32>
    %get3A_1824 = arith.constant 9728 : index
    %get3A_1825 = tpu.vector_load %arg6[%get3A_1824] {strides = array<i32>} : memref<13312xf32, #tpu.memory_space<vmem>>, vector<16xf32>,
    %get3A_1826 = vector.shape_cast %get3A_1825 : vector<16xf32> to vector<16xf32>
    %add3A_1827 = arith.addf %add3A_1823, %get3A_1826 : vector<16xf32>
    %get3A_1828 = arith.constant 10240 : index
    %get3A_1829 = tpu.vector_load %arg6[%get3A_1828] {strides = array<i32>} : memref<13312xf32, #tpu.memory_space<vmem>>, vector<16xf32>,
    %get3A_1830 = vector.shape_cast %get3A_1829 : vector<16xf32> to vector<16xf32>
    %add3A_1831 = arith.addf %add3A_1827, %get3A_1830 : vector<16xf32>
    %get3A_1832 = arith.constant 10752 : index
    %get3A_1833 = tpu.vector_load %arg6[%get3A_1832] {strides = array<i32>} : memref<13312xf32, #tpu.memory_space<vmem>>, vector<16xf32>,
    %get3A_1834 = vector.shape_cast %get3A_1833 : vector<16xf32> to vector<16xf32>
    %add3A_1835 = arith.addf %add3A_1831, %get3A_1834 : vector<16xf32>
    %get3A_1836 = arith.constant 11264 : index
    %get3A_1837 = tpu.vector_load %arg6[%get3A_1836] {strides = array<i32>} : memref<13312xf32, #tpu.memory_space<vmem>>, vector<16xf32>,
    %get3A_1838 = vector.shape_cast %get3A_1837 : vector<16xf32> to vector<16xf32>
    %add3A_1839 = arith.addf %add3A_1835, %get3A_1838 : vector<16xf32>
    %get3A_1840 = arith.constant 11776 : index
    %get3A_1841 = tpu.vector_load %arg6[%get3A_1840] {strides = array<i32>} : memref<13312xf32, #tpu.memory_space<vmem>>, vector<16xf32>,
    %get3A_1842 = vector.shape_cast %get3A_1841 : vector<16xf32> to vector<16xf32>
    %add3A_1843 = arith.addf %add3A_1839, %get3A_1842 : vector<16xf32>
    %get3A_1844 = arith.constant 12288 : index
    %get3A_1845 = tpu.vector_load %arg6[%get3A_1844] {strides = array<i32>} : memref<13312xf32, #tpu.memory_space<vmem>>, vector<16xf32>,
    %get3A_1846 = vector.shape_cast %get3A_1845 : vector<16xf32> to vector<16xf32>
    %add3A_1847 = arith.addf %add3A_1843, %get3A_1846 : vector<16xf32>
    %get3A_1848 = arith.constant 12800 : index
    %get3A_1849 = tpu.vector_load %arg6[%get3A_1848] {strides = array<i32>} : memref<13312xf32, #tpu.memory_space<vmem>>, vector<16xf32>,
    %get3A_1850 = vector.shape_cast %get3A_1849 : vector<16xf32> to vector<16xf32>
    %add3A_1851 = arith.addf %add3A_1847, %get3A_1850 : vector<16xf32>
    %swap3A_1852 = arith.constant 0 : index
    %swap3A_1853 = tpu.vector_load %arg7[%swap3A_1852] {strides = array<i32>} : memref<512xf32, #tpu.memory_space<vmem>>, vector<16xf32>,
    %swap3A_1854 = vector.shape_cast %swap3A_1853 : vector<16xf32> to vector<16xf32>
    %swap3A_1855 = vector.shape_cast %add3A_1851 : vector<16xf32> to vector<16xf32>
    tpu.vector_store %arg7[%swap3A_1852], %swap3A_1855 {strides = array<i32>} : memref<512xf32, #tpu.memory_space<vmem>>, vector<16xf32>,
    %get3A_1856 = arith.constant 16 : index
    %get3A_1857 = tpu.vector_load %arg7[%get3A_1856] {strides = array<i32>} : memref<512xf32, #tpu.memory_space<vmem>>, vector<16xf32>,
    %get3A_1858 = vector.shape_cast %get3A_1857 : vector<16xf32> to vector<16xf32>
    %get3A_1859 = arith.constant 6672 : index
    %get3A_1860 = tpu.vector_load %arg6[%get3A_1859] {strides = array<i32>} : memref<13312xf32, #tpu.memory_space<vmem>>, vector<16xf32>,
    %get3A_1861 = vector.shape_cast %get3A_1860 : vector<16xf32> to vector<16xf32>
    %add3A_1862 = arith.addf %get3A_1858, %get3A_1861 : vector<16xf32>
    %get3A_1863 = arith.constant 7184 : index
    %get3A_1864 = tpu.vector_load %arg6[%get3A_1863] {strides = array<i32>} : memref<13312xf32, #tpu.memory_space<vmem>>, vector<16xf32>,
    %get3A_1865 = vector.shape_cast %get3A_1864 : vector<16xf32> to vector<16xf32>
    %add3A_1866 = arith.addf %add3A_1862, %get3A_1865 : vector<16xf32>
    %get3A_1867 = arith.constant 7696 : index
    %get3A_1868 = tpu.vector_load %arg6[%get3A_1867] {strides = array<i32>} : memref<13312xf32, #tpu.memory_space<vmem>>, vector<16xf32>,
    %get3A_1869 = vector.shape_cast %get3A_1868 : vector<16xf32> to vector<16xf32>
    %add3A_1870 = arith.addf %add3A_1866, %get3A_1869 : vector<16xf32>
    %get3A_1871 = arith.constant 8208 : index
    %get3A_1872 = tpu.vector_load %arg6[%get3A_1871] {strides = array<i32>} : memref<13312xf32, #tpu.memory_space<vmem>>, vector<16xf32>,
    %get3A_1873 = vector.shape_cast %get3A_1872 : vector<16xf32> to vector<16xf32>
    %add3A_1874 = arith.addf %add3A_1870, %get3A_1873 : vector<16xf32>
    %get3A_1875 = arith.constant 8720 : index
    %get3A_1876 = tpu.vector_load %arg6[%get3A_1875] {strides = array<i32>} : memref<13312xf32, #tpu.memory_space<vmem>>, vector<16xf32>,
    %get3A_1877 = vector.shape_cast %get3A_1876 : vector<16xf32> to vector<16xf32>
    %add3A_1878 = arith.addf %add3A_1874, %get3A_1877 : vector<16xf32>
    %get3A_1879 = arith.constant 9232 : index
    %get3A_1880 = tpu.vector_load %arg6[%get3A_1879] {strides = array<i32>} : memref<13312xf32, #tpu.memory_space<vmem>>, vector<16xf32>,
    %get3A_1881 = vector.shape_cast %get3A_1880 : vector<16xf32> to vector<16xf32>
    %add3A_1882 = arith.addf %add3A_1878, %get3A_1881 : vector<16xf32>
    %get3A_1883 = arith.constant 9744 : index
    %get3A_1884 = tpu.vector_load %arg6[%get3A_1883] {strides = array<i32>} : memref<13312xf32, #tpu.memory_space<vmem>>, vector<16xf32>,
    %get3A_1885 = vector.shape_cast %get3A_1884 : vector<16xf32> to vector<16xf32>
    %add3A_1886 = arith.addf %add3A_1882, %get3A_1885 : vector<16xf32>
    %get3A_1887 = arith.constant 10256 : index
    %get3A_1888 = tpu.vector_load %arg6[%get3A_1887] {strides = array<i32>} : memref<13312xf32, #tpu.memory_space<vmem>>, vector<16xf32>,
    %get3A_1889 = vector.shape_cast %get3A_1888 : vector<16xf32> to vector<16xf32>
    %add3A_1890 = arith.addf %add3A_1886, %get3A_1889 : vector<16xf32>
    %get3A_1891 = arith.constant 10768 : index
    %get3A_1892 = tpu.vector_load %arg6[%get3A_1891] {strides = array<i32>} : memref<13312xf32, #tpu.memory_space<vmem>>, vector<16xf32>,
    %get3A_1893 = vector.shape_cast %get3A_1892 : vector<16xf32> to vector<16xf32>
    %add3A_1894 = arith.addf %add3A_1890, %get3A_1893 : vector<16xf32>
    %get3A_1895 = arith.constant 11280 : index
    %get3A_1896 = tpu.vector_load %arg6[%get3A_1895] {strides = array<i32>} : memref<13312xf32, #tpu.memory_space<vmem>>, vector<16xf32>,
    %get3A_1897 = vector.shape_cast %get3A_1896 : vector<16xf32> to vector<16xf32>
    %add3A_1898 = arith.addf %add3A_1894, %get3A_1897 : vector<16xf32>
    %get3A_1899 = arith.constant 11792 : index
    %get3A_1900 = tpu.vector_load %arg6[%get3A_1899] {strides = array<i32>} : memref<13312xf32, #tpu.memory_space<vmem>>, vector<16xf32>,
    %get3A_1901 = vector.shape_cast %get3A_1900 : vector<16xf32> to vector<16xf32>
    %add3A_1902 = arith.addf %add3A_1898, %get3A_1901 : vector<16xf32>
    %get3A_1903 = arith.constant 12304 : index
    %get3A_1904 = tpu.vector_load %arg6[%get3A_1903] {strides = array<i32>} : memref<13312xf32, #tpu.memory_space<vmem>>, vector<16xf32>,
    %get3A_1905 = vector.shape_cast %get3A_1904 : vector<16xf32> to vector<16xf32>
    %add3A_1906 = arith.addf %add3A_1902, %get3A_1905 : vector<16xf32>
    %get3A_1907 = arith.constant 12816 : index
    %get3A_1908 = tpu.vector_load %arg6[%get3A_1907] {strides = array<i32>} : memref<13312xf32, #tpu.memory_space<vmem>>, vector<16xf32>,
    %get3A_1909 = vector.shape_cast %get3A_1908 : vector<16xf32> to vector<16xf32>
    %add3A_1910 = arith.addf %add3A_1906, %get3A_1909 : vector<16xf32>
    %swap3A_1911 = arith.constant 16 : index
    %swap3A_1912 = tpu.vector_load %arg7[%swap3A_1911] {strides = array<i32>} : memref<512xf32, #tpu.memory_space<vmem>>, vector<16xf32>,
    %swap3A_1913 = vector.shape_cast %swap3A_1912 : vector<16xf32> to vector<16xf32>
    %swap3A_1914 = vector.shape_cast %add3A_1910 : vector<16xf32> to vector<16xf32>
    tpu.vector_store %arg7[%swap3A_1911], %swap3A_1914 {strides = array<i32>} : memref<512xf32, #tpu.memory_space<vmem>>, vector<16xf32>,
    %get3A_1915 = arith.constant 32 : index
    %get3A_1916 = tpu.vector_load %arg7[%get3A_1915] {strides = array<i32>} : memref<512xf32, #tpu.memory_space<vmem>>, vector<16xf32>,
    %get3A_1917 = vector.shape_cast %get3A_1916 : vector<16xf32> to vector<16xf32>
    %get3A_1918 = arith.constant 6688 : index
    %get3A_1919 = tpu.vector_load %arg6[%get3A_1918] {strides = array<i32>} : memref<13312xf32, #tpu.memory_space<vmem>>, vector<16xf32>,
    %get3A_1920 = vector.shape_cast %get3A_1919 : vector<16xf32> to vector<16xf32>
    %add3A_1921 = arith.addf %get3A_1917, %get3A_1920 : vector<16xf32>
    %get3A_1922 = arith.constant 7200 : index
    %get3A_1923 = tpu.vector_load %arg6[%get3A_1922] {strides = array<i32>} : memref<13312xf32, #tpu.memory_space<vmem>>, vector<16xf32>,
    %get3A_1924 = vector.shape_cast %get3A_1923 : vector<16xf32> to vector<16xf32>
    %add3A_1925 = arith.addf %add3A_1921, %get3A_1924 : vector<16xf32>
    %get3A_1926 = arith.constant 7712 : index
    %get3A_1927 = tpu.vector_load %arg6[%get3A_1926] {strides = array<i32>} : memref<13312xf32, #tpu.memory_space<vmem>>, vector<16xf32>,
    %get3A_1928 = vector.shape_cast %get3A_1927 : vector<16xf32> to vector<16xf32>
    %add3A_1929 = arith.addf %add3A_1925, %get3A_1928 : vector<16xf32>
    %get3A_1930 = arith.constant 8224 : index
    %get3A_1931 = tpu.vector_load %arg6[%get3A_1930] {strides = array<i32>} : memref<13312xf32, #tpu.memory_space<vmem>>, vector<16xf32>,
    %get3A_1932 = vector.shape_cast %get3A_1931 : vector<16xf32> to vector<16xf32>
    %add3A_1933 = arith.addf %add3A_1929, %get3A_1932 : vector<16xf32>
    %get3A_1934 = arith.constant 8736 : index
    %get3A_1935 = tpu.vector_load %arg6[%get3A_1934] {strides = array<i32>} : memref<13312xf32, #tpu.memory_space<vmem>>, vector<16xf32>,
    %get3A_1936 = vector.shape_cast %get3A_1935 : vector<16xf32> to vector<16xf32>
    %add3A_1937 = arith.addf %add3A_1933, %get3A_1936 : vector<16xf32>
    %get3A_1938 = arith.constant 9248 : index
    %get3A_1939 = tpu.vector_load %arg6[%get3A_1938] {strides = array<i32>} : memref<13312xf32, #tpu.memory_space<vmem>>, vector<16xf32>,
    %get3A_1940 = vector.shape_cast %get3A_1939 : vector<16xf32> to vector<16xf32>
    %add3A_1941 = arith.addf %add3A_1937, %get3A_1940 : vector<16xf32>
    %get3A_1942 = arith.constant 9760 : index
    %get3A_1943 = tpu.vector_load %arg6[%get3A_1942] {strides = array<i32>} : memref<13312xf32, #tpu.memory_space<vmem>>, vector<16xf32>,
    %get3A_1944 = vector.shape_cast %get3A_1943 : vector<16xf32> to vector<16xf32>
    %add3A_1945 = arith.addf %add3A_1941, %get3A_1944 : vector<16xf32>
    %get3A_1946 = arith.constant 10272 : index
    %get3A_1947 = tpu.vector_load %arg6[%get3A_1946] {strides = array<i32>} : memref<13312xf32, #tpu.memory_space<vmem>>, vector<16xf32>,
    %get3A_1948 = vector.shape_cast %get3A_1947 : vector<16xf32> to vector<16xf32>
    %add3A_1949 = arith.addf %add3A_1945, %get3A_1948 : vector<16xf32>
    %get3A_1950 = arith.constant 10784 : index
    %get3A_1951 = tpu.vector_load %arg6[%get3A_1950] {strides = array<i32>} : memref<13312xf32, #tpu.memory_space<vmem>>, vector<16xf32>,
    %get3A_1952 = vector.shape_cast %get3A_1951 : vector<16xf32> to vector<16xf32>
    %add3A_1953 = arith.addf %add3A_1949, %get3A_1952 : vector<16xf32>
    %get3A_1954 = arith.constant 11296 : index
    %get3A_1955 = tpu.vector_load %arg6[%get3A_1954] {strides = array<i32>} : memref<13312xf32, #tpu.memory_space<vmem>>, vector<16xf32>,
    %get3A_1956 = vector.shape_cast %get3A_1955 : vector<16xf32> to vector<16xf32>
    %add3A_1957 = arith.addf %add3A_1953, %get3A_1956 : vector<16xf32>
    %get3A_1958 = arith.constant 11808 : index
    %get3A_1959 = tpu.vector_load %arg6[%get3A_1958] {strides = array<i32>} : memref<13312xf32, #tpu.memory_space<vmem>>, vector<16xf32>,
    %get3A_1960 = vector.shape_cast %get3A_1959 : vector<16xf32> to vector<16xf32>
    %add3A_1961 = arith.addf %add3A_1957, %get3A_1960 : vector<16xf32>
    %get3A_1962 = arith.constant 12320 : index
    %get3A_1963 = tpu.vector_load %arg6[%get3A_1962] {strides = array<i32>} : memref<13312xf32, #tpu.memory_space<vmem>>, vector<16xf32>,
    %get3A_1964 = vector.shape_cast %get3A_1963 : vector<16xf32> to vector<16xf32>
    %add3A_1965 = arith.addf %add3A_1961, %get3A_1964 : vector<16xf32>
    %get3A_1966 = arith.constant 12832 : index
    %get3A_1967 = tpu.vector_load %arg6[%get3A_1966] {strides = array<i32>} : memref<13312xf32, #tpu.memory_space<vmem>>, vector<16xf32>,
    %get3A_1968 = vector.shape_cast %get3A_1967 : vector<16xf32> to vector<16xf32>
    %add3A_1969 = arith.addf %add3A_1965, %get3A_1968 : vector<16xf32>
    %swap3A_1970 = arith.constant 32 : index
    %swap3A_1971 = tpu.vector_load %arg7[%swap3A_1970] {strides = array<i32>} : memref<512xf32, #tpu.memory_space<vmem>>, vector<16xf32>,
    %swap3A_1972 = vector.shape_cast %swap3A_1971 : vector<16xf32> to vector<16xf32>
    %swap3A_1973 = vector.shape_cast %add3A_1969 : vector<16xf32> to vector<16xf32>
    tpu.vector_store %arg7[%swap3A_1970], %swap3A_1973 {strides = array<i32>} : memref<512xf32, #tpu.memory_space<vmem>>, vector<16xf32>,
    %get3A_1974 = arith.constant 48 : index
    %get3A_1975 = tpu.vector_load %arg7[%get3A_1974] {strides = array<i32>} : memref<512xf32, #tpu.memory_space<vmem>>, vector<16xf32>,
    %get3A_1976 = vector.shape_cast %get3A_1975 : vector<16xf32> to vector<16xf32>
    %get3A_1977 = arith.constant 6704 : index
    %get3A_1978 = tpu.vector_load %arg6[%get3A_1977] {strides = array<i32>} : memref<13312xf32, #tpu.memory_space<vmem>>, vector<16xf32>,
    %get3A_1979 = vector.shape_cast %get3A_1978 : vector<16xf32> to vector<16xf32>
    %add3A_1980 = arith.addf %get3A_1976, %get3A_1979 : vector<16xf32>
    %get3A_1981 = arith.constant 7216 : index
    %get3A_1982 = tpu.vector_load %arg6[%get3A_1981] {strides = array<i32>} : memref<13312xf32, #tpu.memory_space<vmem>>, vector<16xf32>,
    %get3A_1983 = vector.shape_cast %get3A_1982 : vector<16xf32> to vector<16xf32>
    %add3A_1984 = arith.addf %add3A_1980, %get3A_1983 : vector<16xf32>
    %get3A_1985 = arith.constant 7728 : index
    %get3A_1986 = tpu.vector_load %arg6[%get3A_1985] {strides = array<i32>} : memref<13312xf32, #tpu.memory_space<vmem>>, vector<16xf32>,
    %get3A_1987 = vector.shape_cast %get3A_1986 : vector<16xf32> to vector<16xf32>
    %add3A_1988 = arith.addf %add3A_1984, %get3A_1987 : vector<16xf32>
    %get3A_1989 = arith.constant 8240 : index
    %get3A_1990 = tpu.vector_load %arg6[%get3A_1989] {strides = array<i32>} : memref<13312xf32, #tpu.memory_space<vmem>>, vector<16xf32>,
    %get3A_1991 = vector.shape_cast %get3A_1990 : vector<16xf32> to vector<16xf32>
    %add3A_1992 = arith.addf %add3A_1988, %get3A_1991 : vector<16xf32>
    %get3A_1993 = arith.constant 8752 : index
    %get3A_1994 = tpu.vector_load %arg6[%get3A_1993] {strides = array<i32>} : memref<13312xf32, #tpu.memory_space<vmem>>, vector<16xf32>,
    %get3A_1995 = vector.shape_cast %get3A_1994 : vector<16xf32> to vector<16xf32>
    %add3A_1996 = arith.addf %add3A_1992, %get3A_1995 : vector<16xf32>
    %get3A_1997 = arith.constant 9264 : index
    %get3A_1998 = tpu.vector_load %arg6[%get3A_1997] {strides = array<i32>} : memref<13312xf32, #tpu.memory_space<vmem>>, vector<16xf32>,
    %get3A_1999 = vector.shape_cast %get3A_1998 : vector<16xf32> to vector<16xf32>
    %add3A_2000 = arith.addf %add3A_1996, %get3A_1999 : vector<16xf32>
    %get3A_2001 = arith.constant 9776 : index
    %get3A_2002 = tpu.vector_load %arg6[%get3A_2001] {strides = array<i32>} : memref<13312xf32, #tpu.memory_space<vmem>>, vector<16xf32>,
    %get3A_2003 = vector.shape_cast %get3A_2002 : vector<16xf32> to vector<16xf32>
    %add3A_2004 = arith.addf %add3A_2000, %get3A_2003 : vector<16xf32>
    %get3A_2005 = arith.constant 10288 : index
    %get3A_2006 = tpu.vector_load %arg6[%get3A_2005] {strides = array<i32>} : memref<13312xf32, #tpu.memory_space<vmem>>, vector<16xf32>,
    %get3A_2007 = vector.shape_cast %get3A_2006 : vector<16xf32> to vector<16xf32>
    %add3A_2008 = arith.addf %add3A_2004, %get3A_2007 : vector<16xf32>
    %get3A_2009 = arith.constant 10800 : index
    %get3A_2010 = tpu.vector_load %arg6[%get3A_2009] {strides = array<i32>} : memref<13312xf32, #tpu.memory_space<vmem>>, vector<16xf32>,
    %get3A_2011 = vector.shape_cast %get3A_2010 : vector<16xf32> to vector<16xf32>
    %add3A_2012 = arith.addf %add3A_2008, %get3A_2011 : vector<16xf32>
    %get3A_2013 = arith.constant 11312 : index
    %get3A_2014 = tpu.vector_load %arg6[%get3A_2013] {strides = array<i32>} : memref<13312xf32, #tpu.memory_space<vmem>>, vector<16xf32>,
    %get3A_2015 = vector.shape_cast %get3A_2014 : vector<16xf32> to vector<16xf32>
    %add3A_2016 = arith.addf %add3A_2012, %get3A_2015 : vector<16xf32>
    %get3A_2017 = arith.constant 11824 : index
    %get3A_2018 = tpu.vector_load %arg6[%get3A_2017] {strides = array<i32>} : memref<13312xf32, #tpu.memory_space<vmem>>, vector<16xf32>,
    %get3A_2019 = vector.shape_cast %get3A_2018 : vector<16xf32> to vector<16xf32>
    %add3A_2020 = arith.addf %add3A_2016, %get3A_2019 : vector<16xf32>
    %get3A_2021 = arith.constant 12336 : index
    %get3A_2022 = tpu.vector_load %arg6[%get3A_2021] {strides = array<i32>} : memref<13312xf32, #tpu.memory_space<vmem>>, vector<16xf32>,
    %get3A_2023 = vector.shape_cast %get3A_2022 : vector<16xf32> to vector<16xf32>
    %add3A_2024 = arith.addf %add3A_2020, %get3A_2023 : vector<16xf32>
    %get3A_2025 = arith.constant 12848 : index
    %get3A_2026 = tpu.vector_load %arg6[%get3A_2025] {strides = array<i32>} : memref<13312xf32, #tpu.memory_space<vmem>>, vector<16xf32>,
    %get3A_2027 = vector.shape_cast %get3A_2026 : vector<16xf32> to vector<16xf32>
    %add3A_2028 = arith.addf %add3A_2024, %get3A_2027 : vector<16xf32>
    %swap3A_2029 = arith.constant 48 : index
    %swap3A_2030 = tpu.vector_load %arg7[%swap3A_2029] {strides = array<i32>} : memref<512xf32, #tpu.memory_space<vmem>>, vector<16xf32>,
    %swap3A_2031 = vector.shape_cast %swap3A_2030 : vector<16xf32> to vector<16xf32>
    %swap3A_2032 = vector.shape_cast %add3A_2028 : vector<16xf32> to vector<16xf32>
    tpu.vector_store %arg7[%swap3A_2029], %swap3A_2032 {strides = array<i32>} : memref<512xf32, #tpu.memory_space<vmem>>, vector<16xf32>,
    %get3A_2033 = arith.constant 64 : index
    %get3A_2034 = tpu.vector_load %arg7[%get3A_2033] {strides = array<i32>} : memref<512xf32, #tpu.memory_space<vmem>>, vector<16xf32>,
    %get3A_2035 = vector.shape_cast %get3A_2034 : vector<16xf32> to vector<16xf32>
    %get3A_2036 = arith.constant 6720 : index
    %get3A_2037 = tpu.vector_load %arg6[%get3A_2036] {strides = array<i32>} : memref<13312xf32, #tpu.memory_space<vmem>>, vector<16xf32>,
    %get3A_2038 = vector.shape_cast %get3A_2037 : vector<16xf32> to vector<16xf32>
    %add3A_2039 = arith.addf %get3A_2035, %get3A_2038 : vector<16xf32>
    %get3A_2040 = arith.constant 7232 : index
    %get3A_2041 = tpu.vector_load %arg6[%get3A_2040] {strides = array<i32>} : memref<13312xf32, #tpu.memory_space<vmem>>, vector<16xf32>,
    %get3A_2042 = vector.shape_cast %get3A_2041 : vector<16xf32> to vector<16xf32>
    %add3A_2043 = arith.addf %add3A_2039, %get3A_2042 : vector<16xf32>
    %get3A_2044 = arith.constant 7744 : index
    %get3A_2045 = tpu.vector_load %arg6[%get3A_2044] {strides = array<i32>} : memref<13312xf32, #tpu.memory_space<vmem>>, vector<16xf32>,
    %get3A_2046 = vector.shape_cast %get3A_2045 : vector<16xf32> to vector<16xf32>
    %add3A_2047 = arith.addf %add3A_2043, %get3A_2046 : vector<16xf32>
    %get3A_2048 = arith.constant 8256 : index
    %get3A_2049 = tpu.vector_load %arg6[%get3A_2048] {strides = array<i32>} : memref<13312xf32, #tpu.memory_space<vmem>>, vector<16xf32>,
    %get3A_2050 = vector.shape_cast %get3A_2049 : vector<16xf32> to vector<16xf32>
    %add3A_2051 = arith.addf %add3A_2047, %get3A_2050 : vector<16xf32>
    %get3A_2052 = arith.constant 8768 : index
    %get3A_2053 = tpu.vector_load %arg6[%get3A_2052] {strides = array<i32>} : memref<13312xf32, #tpu.memory_space<vmem>>, vector<16xf32>,
    %get3A_2054 = vector.shape_cast %get3A_2053 : vector<16xf32> to vector<16xf32>
    %add3A_2055 = arith.addf %add3A_2051, %get3A_2054 : vector<16xf32>
    %get3A_2056 = arith.constant 9280 : index
    %get3A_2057 = tpu.vector_load %arg6[%get3A_2056] {strides = array<i32>} : memref<13312xf32, #tpu.memory_space<vmem>>, vector<16xf32>,
    %get3A_2058 = vector.shape_cast %get3A_2057 : vector<16xf32> to vector<16xf32>
    %add3A_2059 = arith.addf %add3A_2055, %get3A_2058 : vector<16xf32>
    %get3A_2060 = arith.constant 9792 : index
    %get3A_2061 = tpu.vector_load %arg6[%get3A_2060] {strides = array<i32>} : memref<13312xf32, #tpu.memory_space<vmem>>, vector<16xf32>,
    %get3A_2062 = vector.shape_cast %get3A_2061 : vector<16xf32> to vector<16xf32>
    %add3A_2063 = arith.addf %add3A_2059, %get3A_2062 : vector<16xf32>
    %get3A_2064 = arith.constant 10304 : index
    %get3A_2065 = tpu.vector_load %arg6[%get3A_2064] {strides = array<i32>} : memref<13312xf32, #tpu.memory_space<vmem>>, vector<16xf32>,
    %get3A_2066 = vector.shape_cast %get3A_2065 : vector<16xf32> to vector<16xf32>
    %add3A_2067 = arith.addf %add3A_2063, %get3A_2066 : vector<16xf32>
    %get3A_2068 = arith.constant 10816 : index
    %get3A_2069 = tpu.vector_load %arg6[%get3A_2068] {strides = array<i32>} : memref<13312xf32, #tpu.memory_space<vmem>>, vector<16xf32>,
    %get3A_2070 = vector.shape_cast %get3A_2069 : vector<16xf32> to vector<16xf32>
    %add3A_2071 = arith.addf %add3A_2067, %get3A_2070 : vector<16xf32>
    %get3A_2072 = arith.constant 11328 : index
    %get3A_2073 = tpu.vector_load %arg6[%get3A_2072] {strides = array<i32>} : memref<13312xf32, #tpu.memory_space<vmem>>, vector<16xf32>,
    %get3A_2074 = vector.shape_cast %get3A_2073 : vector<16xf32> to vector<16xf32>
    %add3A_2075 = arith.addf %add3A_2071, %get3A_2074 : vector<16xf32>
    %get3A_2076 = arith.constant 11840 : index
    %get3A_2077 = tpu.vector_load %arg6[%get3A_2076] {strides = array<i32>} : memref<13312xf32, #tpu.memory_space<vmem>>, vector<16xf32>,
    %get3A_2078 = vector.shape_cast %get3A_2077 : vector<16xf32> to vector<16xf32>
    %add3A_2079 = arith.addf %add3A_2075, %get3A_2078 : vector<16xf32>
    %get3A_2080 = arith.constant 12352 : index
    %get3A_2081 = tpu.vector_load %arg6[%get3A_2080] {strides = array<i32>} : memref<13312xf32, #tpu.memory_space<vmem>>, vector<16xf32>,
    %get3A_2082 = vector.shape_cast %get3A_2081 : vector<16xf32> to vector<16xf32>
    %add3A_2083 = arith.addf %add3A_2079, %get3A_2082 : vector<16xf32>
    %get3A_2084 = arith.constant 12864 : index
    %get3A_2085 = tpu.vector_load %arg6[%get3A_2084] {strides = array<i32>} : memref<13312xf32, #tpu.memory_space<vmem>>, vector<16xf32>,
    %get3A_2086 = vector.shape_cast %get3A_2085 : vector<16xf32> to vector<16xf32>
    %add3A_2087 = arith.addf %add3A_2083, %get3A_2086 : vector<16xf32>
    %swap3A_2088 = arith.constant 64 : index
    %swap3A_2089 = tpu.vector_load %arg7[%swap3A_2088] {strides = array<i32>} : memref<512xf32, #tpu.memory_space<vmem>>, vector<16xf32>,
    %swap3A_2090 = vector.shape_cast %swap3A_2089 : vector<16xf32> to vector<16xf32>
    %swap3A_2091 = vector.shape_cast %add3A_2087 : vector<16xf32> to vector<16xf32>
    tpu.vector_store %arg7[%swap3A_2088], %swap3A_2091 {strides = array<i32>} : memref<512xf32, #tpu.memory_space<vmem>>, vector<16xf32>,
    %get3A_2092 = arith.constant 80 : index
    %get3A_2093 = tpu.vector_load %arg7[%get3A_2092] {strides = array<i32>} : memref<512xf32, #tpu.memory_space<vmem>>, vector<16xf32>,
    %get3A_2094 = vector.shape_cast %get3A_2093 : vector<16xf32> to vector<16xf32>
    %get3A_2095 = arith.constant 6736 : index
    %get3A_2096 = tpu.vector_load %arg6[%get3A_2095] {strides = array<i32>} : memref<13312xf32, #tpu.memory_space<vmem>>, vector<16xf32>,
    %get3A_2097 = vector.shape_cast %get3A_2096 : vector<16xf32> to vector<16xf32>
    %add3A_2098 = arith.addf %get3A_2094, %get3A_2097 : vector<16xf32>
    %get3A_2099 = arith.constant 7248 : index
    %get3A_2100 = tpu.vector_load %arg6[%get3A_2099] {strides = array<i32>} : memref<13312xf32, #tpu.memory_space<vmem>>, vector<16xf32>,
    %get3A_2101 = vector.shape_cast %get3A_2100 : vector<16xf32> to vector<16xf32>
    %add3A_2102 = arith.addf %add3A_2098, %get3A_2101 : vector<16xf32>
    %get3A_2103 = arith.constant 7760 : index
    %get3A_2104 = tpu.vector_load %arg6[%get3A_2103] {strides = array<i32>} : memref<13312xf32, #tpu.memory_space<vmem>>, vector<16xf32>,
    %get3A_2105 = vector.shape_cast %get3A_2104 : vector<16xf32> to vector<16xf32>
    %add3A_2106 = arith.addf %add3A_2102, %get3A_2105 : vector<16xf32>
    %get3A_2107 = arith.constant 8272 : index
    %get3A_2108 = tpu.vector_load %arg6[%get3A_2107] {strides = array<i32>} : memref<13312xf32, #tpu.memory_space<vmem>>, vector<16xf32>,
    %get3A_2109 = vector.shape_cast %get3A_2108 : vector<16xf32> to vector<16xf32>
    %add3A_2110 = arith.addf %add3A_2106, %get3A_2109 : vector<16xf32>
    %get3A_2111 = arith.constant 8784 : index
    %get3A_2112 = tpu.vector_load %arg6[%get3A_2111] {strides = array<i32>} : memref<13312xf32, #tpu.memory_space<vmem>>, vector<16xf32>,
    %get3A_2113 = vector.shape_cast %get3A_2112 : vector<16xf32> to vector<16xf32>
    %add3A_2114 = arith.addf %add3A_2110, %get3A_2113 : vector<16xf32>
    %get3A_2115 = arith.constant 9296 : index
    %get3A_2116 = tpu.vector_load %arg6[%get3A_2115] {strides = array<i32>} : memref<13312xf32, #tpu.memory_space<vmem>>, vector<16xf32>,
    %get3A_2117 = vector.shape_cast %get3A_2116 : vector<16xf32> to vector<16xf32>
    %add3A_2118 = arith.addf %add3A_2114, %get3A_2117 : vector<16xf32>
    %get3A_2119 = arith.constant 9808 : index
    %get3A_2120 = tpu.vector_load %arg6[%get3A_2119] {strides = array<i32>} : memref<13312xf32, #tpu.memory_space<vmem>>, vector<16xf32>,
    %get3A_2121 = vector.shape_cast %get3A_2120 : vector<16xf32> to vector<16xf32>
    %add3A_2122 = arith.addf %add3A_2118, %get3A_2121 : vector<16xf32>
    %get3A_2123 = arith.constant 10320 : index
    %get3A_2124 = tpu.vector_load %arg6[%get3A_2123] {strides = array<i32>} : memref<13312xf32, #tpu.memory_space<vmem>>, vector<16xf32>,
    %get3A_2125 = vector.shape_cast %get3A_2124 : vector<16xf32> to vector<16xf32>
    %add3A_2126 = arith.addf %add3A_2122, %get3A_2125 : vector<16xf32>
    %get3A_2127 = arith.constant 10832 : index
    %get3A_2128 = tpu.vector_load %arg6[%get3A_2127] {strides = array<i32>} : memref<13312xf32, #tpu.memory_space<vmem>>, vector<16xf32>,
    %get3A_2129 = vector.shape_cast %get3A_2128 : vector<16xf32> to vector<16xf32>
    %add3A_2130 = arith.addf %add3A_2126, %get3A_2129 : vector<16xf32>
    %get3A_2131 = arith.constant 11344 : index
    %get3A_2132 = tpu.vector_load %arg6[%get3A_2131] {strides = array<i32>} : memref<13312xf32, #tpu.memory_space<vmem>>, vector<16xf32>,
    %get3A_2133 = vector.shape_cast %get3A_2132 : vector<16xf32> to vector<16xf32>
    %add3A_2134 = arith.addf %add3A_2130, %get3A_2133 : vector<16xf32>
    %get3A_2135 = arith.constant 11856 : index
    %get3A_2136 = tpu.vector_load %arg6[%get3A_2135] {strides = array<i32>} : memref<13312xf32, #tpu.memory_space<vmem>>, vector<16xf32>,
    %get3A_2137 = vector.shape_cast %get3A_2136 : vector<16xf32> to vector<16xf32>
    %add3A_2138 = arith.addf %add3A_2134, %get3A_2137 : vector<16xf32>
    %get3A_2139 = arith.constant 12368 : index
    %get3A_2140 = tpu.vector_load %arg6[%get3A_2139] {strides = array<i32>} : memref<13312xf32, #tpu.memory_space<vmem>>, vector<16xf32>,
    %get3A_2141 = vector.shape_cast %get3A_2140 : vector<16xf32> to vector<16xf32>
    %add3A_2142 = arith.addf %add3A_2138, %get3A_2141 : vector<16xf32>
    %get3A_2143 = arith.constant 12880 : index
    %get3A_2144 = tpu.vector_load %arg6[%get3A_2143] {strides = array<i32>} : memref<13312xf32, #tpu.memory_space<vmem>>, vector<16xf32>,
    %get3A_2145 = vector.shape_cast %get3A_2144 : vector<16xf32> to vector<16xf32>
    %add3A_2146 = arith.addf %add3A_2142, %get3A_2145 : vector<16xf32>
    %swap3A_2147 = arith.constant 80 : index
    %swap3A_2148 = tpu.vector_load %arg7[%swap3A_2147] {strides = array<i32>} : memref<512xf32, #tpu.memory_space<vmem>>, vector<16xf32>,
    %swap3A_2149 = vector.shape_cast %swap3A_2148 : vector<16xf32> to vector<16xf32>
    %swap3A_2150 = vector.shape_cast %add3A_2146 : vector<16xf32> to vector<16xf32>
    tpu.vector_store %arg7[%swap3A_2147], %swap3A_2150 {strides = array<i32>} : memref<512xf32, #tpu.memory_space<vmem>>, vector<16xf32>,
    %get3A_2151 = arith.constant 96 : index
    %get3A_2152 = tpu.vector_load %arg7[%get3A_2151] {strides = array<i32>} : memref<512xf32, #tpu.memory_space<vmem>>, vector<16xf32>,
    %get3A_2153 = vector.shape_cast %get3A_2152 : vector<16xf32> to vector<16xf32>
    %get3A_2154 = arith.constant 6752 : index
    %get3A_2155 = tpu.vector_load %arg6[%get3A_2154] {strides = array<i32>} : memref<13312xf32, #tpu.memory_space<vmem>>, vector<16xf32>,
    %get3A_2156 = vector.shape_cast %get3A_2155 : vector<16xf32> to vector<16xf32>
    %add3A_2157 = arith.addf %get3A_2153, %get3A_2156 : vector<16xf32>
    %get3A_2158 = arith.constant 7264 : index
    %get3A_2159 = tpu.vector_load %arg6[%get3A_2158] {strides = array<i32>} : memref<13312xf32, #tpu.memory_space<vmem>>, vector<16xf32>,
    %get3A_2160 = vector.shape_cast %get3A_2159 : vector<16xf32> to vector<16xf32>
    %add3A_2161 = arith.addf %add3A_2157, %get3A_2160 : vector<16xf32>
    %get3A_2162 = arith.constant 7776 : index
    %get3A_2163 = tpu.vector_load %arg6[%get3A_2162] {strides = array<i32>} : memref<13312xf32, #tpu.memory_space<vmem>>, vector<16xf32>,
    %get3A_2164 = vector.shape_cast %get3A_2163 : vector<16xf32> to vector<16xf32>
    %add3A_2165 = arith.addf %add3A_2161, %get3A_2164 : vector<16xf32>
    %get3A_2166 = arith.constant 8288 : index
    %get3A_2167 = tpu.vector_load %arg6[%get3A_2166] {strides = array<i32>} : memref<13312xf32, #tpu.memory_space<vmem>>, vector<16xf32>,
    %get3A_2168 = vector.shape_cast %get3A_2167 : vector<16xf32> to vector<16xf32>
    %add3A_2169 = arith.addf %add3A_2165, %get3A_2168 : vector<16xf32>
    %get3A_2170 = arith.constant 8800 : index
    %get3A_2171 = tpu.vector_load %arg6[%get3A_2170] {strides = array<i32>} : memref<13312xf32, #tpu.memory_space<vmem>>, vector<16xf32>,
    %get3A_2172 = vector.shape_cast %get3A_2171 : vector<16xf32> to vector<16xf32>
    %add3A_2173 = arith.addf %add3A_2169, %get3A_2172 : vector<16xf32>
    %get3A_2174 = arith.constant 9312 : index
    %get3A_2175 = tpu.vector_load %arg6[%get3A_2174] {strides = array<i32>} : memref<13312xf32, #tpu.memory_space<vmem>>, vector<16xf32>,
    %get3A_2176 = vector.shape_cast %get3A_2175 : vector<16xf32> to vector<16xf32>
    %add3A_2177 = arith.addf %add3A_2173, %get3A_2176 : vector<16xf32>
    %get3A_2178 = arith.constant 9824 : index
    %get3A_2179 = tpu.vector_load %arg6[%get3A_2178] {strides = array<i32>} : memref<13312xf32, #tpu.memory_space<vmem>>, vector<16xf32>,
    %get3A_2180 = vector.shape_cast %get3A_2179 : vector<16xf32> to vector<16xf32>
    %add3A_2181 = arith.addf %add3A_2177, %get3A_2180 : vector<16xf32>
    %get3A_2182 = arith.constant 10336 : index
    %get3A_2183 = tpu.vector_load %arg6[%get3A_2182] {strides = array<i32>} : memref<13312xf32, #tpu.memory_space<vmem>>, vector<16xf32>,
    %get3A_2184 = vector.shape_cast %get3A_2183 : vector<16xf32> to vector<16xf32>
    %add3A_2185 = arith.addf %add3A_2181, %get3A_2184 : vector<16xf32>
    %get3A_2186 = arith.constant 10848 : index
    %get3A_2187 = tpu.vector_load %arg6[%get3A_2186] {strides = array<i32>} : memref<13312xf32, #tpu.memory_space<vmem>>, vector<16xf32>,
    %get3A_2188 = vector.shape_cast %get3A_2187 : vector<16xf32> to vector<16xf32>
    %add3A_2189 = arith.addf %add3A_2185, %get3A_2188 : vector<16xf32>
    %get3A_2190 = arith.constant 11360 : index
    %get3A_2191 = tpu.vector_load %arg6[%get3A_2190] {strides = array<i32>} : memref<13312xf32, #tpu.memory_space<vmem>>, vector<16xf32>,
    %get3A_2192 = vector.shape_cast %get3A_2191 : vector<16xf32> to vector<16xf32>
    %add3A_2193 = arith.addf %add3A_2189, %get3A_2192 : vector<16xf32>
    %get3A_2194 = arith.constant 11872 : index
    %get3A_2195 = tpu.vector_load %arg6[%get3A_2194] {strides = array<i32>} : memref<13312xf32, #tpu.memory_space<vmem>>, vector<16xf32>,
    %get3A_2196 = vector.shape_cast %get3A_2195 : vector<16xf32> to vector<16xf32>
    %add3A_2197 = arith.addf %add3A_2193, %get3A_2196 : vector<16xf32>
    %get3A_2198 = arith.constant 12384 : index
    %get3A_2199 = tpu.vector_load %arg6[%get3A_2198] {strides = array<i32>} : memref<13312xf32, #tpu.memory_space<vmem>>, vector<16xf32>,
    %get3A_2200 = vector.shape_cast %get3A_2199 : vector<16xf32> to vector<16xf32>
    %add3A_2201 = arith.addf %add3A_2197, %get3A_2200 : vector<16xf32>
    %get3A_2202 = arith.constant 12896 : index
    %get3A_2203 = tpu.vector_load %arg6[%get3A_2202] {strides = array<i32>} : memref<13312xf32, #tpu.memory_space<vmem>>, vector<16xf32>,
    %get3A_2204 = vector.shape_cast %get3A_2203 : vector<16xf32> to vector<16xf32>
    %add3A_2205 = arith.addf %add3A_2201, %get3A_2204 : vector<16xf32>
    %swap3A_2206 = arith.constant 96 : index
    %swap3A_2207 = tpu.vector_load %arg7[%swap3A_2206] {strides = array<i32>} : memref<512xf32, #tpu.memory_space<vmem>>, vector<16xf32>,
    %swap3A_2208 = vector.shape_cast %swap3A_2207 : vector<16xf32> to vector<16xf32>
    %swap3A_2209 = vector.shape_cast %add3A_2205 : vector<16xf32> to vector<16xf32>
    tpu.vector_store %arg7[%swap3A_2206], %swap3A_2209 {strides = array<i32>} : memref<512xf32, #tpu.memory_space<vmem>>, vector<16xf32>,
    %get3A_2210 = arith.constant 112 : index
    %get3A_2211 = tpu.vector_load %arg7[%get3A_2210] {strides = array<i32>} : memref<512xf32, #tpu.memory_space<vmem>>, vector<16xf32>,
    %get3A_2212 = vector.shape_cast %get3A_2211 : vector<16xf32> to vector<16xf32>
    %get3A_2213 = arith.constant 6768 : index
    %get3A_2214 = tpu.vector_load %arg6[%get3A_2213] {strides = array<i32>} : memref<13312xf32, #tpu.memory_space<vmem>>, vector<16xf32>,
    %get3A_2215 = vector.shape_cast %get3A_2214 : vector<16xf32> to vector<16xf32>
    %add3A_2216 = arith.addf %get3A_2212, %get3A_2215 : vector<16xf32>
    %get3A_2217 = arith.constant 7280 : index
    %get3A_2218 = tpu.vector_load %arg6[%get3A_2217] {strides = array<i32>} : memref<13312xf32, #tpu.memory_space<vmem>>, vector<16xf32>,
    %get3A_2219 = vector.shape_cast %get3A_2218 : vector<16xf32> to vector<16xf32>
    %add3A_2220 = arith.addf %add3A_2216, %get3A_2219 : vector<16xf32>
    %get3A_2221 = arith.constant 7792 : index
    %get3A_2222 = tpu.vector_load %arg6[%get3A_2221] {strides = array<i32>} : memref<13312xf32, #tpu.memory_space<vmem>>, vector<16xf32>,
    %get3A_2223 = vector.shape_cast %get3A_2222 : vector<16xf32> to vector<16xf32>
    %add3A_2224 = arith.addf %add3A_2220, %get3A_2223 : vector<16xf32>
    %get3A_2225 = arith.constant 8304 : index
    %get3A_2226 = tpu.vector_load %arg6[%get3A_2225] {strides = array<i32>} : memref<13312xf32, #tpu.memory_space<vmem>>, vector<16xf32>,
    %get3A_2227 = vector.shape_cast %get3A_2226 : vector<16xf32> to vector<16xf32>
    %add3A_2228 = arith.addf %add3A_2224, %get3A_2227 : vector<16xf32>
    %get3A_2229 = arith.constant 8816 : index
    %get3A_2230 = tpu.vector_load %arg6[%get3A_2229] {strides = array<i32>} : memref<13312xf32, #tpu.memory_space<vmem>>, vector<16xf32>,
    %get3A_2231 = vector.shape_cast %get3A_2230 : vector<16xf32> to vector<16xf32>
    %add3A_2232 = arith.addf %add3A_2228, %get3A_2231 : vector<16xf32>
    %get3A_2233 = arith.constant 9328 : index
    %get3A_2234 = tpu.vector_load %arg6[%get3A_2233] {strides = array<i32>} : memref<13312xf32, #tpu.memory_space<vmem>>, vector<16xf32>,
    %get3A_2235 = vector.shape_cast %get3A_2234 : vector<16xf32> to vector<16xf32>
    %add3A_2236 = arith.addf %add3A_2232, %get3A_2235 : vector<16xf32>
    %get3A_2237 = arith.constant 9840 : index
    %get3A_2238 = tpu.vector_load %arg6[%get3A_2237] {strides = array<i32>} : memref<13312xf32, #tpu.memory_space<vmem>>, vector<16xf32>,
    %get3A_2239 = vector.shape_cast %get3A_2238 : vector<16xf32> to vector<16xf32>
    %add3A_2240 = arith.addf %add3A_2236, %get3A_2239 : vector<16xf32>
    %get3A_2241 = arith.constant 10352 : index
    %get3A_2242 = tpu.vector_load %arg6[%get3A_2241] {strides = array<i32>} : memref<13312xf32, #tpu.memory_space<vmem>>, vector<16xf32>,
    %get3A_2243 = vector.shape_cast %get3A_2242 : vector<16xf32> to vector<16xf32>
    %add3A_2244 = arith.addf %add3A_2240, %get3A_2243 : vector<16xf32>
    %get3A_2245 = arith.constant 10864 : index
    %get3A_2246 = tpu.vector_load %arg6[%get3A_2245] {strides = array<i32>} : memref<13312xf32, #tpu.memory_space<vmem>>, vector<16xf32>,
    %get3A_2247 = vector.shape_cast %get3A_2246 : vector<16xf32> to vector<16xf32>
    %add3A_2248 = arith.addf %add3A_2244, %get3A_2247 : vector<16xf32>
    %get3A_2249 = arith.constant 11376 : index
    %get3A_2250 = tpu.vector_load %arg6[%get3A_2249] {strides = array<i32>} : memref<13312xf32, #tpu.memory_space<vmem>>, vector<16xf32>,
    %get3A_2251 = vector.shape_cast %get3A_2250 : vector<16xf32> to vector<16xf32>
    %add3A_2252 = arith.addf %add3A_2248, %get3A_2251 : vector<16xf32>
    %get3A_2253 = arith.constant 11888 : index
    %get3A_2254 = tpu.vector_load %arg6[%get3A_2253] {strides = array<i32>} : memref<13312xf32, #tpu.memory_space<vmem>>, vector<16xf32>,
    %get3A_2255 = vector.shape_cast %get3A_2254 : vector<16xf32> to vector<16xf32>
    %add3A_2256 = arith.addf %add3A_2252, %get3A_2255 : vector<16xf32>
    %get3A_2257 = arith.constant 12400 : index
    %get3A_2258 = tpu.vector_load %arg6[%get3A_2257] {strides = array<i32>} : memref<13312xf32, #tpu.memory_space<vmem>>, vector<16xf32>,
    %get3A_2259 = vector.shape_cast %get3A_2258 : vector<16xf32> to vector<16xf32>
    %add3A_2260 = arith.addf %add3A_2256, %get3A_2259 : vector<16xf32>
    %get3A_2261 = arith.constant 12912 : index
    %get3A_2262 = tpu.vector_load %arg6[%get3A_2261] {strides = array<i32>} : memref<13312xf32, #tpu.memory_space<vmem>>, vector<16xf32>,
    %get3A_2263 = vector.shape_cast %get3A_2262 : vector<16xf32> to vector<16xf32>
    %add3A_2264 = arith.addf %add3A_2260, %get3A_2263 : vector<16xf32>
    %swap3A_2265 = arith.constant 112 : index
    %swap3A_2266 = tpu.vector_load %arg7[%swap3A_2265] {strides = array<i32>} : memref<512xf32, #tpu.memory_space<vmem>>, vector<16xf32>,
    %swap3A_2267 = vector.shape_cast %swap3A_2266 : vector<16xf32> to vector<16xf32>
    %swap3A_2268 = vector.shape_cast %add3A_2264 : vector<16xf32> to vector<16xf32>
    tpu.vector_store %arg7[%swap3A_2265], %swap3A_2268 {strides = array<i32>} : memref<512xf32, #tpu.memory_space<vmem>>, vector<16xf32>,
    %get3A_2269 = arith.constant 128 : index
    %get3A_2270 = tpu.vector_load %arg7[%get3A_2269] {strides = array<i32>} : memref<512xf32, #tpu.memory_space<vmem>>, vector<16xf32>,
    %get3A_2271 = vector.shape_cast %get3A_2270 : vector<16xf32> to vector<16xf32>
    %get3A_2272 = arith.constant 6784 : index
    %get3A_2273 = tpu.vector_load %arg6[%get3A_2272] {strides = array<i32>} : memref<13312xf32, #tpu.memory_space<vmem>>, vector<16xf32>,
    %get3A_2274 = vector.shape_cast %get3A_2273 : vector<16xf32> to vector<16xf32>
    %add3A_2275 = arith.addf %get3A_2271, %get3A_2274 : vector<16xf32>
    %get3A_2276 = arith.constant 7296 : index
    %get3A_2277 = tpu.vector_load %arg6[%get3A_2276] {strides = array<i32>} : memref<13312xf32, #tpu.memory_space<vmem>>, vector<16xf32>,
    %get3A_2278 = vector.shape_cast %get3A_2277 : vector<16xf32> to vector<16xf32>
    %add3A_2279 = arith.addf %add3A_2275, %get3A_2278 : vector<16xf32>
    %get3A_2280 = arith.constant 7808 : index
    %get3A_2281 = tpu.vector_load %arg6[%get3A_2280] {strides = array<i32>} : memref<13312xf32, #tpu.memory_space<vmem>>, vector<16xf32>,
    %get3A_2282 = vector.shape_cast %get3A_2281 : vector<16xf32> to vector<16xf32>
    %add3A_2283 = arith.addf %add3A_2279, %get3A_2282 : vector<16xf32>
    %get3A_2284 = arith.constant 8320 : index
    %get3A_2285 = tpu.vector_load %arg6[%get3A_2284] {strides = array<i32>} : memref<13312xf32, #tpu.memory_space<vmem>>, vector<16xf32>,
    %get3A_2286 = vector.shape_cast %get3A_2285 : vector<16xf32> to vector<16xf32>
    %add3A_2287 = arith.addf %add3A_2283, %get3A_2286 : vector<16xf32>
    %get3A_2288 = arith.constant 8832 : index
    %get3A_2289 = tpu.vector_load %arg6[%get3A_2288] {strides = array<i32>} : memref<13312xf32, #tpu.memory_space<vmem>>, vector<16xf32>,
    %get3A_2290 = vector.shape_cast %get3A_2289 : vector<16xf32> to vector<16xf32>
    %add3A_2291 = arith.addf %add3A_2287, %get3A_2290 : vector<16xf32>
    %get3A_2292 = arith.constant 9344 : index
    %get3A_2293 = tpu.vector_load %arg6[%get3A_2292] {strides = array<i32>} : memref<13312xf32, #tpu.memory_space<vmem>>, vector<16xf32>,
    %get3A_2294 = vector.shape_cast %get3A_2293 : vector<16xf32> to vector<16xf32>
    %add3A_2295 = arith.addf %add3A_2291, %get3A_2294 : vector<16xf32>
    %get3A_2296 = arith.constant 9856 : index
    %get3A_2297 = tpu.vector_load %arg6[%get3A_2296] {strides = array<i32>} : memref<13312xf32, #tpu.memory_space<vmem>>, vector<16xf32>,
    %get3A_2298 = vector.shape_cast %get3A_2297 : vector<16xf32> to vector<16xf32>
    %add3A_2299 = arith.addf %add3A_2295, %get3A_2298 : vector<16xf32>
    %get3A_2300 = arith.constant 10368 : index
    %get3A_2301 = tpu.vector_load %arg6[%get3A_2300] {strides = array<i32>} : memref<13312xf32, #tpu.memory_space<vmem>>, vector<16xf32>,
    %get3A_2302 = vector.shape_cast %get3A_2301 : vector<16xf32> to vector<16xf32>
    %add3A_2303 = arith.addf %add3A_2299, %get3A_2302 : vector<16xf32>
    %get3A_2304 = arith.constant 10880 : index
    %get3A_2305 = tpu.vector_load %arg6[%get3A_2304] {strides = array<i32>} : memref<13312xf32, #tpu.memory_space<vmem>>, vector<16xf32>,
    %get3A_2306 = vector.shape_cast %get3A_2305 : vector<16xf32> to vector<16xf32>
    %add3A_2307 = arith.addf %add3A_2303, %get3A_2306 : vector<16xf32>
    %get3A_2308 = arith.constant 11392 : index
    %get3A_2309 = tpu.vector_load %arg6[%get3A_2308] {strides = array<i32>} : memref<13312xf32, #tpu.memory_space<vmem>>, vector<16xf32>,
    %get3A_2310 = vector.shape_cast %get3A_2309 : vector<16xf32> to vector<16xf32>
    %add3A_2311 = arith.addf %add3A_2307, %get3A_2310 : vector<16xf32>
    %get3A_2312 = arith.constant 11904 : index
    %get3A_2313 = tpu.vector_load %arg6[%get3A_2312] {strides = array<i32>} : memref<13312xf32, #tpu.memory_space<vmem>>, vector<16xf32>,
    %get3A_2314 = vector.shape_cast %get3A_2313 : vector<16xf32> to vector<16xf32>
    %add3A_2315 = arith.addf %add3A_2311, %get3A_2314 : vector<16xf32>
    %get3A_2316 = arith.constant 12416 : index
    %get3A_2317 = tpu.vector_load %arg6[%get3A_2316] {strides = array<i32>} : memref<13312xf32, #tpu.memory_space<vmem>>, vector<16xf32>,
    %get3A_2318 = vector.shape_cast %get3A_2317 : vector<16xf32> to vector<16xf32>
    %add3A_2319 = arith.addf %add3A_2315, %get3A_2318 : vector<16xf32>
    %get3A_2320 = arith.constant 12928 : index
    %get3A_2321 = tpu.vector_load %arg6[%get3A_2320] {strides = array<i32>} : memref<13312xf32, #tpu.memory_space<vmem>>, vector<16xf32>,
    %get3A_2322 = vector.shape_cast %get3A_2321 : vector<16xf32> to vector<16xf32>
    %add3A_2323 = arith.addf %add3A_2319, %get3A_2322 : vector<16xf32>
    %swap3A_2324 = arith.constant 128 : index
    %swap3A_2325 = tpu.vector_load %arg7[%swap3A_2324] {strides = array<i32>} : memref<512xf32, #tpu.memory_space<vmem>>, vector<16xf32>,
    %swap3A_2326 = vector.shape_cast %swap3A_2325 : vector<16xf32> to vector<16xf32>
    %swap3A_2327 = vector.shape_cast %add3A_2323 : vector<16xf32> to vector<16xf32>
    tpu.vector_store %arg7[%swap3A_2324], %swap3A_2327 {strides = array<i32>} : memref<512xf32, #tpu.memory_space<vmem>>, vector<16xf32>,
    %get3A_2328 = arith.constant 144 : index
    %get3A_2329 = tpu.vector_load %arg7[%get3A_2328] {strides = array<i32>} : memref<512xf32, #tpu.memory_space<vmem>>, vector<16xf32>,
    %get3A_2330 = vector.shape_cast %get3A_2329 : vector<16xf32> to vector<16xf32>
    %get3A_2331 = arith.constant 6800 : index
    %get3A_2332 = tpu.vector_load %arg6[%get3A_2331] {strides = array<i32>} : memref<13312xf32, #tpu.memory_space<vmem>>, vector<16xf32>,
    %get3A_2333 = vector.shape_cast %get3A_2332 : vector<16xf32> to vector<16xf32>
    %add3A_2334 = arith.addf %get3A_2330, %get3A_2333 : vector<16xf32>
    %get3A_2335 = arith.constant 7312 : index
    %get3A_2336 = tpu.vector_load %arg6[%get3A_2335] {strides = array<i32>} : memref<13312xf32, #tpu.memory_space<vmem>>, vector<16xf32>,
    %get3A_2337 = vector.shape_cast %get3A_2336 : vector<16xf32> to vector<16xf32>
    %add3A_2338 = arith.addf %add3A_2334, %get3A_2337 : vector<16xf32>
    %get3A_2339 = arith.constant 7824 : index
    %get3A_2340 = tpu.vector_load %arg6[%get3A_2339] {strides = array<i32>} : memref<13312xf32, #tpu.memory_space<vmem>>, vector<16xf32>,
    %get3A_2341 = vector.shape_cast %get3A_2340 : vector<16xf32> to vector<16xf32>
    %add3A_2342 = arith.addf %add3A_2338, %get3A_2341 : vector<16xf32>
    %get3A_2343 = arith.constant 8336 : index
    %get3A_2344 = tpu.vector_load %arg6[%get3A_2343] {strides = array<i32>} : memref<13312xf32, #tpu.memory_space<vmem>>, vector<16xf32>,
    %get3A_2345 = vector.shape_cast %get3A_2344 : vector<16xf32> to vector<16xf32>
    %add3A_2346 = arith.addf %add3A_2342, %get3A_2345 : vector<16xf32>
    %get3A_2347 = arith.constant 8848 : index
    %get3A_2348 = tpu.vector_load %arg6[%get3A_2347] {strides = array<i32>} : memref<13312xf32, #tpu.memory_space<vmem>>, vector<16xf32>,
    %get3A_2349 = vector.shape_cast %get3A_2348 : vector<16xf32> to vector<16xf32>
    %add3A_2350 = arith.addf %add3A_2346, %get3A_2349 : vector<16xf32>
    %get3A_2351 = arith.constant 9360 : index
    %get3A_2352 = tpu.vector_load %arg6[%get3A_2351] {strides = array<i32>} : memref<13312xf32, #tpu.memory_space<vmem>>, vector<16xf32>,
    %get3A_2353 = vector.shape_cast %get3A_2352 : vector<16xf32> to vector<16xf32>
    %add3A_2354 = arith.addf %add3A_2350, %get3A_2353 : vector<16xf32>
    %get3A_2355 = arith.constant 9872 : index
    %get3A_2356 = tpu.vector_load %arg6[%get3A_2355] {strides = array<i32>} : memref<13312xf32, #tpu.memory_space<vmem>>, vector<16xf32>,
    %get3A_2357 = vector.shape_cast %get3A_2356 : vector<16xf32> to vector<16xf32>
    %add3A_2358 = arith.addf %add3A_2354, %get3A_2357 : vector<16xf32>
    %get3A_2359 = arith.constant 10384 : index
    %get3A_2360 = tpu.vector_load %arg6[%get3A_2359] {strides = array<i32>} : memref<13312xf32, #tpu.memory_space<vmem>>, vector<16xf32>,
    %get3A_2361 = vector.shape_cast %get3A_2360 : vector<16xf32> to vector<16xf32>
    %add3A_2362 = arith.addf %add3A_2358, %get3A_2361 : vector<16xf32>
    %get3A_2363 = arith.constant 10896 : index
    %get3A_2364 = tpu.vector_load %arg6[%get3A_2363] {strides = array<i32>} : memref<13312xf32, #tpu.memory_space<vmem>>, vector<16xf32>,
    %get3A_2365 = vector.shape_cast %get3A_2364 : vector<16xf32> to vector<16xf32>
    %add3A_2366 = arith.addf %add3A_2362, %get3A_2365 : vector<16xf32>
    %get3A_2367 = arith.constant 11408 : index
    %get3A_2368 = tpu.vector_load %arg6[%get3A_2367] {strides = array<i32>} : memref<13312xf32, #tpu.memory_space<vmem>>, vector<16xf32>,
    %get3A_2369 = vector.shape_cast %get3A_2368 : vector<16xf32> to vector<16xf32>
    %add3A_2370 = arith.addf %add3A_2366, %get3A_2369 : vector<16xf32>
    %get3A_2371 = arith.constant 11920 : index
    %get3A_2372 = tpu.vector_load %arg6[%get3A_2371] {strides = array<i32>} : memref<13312xf32, #tpu.memory_space<vmem>>, vector<16xf32>,
    %get3A_2373 = vector.shape_cast %get3A_2372 : vector<16xf32> to vector<16xf32>
    %add3A_2374 = arith.addf %add3A_2370, %get3A_2373 : vector<16xf32>
    %get3A_2375 = arith.constant 12432 : index
    %get3A_2376 = tpu.vector_load %arg6[%get3A_2375] {strides = array<i32>} : memref<13312xf32, #tpu.memory_space<vmem>>, vector<16xf32>,
    %get3A_2377 = vector.shape_cast %get3A_2376 : vector<16xf32> to vector<16xf32>
    %add3A_2378 = arith.addf %add3A_2374, %get3A_2377 : vector<16xf32>
    %get3A_2379 = arith.constant 12944 : index
    %get3A_2380 = tpu.vector_load %arg6[%get3A_2379] {strides = array<i32>} : memref<13312xf32, #tpu.memory_space<vmem>>, vector<16xf32>,
    %get3A_2381 = vector.shape_cast %get3A_2380 : vector<16xf32> to vector<16xf32>
    %add3A_2382 = arith.addf %add3A_2378, %get3A_2381 : vector<16xf32>
    %swap3A_2383 = arith.constant 144 : index
    %swap3A_2384 = tpu.vector_load %arg7[%swap3A_2383] {strides = array<i32>} : memref<512xf32, #tpu.memory_space<vmem>>, vector<16xf32>,
    %swap3A_2385 = vector.shape_cast %swap3A_2384 : vector<16xf32> to vector<16xf32>
    %swap3A_2386 = vector.shape_cast %add3A_2382 : vector<16xf32> to vector<16xf32>
    tpu.vector_store %arg7[%swap3A_2383], %swap3A_2386 {strides = array<i32>} : memref<512xf32, #tpu.memory_space<vmem>>, vector<16xf32>,
    %get3A_2387 = arith.constant 160 : index
    %get3A_2388 = tpu.vector_load %arg7[%get3A_2387] {strides = array<i32>} : memref<512xf32, #tpu.memory_space<vmem>>, vector<16xf32>,
    %get3A_2389 = vector.shape_cast %get3A_2388 : vector<16xf32> to vector<16xf32>
    %get3A_2390 = arith.constant 6816 : index
    %get3A_2391 = tpu.vector_load %arg6[%get3A_2390] {strides = array<i32>} : memref<13312xf32, #tpu.memory_space<vmem>>, vector<16xf32>,
    %get3A_2392 = vector.shape_cast %get3A_2391 : vector<16xf32> to vector<16xf32>
    %add3A_2393 = arith.addf %get3A_2389, %get3A_2392 : vector<16xf32>
    %get3A_2394 = arith.constant 7328 : index
    %get3A_2395 = tpu.vector_load %arg6[%get3A_2394] {strides = array<i32>} : memref<13312xf32, #tpu.memory_space<vmem>>, vector<16xf32>,
    %get3A_2396 = vector.shape_cast %get3A_2395 : vector<16xf32> to vector<16xf32>
    %add3A_2397 = arith.addf %add3A_2393, %get3A_2396 : vector<16xf32>
    %get3A_2398 = arith.constant 7840 : index
    %get3A_2399 = tpu.vector_load %arg6[%get3A_2398] {strides = array<i32>} : memref<13312xf32, #tpu.memory_space<vmem>>, vector<16xf32>,
    %get3A_2400 = vector.shape_cast %get3A_2399 : vector<16xf32> to vector<16xf32>
    %add3A_2401 = arith.addf %add3A_2397, %get3A_2400 : vector<16xf32>
    %get3A_2402 = arith.constant 8352 : index
    %get3A_2403 = tpu.vector_load %arg6[%get3A_2402] {strides = array<i32>} : memref<13312xf32, #tpu.memory_space<vmem>>, vector<16xf32>,
    %get3A_2404 = vector.shape_cast %get3A_2403 : vector<16xf32> to vector<16xf32>
    %add3A_2405 = arith.addf %add3A_2401, %get3A_2404 : vector<16xf32>
    %get3A_2406 = arith.constant 8864 : index
    %get3A_2407 = tpu.vector_load %arg6[%get3A_2406] {strides = array<i32>} : memref<13312xf32, #tpu.memory_space<vmem>>, vector<16xf32>,
    %get3A_2408 = vector.shape_cast %get3A_2407 : vector<16xf32> to vector<16xf32>
    %add3A_2409 = arith.addf %add3A_2405, %get3A_2408 : vector<16xf32>
    %get3A_2410 = arith.constant 9376 : index
    %get3A_2411 = tpu.vector_load %arg6[%get3A_2410] {strides = array<i32>} : memref<13312xf32, #tpu.memory_space<vmem>>, vector<16xf32>,
    %get3A_2412 = vector.shape_cast %get3A_2411 : vector<16xf32> to vector<16xf32>
    %add3A_2413 = arith.addf %add3A_2409, %get3A_2412 : vector<16xf32>
    %get3A_2414 = arith.constant 9888 : index
    %get3A_2415 = tpu.vector_load %arg6[%get3A_2414] {strides = array<i32>} : memref<13312xf32, #tpu.memory_space<vmem>>, vector<16xf32>,
    %get3A_2416 = vector.shape_cast %get3A_2415 : vector<16xf32> to vector<16xf32>
    %add3A_2417 = arith.addf %add3A_2413, %get3A_2416 : vector<16xf32>
    %get3A_2418 = arith.constant 10400 : index
    %get3A_2419 = tpu.vector_load %arg6[%get3A_2418] {strides = array<i32>} : memref<13312xf32, #tpu.memory_space<vmem>>, vector<16xf32>,
    %get3A_2420 = vector.shape_cast %get3A_2419 : vector<16xf32> to vector<16xf32>
    %add3A_2421 = arith.addf %add3A_2417, %get3A_2420 : vector<16xf32>
    %get3A_2422 = arith.constant 10912 : index
    %get3A_2423 = tpu.vector_load %arg6[%get3A_2422] {strides = array<i32>} : memref<13312xf32, #tpu.memory_space<vmem>>, vector<16xf32>,
    %get3A_2424 = vector.shape_cast %get3A_2423 : vector<16xf32> to vector<16xf32>
    %add3A_2425 = arith.addf %add3A_2421, %get3A_2424 : vector<16xf32>
    %get3A_2426 = arith.constant 11424 : index
    %get3A_2427 = tpu.vector_load %arg6[%get3A_2426] {strides = array<i32>} : memref<13312xf32, #tpu.memory_space<vmem>>, vector<16xf32>,
    %get3A_2428 = vector.shape_cast %get3A_2427 : vector<16xf32> to vector<16xf32>
    %add3A_2429 = arith.addf %add3A_2425, %get3A_2428 : vector<16xf32>
    %get3A_2430 = arith.constant 11936 : index
    %get3A_2431 = tpu.vector_load %arg6[%get3A_2430] {strides = array<i32>} : memref<13312xf32, #tpu.memory_space<vmem>>, vector<16xf32>,
    %get3A_2432 = vector.shape_cast %get3A_2431 : vector<16xf32> to vector<16xf32>
    %add3A_2433 = arith.addf %add3A_2429, %get3A_2432 : vector<16xf32>
    %get3A_2434 = arith.constant 12448 : index
    %get3A_2435 = tpu.vector_load %arg6[%get3A_2434] {strides = array<i32>} : memref<13312xf32, #tpu.memory_space<vmem>>, vector<16xf32>,
    %get3A_2436 = vector.shape_cast %get3A_2435 : vector<16xf32> to vector<16xf32>
    %add3A_2437 = arith.addf %add3A_2433, %get3A_2436 : vector<16xf32>
    %get3A_2438 = arith.constant 12960 : index
    %get3A_2439 = tpu.vector_load %arg6[%get3A_2438] {strides = array<i32>} : memref<13312xf32, #tpu.memory_space<vmem>>, vector<16xf32>,
    %get3A_2440 = vector.shape_cast %get3A_2439 : vector<16xf32> to vector<16xf32>
    %add3A_2441 = arith.addf %add3A_2437, %get3A_2440 : vector<16xf32>
    %swap3A_2442 = arith.constant 160 : index
    %swap3A_2443 = tpu.vector_load %arg7[%swap3A_2442] {strides = array<i32>} : memref<512xf32, #tpu.memory_space<vmem>>, vector<16xf32>,
    %swap3A_2444 = vector.shape_cast %swap3A_2443 : vector<16xf32> to vector<16xf32>
    %swap3A_2445 = vector.shape_cast %add3A_2441 : vector<16xf32> to vector<16xf32>
    tpu.vector_store %arg7[%swap3A_2442], %swap3A_2445 {strides = array<i32>} : memref<512xf32, #tpu.memory_space<vmem>>, vector<16xf32>,
    %get3A_2446 = arith.constant 176 : index
    %get3A_2447 = tpu.vector_load %arg7[%get3A_2446] {strides = array<i32>} : memref<512xf32, #tpu.memory_space<vmem>>, vector<16xf32>,
    %get3A_2448 = vector.shape_cast %get3A_2447 : vector<16xf32> to vector<16xf32>
    %get3A_2449 = arith.constant 6832 : index
    %get3A_2450 = tpu.vector_load %arg6[%get3A_2449] {strides = array<i32>} : memref<13312xf32, #tpu.memory_space<vmem>>, vector<16xf32>,
    %get3A_2451 = vector.shape_cast %get3A_2450 : vector<16xf32> to vector<16xf32>
    %add3A_2452 = arith.addf %get3A_2448, %get3A_2451 : vector<16xf32>
    %get3A_2453 = arith.constant 7344 : index
    %get3A_2454 = tpu.vector_load %arg6[%get3A_2453] {strides = array<i32>} : memref<13312xf32, #tpu.memory_space<vmem>>, vector<16xf32>,
    %get3A_2455 = vector.shape_cast %get3A_2454 : vector<16xf32> to vector<16xf32>
    %add3A_2456 = arith.addf %add3A_2452, %get3A_2455 : vector<16xf32>
    %get3A_2457 = arith.constant 7856 : index
    %get3A_2458 = tpu.vector_load %arg6[%get3A_2457] {strides = array<i32>} : memref<13312xf32, #tpu.memory_space<vmem>>, vector<16xf32>,
    %get3A_2459 = vector.shape_cast %get3A_2458 : vector<16xf32> to vector<16xf32>
    %add3A_2460 = arith.addf %add3A_2456, %get3A_2459 : vector<16xf32>
    %get3A_2461 = arith.constant 8368 : index
    %get3A_2462 = tpu.vector_load %arg6[%get3A_2461] {strides = array<i32>} : memref<13312xf32, #tpu.memory_space<vmem>>, vector<16xf32>,
    %get3A_2463 = vector.shape_cast %get3A_2462 : vector<16xf32> to vector<16xf32>
    %add3A_2464 = arith.addf %add3A_2460, %get3A_2463 : vector<16xf32>
    %get3A_2465 = arith.constant 8880 : index
    %get3A_2466 = tpu.vector_load %arg6[%get3A_2465] {strides = array<i32>} : memref<13312xf32, #tpu.memory_space<vmem>>, vector<16xf32>,
    %get3A_2467 = vector.shape_cast %get3A_2466 : vector<16xf32> to vector<16xf32>
    %add3A_2468 = arith.addf %add3A_2464, %get3A_2467 : vector<16xf32>
    %get3A_2469 = arith.constant 9392 : index
    %get3A_2470 = tpu.vector_load %arg6[%get3A_2469] {strides = array<i32>} : memref<13312xf32, #tpu.memory_space<vmem>>, vector<16xf32>,
    %get3A_2471 = vector.shape_cast %get3A_2470 : vector<16xf32> to vector<16xf32>
    %add3A_2472 = arith.addf %add3A_2468, %get3A_2471 : vector<16xf32>
    %get3A_2473 = arith.constant 9904 : index
    %get3A_2474 = tpu.vector_load %arg6[%get3A_2473] {strides = array<i32>} : memref<13312xf32, #tpu.memory_space<vmem>>, vector<16xf32>,
    %get3A_2475 = vector.shape_cast %get3A_2474 : vector<16xf32> to vector<16xf32>
    %add3A_2476 = arith.addf %add3A_2472, %get3A_2475 : vector<16xf32>
    %get3A_2477 = arith.constant 10416 : index
    %get3A_2478 = tpu.vector_load %arg6[%get3A_2477] {strides = array<i32>} : memref<13312xf32, #tpu.memory_space<vmem>>, vector<16xf32>,
    %get3A_2479 = vector.shape_cast %get3A_2478 : vector<16xf32> to vector<16xf32>
    %add3A_2480 = arith.addf %add3A_2476, %get3A_2479 : vector<16xf32>
    %get3A_2481 = arith.constant 10928 : index
    %get3A_2482 = tpu.vector_load %arg6[%get3A_2481] {strides = array<i32>} : memref<13312xf32, #tpu.memory_space<vmem>>, vector<16xf32>,
    %get3A_2483 = vector.shape_cast %get3A_2482 : vector<16xf32> to vector<16xf32>
    %add3A_2484 = arith.addf %add3A_2480, %get3A_2483 : vector<16xf32>
    %get3A_2485 = arith.constant 11440 : index
    %get3A_2486 = tpu.vector_load %arg6[%get3A_2485] {strides = array<i32>} : memref<13312xf32, #tpu.memory_space<vmem>>, vector<16xf32>,
    %get3A_2487 = vector.shape_cast %get3A_2486 : vector<16xf32> to vector<16xf32>
    %add3A_2488 = arith.addf %add3A_2484, %get3A_2487 : vector<16xf32>
    %get3A_2489 = arith.constant 11952 : index
    %get3A_2490 = tpu.vector_load %arg6[%get3A_2489] {strides = array<i32>} : memref<13312xf32, #tpu.memory_space<vmem>>, vector<16xf32>,
    %get3A_2491 = vector.shape_cast %get3A_2490 : vector<16xf32> to vector<16xf32>
    %add3A_2492 = arith.addf %add3A_2488, %get3A_2491 : vector<16xf32>
    %get3A_2493 = arith.constant 12464 : index
    %get3A_2494 = tpu.vector_load %arg6[%get3A_2493] {strides = array<i32>} : memref<13312xf32, #tpu.memory_space<vmem>>, vector<16xf32>,
    %get3A_2495 = vector.shape_cast %get3A_2494 : vector<16xf32> to vector<16xf32>
    %add3A_2496 = arith.addf %add3A_2492, %get3A_2495 : vector<16xf32>
    %get3A_2497 = arith.constant 12976 : index
    %get3A_2498 = tpu.vector_load %arg6[%get3A_2497] {strides = array<i32>} : memref<13312xf32, #tpu.memory_space<vmem>>, vector<16xf32>,
    %get3A_2499 = vector.shape_cast %get3A_2498 : vector<16xf32> to vector<16xf32>
    %add3A_2500 = arith.addf %add3A_2496, %get3A_2499 : vector<16xf32>
    %swap3A_2501 = arith.constant 176 : index
    %swap3A_2502 = tpu.vector_load %arg7[%swap3A_2501] {strides = array<i32>} : memref<512xf32, #tpu.memory_space<vmem>>, vector<16xf32>,
    %swap3A_2503 = vector.shape_cast %swap3A_2502 : vector<16xf32> to vector<16xf32>
    %swap3A_2504 = vector.shape_cast %add3A_2500 : vector<16xf32> to vector<16xf32>
    tpu.vector_store %arg7[%swap3A_2501], %swap3A_2504 {strides = array<i32>} : memref<512xf32, #tpu.memory_space<vmem>>, vector<16xf32>,
    %get3A_2505 = arith.constant 192 : index
    %get3A_2506 = tpu.vector_load %arg7[%get3A_2505] {strides = array<i32>} : memref<512xf32, #tpu.memory_space<vmem>>, vector<16xf32>,
    %get3A_2507 = vector.shape_cast %get3A_2506 : vector<16xf32> to vector<16xf32>
    %get3A_2508 = arith.constant 6848 : index
    %get3A_2509 = tpu.vector_load %arg6[%get3A_2508] {strides = array<i32>} : memref<13312xf32, #tpu.memory_space<vmem>>, vector<16xf32>,
    %get3A_2510 = vector.shape_cast %get3A_2509 : vector<16xf32> to vector<16xf32>
    %add3A_2511 = arith.addf %get3A_2507, %get3A_2510 : vector<16xf32>
    %get3A_2512 = arith.constant 7360 : index
    %get3A_2513 = tpu.vector_load %arg6[%get3A_2512] {strides = array<i32>} : memref<13312xf32, #tpu.memory_space<vmem>>, vector<16xf32>,
    %get3A_2514 = vector.shape_cast %get3A_2513 : vector<16xf32> to vector<16xf32>
    %add3A_2515 = arith.addf %add3A_2511, %get3A_2514 : vector<16xf32>
    %get3A_2516 = arith.constant 7872 : index
    %get3A_2517 = tpu.vector_load %arg6[%get3A_2516] {strides = array<i32>} : memref<13312xf32, #tpu.memory_space<vmem>>, vector<16xf32>,
    %get3A_2518 = vector.shape_cast %get3A_2517 : vector<16xf32> to vector<16xf32>
    %add3A_2519 = arith.addf %add3A_2515, %get3A_2518 : vector<16xf32>
    %get3A_2520 = arith.constant 8384 : index
    %get3A_2521 = tpu.vector_load %arg6[%get3A_2520] {strides = array<i32>} : memref<13312xf32, #tpu.memory_space<vmem>>, vector<16xf32>,
    %get3A_2522 = vector.shape_cast %get3A_2521 : vector<16xf32> to vector<16xf32>
    %add3A_2523 = arith.addf %add3A_2519, %get3A_2522 : vector<16xf32>
    %get3A_2524 = arith.constant 8896 : index
    %get3A_2525 = tpu.vector_load %arg6[%get3A_2524] {strides = array<i32>} : memref<13312xf32, #tpu.memory_space<vmem>>, vector<16xf32>,
    %get3A_2526 = vector.shape_cast %get3A_2525 : vector<16xf32> to vector<16xf32>
    %add3A_2527 = arith.addf %add3A_2523, %get3A_2526 : vector<16xf32>
    %get3A_2528 = arith.constant 9408 : index
    %get3A_2529 = tpu.vector_load %arg6[%get3A_2528] {strides = array<i32>} : memref<13312xf32, #tpu.memory_space<vmem>>, vector<16xf32>,
    %get3A_2530 = vector.shape_cast %get3A_2529 : vector<16xf32> to vector<16xf32>
    %add3A_2531 = arith.addf %add3A_2527, %get3A_2530 : vector<16xf32>
    %get3A_2532 = arith.constant 9920 : index
    %get3A_2533 = tpu.vector_load %arg6[%get3A_2532] {strides = array<i32>} : memref<13312xf32, #tpu.memory_space<vmem>>, vector<16xf32>,
    %get3A_2534 = vector.shape_cast %get3A_2533 : vector<16xf32> to vector<16xf32>
    %add3A_2535 = arith.addf %add3A_2531, %get3A_2534 : vector<16xf32>
    %get3A_2536 = arith.constant 10432 : index
    %get3A_2537 = tpu.vector_load %arg6[%get3A_2536] {strides = array<i32>} : memref<13312xf32, #tpu.memory_space<vmem>>, vector<16xf32>,
    %get3A_2538 = vector.shape_cast %get3A_2537 : vector<16xf32> to vector<16xf32>
    %add3A_2539 = arith.addf %add3A_2535, %get3A_2538 : vector<16xf32>
    %get3A_2540 = arith.constant 10944 : index
    %get3A_2541 = tpu.vector_load %arg6[%get3A_2540] {strides = array<i32>} : memref<13312xf32, #tpu.memory_space<vmem>>, vector<16xf32>,
    %get3A_2542 = vector.shape_cast %get3A_2541 : vector<16xf32> to vector<16xf32>
    %add3A_2543 = arith.addf %add3A_2539, %get3A_2542 : vector<16xf32>
    %get3A_2544 = arith.constant 11456 : index
    %get3A_2545 = tpu.vector_load %arg6[%get3A_2544] {strides = array<i32>} : memref<13312xf32, #tpu.memory_space<vmem>>, vector<16xf32>,
    %get3A_2546 = vector.shape_cast %get3A_2545 : vector<16xf32> to vector<16xf32>
    %add3A_2547 = arith.addf %add3A_2543, %get3A_2546 : vector<16xf32>
    %get3A_2548 = arith.constant 11968 : index
    %get3A_2549 = tpu.vector_load %arg6[%get3A_2548] {strides = array<i32>} : memref<13312xf32, #tpu.memory_space<vmem>>, vector<16xf32>,
    %get3A_2550 = vector.shape_cast %get3A_2549 : vector<16xf32> to vector<16xf32>
    %add3A_2551 = arith.addf %add3A_2547, %get3A_2550 : vector<16xf32>
    %get3A_2552 = arith.constant 12480 : index
    %get3A_2553 = tpu.vector_load %arg6[%get3A_2552] {strides = array<i32>} : memref<13312xf32, #tpu.memory_space<vmem>>, vector<16xf32>,
    %get3A_2554 = vector.shape_cast %get3A_2553 : vector<16xf32> to vector<16xf32>
    %add3A_2555 = arith.addf %add3A_2551, %get3A_2554 : vector<16xf32>
    %get3A_2556 = arith.constant 12992 : index
    %get3A_2557 = tpu.vector_load %arg6[%get3A_2556] {strides = array<i32>} : memref<13312xf32, #tpu.memory_space<vmem>>, vector<16xf32>,
    %get3A_2558 = vector.shape_cast %get3A_2557 : vector<16xf32> to vector<16xf32>
    %add3A_2559 = arith.addf %add3A_2555, %get3A_2558 : vector<16xf32>
    %swap3A_2560 = arith.constant 192 : index
    %swap3A_2561 = tpu.vector_load %arg7[%swap3A_2560] {strides = array<i32>} : memref<512xf32, #tpu.memory_space<vmem>>, vector<16xf32>,
    %swap3A_2562 = vector.shape_cast %swap3A_2561 : vector<16xf32> to vector<16xf32>
    %swap3A_2563 = vector.shape_cast %add3A_2559 : vector<16xf32> to vector<16xf32>
    tpu.vector_store %arg7[%swap3A_2560], %swap3A_2563 {strides = array<i32>} : memref<512xf32, #tpu.memory_space<vmem>>, vector<16xf32>,
    %get3A_2564 = arith.constant 208 : index
    %get3A_2565 = tpu.vector_load %arg7[%get3A_2564] {strides = array<i32>} : memref<512xf32, #tpu.memory_space<vmem>>, vector<16xf32>,
    %get3A_2566 = vector.shape_cast %get3A_2565 : vector<16xf32> to vector<16xf32>
    %get3A_2567 = arith.constant 6864 : index
    %get3A_2568 = tpu.vector_load %arg6[%get3A_2567] {strides = array<i32>} : memref<13312xf32, #tpu.memory_space<vmem>>, vector<16xf32>,
    %get3A_2569 = vector.shape_cast %get3A_2568 : vector<16xf32> to vector<16xf32>
    %add3A_2570 = arith.addf %get3A_2566, %get3A_2569 : vector<16xf32>
    %get3A_2571 = arith.constant 7376 : index
    %get3A_2572 = tpu.vector_load %arg6[%get3A_2571] {strides = array<i32>} : memref<13312xf32, #tpu.memory_space<vmem>>, vector<16xf32>,
    %get3A_2573 = vector.shape_cast %get3A_2572 : vector<16xf32> to vector<16xf32>
    %add3A_2574 = arith.addf %add3A_2570, %get3A_2573 : vector<16xf32>
    %get3A_2575 = arith.constant 7888 : index
    %get3A_2576 = tpu.vector_load %arg6[%get3A_2575] {strides = array<i32>} : memref<13312xf32, #tpu.memory_space<vmem>>, vector<16xf32>,
    %get3A_2577 = vector.shape_cast %get3A_2576 : vector<16xf32> to vector<16xf32>
    %add3A_2578 = arith.addf %add3A_2574, %get3A_2577 : vector<16xf32>
    %get3A_2579 = arith.constant 8400 : index
    %get3A_2580 = tpu.vector_load %arg6[%get3A_2579] {strides = array<i32>} : memref<13312xf32, #tpu.memory_space<vmem>>, vector<16xf32>,
    %get3A_2581 = vector.shape_cast %get3A_2580 : vector<16xf32> to vector<16xf32>
    %add3A_2582 = arith.addf %add3A_2578, %get3A_2581 : vector<16xf32>
    %get3A_2583 = arith.constant 8912 : index
    %get3A_2584 = tpu.vector_load %arg6[%get3A_2583] {strides = array<i32>} : memref<13312xf32, #tpu.memory_space<vmem>>, vector<16xf32>,
    %get3A_2585 = vector.shape_cast %get3A_2584 : vector<16xf32> to vector<16xf32>
    %add3A_2586 = arith.addf %add3A_2582, %get3A_2585 : vector<16xf32>
    %get3A_2587 = arith.constant 9424 : index
    %get3A_2588 = tpu.vector_load %arg6[%get3A_2587] {strides = array<i32>} : memref<13312xf32, #tpu.memory_space<vmem>>, vector<16xf32>,
    %get3A_2589 = vector.shape_cast %get3A_2588 : vector<16xf32> to vector<16xf32>
    %add3A_2590 = arith.addf %add3A_2586, %get3A_2589 : vector<16xf32>
    %get3A_2591 = arith.constant 9936 : index
    %get3A_2592 = tpu.vector_load %arg6[%get3A_2591] {strides = array<i32>} : memref<13312xf32, #tpu.memory_space<vmem>>, vector<16xf32>,
    %get3A_2593 = vector.shape_cast %get3A_2592 : vector<16xf32> to vector<16xf32>
    %add3A_2594 = arith.addf %add3A_2590, %get3A_2593 : vector<16xf32>
    %get3A_2595 = arith.constant 10448 : index
    %get3A_2596 = tpu.vector_load %arg6[%get3A_2595] {strides = array<i32>} : memref<13312xf32, #tpu.memory_space<vmem>>, vector<16xf32>,
    %get3A_2597 = vector.shape_cast %get3A_2596 : vector<16xf32> to vector<16xf32>
    %add3A_2598 = arith.addf %add3A_2594, %get3A_2597 : vector<16xf32>
    %get3A_2599 = arith.constant 10960 : index
    %get3A_2600 = tpu.vector_load %arg6[%get3A_2599] {strides = array<i32>} : memref<13312xf32, #tpu.memory_space<vmem>>, vector<16xf32>,
    %get3A_2601 = vector.shape_cast %get3A_2600 : vector<16xf32> to vector<16xf32>
    %add3A_2602 = arith.addf %add3A_2598, %get3A_2601 : vector<16xf32>
    %get3A_2603 = arith.constant 11472 : index
    %get3A_2604 = tpu.vector_load %arg6[%get3A_2603] {strides = array<i32>} : memref<13312xf32, #tpu.memory_space<vmem>>, vector<16xf32>,
    %get3A_2605 = vector.shape_cast %get3A_2604 : vector<16xf32> to vector<16xf32>
    %add3A_2606 = arith.addf %add3A_2602, %get3A_2605 : vector<16xf32>
    %get3A_2607 = arith.constant 11984 : index
    %get3A_2608 = tpu.vector_load %arg6[%get3A_2607] {strides = array<i32>} : memref<13312xf32, #tpu.memory_space<vmem>>, vector<16xf32>,
    %get3A_2609 = vector.shape_cast %get3A_2608 : vector<16xf32> to vector<16xf32>
    %add3A_2610 = arith.addf %add3A_2606, %get3A_2609 : vector<16xf32>
    %get3A_2611 = arith.constant 12496 : index
    %get3A_2612 = tpu.vector_load %arg6[%get3A_2611] {strides = array<i32>} : memref<13312xf32, #tpu.memory_space<vmem>>, vector<16xf32>,
    %get3A_2613 = vector.shape_cast %get3A_2612 : vector<16xf32> to vector<16xf32>
    %add3A_2614 = arith.addf %add3A_2610, %get3A_2613 : vector<16xf32>
    %get3A_2615 = arith.constant 13008 : index
    %get3A_2616 = tpu.vector_load %arg6[%get3A_2615] {strides = array<i32>} : memref<13312xf32, #tpu.memory_space<vmem>>, vector<16xf32>,
    %get3A_2617 = vector.shape_cast %get3A_2616 : vector<16xf32> to vector<16xf32>
    %add3A_2618 = arith.addf %add3A_2614, %get3A_2617 : vector<16xf32>
    %swap3A_2619 = arith.constant 208 : index
    %swap3A_2620 = tpu.vector_load %arg7[%swap3A_2619] {strides = array<i32>} : memref<512xf32, #tpu.memory_space<vmem>>, vector<16xf32>,
    %swap3A_2621 = vector.shape_cast %swap3A_2620 : vector<16xf32> to vector<16xf32>
    %swap3A_2622 = vector.shape_cast %add3A_2618 : vector<16xf32> to vector<16xf32>
    tpu.vector_store %arg7[%swap3A_2619], %swap3A_2622 {strides = array<i32>} : memref<512xf32, #tpu.memory_space<vmem>>, vector<16xf32>,
    %get3A_2623 = arith.constant 224 : index
    %get3A_2624 = tpu.vector_load %arg7[%get3A_2623] {strides = array<i32>} : memref<512xf32, #tpu.memory_space<vmem>>, vector<16xf32>,
    %get3A_2625 = vector.shape_cast %get3A_2624 : vector<16xf32> to vector<16xf32>
    %get3A_2626 = arith.constant 6880 : index
    %get3A_2627 = tpu.vector_load %arg6[%get3A_2626] {strides = array<i32>} : memref<13312xf32, #tpu.memory_space<vmem>>, vector<16xf32>,
    %get3A_2628 = vector.shape_cast %get3A_2627 : vector<16xf32> to vector<16xf32>
    %add3A_2629 = arith.addf %get3A_2625, %get3A_2628 : vector<16xf32>
    %get3A_2630 = arith.constant 7392 : index
    %get3A_2631 = tpu.vector_load %arg6[%get3A_2630] {strides = array<i32>} : memref<13312xf32, #tpu.memory_space<vmem>>, vector<16xf32>,
    %get3A_2632 = vector.shape_cast %get3A_2631 : vector<16xf32> to vector<16xf32>
    %add3A_2633 = arith.addf %add3A_2629, %get3A_2632 : vector<16xf32>
    %get3A_2634 = arith.constant 7904 : index
    %get3A_2635 = tpu.vector_load %arg6[%get3A_2634] {strides = array<i32>} : memref<13312xf32, #tpu.memory_space<vmem>>, vector<16xf32>,
    %get3A_2636 = vector.shape_cast %get3A_2635 : vector<16xf32> to vector<16xf32>
    %add3A_2637 = arith.addf %add3A_2633, %get3A_2636 : vector<16xf32>
    %get3A_2638 = arith.constant 8416 : index
    %get3A_2639 = tpu.vector_load %arg6[%get3A_2638] {strides = array<i32>} : memref<13312xf32, #tpu.memory_space<vmem>>, vector<16xf32>,
    %get3A_2640 = vector.shape_cast %get3A_2639 : vector<16xf32> to vector<16xf32>
    %add3A_2641 = arith.addf %add3A_2637, %get3A_2640 : vector<16xf32>
    %get3A_2642 = arith.constant 8928 : index
    %get3A_2643 = tpu.vector_load %arg6[%get3A_2642] {strides = array<i32>} : memref<13312xf32, #tpu.memory_space<vmem>>, vector<16xf32>,
    %get3A_2644 = vector.shape_cast %get3A_2643 : vector<16xf32> to vector<16xf32>
    %add3A_2645 = arith.addf %add3A_2641, %get3A_2644 : vector<16xf32>
    %get3A_2646 = arith.constant 9440 : index
    %get3A_2647 = tpu.vector_load %arg6[%get3A_2646] {strides = array<i32>} : memref<13312xf32, #tpu.memory_space<vmem>>, vector<16xf32>,
    %get3A_2648 = vector.shape_cast %get3A_2647 : vector<16xf32> to vector<16xf32>
    %add3A_2649 = arith.addf %add3A_2645, %get3A_2648 : vector<16xf32>
    %get3A_2650 = arith.constant 9952 : index
    %get3A_2651 = tpu.vector_load %arg6[%get3A_2650] {strides = array<i32>} : memref<13312xf32, #tpu.memory_space<vmem>>, vector<16xf32>,
    %get3A_2652 = vector.shape_cast %get3A_2651 : vector<16xf32> to vector<16xf32>
    %add3A_2653 = arith.addf %add3A_2649, %get3A_2652 : vector<16xf32>
    %get3A_2654 = arith.constant 10464 : index
    %get3A_2655 = tpu.vector_load %arg6[%get3A_2654] {strides = array<i32>} : memref<13312xf32, #tpu.memory_space<vmem>>, vector<16xf32>,
    %get3A_2656 = vector.shape_cast %get3A_2655 : vector<16xf32> to vector<16xf32>
    %add3A_2657 = arith.addf %add3A_2653, %get3A_2656 : vector<16xf32>
    %get3A_2658 = arith.constant 10976 : index
    %get3A_2659 = tpu.vector_load %arg6[%get3A_2658] {strides = array<i32>} : memref<13312xf32, #tpu.memory_space<vmem>>, vector<16xf32>,
    %get3A_2660 = vector.shape_cast %get3A_2659 : vector<16xf32> to vector<16xf32>
    %add3A_2661 = arith.addf %add3A_2657, %get3A_2660 : vector<16xf32>
    %get3A_2662 = arith.constant 11488 : index
    %get3A_2663 = tpu.vector_load %arg6[%get3A_2662] {strides = array<i32>} : memref<13312xf32, #tpu.memory_space<vmem>>, vector<16xf32>,
    %get3A_2664 = vector.shape_cast %get3A_2663 : vector<16xf32> to vector<16xf32>
    %add3A_2665 = arith.addf %add3A_2661, %get3A_2664 : vector<16xf32>
    %get3A_2666 = arith.constant 12000 : index
    %get3A_2667 = tpu.vector_load %arg6[%get3A_2666] {strides = array<i32>} : memref<13312xf32, #tpu.memory_space<vmem>>, vector<16xf32>,
    %get3A_2668 = vector.shape_cast %get3A_2667 : vector<16xf32> to vector<16xf32>
    %add3A_2669 = arith.addf %add3A_2665, %get3A_2668 : vector<16xf32>
    %get3A_2670 = arith.constant 12512 : index
    %get3A_2671 = tpu.vector_load %arg6[%get3A_2670] {strides = array<i32>} : memref<13312xf32, #tpu.memory_space<vmem>>, vector<16xf32>,
    %get3A_2672 = vector.shape_cast %get3A_2671 : vector<16xf32> to vector<16xf32>
    %add3A_2673 = arith.addf %add3A_2669, %get3A_2672 : vector<16xf32>
    %get3A_2674 = arith.constant 13024 : index
    %get3A_2675 = tpu.vector_load %arg6[%get3A_2674] {strides = array<i32>} : memref<13312xf32, #tpu.memory_space<vmem>>, vector<16xf32>,
    %get3A_2676 = vector.shape_cast %get3A_2675 : vector<16xf32> to vector<16xf32>
    %add3A_2677 = arith.addf %add3A_2673, %get3A_2676 : vector<16xf32>
    %swap3A_2678 = arith.constant 224 : index
    %swap3A_2679 = tpu.vector_load %arg7[%swap3A_2678] {strides = array<i32>} : memref<512xf32, #tpu.memory_space<vmem>>, vector<16xf32>,
    %swap3A_2680 = vector.shape_cast %swap3A_2679 : vector<16xf32> to vector<16xf32>
    %swap3A_2681 = vector.shape_cast %add3A_2677 : vector<16xf32> to vector<16xf32>
    tpu.vector_store %arg7[%swap3A_2678], %swap3A_2681 {strides = array<i32>} : memref<512xf32, #tpu.memory_space<vmem>>, vector<16xf32>,
    %get3A_2682 = arith.constant 240 : index
    %get3A_2683 = tpu.vector_load %arg7[%get3A_2682] {strides = array<i32>} : memref<512xf32, #tpu.memory_space<vmem>>, vector<16xf32>,
    %get3A_2684 = vector.shape_cast %get3A_2683 : vector<16xf32> to vector<16xf32>
    %get3A_2685 = arith.constant 6896 : index
    %get3A_2686 = tpu.vector_load %arg6[%get3A_2685] {strides = array<i32>} : memref<13312xf32, #tpu.memory_space<vmem>>, vector<16xf32>,
    %get3A_2687 = vector.shape_cast %get3A_2686 : vector<16xf32> to vector<16xf32>
    %add3A_2688 = arith.addf %get3A_2684, %get3A_2687 : vector<16xf32>
    %get3A_2689 = arith.constant 7408 : index
    %get3A_2690 = tpu.vector_load %arg6[%get3A_2689] {strides = array<i32>} : memref<13312xf32, #tpu.memory_space<vmem>>, vector<16xf32>,
    %get3A_2691 = vector.shape_cast %get3A_2690 : vector<16xf32> to vector<16xf32>
    %add3A_2692 = arith.addf %add3A_2688, %get3A_2691 : vector<16xf32>
    %get3A_2693 = arith.constant 7920 : index
    %get3A_2694 = tpu.vector_load %arg6[%get3A_2693] {strides = array<i32>} : memref<13312xf32, #tpu.memory_space<vmem>>, vector<16xf32>,
    %get3A_2695 = vector.shape_cast %get3A_2694 : vector<16xf32> to vector<16xf32>
    %add3A_2696 = arith.addf %add3A_2692, %get3A_2695 : vector<16xf32>
    %get3A_2697 = arith.constant 8432 : index
    %get3A_2698 = tpu.vector_load %arg6[%get3A_2697] {strides = array<i32>} : memref<13312xf32, #tpu.memory_space<vmem>>, vector<16xf32>,
    %get3A_2699 = vector.shape_cast %get3A_2698 : vector<16xf32> to vector<16xf32>
    %add3A_2700 = arith.addf %add3A_2696, %get3A_2699 : vector<16xf32>
    %get3A_2701 = arith.constant 8944 : index
    %get3A_2702 = tpu.vector_load %arg6[%get3A_2701] {strides = array<i32>} : memref<13312xf32, #tpu.memory_space<vmem>>, vector<16xf32>,
    %get3A_2703 = vector.shape_cast %get3A_2702 : vector<16xf32> to vector<16xf32>
    %add3A_2704 = arith.addf %add3A_2700, %get3A_2703 : vector<16xf32>
    %get3A_2705 = arith.constant 9456 : index
    %get3A_2706 = tpu.vector_load %arg6[%get3A_2705] {strides = array<i32>} : memref<13312xf32, #tpu.memory_space<vmem>>, vector<16xf32>,
    %get3A_2707 = vector.shape_cast %get3A_2706 : vector<16xf32> to vector<16xf32>
    %add3A_2708 = arith.addf %add3A_2704, %get3A_2707 : vector<16xf32>
    %get3A_2709 = arith.constant 9968 : index
    %get3A_2710 = tpu.vector_load %arg6[%get3A_2709] {strides = array<i32>} : memref<13312xf32, #tpu.memory_space<vmem>>, vector<16xf32>,
    %get3A_2711 = vector.shape_cast %get3A_2710 : vector<16xf32> to vector<16xf32>
    %add3A_2712 = arith.addf %add3A_2708, %get3A_2711 : vector<16xf32>
    %get3A_2713 = arith.constant 10480 : index
    %get3A_2714 = tpu.vector_load %arg6[%get3A_2713] {strides = array<i32>} : memref<13312xf32, #tpu.memory_space<vmem>>, vector<16xf32>,
    %get3A_2715 = vector.shape_cast %get3A_2714 : vector<16xf32> to vector<16xf32>
    %add3A_2716 = arith.addf %add3A_2712, %get3A_2715 : vector<16xf32>
    %get3A_2717 = arith.constant 10992 : index
    %get3A_2718 = tpu.vector_load %arg6[%get3A_2717] {strides = array<i32>} : memref<13312xf32, #tpu.memory_space<vmem>>, vector<16xf32>,
    %get3A_2719 = vector.shape_cast %get3A_2718 : vector<16xf32> to vector<16xf32>
    %add3A_2720 = arith.addf %add3A_2716, %get3A_2719 : vector<16xf32>
    %get3A_2721 = arith.constant 11504 : index
    %get3A_2722 = tpu.vector_load %arg6[%get3A_2721] {strides = array<i32>} : memref<13312xf32, #tpu.memory_space<vmem>>, vector<16xf32>,
    %get3A_2723 = vector.shape_cast %get3A_2722 : vector<16xf32> to vector<16xf32>
    %add3A_2724 = arith.addf %add3A_2720, %get3A_2723 : vector<16xf32>
    %get3A_2725 = arith.constant 12016 : index
    %get3A_2726 = tpu.vector_load %arg6[%get3A_2725] {strides = array<i32>} : memref<13312xf32, #tpu.memory_space<vmem>>, vector<16xf32>,
    %get3A_2727 = vector.shape_cast %get3A_2726 : vector<16xf32> to vector<16xf32>
    %add3A_2728 = arith.addf %add3A_2724, %get3A_2727 : vector<16xf32>
    %get3A_2729 = arith.constant 12528 : index
    %get3A_2730 = tpu.vector_load %arg6[%get3A_2729] {strides = array<i32>} : memref<13312xf32, #tpu.memory_space<vmem>>, vector<16xf32>,
    %get3A_2731 = vector.shape_cast %get3A_2730 : vector<16xf32> to vector<16xf32>
    %add3A_2732 = arith.addf %add3A_2728, %get3A_2731 : vector<16xf32>
    %get3A_2733 = arith.constant 13040 : index
    %get3A_2734 = tpu.vector_load %arg6[%get3A_2733] {strides = array<i32>} : memref<13312xf32, #tpu.memory_space<vmem>>, vector<16xf32>,
    %get3A_2735 = vector.shape_cast %get3A_2734 : vector<16xf32> to vector<16xf32>
    %add3A_2736 = arith.addf %add3A_2732, %get3A_2735 : vector<16xf32>
    %swap3A_2737 = arith.constant 240 : index
    %swap3A_2738 = tpu.vector_load %arg7[%swap3A_2737] {strides = array<i32>} : memref<512xf32, #tpu.memory_space<vmem>>, vector<16xf32>,
    %swap3A_2739 = vector.shape_cast %swap3A_2738 : vector<16xf32> to vector<16xf32>
    %swap3A_2740 = vector.shape_cast %add3A_2736 : vector<16xf32> to vector<16xf32>
    tpu.vector_store %arg7[%swap3A_2737], %swap3A_2740 {strides = array<i32>} : memref<512xf32, #tpu.memory_space<vmem>>, vector<16xf32>,
    %get3A_2741 = arith.constant 256 : index
    %get3A_2742 = tpu.vector_load %arg7[%get3A_2741] {strides = array<i32>} : memref<512xf32, #tpu.memory_space<vmem>>, vector<16xf32>,
    %get3A_2743 = vector.shape_cast %get3A_2742 : vector<16xf32> to vector<16xf32>
    %get3A_2744 = arith.constant 6912 : index
    %get3A_2745 = tpu.vector_load %arg6[%get3A_2744] {strides = array<i32>} : memref<13312xf32, #tpu.memory_space<vmem>>, vector<16xf32>,
    %get3A_2746 = vector.shape_cast %get3A_2745 : vector<16xf32> to vector<16xf32>
    %add3A_2747 = arith.addf %get3A_2743, %get3A_2746 : vector<16xf32>
    %get3A_2748 = arith.constant 7424 : index
    %get3A_2749 = tpu.vector_load %arg6[%get3A_2748] {strides = array<i32>} : memref<13312xf32, #tpu.memory_space<vmem>>, vector<16xf32>,
    %get3A_2750 = vector.shape_cast %get3A_2749 : vector<16xf32> to vector<16xf32>
    %add3A_2751 = arith.addf %add3A_2747, %get3A_2750 : vector<16xf32>
    %get3A_2752 = arith.constant 7936 : index
    %get3A_2753 = tpu.vector_load %arg6[%get3A_2752] {strides = array<i32>} : memref<13312xf32, #tpu.memory_space<vmem>>, vector<16xf32>,
    %get3A_2754 = vector.shape_cast %get3A_2753 : vector<16xf32> to vector<16xf32>
    %add3A_2755 = arith.addf %add3A_2751, %get3A_2754 : vector<16xf32>
    %get3A_2756 = arith.constant 8448 : index
    %get3A_2757 = tpu.vector_load %arg6[%get3A_2756] {strides = array<i32>} : memref<13312xf32, #tpu.memory_space<vmem>>, vector<16xf32>,
    %get3A_2758 = vector.shape_cast %get3A_2757 : vector<16xf32> to vector<16xf32>
    %add3A_2759 = arith.addf %add3A_2755, %get3A_2758 : vector<16xf32>
    %get3A_2760 = arith.constant 8960 : index
    %get3A_2761 = tpu.vector_load %arg6[%get3A_2760] {strides = array<i32>} : memref<13312xf32, #tpu.memory_space<vmem>>, vector<16xf32>,
    %get3A_2762 = vector.shape_cast %get3A_2761 : vector<16xf32> to vector<16xf32>
    %add3A_2763 = arith.addf %add3A_2759, %get3A_2762 : vector<16xf32>
    %get3A_2764 = arith.constant 9472 : index
    %get3A_2765 = tpu.vector_load %arg6[%get3A_2764] {strides = array<i32>} : memref<13312xf32, #tpu.memory_space<vmem>>, vector<16xf32>,
    %get3A_2766 = vector.shape_cast %get3A_2765 : vector<16xf32> to vector<16xf32>
    %add3A_2767 = arith.addf %add3A_2763, %get3A_2766 : vector<16xf32>
    %get3A_2768 = arith.constant 9984 : index
    %get3A_2769 = tpu.vector_load %arg6[%get3A_2768] {strides = array<i32>} : memref<13312xf32, #tpu.memory_space<vmem>>, vector<16xf32>,
    %get3A_2770 = vector.shape_cast %get3A_2769 : vector<16xf32> to vector<16xf32>
    %add3A_2771 = arith.addf %add3A_2767, %get3A_2770 : vector<16xf32>
    %get3A_2772 = arith.constant 10496 : index
    %get3A_2773 = tpu.vector_load %arg6[%get3A_2772] {strides = array<i32>} : memref<13312xf32, #tpu.memory_space<vmem>>, vector<16xf32>,
    %get3A_2774 = vector.shape_cast %get3A_2773 : vector<16xf32> to vector<16xf32>
    %add3A_2775 = arith.addf %add3A_2771, %get3A_2774 : vector<16xf32>
    %get3A_2776 = arith.constant 11008 : index
    %get3A_2777 = tpu.vector_load %arg6[%get3A_2776] {strides = array<i32>} : memref<13312xf32, #tpu.memory_space<vmem>>, vector<16xf32>,
    %get3A_2778 = vector.shape_cast %get3A_2777 : vector<16xf32> to vector<16xf32>
    %add3A_2779 = arith.addf %add3A_2775, %get3A_2778 : vector<16xf32>
    %get3A_2780 = arith.constant 11520 : index
    %get3A_2781 = tpu.vector_load %arg6[%get3A_2780] {strides = array<i32>} : memref<13312xf32, #tpu.memory_space<vmem>>, vector<16xf32>,
    %get3A_2782 = vector.shape_cast %get3A_2781 : vector<16xf32> to vector<16xf32>
    %add3A_2783 = arith.addf %add3A_2779, %get3A_2782 : vector<16xf32>
    %get3A_2784 = arith.constant 12032 : index
    %get3A_2785 = tpu.vector_load %arg6[%get3A_2784] {strides = array<i32>} : memref<13312xf32, #tpu.memory_space<vmem>>, vector<16xf32>,
    %get3A_2786 = vector.shape_cast %get3A_2785 : vector<16xf32> to vector<16xf32>
    %add3A_2787 = arith.addf %add3A_2783, %get3A_2786 : vector<16xf32>
    %get3A_2788 = arith.constant 12544 : index
    %get3A_2789 = tpu.vector_load %arg6[%get3A_2788] {strides = array<i32>} : memref<13312xf32, #tpu.memory_space<vmem>>, vector<16xf32>,
    %get3A_2790 = vector.shape_cast %get3A_2789 : vector<16xf32> to vector<16xf32>
    %add3A_2791 = arith.addf %add3A_2787, %get3A_2790 : vector<16xf32>
    %get3A_2792 = arith.constant 13056 : index
    %get3A_2793 = tpu.vector_load %arg6[%get3A_2792] {strides = array<i32>} : memref<13312xf32, #tpu.memory_space<vmem>>, vector<16xf32>,
    %get3A_2794 = vector.shape_cast %get3A_2793 : vector<16xf32> to vector<16xf32>
    %add3A_2795 = arith.addf %add3A_2791, %get3A_2794 : vector<16xf32>
    %swap3A_2796 = arith.constant 256 : index
    %swap3A_2797 = tpu.vector_load %arg7[%swap3A_2796] {strides = array<i32>} : memref<512xf32, #tpu.memory_space<vmem>>, vector<16xf32>,
    %swap3A_2798 = vector.shape_cast %swap3A_2797 : vector<16xf32> to vector<16xf32>
    %swap3A_2799 = vector.shape_cast %add3A_2795 : vector<16xf32> to vector<16xf32>
    tpu.vector_store %arg7[%swap3A_2796], %swap3A_2799 {strides = array<i32>} : memref<512xf32, #tpu.memory_space<vmem>>, vector<16xf32>,
    %get3A_2800 = arith.constant 272 : index
    %get3A_2801 = tpu.vector_load %arg7[%get3A_2800] {strides = array<i32>} : memref<512xf32, #tpu.memory_space<vmem>>, vector<16xf32>,
    %get3A_2802 = vector.shape_cast %get3A_2801 : vector<16xf32> to vector<16xf32>
    %get3A_2803 = arith.constant 6928 : index
    %get3A_2804 = tpu.vector_load %arg6[%get3A_2803] {strides = array<i32>} : memref<13312xf32, #tpu.memory_space<vmem>>, vector<16xf32>,
    %get3A_2805 = vector.shape_cast %get3A_2804 : vector<16xf32> to vector<16xf32>
    %add3A_2806 = arith.addf %get3A_2802, %get3A_2805 : vector<16xf32>
    %get3A_2807 = arith.constant 7440 : index
    %get3A_2808 = tpu.vector_load %arg6[%get3A_2807] {strides = array<i32>} : memref<13312xf32, #tpu.memory_space<vmem>>, vector<16xf32>,
    %get3A_2809 = vector.shape_cast %get3A_2808 : vector<16xf32> to vector<16xf32>
    %add3A_2810 = arith.addf %add3A_2806, %get3A_2809 : vector<16xf32>
    %get3A_2811 = arith.constant 7952 : index
    %get3A_2812 = tpu.vector_load %arg6[%get3A_2811] {strides = array<i32>} : memref<13312xf32, #tpu.memory_space<vmem>>, vector<16xf32>,
    %get3A_2813 = vector.shape_cast %get3A_2812 : vector<16xf32> to vector<16xf32>
    %add3A_2814 = arith.addf %add3A_2810, %get3A_2813 : vector<16xf32>
    %get3A_2815 = arith.constant 8464 : index
    %get3A_2816 = tpu.vector_load %arg6[%get3A_2815] {strides = array<i32>} : memref<13312xf32, #tpu.memory_space<vmem>>, vector<16xf32>,
    %get3A_2817 = vector.shape_cast %get3A_2816 : vector<16xf32> to vector<16xf32>
    %add3A_2818 = arith.addf %add3A_2814, %get3A_2817 : vector<16xf32>
    %get3A_2819 = arith.constant 8976 : index
    %get3A_2820 = tpu.vector_load %arg6[%get3A_2819] {strides = array<i32>} : memref<13312xf32, #tpu.memory_space<vmem>>, vector<16xf32>,
    %get3A_2821 = vector.shape_cast %get3A_2820 : vector<16xf32> to vector<16xf32>
    %add3A_2822 = arith.addf %add3A_2818, %get3A_2821 : vector<16xf32>
    %get3A_2823 = arith.constant 9488 : index
    %get3A_2824 = tpu.vector_load %arg6[%get3A_2823] {strides = array<i32>} : memref<13312xf32, #tpu.memory_space<vmem>>, vector<16xf32>,
    %get3A_2825 = vector.shape_cast %get3A_2824 : vector<16xf32> to vector<16xf32>
    %add3A_2826 = arith.addf %add3A_2822, %get3A_2825 : vector<16xf32>
    %get3A_2827 = arith.constant 10000 : index
    %get3A_2828 = tpu.vector_load %arg6[%get3A_2827] {strides = array<i32>} : memref<13312xf32, #tpu.memory_space<vmem>>, vector<16xf32>,
    %get3A_2829 = vector.shape_cast %get3A_2828 : vector<16xf32> to vector<16xf32>
    %add3A_2830 = arith.addf %add3A_2826, %get3A_2829 : vector<16xf32>
    %get3A_2831 = arith.constant 10512 : index
    %get3A_2832 = tpu.vector_load %arg6[%get3A_2831] {strides = array<i32>} : memref<13312xf32, #tpu.memory_space<vmem>>, vector<16xf32>,
    %get3A_2833 = vector.shape_cast %get3A_2832 : vector<16xf32> to vector<16xf32>
    %add3A_2834 = arith.addf %add3A_2830, %get3A_2833 : vector<16xf32>
    %get3A_2835 = arith.constant 11024 : index
    %get3A_2836 = tpu.vector_load %arg6[%get3A_2835] {strides = array<i32>} : memref<13312xf32, #tpu.memory_space<vmem>>, vector<16xf32>,
    %get3A_2837 = vector.shape_cast %get3A_2836 : vector<16xf32> to vector<16xf32>
    %add3A_2838 = arith.addf %add3A_2834, %get3A_2837 : vector<16xf32>
    %get3A_2839 = arith.constant 11536 : index
    %get3A_2840 = tpu.vector_load %arg6[%get3A_2839] {strides = array<i32>} : memref<13312xf32, #tpu.memory_space<vmem>>, vector<16xf32>,
    %get3A_2841 = vector.shape_cast %get3A_2840 : vector<16xf32> to vector<16xf32>
    %add3A_2842 = arith.addf %add3A_2838, %get3A_2841 : vector<16xf32>
    %get3A_2843 = arith.constant 12048 : index
    %get3A_2844 = tpu.vector_load %arg6[%get3A_2843] {strides = array<i32>} : memref<13312xf32, #tpu.memory_space<vmem>>, vector<16xf32>,
    %get3A_2845 = vector.shape_cast %get3A_2844 : vector<16xf32> to vector<16xf32>
    %add3A_2846 = arith.addf %add3A_2842, %get3A_2845 : vector<16xf32>
    %get3A_2847 = arith.constant 12560 : index
    %get3A_2848 = tpu.vector_load %arg6[%get3A_2847] {strides = array<i32>} : memref<13312xf32, #tpu.memory_space<vmem>>, vector<16xf32>,
    %get3A_2849 = vector.shape_cast %get3A_2848 : vector<16xf32> to vector<16xf32>
    %add3A_2850 = arith.addf %add3A_2846, %get3A_2849 : vector<16xf32>
    %get3A_2851 = arith.constant 13072 : index
    %get3A_2852 = tpu.vector_load %arg6[%get3A_2851] {strides = array<i32>} : memref<13312xf32, #tpu.memory_space<vmem>>, vector<16xf32>,
    %get3A_2853 = vector.shape_cast %get3A_2852 : vector<16xf32> to vector<16xf32>
    %add3A_2854 = arith.addf %add3A_2850, %get3A_2853 : vector<16xf32>
    %swap3A_2855 = arith.constant 272 : index
    %swap3A_2856 = tpu.vector_load %arg7[%swap3A_2855] {strides = array<i32>} : memref<512xf32, #tpu.memory_space<vmem>>, vector<16xf32>,
    %swap3A_2857 = vector.shape_cast %swap3A_2856 : vector<16xf32> to vector<16xf32>
    %swap3A_2858 = vector.shape_cast %add3A_2854 : vector<16xf32> to vector<16xf32>
    tpu.vector_store %arg7[%swap3A_2855], %swap3A_2858 {strides = array<i32>} : memref<512xf32, #tpu.memory_space<vmem>>, vector<16xf32>,
    %get3A_2859 = arith.constant 288 : index
    %get3A_2860 = tpu.vector_load %arg7[%get3A_2859] {strides = array<i32>} : memref<512xf32, #tpu.memory_space<vmem>>, vector<16xf32>,
    %get3A_2861 = vector.shape_cast %get3A_2860 : vector<16xf32> to vector<16xf32>
    %get3A_2862 = arith.constant 6944 : index
    %get3A_2863 = tpu.vector_load %arg6[%get3A_2862] {strides = array<i32>} : memref<13312xf32, #tpu.memory_space<vmem>>, vector<16xf32>,
    %get3A_2864 = vector.shape_cast %get3A_2863 : vector<16xf32> to vector<16xf32>
    %add3A_2865 = arith.addf %get3A_2861, %get3A_2864 : vector<16xf32>
    %get3A_2866 = arith.constant 7456 : index
    %get3A_2867 = tpu.vector_load %arg6[%get3A_2866] {strides = array<i32>} : memref<13312xf32, #tpu.memory_space<vmem>>, vector<16xf32>,
    %get3A_2868 = vector.shape_cast %get3A_2867 : vector<16xf32> to vector<16xf32>
    %add3A_2869 = arith.addf %add3A_2865, %get3A_2868 : vector<16xf32>
    %get3A_2870 = arith.constant 7968 : index
    %get3A_2871 = tpu.vector_load %arg6[%get3A_2870] {strides = array<i32>} : memref<13312xf32, #tpu.memory_space<vmem>>, vector<16xf32>,
    %get3A_2872 = vector.shape_cast %get3A_2871 : vector<16xf32> to vector<16xf32>
    %add3A_2873 = arith.addf %add3A_2869, %get3A_2872 : vector<16xf32>
    %get3A_2874 = arith.constant 8480 : index
    %get3A_2875 = tpu.vector_load %arg6[%get3A_2874] {strides = array<i32>} : memref<13312xf32, #tpu.memory_space<vmem>>, vector<16xf32>,
    %get3A_2876 = vector.shape_cast %get3A_2875 : vector<16xf32> to vector<16xf32>
    %add3A_2877 = arith.addf %add3A_2873, %get3A_2876 : vector<16xf32>
    %get3A_2878 = arith.constant 8992 : index
    %get3A_2879 = tpu.vector_load %arg6[%get3A_2878] {strides = array<i32>} : memref<13312xf32, #tpu.memory_space<vmem>>, vector<16xf32>,
    %get3A_2880 = vector.shape_cast %get3A_2879 : vector<16xf32> to vector<16xf32>
    %add3A_2881 = arith.addf %add3A_2877, %get3A_2880 : vector<16xf32>
    %get3A_2882 = arith.constant 9504 : index
    %get3A_2883 = tpu.vector_load %arg6[%get3A_2882] {strides = array<i32>} : memref<13312xf32, #tpu.memory_space<vmem>>, vector<16xf32>,
    %get3A_2884 = vector.shape_cast %get3A_2883 : vector<16xf32> to vector<16xf32>
    %add3A_2885 = arith.addf %add3A_2881, %get3A_2884 : vector<16xf32>
    %get3A_2886 = arith.constant 10016 : index
    %get3A_2887 = tpu.vector_load %arg6[%get3A_2886] {strides = array<i32>} : memref<13312xf32, #tpu.memory_space<vmem>>, vector<16xf32>,
    %get3A_2888 = vector.shape_cast %get3A_2887 : vector<16xf32> to vector<16xf32>
    %add3A_2889 = arith.addf %add3A_2885, %get3A_2888 : vector<16xf32>
    %get3A_2890 = arith.constant 10528 : index
    %get3A_2891 = tpu.vector_load %arg6[%get3A_2890] {strides = array<i32>} : memref<13312xf32, #tpu.memory_space<vmem>>, vector<16xf32>,
    %get3A_2892 = vector.shape_cast %get3A_2891 : vector<16xf32> to vector<16xf32>
    %add3A_2893 = arith.addf %add3A_2889, %get3A_2892 : vector<16xf32>
    %get3A_2894 = arith.constant 11040 : index
    %get3A_2895 = tpu.vector_load %arg6[%get3A_2894] {strides = array<i32>} : memref<13312xf32, #tpu.memory_space<vmem>>, vector<16xf32>,
    %get3A_2896 = vector.shape_cast %get3A_2895 : vector<16xf32> to vector<16xf32>
    %add3A_2897 = arith.addf %add3A_2893, %get3A_2896 : vector<16xf32>
    %get3A_2898 = arith.constant 11552 : index
    %get3A_2899 = tpu.vector_load %arg6[%get3A_2898] {strides = array<i32>} : memref<13312xf32, #tpu.memory_space<vmem>>, vector<16xf32>,
    %get3A_2900 = vector.shape_cast %get3A_2899 : vector<16xf32> to vector<16xf32>
    %add3A_2901 = arith.addf %add3A_2897, %get3A_2900 : vector<16xf32>
    %get3A_2902 = arith.constant 12064 : index
    %get3A_2903 = tpu.vector_load %arg6[%get3A_2902] {strides = array<i32>} : memref<13312xf32, #tpu.memory_space<vmem>>, vector<16xf32>,
    %get3A_2904 = vector.shape_cast %get3A_2903 : vector<16xf32> to vector<16xf32>
    %add3A_2905 = arith.addf %add3A_2901, %get3A_2904 : vector<16xf32>
    %get3A_2906 = arith.constant 12576 : index
    %get3A_2907 = tpu.vector_load %arg6[%get3A_2906] {strides = array<i32>} : memref<13312xf32, #tpu.memory_space<vmem>>, vector<16xf32>,
    %get3A_2908 = vector.shape_cast %get3A_2907 : vector<16xf32> to vector<16xf32>
    %add3A_2909 = arith.addf %add3A_2905, %get3A_2908 : vector<16xf32>
    %get3A_2910 = arith.constant 13088 : index
    %get3A_2911 = tpu.vector_load %arg6[%get3A_2910] {strides = array<i32>} : memref<13312xf32, #tpu.memory_space<vmem>>, vector<16xf32>,
    %get3A_2912 = vector.shape_cast %get3A_2911 : vector<16xf32> to vector<16xf32>
    %add3A_2913 = arith.addf %add3A_2909, %get3A_2912 : vector<16xf32>
    %swap3A_2914 = arith.constant 288 : index
    %swap3A_2915 = tpu.vector_load %arg7[%swap3A_2914] {strides = array<i32>} : memref<512xf32, #tpu.memory_space<vmem>>, vector<16xf32>,
    %swap3A_2916 = vector.shape_cast %swap3A_2915 : vector<16xf32> to vector<16xf32>
    %swap3A_2917 = vector.shape_cast %add3A_2913 : vector<16xf32> to vector<16xf32>
    tpu.vector_store %arg7[%swap3A_2914], %swap3A_2917 {strides = array<i32>} : memref<512xf32, #tpu.memory_space<vmem>>, vector<16xf32>,
    %get3A_2918 = arith.constant 304 : index
    %get3A_2919 = tpu.vector_load %arg7[%get3A_2918] {strides = array<i32>} : memref<512xf32, #tpu.memory_space<vmem>>, vector<16xf32>,
    %get3A_2920 = vector.shape_cast %get3A_2919 : vector<16xf32> to vector<16xf32>
    %get3A_2921 = arith.constant 6960 : index
    %get3A_2922 = tpu.vector_load %arg6[%get3A_2921] {strides = array<i32>} : memref<13312xf32, #tpu.memory_space<vmem>>, vector<16xf32>,
    %get3A_2923 = vector.shape_cast %get3A_2922 : vector<16xf32> to vector<16xf32>
    %add3A_2924 = arith.addf %get3A_2920, %get3A_2923 : vector<16xf32>
    %get3A_2925 = arith.constant 7472 : index
    %get3A_2926 = tpu.vector_load %arg6[%get3A_2925] {strides = array<i32>} : memref<13312xf32, #tpu.memory_space<vmem>>, vector<16xf32>,
    %get3A_2927 = vector.shape_cast %get3A_2926 : vector<16xf32> to vector<16xf32>
    %add3A_2928 = arith.addf %add3A_2924, %get3A_2927 : vector<16xf32>
    %get3A_2929 = arith.constant 7984 : index
    %get3A_2930 = tpu.vector_load %arg6[%get3A_2929] {strides = array<i32>} : memref<13312xf32, #tpu.memory_space<vmem>>, vector<16xf32>,
    %get3A_2931 = vector.shape_cast %get3A_2930 : vector<16xf32> to vector<16xf32>
    %add3A_2932 = arith.addf %add3A_2928, %get3A_2931 : vector<16xf32>
    %get3A_2933 = arith.constant 8496 : index
    %get3A_2934 = tpu.vector_load %arg6[%get3A_2933] {strides = array<i32>} : memref<13312xf32, #tpu.memory_space<vmem>>, vector<16xf32>,
    %get3A_2935 = vector.shape_cast %get3A_2934 : vector<16xf32> to vector<16xf32>
    %add3A_2936 = arith.addf %add3A_2932, %get3A_2935 : vector<16xf32>
    %get3A_2937 = arith.constant 9008 : index
    %get3A_2938 = tpu.vector_load %arg6[%get3A_2937] {strides = array<i32>} : memref<13312xf32, #tpu.memory_space<vmem>>, vector<16xf32>,
    %get3A_2939 = vector.shape_cast %get3A_2938 : vector<16xf32> to vector<16xf32>
    %add3A_2940 = arith.addf %add3A_2936, %get3A_2939 : vector<16xf32>
    %get3A_2941 = arith.constant 9520 : index
    %get3A_2942 = tpu.vector_load %arg6[%get3A_2941] {strides = array<i32>} : memref<13312xf32, #tpu.memory_space<vmem>>, vector<16xf32>,
    %get3A_2943 = vector.shape_cast %get3A_2942 : vector<16xf32> to vector<16xf32>
    %add3A_2944 = arith.addf %add3A_2940, %get3A_2943 : vector<16xf32>
    %get3A_2945 = arith.constant 10032 : index
    %get3A_2946 = tpu.vector_load %arg6[%get3A_2945] {strides = array<i32>} : memref<13312xf32, #tpu.memory_space<vmem>>, vector<16xf32>,
    %get3A_2947 = vector.shape_cast %get3A_2946 : vector<16xf32> to vector<16xf32>
    %add3A_2948 = arith.addf %add3A_2944, %get3A_2947 : vector<16xf32>
    %get3A_2949 = arith.constant 10544 : index
    %get3A_2950 = tpu.vector_load %arg6[%get3A_2949] {strides = array<i32>} : memref<13312xf32, #tpu.memory_space<vmem>>, vector<16xf32>,
    %get3A_2951 = vector.shape_cast %get3A_2950 : vector<16xf32> to vector<16xf32>
    %add3A_2952 = arith.addf %add3A_2948, %get3A_2951 : vector<16xf32>
    %get3A_2953 = arith.constant 11056 : index
    %get3A_2954 = tpu.vector_load %arg6[%get3A_2953] {strides = array<i32>} : memref<13312xf32, #tpu.memory_space<vmem>>, vector<16xf32>,
    %get3A_2955 = vector.shape_cast %get3A_2954 : vector<16xf32> to vector<16xf32>
    %add3A_2956 = arith.addf %add3A_2952, %get3A_2955 : vector<16xf32>
    %get3A_2957 = arith.constant 11568 : index
    %get3A_2958 = tpu.vector_load %arg6[%get3A_2957] {strides = array<i32>} : memref<13312xf32, #tpu.memory_space<vmem>>, vector<16xf32>,
    %get3A_2959 = vector.shape_cast %get3A_2958 : vector<16xf32> to vector<16xf32>
    %add3A_2960 = arith.addf %add3A_2956, %get3A_2959 : vector<16xf32>
    %get3A_2961 = arith.constant 12080 : index
    %get3A_2962 = tpu.vector_load %arg6[%get3A_2961] {strides = array<i32>} : memref<13312xf32, #tpu.memory_space<vmem>>, vector<16xf32>,
    %get3A_2963 = vector.shape_cast %get3A_2962 : vector<16xf32> to vector<16xf32>
    %add3A_2964 = arith.addf %add3A_2960, %get3A_2963 : vector<16xf32>
    %get3A_2965 = arith.constant 12592 : index
    %get3A_2966 = tpu.vector_load %arg6[%get3A_2965] {strides = array<i32>} : memref<13312xf32, #tpu.memory_space<vmem>>, vector<16xf32>,
    %get3A_2967 = vector.shape_cast %get3A_2966 : vector<16xf32> to vector<16xf32>
    %add3A_2968 = arith.addf %add3A_2964, %get3A_2967 : vector<16xf32>
    %get3A_2969 = arith.constant 13104 : index
    %get3A_2970 = tpu.vector_load %arg6[%get3A_2969] {strides = array<i32>} : memref<13312xf32, #tpu.memory_space<vmem>>, vector<16xf32>,
    %get3A_2971 = vector.shape_cast %get3A_2970 : vector<16xf32> to vector<16xf32>
    %add3A_2972 = arith.addf %add3A_2968, %get3A_2971 : vector<16xf32>
    %swap3A_2973 = arith.constant 304 : index
    %swap3A_2974 = tpu.vector_load %arg7[%swap3A_2973] {strides = array<i32>} : memref<512xf32, #tpu.memory_space<vmem>>, vector<16xf32>,
    %swap3A_2975 = vector.shape_cast %swap3A_2974 : vector<16xf32> to vector<16xf32>
    %swap3A_2976 = vector.shape_cast %add3A_2972 : vector<16xf32> to vector<16xf32>
    tpu.vector_store %arg7[%swap3A_2973], %swap3A_2976 {strides = array<i32>} : memref<512xf32, #tpu.memory_space<vmem>>, vector<16xf32>,
    %get3A_2977 = arith.constant 320 : index
    %get3A_2978 = tpu.vector_load %arg7[%get3A_2977] {strides = array<i32>} : memref<512xf32, #tpu.memory_space<vmem>>, vector<16xf32>,
    %get3A_2979 = vector.shape_cast %get3A_2978 : vector<16xf32> to vector<16xf32>
    %get3A_2980 = arith.constant 6976 : index
    %get3A_2981 = tpu.vector_load %arg6[%get3A_2980] {strides = array<i32>} : memref<13312xf32, #tpu.memory_space<vmem>>, vector<16xf32>,
    %get3A_2982 = vector.shape_cast %get3A_2981 : vector<16xf32> to vector<16xf32>
    %add3A_2983 = arith.addf %get3A_2979, %get3A_2982 : vector<16xf32>
    %get3A_2984 = arith.constant 7488 : index
    %get3A_2985 = tpu.vector_load %arg6[%get3A_2984] {strides = array<i32>} : memref<13312xf32, #tpu.memory_space<vmem>>, vector<16xf32>,
    %get3A_2986 = vector.shape_cast %get3A_2985 : vector<16xf32> to vector<16xf32>
    %add3A_2987 = arith.addf %add3A_2983, %get3A_2986 : vector<16xf32>
    %get3A_2988 = arith.constant 8000 : index
    %get3A_2989 = tpu.vector_load %arg6[%get3A_2988] {strides = array<i32>} : memref<13312xf32, #tpu.memory_space<vmem>>, vector<16xf32>,
    %get3A_2990 = vector.shape_cast %get3A_2989 : vector<16xf32> to vector<16xf32>
    %add3A_2991 = arith.addf %add3A_2987, %get3A_2990 : vector<16xf32>
    %get3A_2992 = arith.constant 8512 : index
    %get3A_2993 = tpu.vector_load %arg6[%get3A_2992] {strides = array<i32>} : memref<13312xf32, #tpu.memory_space<vmem>>, vector<16xf32>,
    %get3A_2994 = vector.shape_cast %get3A_2993 : vector<16xf32> to vector<16xf32>
    %add3A_2995 = arith.addf %add3A_2991, %get3A_2994 : vector<16xf32>
    %get3A_2996 = arith.constant 9024 : index
    %get3A_2997 = tpu.vector_load %arg6[%get3A_2996] {strides = array<i32>} : memref<13312xf32, #tpu.memory_space<vmem>>, vector<16xf32>,
    %get3A_2998 = vector.shape_cast %get3A_2997 : vector<16xf32> to vector<16xf32>
    %add3A_2999 = arith.addf %add3A_2995, %get3A_2998 : vector<16xf32>
    %get3A_3000 = arith.constant 9536 : index
    %get3A_3001 = tpu.vector_load %arg6[%get3A_3000] {strides = array<i32>} : memref<13312xf32, #tpu.memory_space<vmem>>, vector<16xf32>,
    %get3A_3002 = vector.shape_cast %get3A_3001 : vector<16xf32> to vector<16xf32>
    %add3A_3003 = arith.addf %add3A_2999, %get3A_3002 : vector<16xf32>
    %get3A_3004 = arith.constant 10048 : index
    %get3A_3005 = tpu.vector_load %arg6[%get3A_3004] {strides = array<i32>} : memref<13312xf32, #tpu.memory_space<vmem>>, vector<16xf32>,
    %get3A_3006 = vector.shape_cast %get3A_3005 : vector<16xf32> to vector<16xf32>
    %add3A_3007 = arith.addf %add3A_3003, %get3A_3006 : vector<16xf32>
    %get3A_3008 = arith.constant 10560 : index
    %get3A_3009 = tpu.vector_load %arg6[%get3A_3008] {strides = array<i32>} : memref<13312xf32, #tpu.memory_space<vmem>>, vector<16xf32>,
    %get3A_3010 = vector.shape_cast %get3A_3009 : vector<16xf32> to vector<16xf32>
    %add3A_3011 = arith.addf %add3A_3007, %get3A_3010 : vector<16xf32>
    %get3A_3012 = arith.constant 11072 : index
    %get3A_3013 = tpu.vector_load %arg6[%get3A_3012] {strides = array<i32>} : memref<13312xf32, #tpu.memory_space<vmem>>, vector<16xf32>,
    %get3A_3014 = vector.shape_cast %get3A_3013 : vector<16xf32> to vector<16xf32>
    %add3A_3015 = arith.addf %add3A_3011, %get3A_3014 : vector<16xf32>
    %get3A_3016 = arith.constant 11584 : index
    %get3A_3017 = tpu.vector_load %arg6[%get3A_3016] {strides = array<i32>} : memref<13312xf32, #tpu.memory_space<vmem>>, vector<16xf32>,
    %get3A_3018 = vector.shape_cast %get3A_3017 : vector<16xf32> to vector<16xf32>
    %add3A_3019 = arith.addf %add3A_3015, %get3A_3018 : vector<16xf32>
    %get3A_3020 = arith.constant 12096 : index
    %get3A_3021 = tpu.vector_load %arg6[%get3A_3020] {strides = array<i32>} : memref<13312xf32, #tpu.memory_space<vmem>>, vector<16xf32>,
    %get3A_3022 = vector.shape_cast %get3A_3021 : vector<16xf32> to vector<16xf32>
    %add3A_3023 = arith.addf %add3A_3019, %get3A_3022 : vector<16xf32>
    %get3A_3024 = arith.constant 12608 : index
    %get3A_3025 = tpu.vector_load %arg6[%get3A_3024] {strides = array<i32>} : memref<13312xf32, #tpu.memory_space<vmem>>, vector<16xf32>,
    %get3A_3026 = vector.shape_cast %get3A_3025 : vector<16xf32> to vector<16xf32>
    %add3A_3027 = arith.addf %add3A_3023, %get3A_3026 : vector<16xf32>
    %get3A_3028 = arith.constant 13120 : index
    %get3A_3029 = tpu.vector_load %arg6[%get3A_3028] {strides = array<i32>} : memref<13312xf32, #tpu.memory_space<vmem>>, vector<16xf32>,
    %get3A_3030 = vector.shape_cast %get3A_3029 : vector<16xf32> to vector<16xf32>
    %add3A_3031 = arith.addf %add3A_3027, %get3A_3030 : vector<16xf32>
    %swap3A_3032 = arith.constant 320 : index
    %swap3A_3033 = tpu.vector_load %arg7[%swap3A_3032] {strides = array<i32>} : memref<512xf32, #tpu.memory_space<vmem>>, vector<16xf32>,
    %swap3A_3034 = vector.shape_cast %swap3A_3033 : vector<16xf32> to vector<16xf32>
    %swap3A_3035 = vector.shape_cast %add3A_3031 : vector<16xf32> to vector<16xf32>
    tpu.vector_store %arg7[%swap3A_3032], %swap3A_3035 {strides = array<i32>} : memref<512xf32, #tpu.memory_space<vmem>>, vector<16xf32>,
    %get3A_3036 = arith.constant 336 : index
    %get3A_3037 = tpu.vector_load %arg7[%get3A_3036] {strides = array<i32>} : memref<512xf32, #tpu.memory_space<vmem>>, vector<16xf32>,
    %get3A_3038 = vector.shape_cast %get3A_3037 : vector<16xf32> to vector<16xf32>
    %get3A_3039 = arith.constant 6992 : index
    %get3A_3040 = tpu.vector_load %arg6[%get3A_3039] {strides = array<i32>} : memref<13312xf32, #tpu.memory_space<vmem>>, vector<16xf32>,
    %get3A_3041 = vector.shape_cast %get3A_3040 : vector<16xf32> to vector<16xf32>
    %add3A_3042 = arith.addf %get3A_3038, %get3A_3041 : vector<16xf32>
    %get3A_3043 = arith.constant 7504 : index
    %get3A_3044 = tpu.vector_load %arg6[%get3A_3043] {strides = array<i32>} : memref<13312xf32, #tpu.memory_space<vmem>>, vector<16xf32>,
    %get3A_3045 = vector.shape_cast %get3A_3044 : vector<16xf32> to vector<16xf32>
    %add3A_3046 = arith.addf %add3A_3042, %get3A_3045 : vector<16xf32>
    %get3A_3047 = arith.constant 8016 : index
    %get3A_3048 = tpu.vector_load %arg6[%get3A_3047] {strides = array<i32>} : memref<13312xf32, #tpu.memory_space<vmem>>, vector<16xf32>,
    %get3A_3049 = vector.shape_cast %get3A_3048 : vector<16xf32> to vector<16xf32>
    %add3A_3050 = arith.addf %add3A_3046, %get3A_3049 : vector<16xf32>
    %get3A_3051 = arith.constant 8528 : index
    %get3A_3052 = tpu.vector_load %arg6[%get3A_3051] {strides = array<i32>} : memref<13312xf32, #tpu.memory_space<vmem>>, vector<16xf32>,
    %get3A_3053 = vector.shape_cast %get3A_3052 : vector<16xf32> to vector<16xf32>
    %add3A_3054 = arith.addf %add3A_3050, %get3A_3053 : vector<16xf32>
    %get3A_3055 = arith.constant 9040 : index
    %get3A_3056 = tpu.vector_load %arg6[%get3A_3055] {strides = array<i32>} : memref<13312xf32, #tpu.memory_space<vmem>>, vector<16xf32>,
    %get3A_3057 = vector.shape_cast %get3A_3056 : vector<16xf32> to vector<16xf32>
    %add3A_3058 = arith.addf %add3A_3054, %get3A_3057 : vector<16xf32>
    %get3A_3059 = arith.constant 9552 : index
    %get3A_3060 = tpu.vector_load %arg6[%get3A_3059] {strides = array<i32>} : memref<13312xf32, #tpu.memory_space<vmem>>, vector<16xf32>,
    %get3A_3061 = vector.shape_cast %get3A_3060 : vector<16xf32> to vector<16xf32>
    %add3A_3062 = arith.addf %add3A_3058, %get3A_3061 : vector<16xf32>
    %get3A_3063 = arith.constant 10064 : index
    %get3A_3064 = tpu.vector_load %arg6[%get3A_3063] {strides = array<i32>} : memref<13312xf32, #tpu.memory_space<vmem>>, vector<16xf32>,
    %get3A_3065 = vector.shape_cast %get3A_3064 : vector<16xf32> to vector<16xf32>
    %add3A_3066 = arith.addf %add3A_3062, %get3A_3065 : vector<16xf32>
    %get3A_3067 = arith.constant 10576 : index
    %get3A_3068 = tpu.vector_load %arg6[%get3A_3067] {strides = array<i32>} : memref<13312xf32, #tpu.memory_space<vmem>>, vector<16xf32>,
    %get3A_3069 = vector.shape_cast %get3A_3068 : vector<16xf32> to vector<16xf32>
    %add3A_3070 = arith.addf %add3A_3066, %get3A_3069 : vector<16xf32>
    %get3A_3071 = arith.constant 11088 : index
    %get3A_3072 = tpu.vector_load %arg6[%get3A_3071] {strides = array<i32>} : memref<13312xf32, #tpu.memory_space<vmem>>, vector<16xf32>,
    %get3A_3073 = vector.shape_cast %get3A_3072 : vector<16xf32> to vector<16xf32>
    %add3A_3074 = arith.addf %add3A_3070, %get3A_3073 : vector<16xf32>
    %get3A_3075 = arith.constant 11600 : index
    %get3A_3076 = tpu.vector_load %arg6[%get3A_3075] {strides = array<i32>} : memref<13312xf32, #tpu.memory_space<vmem>>, vector<16xf32>,
    %get3A_3077 = vector.shape_cast %get3A_3076 : vector<16xf32> to vector<16xf32>
    %add3A_3078 = arith.addf %add3A_3074, %get3A_3077 : vector<16xf32>
    %get3A_3079 = arith.constant 12112 : index
    %get3A_3080 = tpu.vector_load %arg6[%get3A_3079] {strides = array<i32>} : memref<13312xf32, #tpu.memory_space<vmem>>, vector<16xf32>,
    %get3A_3081 = vector.shape_cast %get3A_3080 : vector<16xf32> to vector<16xf32>
    %add3A_3082 = arith.addf %add3A_3078, %get3A_3081 : vector<16xf32>
    %get3A_3083 = arith.constant 12624 : index
    %get3A_3084 = tpu.vector_load %arg6[%get3A_3083] {strides = array<i32>} : memref<13312xf32, #tpu.memory_space<vmem>>, vector<16xf32>,
    %get3A_3085 = vector.shape_cast %get3A_3084 : vector<16xf32> to vector<16xf32>
    %add3A_3086 = arith.addf %add3A_3082, %get3A_3085 : vector<16xf32>
    %get3A_3087 = arith.constant 13136 : index
    %get3A_3088 = tpu.vector_load %arg6[%get3A_3087] {strides = array<i32>} : memref<13312xf32, #tpu.memory_space<vmem>>, vector<16xf32>,
    %get3A_3089 = vector.shape_cast %get3A_3088 : vector<16xf32> to vector<16xf32>
    %add3A_3090 = arith.addf %add3A_3086, %get3A_3089 : vector<16xf32>
    %swap3A_3091 = arith.constant 336 : index
    %swap3A_3092 = tpu.vector_load %arg7[%swap3A_3091] {strides = array<i32>} : memref<512xf32, #tpu.memory_space<vmem>>, vector<16xf32>,
    %swap3A_3093 = vector.shape_cast %swap3A_3092 : vector<16xf32> to vector<16xf32>
    %swap3A_3094 = vector.shape_cast %add3A_3090 : vector<16xf32> to vector<16xf32>
    tpu.vector_store %arg7[%swap3A_3091], %swap3A_3094 {strides = array<i32>} : memref<512xf32, #tpu.memory_space<vmem>>, vector<16xf32>,
    %get3A_3095 = arith.constant 352 : index
    %get3A_3096 = tpu.vector_load %arg7[%get3A_3095] {strides = array<i32>} : memref<512xf32, #tpu.memory_space<vmem>>, vector<16xf32>,
    %get3A_3097 = vector.shape_cast %get3A_3096 : vector<16xf32> to vector<16xf32>
    %get3A_3098 = arith.constant 7008 : index
    %get3A_3099 = tpu.vector_load %arg6[%get3A_3098] {strides = array<i32>} : memref<13312xf32, #tpu.memory_space<vmem>>, vector<16xf32>,
    %get3A_3100 = vector.shape_cast %get3A_3099 : vector<16xf32> to vector<16xf32>
    %add3A_3101 = arith.addf %get3A_3097, %get3A_3100 : vector<16xf32>
    %get3A_3102 = arith.constant 7520 : index
    %get3A_3103 = tpu.vector_load %arg6[%get3A_3102] {strides = array<i32>} : memref<13312xf32, #tpu.memory_space<vmem>>, vector<16xf32>,
    %get3A_3104 = vector.shape_cast %get3A_3103 : vector<16xf32> to vector<16xf32>
    %add3A_3105 = arith.addf %add3A_3101, %get3A_3104 : vector<16xf32>
    %get3A_3106 = arith.constant 8032 : index
    %get3A_3107 = tpu.vector_load %arg6[%get3A_3106] {strides = array<i32>} : memref<13312xf32, #tpu.memory_space<vmem>>, vector<16xf32>,
    %get3A_3108 = vector.shape_cast %get3A_3107 : vector<16xf32> to vector<16xf32>
    %add3A_3109 = arith.addf %add3A_3105, %get3A_3108 : vector<16xf32>
    %get3A_3110 = arith.constant 8544 : index
    %get3A_3111 = tpu.vector_load %arg6[%get3A_3110] {strides = array<i32>} : memref<13312xf32, #tpu.memory_space<vmem>>, vector<16xf32>,
    %get3A_3112 = vector.shape_cast %get3A_3111 : vector<16xf32> to vector<16xf32>
    %add3A_3113 = arith.addf %add3A_3109, %get3A_3112 : vector<16xf32>
    %get3A_3114 = arith.constant 9056 : index
    %get3A_3115 = tpu.vector_load %arg6[%get3A_3114] {strides = array<i32>} : memref<13312xf32, #tpu.memory_space<vmem>>, vector<16xf32>,
    %get3A_3116 = vector.shape_cast %get3A_3115 : vector<16xf32> to vector<16xf32>
    %add3A_3117 = arith.addf %add3A_3113, %get3A_3116 : vector<16xf32>
    %get3A_3118 = arith.constant 9568 : index
    %get3A_3119 = tpu.vector_load %arg6[%get3A_3118] {strides = array<i32>} : memref<13312xf32, #tpu.memory_space<vmem>>, vector<16xf32>,
    %get3A_3120 = vector.shape_cast %get3A_3119 : vector<16xf32> to vector<16xf32>
    %add3A_3121 = arith.addf %add3A_3117, %get3A_3120 : vector<16xf32>
    %get3A_3122 = arith.constant 10080 : index
    %get3A_3123 = tpu.vector_load %arg6[%get3A_3122] {strides = array<i32>} : memref<13312xf32, #tpu.memory_space<vmem>>, vector<16xf32>,
    %get3A_3124 = vector.shape_cast %get3A_3123 : vector<16xf32> to vector<16xf32>
    %add3A_3125 = arith.addf %add3A_3121, %get3A_3124 : vector<16xf32>
    %get3A_3126 = arith.constant 10592 : index
    %get3A_3127 = tpu.vector_load %arg6[%get3A_3126] {strides = array<i32>} : memref<13312xf32, #tpu.memory_space<vmem>>, vector<16xf32>,
    %get3A_3128 = vector.shape_cast %get3A_3127 : vector<16xf32> to vector<16xf32>
    %add3A_3129 = arith.addf %add3A_3125, %get3A_3128 : vector<16xf32>
    %get3A_3130 = arith.constant 11104 : index
    %get3A_3131 = tpu.vector_load %arg6[%get3A_3130] {strides = array<i32>} : memref<13312xf32, #tpu.memory_space<vmem>>, vector<16xf32>,
    %get3A_3132 = vector.shape_cast %get3A_3131 : vector<16xf32> to vector<16xf32>
    %add3A_3133 = arith.addf %add3A_3129, %get3A_3132 : vector<16xf32>
    %get3A_3134 = arith.constant 11616 : index
    %get3A_3135 = tpu.vector_load %arg6[%get3A_3134] {strides = array<i32>} : memref<13312xf32, #tpu.memory_space<vmem>>, vector<16xf32>,
    %get3A_3136 = vector.shape_cast %get3A_3135 : vector<16xf32> to vector<16xf32>
    %add3A_3137 = arith.addf %add3A_3133, %get3A_3136 : vector<16xf32>
    %get3A_3138 = arith.constant 12128 : index
    %get3A_3139 = tpu.vector_load %arg6[%get3A_3138] {strides = array<i32>} : memref<13312xf32, #tpu.memory_space<vmem>>, vector<16xf32>,
    %get3A_3140 = vector.shape_cast %get3A_3139 : vector<16xf32> to vector<16xf32>
    %add3A_3141 = arith.addf %add3A_3137, %get3A_3140 : vector<16xf32>
    %get3A_3142 = arith.constant 12640 : index
    %get3A_3143 = tpu.vector_load %arg6[%get3A_3142] {strides = array<i32>} : memref<13312xf32, #tpu.memory_space<vmem>>, vector<16xf32>,
    %get3A_3144 = vector.shape_cast %get3A_3143 : vector<16xf32> to vector<16xf32>
    %add3A_3145 = arith.addf %add3A_3141, %get3A_3144 : vector<16xf32>
    %get3A_3146 = arith.constant 13152 : index
    %get3A_3147 = tpu.vector_load %arg6[%get3A_3146] {strides = array<i32>} : memref<13312xf32, #tpu.memory_space<vmem>>, vector<16xf32>,
    %get3A_3148 = vector.shape_cast %get3A_3147 : vector<16xf32> to vector<16xf32>
    %add3A_3149 = arith.addf %add3A_3145, %get3A_3148 : vector<16xf32>
    %swap3A_3150 = arith.constant 352 : index
    %swap3A_3151 = tpu.vector_load %arg7[%swap3A_3150] {strides = array<i32>} : memref<512xf32, #tpu.memory_space<vmem>>, vector<16xf32>,
    %swap3A_3152 = vector.shape_cast %swap3A_3151 : vector<16xf32> to vector<16xf32>
    %swap3A_3153 = vector.shape_cast %add3A_3149 : vector<16xf32> to vector<16xf32>
    tpu.vector_store %arg7[%swap3A_3150], %swap3A_3153 {strides = array<i32>} : memref<512xf32, #tpu.memory_space<vmem>>, vector<16xf32>,
    %get3A_3154 = arith.constant 368 : index
    %get3A_3155 = tpu.vector_load %arg7[%get3A_3154] {strides = array<i32>} : memref<512xf32, #tpu.memory_space<vmem>>, vector<16xf32>,
    %get3A_3156 = vector.shape_cast %get3A_3155 : vector<16xf32> to vector<16xf32>
    %get3A_3157 = arith.constant 7024 : index
    %get3A_3158 = tpu.vector_load %arg6[%get3A_3157] {strides = array<i32>} : memref<13312xf32, #tpu.memory_space<vmem>>, vector<16xf32>,
    %get3A_3159 = vector.shape_cast %get3A_3158 : vector<16xf32> to vector<16xf32>
    %add3A_3160 = arith.addf %get3A_3156, %get3A_3159 : vector<16xf32>
    %get3A_3161 = arith.constant 7536 : index
    %get3A_3162 = tpu.vector_load %arg6[%get3A_3161] {strides = array<i32>} : memref<13312xf32, #tpu.memory_space<vmem>>, vector<16xf32>,
    %get3A_3163 = vector.shape_cast %get3A_3162 : vector<16xf32> to vector<16xf32>
    %add3A_3164 = arith.addf %add3A_3160, %get3A_3163 : vector<16xf32>
    %get3A_3165 = arith.constant 8048 : index
    %get3A_3166 = tpu.vector_load %arg6[%get3A_3165] {strides = array<i32>} : memref<13312xf32, #tpu.memory_space<vmem>>, vector<16xf32>,
    %get3A_3167 = vector.shape_cast %get3A_3166 : vector<16xf32> to vector<16xf32>
    %add3A_3168 = arith.addf %add3A_3164, %get3A_3167 : vector<16xf32>
    %get3A_3169 = arith.constant 8560 : index
    %get3A_3170 = tpu.vector_load %arg6[%get3A_3169] {strides = array<i32>} : memref<13312xf32, #tpu.memory_space<vmem>>, vector<16xf32>,
    %get3A_3171 = vector.shape_cast %get3A_3170 : vector<16xf32> to vector<16xf32>
    %add3A_3172 = arith.addf %add3A_3168, %get3A_3171 : vector<16xf32>
    %get3A_3173 = arith.constant 9072 : index
    %get3A_3174 = tpu.vector_load %arg6[%get3A_3173] {strides = array<i32>} : memref<13312xf32, #tpu.memory_space<vmem>>, vector<16xf32>,
    %get3A_3175 = vector.shape_cast %get3A_3174 : vector<16xf32> to vector<16xf32>
    %add3A_3176 = arith.addf %add3A_3172, %get3A_3175 : vector<16xf32>
    %get3A_3177 = arith.constant 9584 : index
    %get3A_3178 = tpu.vector_load %arg6[%get3A_3177] {strides = array<i32>} : memref<13312xf32, #tpu.memory_space<vmem>>, vector<16xf32>,
    %get3A_3179 = vector.shape_cast %get3A_3178 : vector<16xf32> to vector<16xf32>
    %add3A_3180 = arith.addf %add3A_3176, %get3A_3179 : vector<16xf32>
    %get3A_3181 = arith.constant 10096 : index
    %get3A_3182 = tpu.vector_load %arg6[%get3A_3181] {strides = array<i32>} : memref<13312xf32, #tpu.memory_space<vmem>>, vector<16xf32>,
    %get3A_3183 = vector.shape_cast %get3A_3182 : vector<16xf32> to vector<16xf32>
    %add3A_3184 = arith.addf %add3A_3180, %get3A_3183 : vector<16xf32>
    %get3A_3185 = arith.constant 10608 : index
    %get3A_3186 = tpu.vector_load %arg6[%get3A_3185] {strides = array<i32>} : memref<13312xf32, #tpu.memory_space<vmem>>, vector<16xf32>,
    %get3A_3187 = vector.shape_cast %get3A_3186 : vector<16xf32> to vector<16xf32>
    %add3A_3188 = arith.addf %add3A_3184, %get3A_3187 : vector<16xf32>
    %get3A_3189 = arith.constant 11120 : index
    %get3A_3190 = tpu.vector_load %arg6[%get3A_3189] {strides = array<i32>} : memref<13312xf32, #tpu.memory_space<vmem>>, vector<16xf32>,
    %get3A_3191 = vector.shape_cast %get3A_3190 : vector<16xf32> to vector<16xf32>
    %add3A_3192 = arith.addf %add3A_3188, %get3A_3191 : vector<16xf32>
    %get3A_3193 = arith.constant 11632 : index
    %get3A_3194 = tpu.vector_load %arg6[%get3A_3193] {strides = array<i32>} : memref<13312xf32, #tpu.memory_space<vmem>>, vector<16xf32>,
    %get3A_3195 = vector.shape_cast %get3A_3194 : vector<16xf32> to vector<16xf32>
    %add3A_3196 = arith.addf %add3A_3192, %get3A_3195 : vector<16xf32>
    %get3A_3197 = arith.constant 12144 : index
    %get3A_3198 = tpu.vector_load %arg6[%get3A_3197] {strides = array<i32>} : memref<13312xf32, #tpu.memory_space<vmem>>, vector<16xf32>,
    %get3A_3199 = vector.shape_cast %get3A_3198 : vector<16xf32> to vector<16xf32>
    %add3A_3200 = arith.addf %add3A_3196, %get3A_3199 : vector<16xf32>
    %get3A_3201 = arith.constant 12656 : index
    %get3A_3202 = tpu.vector_load %arg6[%get3A_3201] {strides = array<i32>} : memref<13312xf32, #tpu.memory_space<vmem>>, vector<16xf32>,
    %get3A_3203 = vector.shape_cast %get3A_3202 : vector<16xf32> to vector<16xf32>
    %add3A_3204 = arith.addf %add3A_3200, %get3A_3203 : vector<16xf32>
    %get3A_3205 = arith.constant 13168 : index
    %get3A_3206 = tpu.vector_load %arg6[%get3A_3205] {strides = array<i32>} : memref<13312xf32, #tpu.memory_space<vmem>>, vector<16xf32>,
    %get3A_3207 = vector.shape_cast %get3A_3206 : vector<16xf32> to vector<16xf32>
    %add3A_3208 = arith.addf %add3A_3204, %get3A_3207 : vector<16xf32>
    %swap3A_3209 = arith.constant 368 : index
    %swap3A_3210 = tpu.vector_load %arg7[%swap3A_3209] {strides = array<i32>} : memref<512xf32, #tpu.memory_space<vmem>>, vector<16xf32>,
    %swap3A_3211 = vector.shape_cast %swap3A_3210 : vector<16xf32> to vector<16xf32>
    %swap3A_3212 = vector.shape_cast %add3A_3208 : vector<16xf32> to vector<16xf32>
    tpu.vector_store %arg7[%swap3A_3209], %swap3A_3212 {strides = array<i32>} : memref<512xf32, #tpu.memory_space<vmem>>, vector<16xf32>,
    %get3A_3213 = arith.constant 384 : index
    %get3A_3214 = tpu.vector_load %arg7[%get3A_3213] {strides = array<i32>} : memref<512xf32, #tpu.memory_space<vmem>>, vector<16xf32>,
    %get3A_3215 = vector.shape_cast %get3A_3214 : vector<16xf32> to vector<16xf32>
    %get3A_3216 = arith.constant 7040 : index
    %get3A_3217 = tpu.vector_load %arg6[%get3A_3216] {strides = array<i32>} : memref<13312xf32, #tpu.memory_space<vmem>>, vector<16xf32>,
    %get3A_3218 = vector.shape_cast %get3A_3217 : vector<16xf32> to vector<16xf32>
    %add3A_3219 = arith.addf %get3A_3215, %get3A_3218 : vector<16xf32>
    %get3A_3220 = arith.constant 7552 : index
    %get3A_3221 = tpu.vector_load %arg6[%get3A_3220] {strides = array<i32>} : memref<13312xf32, #tpu.memory_space<vmem>>, vector<16xf32>,
    %get3A_3222 = vector.shape_cast %get3A_3221 : vector<16xf32> to vector<16xf32>
    %add3A_3223 = arith.addf %add3A_3219, %get3A_3222 : vector<16xf32>
    %get3A_3224 = arith.constant 8064 : index
    %get3A_3225 = tpu.vector_load %arg6[%get3A_3224] {strides = array<i32>} : memref<13312xf32, #tpu.memory_space<vmem>>, vector<16xf32>,
    %get3A_3226 = vector.shape_cast %get3A_3225 : vector<16xf32> to vector<16xf32>
    %add3A_3227 = arith.addf %add3A_3223, %get3A_3226 : vector<16xf32>
    %get3A_3228 = arith.constant 8576 : index
    %get3A_3229 = tpu.vector_load %arg6[%get3A_3228] {strides = array<i32>} : memref<13312xf32, #tpu.memory_space<vmem>>, vector<16xf32>,
    %get3A_3230 = vector.shape_cast %get3A_3229 : vector<16xf32> to vector<16xf32>
    %add3A_3231 = arith.addf %add3A_3227, %get3A_3230 : vector<16xf32>
    %get3A_3232 = arith.constant 9088 : index
    %get3A_3233 = tpu.vector_load %arg6[%get3A_3232] {strides = array<i32>} : memref<13312xf32, #tpu.memory_space<vmem>>, vector<16xf32>,
    %get3A_3234 = vector.shape_cast %get3A_3233 : vector<16xf32> to vector<16xf32>
    %add3A_3235 = arith.addf %add3A_3231, %get3A_3234 : vector<16xf32>
    %get3A_3236 = arith.constant 9600 : index
    %get3A_3237 = tpu.vector_load %arg6[%get3A_3236] {strides = array<i32>} : memref<13312xf32, #tpu.memory_space<vmem>>, vector<16xf32>,
    %get3A_3238 = vector.shape_cast %get3A_3237 : vector<16xf32> to vector<16xf32>
    %add3A_3239 = arith.addf %add3A_3235, %get3A_3238 : vector<16xf32>
    %get3A_3240 = arith.constant 10112 : index
    %get3A_3241 = tpu.vector_load %arg6[%get3A_3240] {strides = array<i32>} : memref<13312xf32, #tpu.memory_space<vmem>>, vector<16xf32>,
    %get3A_3242 = vector.shape_cast %get3A_3241 : vector<16xf32> to vector<16xf32>
    %add3A_3243 = arith.addf %add3A_3239, %get3A_3242 : vector<16xf32>
    %get3A_3244 = arith.constant 10624 : index
    %get3A_3245 = tpu.vector_load %arg6[%get3A_3244] {strides = array<i32>} : memref<13312xf32, #tpu.memory_space<vmem>>, vector<16xf32>,
    %get3A_3246 = vector.shape_cast %get3A_3245 : vector<16xf32> to vector<16xf32>
    %add3A_3247 = arith.addf %add3A_3243, %get3A_3246 : vector<16xf32>
    %get3A_3248 = arith.constant 11136 : index
    %get3A_3249 = tpu.vector_load %arg6[%get3A_3248] {strides = array<i32>} : memref<13312xf32, #tpu.memory_space<vmem>>, vector<16xf32>,
    %get3A_3250 = vector.shape_cast %get3A_3249 : vector<16xf32> to vector<16xf32>
    %add3A_3251 = arith.addf %add3A_3247, %get3A_3250 : vector<16xf32>
    %get3A_3252 = arith.constant 11648 : index
    %get3A_3253 = tpu.vector_load %arg6[%get3A_3252] {strides = array<i32>} : memref<13312xf32, #tpu.memory_space<vmem>>, vector<16xf32>,
    %get3A_3254 = vector.shape_cast %get3A_3253 : vector<16xf32> to vector<16xf32>
    %add3A_3255 = arith.addf %add3A_3251, %get3A_3254 : vector<16xf32>
    %get3A_3256 = arith.constant 12160 : index
    %get3A_3257 = tpu.vector_load %arg6[%get3A_3256] {strides = array<i32>} : memref<13312xf32, #tpu.memory_space<vmem>>, vector<16xf32>,
    %get3A_3258 = vector.shape_cast %get3A_3257 : vector<16xf32> to vector<16xf32>
    %add3A_3259 = arith.addf %add3A_3255, %get3A_3258 : vector<16xf32>
    %get3A_3260 = arith.constant 12672 : index
    %get3A_3261 = tpu.vector_load %arg6[%get3A_3260] {strides = array<i32>} : memref<13312xf32, #tpu.memory_space<vmem>>, vector<16xf32>,
    %get3A_3262 = vector.shape_cast %get3A_3261 : vector<16xf32> to vector<16xf32>
    %add3A_3263 = arith.addf %add3A_3259, %get3A_3262 : vector<16xf32>
    %get3A_3264 = arith.constant 13184 : index
    %get3A_3265 = tpu.vector_load %arg6[%get3A_3264] {strides = array<i32>} : memref<13312xf32, #tpu.memory_space<vmem>>, vector<16xf32>,
    %get3A_3266 = vector.shape_cast %get3A_3265 : vector<16xf32> to vector<16xf32>
    %add3A_3267 = arith.addf %add3A_3263, %get3A_3266 : vector<16xf32>
    %swap3A_3268 = arith.constant 384 : index
    %swap3A_3269 = tpu.vector_load %arg7[%swap3A_3268] {strides = array<i32>} : memref<512xf32, #tpu.memory_space<vmem>>, vector<16xf32>,
    %swap3A_3270 = vector.shape_cast %swap3A_3269 : vector<16xf32> to vector<16xf32>
    %swap3A_3271 = vector.shape_cast %add3A_3267 : vector<16xf32> to vector<16xf32>
    tpu.vector_store %arg7[%swap3A_3268], %swap3A_3271 {strides = array<i32>} : memref<512xf32, #tpu.memory_space<vmem>>, vector<16xf32>,
    %get3A_3272 = arith.constant 400 : index
    %get3A_3273 = tpu.vector_load %arg7[%get3A_3272] {strides = array<i32>} : memref<512xf32, #tpu.memory_space<vmem>>, vector<16xf32>,
    %get3A_3274 = vector.shape_cast %get3A_3273 : vector<16xf32> to vector<16xf32>
    %get3A_3275 = arith.constant 7056 : index
    %get3A_3276 = tpu.vector_load %arg6[%get3A_3275] {strides = array<i32>} : memref<13312xf32, #tpu.memory_space<vmem>>, vector<16xf32>,
    %get3A_3277 = vector.shape_cast %get3A_3276 : vector<16xf32> to vector<16xf32>
    %add3A_3278 = arith.addf %get3A_3274, %get3A_3277 : vector<16xf32>
    %get3A_3279 = arith.constant 7568 : index
    %get3A_3280 = tpu.vector_load %arg6[%get3A_3279] {strides = array<i32>} : memref<13312xf32, #tpu.memory_space<vmem>>, vector<16xf32>,
    %get3A_3281 = vector.shape_cast %get3A_3280 : vector<16xf32> to vector<16xf32>
    %add3A_3282 = arith.addf %add3A_3278, %get3A_3281 : vector<16xf32>
    %get3A_3283 = arith.constant 8080 : index
    %get3A_3284 = tpu.vector_load %arg6[%get3A_3283] {strides = array<i32>} : memref<13312xf32, #tpu.memory_space<vmem>>, vector<16xf32>,
    %get3A_3285 = vector.shape_cast %get3A_3284 : vector<16xf32> to vector<16xf32>
    %add3A_3286 = arith.addf %add3A_3282, %get3A_3285 : vector<16xf32>
    %get3A_3287 = arith.constant 8592 : index
    %get3A_3288 = tpu.vector_load %arg6[%get3A_3287] {strides = array<i32>} : memref<13312xf32, #tpu.memory_space<vmem>>, vector<16xf32>,
    %get3A_3289 = vector.shape_cast %get3A_3288 : vector<16xf32> to vector<16xf32>
    %add3A_3290 = arith.addf %add3A_3286, %get3A_3289 : vector<16xf32>
    %get3A_3291 = arith.constant 9104 : index
    %get3A_3292 = tpu.vector_load %arg6[%get3A_3291] {strides = array<i32>} : memref<13312xf32, #tpu.memory_space<vmem>>, vector<16xf32>,
    %get3A_3293 = vector.shape_cast %get3A_3292 : vector<16xf32> to vector<16xf32>
    %add3A_3294 = arith.addf %add3A_3290, %get3A_3293 : vector<16xf32>
    %get3A_3295 = arith.constant 9616 : index
    %get3A_3296 = tpu.vector_load %arg6[%get3A_3295] {strides = array<i32>} : memref<13312xf32, #tpu.memory_space<vmem>>, vector<16xf32>,
    %get3A_3297 = vector.shape_cast %get3A_3296 : vector<16xf32> to vector<16xf32>
    %add3A_3298 = arith.addf %add3A_3294, %get3A_3297 : vector<16xf32>
    %get3A_3299 = arith.constant 10128 : index
    %get3A_3300 = tpu.vector_load %arg6[%get3A_3299] {strides = array<i32>} : memref<13312xf32, #tpu.memory_space<vmem>>, vector<16xf32>,
    %get3A_3301 = vector.shape_cast %get3A_3300 : vector<16xf32> to vector<16xf32>
    %add3A_3302 = arith.addf %add3A_3298, %get3A_3301 : vector<16xf32>
    %get3A_3303 = arith.constant 10640 : index
    %get3A_3304 = tpu.vector_load %arg6[%get3A_3303] {strides = array<i32>} : memref<13312xf32, #tpu.memory_space<vmem>>, vector<16xf32>,
    %get3A_3305 = vector.shape_cast %get3A_3304 : vector<16xf32> to vector<16xf32>
    %add3A_3306 = arith.addf %add3A_3302, %get3A_3305 : vector<16xf32>
    %get3A_3307 = arith.constant 11152 : index
    %get3A_3308 = tpu.vector_load %arg6[%get3A_3307] {strides = array<i32>} : memref<13312xf32, #tpu.memory_space<vmem>>, vector<16xf32>,
    %get3A_3309 = vector.shape_cast %get3A_3308 : vector<16xf32> to vector<16xf32>
    %add3A_3310 = arith.addf %add3A_3306, %get3A_3309 : vector<16xf32>
    %get3A_3311 = arith.constant 11664 : index
    %get3A_3312 = tpu.vector_load %arg6[%get3A_3311] {strides = array<i32>} : memref<13312xf32, #tpu.memory_space<vmem>>, vector<16xf32>,
    %get3A_3313 = vector.shape_cast %get3A_3312 : vector<16xf32> to vector<16xf32>
    %add3A_3314 = arith.addf %add3A_3310, %get3A_3313 : vector<16xf32>
    %get3A_3315 = arith.constant 12176 : index
    %get3A_3316 = tpu.vector_load %arg6[%get3A_3315] {strides = array<i32>} : memref<13312xf32, #tpu.memory_space<vmem>>, vector<16xf32>,
    %get3A_3317 = vector.shape_cast %get3A_3316 : vector<16xf32> to vector<16xf32>
    %add3A_3318 = arith.addf %add3A_3314, %get3A_3317 : vector<16xf32>
    %get3A_3319 = arith.constant 12688 : index
    %get3A_3320 = tpu.vector_load %arg6[%get3A_3319] {strides = array<i32>} : memref<13312xf32, #tpu.memory_space<vmem>>, vector<16xf32>,
    %get3A_3321 = vector.shape_cast %get3A_3320 : vector<16xf32> to vector<16xf32>
    %add3A_3322 = arith.addf %add3A_3318, %get3A_3321 : vector<16xf32>
    %get3A_3323 = arith.constant 13200 : index
    %get3A_3324 = tpu.vector_load %arg6[%get3A_3323] {strides = array<i32>} : memref<13312xf32, #tpu.memory_space<vmem>>, vector<16xf32>,
    %get3A_3325 = vector.shape_cast %get3A_3324 : vector<16xf32> to vector<16xf32>
    %add3A_3326 = arith.addf %add3A_3322, %get3A_3325 : vector<16xf32>
    %swap3A_3327 = arith.constant 400 : index
    %swap3A_3328 = tpu.vector_load %arg7[%swap3A_3327] {strides = array<i32>} : memref<512xf32, #tpu.memory_space<vmem>>, vector<16xf32>,
    %swap3A_3329 = vector.shape_cast %swap3A_3328 : vector<16xf32> to vector<16xf32>
    %swap3A_3330 = vector.shape_cast %add3A_3326 : vector<16xf32> to vector<16xf32>
    tpu.vector_store %arg7[%swap3A_3327], %swap3A_3330 {strides = array<i32>} : memref<512xf32, #tpu.memory_space<vmem>>, vector<16xf32>,
    %get3A_3331 = arith.constant 416 : index
    %get3A_3332 = tpu.vector_load %arg7[%get3A_3331] {strides = array<i32>} : memref<512xf32, #tpu.memory_space<vmem>>, vector<16xf32>,
    %get3A_3333 = vector.shape_cast %get3A_3332 : vector<16xf32> to vector<16xf32>
    %get3A_3334 = arith.constant 7072 : index
    %get3A_3335 = tpu.vector_load %arg6[%get3A_3334] {strides = array<i32>} : memref<13312xf32, #tpu.memory_space<vmem>>, vector<16xf32>,
    %get3A_3336 = vector.shape_cast %get3A_3335 : vector<16xf32> to vector<16xf32>
    %add3A_3337 = arith.addf %get3A_3333, %get3A_3336 : vector<16xf32>
    %get3A_3338 = arith.constant 7584 : index
    %get3A_3339 = tpu.vector_load %arg6[%get3A_3338] {strides = array<i32>} : memref<13312xf32, #tpu.memory_space<vmem>>, vector<16xf32>,
    %get3A_3340 = vector.shape_cast %get3A_3339 : vector<16xf32> to vector<16xf32>
    %add3A_3341 = arith.addf %add3A_3337, %get3A_3340 : vector<16xf32>
    %get3A_3342 = arith.constant 8096 : index
    %get3A_3343 = tpu.vector_load %arg6[%get3A_3342] {strides = array<i32>} : memref<13312xf32, #tpu.memory_space<vmem>>, vector<16xf32>,
    %get3A_3344 = vector.shape_cast %get3A_3343 : vector<16xf32> to vector<16xf32>
    %add3A_3345 = arith.addf %add3A_3341, %get3A_3344 : vector<16xf32>
    %get3A_3346 = arith.constant 8608 : index
    %get3A_3347 = tpu.vector_load %arg6[%get3A_3346] {strides = array<i32>} : memref<13312xf32, #tpu.memory_space<vmem>>, vector<16xf32>,
    %get3A_3348 = vector.shape_cast %get3A_3347 : vector<16xf32> to vector<16xf32>
    %add3A_3349 = arith.addf %add3A_3345, %get3A_3348 : vector<16xf32>
    %get3A_3350 = arith.constant 9120 : index
    %get3A_3351 = tpu.vector_load %arg6[%get3A_3350] {strides = array<i32>} : memref<13312xf32, #tpu.memory_space<vmem>>, vector<16xf32>,
    %get3A_3352 = vector.shape_cast %get3A_3351 : vector<16xf32> to vector<16xf32>
    %add3A_3353 = arith.addf %add3A_3349, %get3A_3352 : vector<16xf32>
    %get3A_3354 = arith.constant 9632 : index
    %get3A_3355 = tpu.vector_load %arg6[%get3A_3354] {strides = array<i32>} : memref<13312xf32, #tpu.memory_space<vmem>>, vector<16xf32>,
    %get3A_3356 = vector.shape_cast %get3A_3355 : vector<16xf32> to vector<16xf32>
    %add3A_3357 = arith.addf %add3A_3353, %get3A_3356 : vector<16xf32>
    %get3A_3358 = arith.constant 10144 : index
    %get3A_3359 = tpu.vector_load %arg6[%get3A_3358] {strides = array<i32>} : memref<13312xf32, #tpu.memory_space<vmem>>, vector<16xf32>,
    %get3A_3360 = vector.shape_cast %get3A_3359 : vector<16xf32> to vector<16xf32>
    %add3A_3361 = arith.addf %add3A_3357, %get3A_3360 : vector<16xf32>
    %get3A_3362 = arith.constant 10656 : index
    %get3A_3363 = tpu.vector_load %arg6[%get3A_3362] {strides = array<i32>} : memref<13312xf32, #tpu.memory_space<vmem>>, vector<16xf32>,
    %get3A_3364 = vector.shape_cast %get3A_3363 : vector<16xf32> to vector<16xf32>
    %add3A_3365 = arith.addf %add3A_3361, %get3A_3364 : vector<16xf32>
    %get3A_3366 = arith.constant 11168 : index
    %get3A_3367 = tpu.vector_load %arg6[%get3A_3366] {strides = array<i32>} : memref<13312xf32, #tpu.memory_space<vmem>>, vector<16xf32>,
    %get3A_3368 = vector.shape_cast %get3A_3367 : vector<16xf32> to vector<16xf32>
    %add3A_3369 = arith.addf %add3A_3365, %get3A_3368 : vector<16xf32>
    %get3A_3370 = arith.constant 11680 : index
    %get3A_3371 = tpu.vector_load %arg6[%get3A_3370] {strides = array<i32>} : memref<13312xf32, #tpu.memory_space<vmem>>, vector<16xf32>,
    %get3A_3372 = vector.shape_cast %get3A_3371 : vector<16xf32> to vector<16xf32>
    %add3A_3373 = arith.addf %add3A_3369, %get3A_3372 : vector<16xf32>
    %get3A_3374 = arith.constant 12192 : index
    %get3A_3375 = tpu.vector_load %arg6[%get3A_3374] {strides = array<i32>} : memref<13312xf32, #tpu.memory_space<vmem>>, vector<16xf32>,
    %get3A_3376 = vector.shape_cast %get3A_3375 : vector<16xf32> to vector<16xf32>
    %add3A_3377 = arith.addf %add3A_3373, %get3A_3376 : vector<16xf32>
    %get3A_3378 = arith.constant 12704 : index
    %get3A_3379 = tpu.vector_load %arg6[%get3A_3378] {strides = array<i32>} : memref<13312xf32, #tpu.memory_space<vmem>>, vector<16xf32>,
    %get3A_3380 = vector.shape_cast %get3A_3379 : vector<16xf32> to vector<16xf32>
    %add3A_3381 = arith.addf %add3A_3377, %get3A_3380 : vector<16xf32>
    %get3A_3382 = arith.constant 13216 : index
    %get3A_3383 = tpu.vector_load %arg6[%get3A_3382] {strides = array<i32>} : memref<13312xf32, #tpu.memory_space<vmem>>, vector<16xf32>,
    %get3A_3384 = vector.shape_cast %get3A_3383 : vector<16xf32> to vector<16xf32>
    %add3A_3385 = arith.addf %add3A_3381, %get3A_3384 : vector<16xf32>
    %swap3A_3386 = arith.constant 416 : index
    %swap3A_3387 = tpu.vector_load %arg7[%swap3A_3386] {strides = array<i32>} : memref<512xf32, #tpu.memory_space<vmem>>, vector<16xf32>,
    %swap3A_3388 = vector.shape_cast %swap3A_3387 : vector<16xf32> to vector<16xf32>
    %swap3A_3389 = vector.shape_cast %add3A_3385 : vector<16xf32> to vector<16xf32>
    tpu.vector_store %arg7[%swap3A_3386], %swap3A_3389 {strides = array<i32>} : memref<512xf32, #tpu.memory_space<vmem>>, vector<16xf32>,
    %get3A_3390 = arith.constant 432 : index
    %get3A_3391 = tpu.vector_load %arg7[%get3A_3390] {strides = array<i32>} : memref<512xf32, #tpu.memory_space<vmem>>, vector<16xf32>,
    %get3A_3392 = vector.shape_cast %get3A_3391 : vector<16xf32> to vector<16xf32>
    %get3A_3393 = arith.constant 7088 : index
    %get3A_3394 = tpu.vector_load %arg6[%get3A_3393] {strides = array<i32>} : memref<13312xf32, #tpu.memory_space<vmem>>, vector<16xf32>,
    %get3A_3395 = vector.shape_cast %get3A_3394 : vector<16xf32> to vector<16xf32>
    %add3A_3396 = arith.addf %get3A_3392, %get3A_3395 : vector<16xf32>
    %get3A_3397 = arith.constant 7600 : index
    %get3A_3398 = tpu.vector_load %arg6[%get3A_3397] {strides = array<i32>} : memref<13312xf32, #tpu.memory_space<vmem>>, vector<16xf32>,
    %get3A_3399 = vector.shape_cast %get3A_3398 : vector<16xf32> to vector<16xf32>
    %add3A_3400 = arith.addf %add3A_3396, %get3A_3399 : vector<16xf32>
    %get3A_3401 = arith.constant 8112 : index
    %get3A_3402 = tpu.vector_load %arg6[%get3A_3401] {strides = array<i32>} : memref<13312xf32, #tpu.memory_space<vmem>>, vector<16xf32>,
    %get3A_3403 = vector.shape_cast %get3A_3402 : vector<16xf32> to vector<16xf32>
    %add3A_3404 = arith.addf %add3A_3400, %get3A_3403 : vector<16xf32>
    %get3A_3405 = arith.constant 8624 : index
    %get3A_3406 = tpu.vector_load %arg6[%get3A_3405] {strides = array<i32>} : memref<13312xf32, #tpu.memory_space<vmem>>, vector<16xf32>,
    %get3A_3407 = vector.shape_cast %get3A_3406 : vector<16xf32> to vector<16xf32>
    %add3A_3408 = arith.addf %add3A_3404, %get3A_3407 : vector<16xf32>
    %get3A_3409 = arith.constant 9136 : index
    %get3A_3410 = tpu.vector_load %arg6[%get3A_3409] {strides = array<i32>} : memref<13312xf32, #tpu.memory_space<vmem>>, vector<16xf32>,
    %get3A_3411 = vector.shape_cast %get3A_3410 : vector<16xf32> to vector<16xf32>
    %add3A_3412 = arith.addf %add3A_3408, %get3A_3411 : vector<16xf32>
    %get3A_3413 = arith.constant 9648 : index
    %get3A_3414 = tpu.vector_load %arg6[%get3A_3413] {strides = array<i32>} : memref<13312xf32, #tpu.memory_space<vmem>>, vector<16xf32>,
    %get3A_3415 = vector.shape_cast %get3A_3414 : vector<16xf32> to vector<16xf32>
    %add3A_3416 = arith.addf %add3A_3412, %get3A_3415 : vector<16xf32>
    %get3A_3417 = arith.constant 10160 : index
    %get3A_3418 = tpu.vector_load %arg6[%get3A_3417] {strides = array<i32>} : memref<13312xf32, #tpu.memory_space<vmem>>, vector<16xf32>,
    %get3A_3419 = vector.shape_cast %get3A_3418 : vector<16xf32> to vector<16xf32>
    %add3A_3420 = arith.addf %add3A_3416, %get3A_3419 : vector<16xf32>
    %get3A_3421 = arith.constant 10672 : index
    %get3A_3422 = tpu.vector_load %arg6[%get3A_3421] {strides = array<i32>} : memref<13312xf32, #tpu.memory_space<vmem>>, vector<16xf32>,
    %get3A_3423 = vector.shape_cast %get3A_3422 : vector<16xf32> to vector<16xf32>
    %add3A_3424 = arith.addf %add3A_3420, %get3A_3423 : vector<16xf32>
    %get3A_3425 = arith.constant 11184 : index
    %get3A_3426 = tpu.vector_load %arg6[%get3A_3425] {strides = array<i32>} : memref<13312xf32, #tpu.memory_space<vmem>>, vector<16xf32>,
    %get3A_3427 = vector.shape_cast %get3A_3426 : vector<16xf32> to vector<16xf32>
    %add3A_3428 = arith.addf %add3A_3424, %get3A_3427 : vector<16xf32>
    %get3A_3429 = arith.constant 11696 : index
    %get3A_3430 = tpu.vector_load %arg6[%get3A_3429] {strides = array<i32>} : memref<13312xf32, #tpu.memory_space<vmem>>, vector<16xf32>,
    %get3A_3431 = vector.shape_cast %get3A_3430 : vector<16xf32> to vector<16xf32>
    %add3A_3432 = arith.addf %add3A_3428, %get3A_3431 : vector<16xf32>
    %get3A_3433 = arith.constant 12208 : index
    %get3A_3434 = tpu.vector_load %arg6[%get3A_3433] {strides = array<i32>} : memref<13312xf32, #tpu.memory_space<vmem>>, vector<16xf32>,
    %get3A_3435 = vector.shape_cast %get3A_3434 : vector<16xf32> to vector<16xf32>
    %add3A_3436 = arith.addf %add3A_3432, %get3A_3435 : vector<16xf32>
    %get3A_3437 = arith.constant 12720 : index
    %get3A_3438 = tpu.vector_load %arg6[%get3A_3437] {strides = array<i32>} : memref<13312xf32, #tpu.memory_space<vmem>>, vector<16xf32>,
    %get3A_3439 = vector.shape_cast %get3A_3438 : vector<16xf32> to vector<16xf32>
    %add3A_3440 = arith.addf %add3A_3436, %get3A_3439 : vector<16xf32>
    %get3A_3441 = arith.constant 13232 : index
    %get3A_3442 = tpu.vector_load %arg6[%get3A_3441] {strides = array<i32>} : memref<13312xf32, #tpu.memory_space<vmem>>, vector<16xf32>,
    %get3A_3443 = vector.shape_cast %get3A_3442 : vector<16xf32> to vector<16xf32>
    %add3A_3444 = arith.addf %add3A_3440, %get3A_3443 : vector<16xf32>
    %swap3A_3445 = arith.constant 432 : index
    %swap3A_3446 = tpu.vector_load %arg7[%swap3A_3445] {strides = array<i32>} : memref<512xf32, #tpu.memory_space<vmem>>, vector<16xf32>,
    %swap3A_3447 = vector.shape_cast %swap3A_3446 : vector<16xf32> to vector<16xf32>
    %swap3A_3448 = vector.shape_cast %add3A_3444 : vector<16xf32> to vector<16xf32>
    tpu.vector_store %arg7[%swap3A_3445], %swap3A_3448 {strides = array<i32>} : memref<512xf32, #tpu.memory_space<vmem>>, vector<16xf32>,
    %get3A_3449 = arith.constant 448 : index
    %get3A_3450 = tpu.vector_load %arg7[%get3A_3449] {strides = array<i32>} : memref<512xf32, #tpu.memory_space<vmem>>, vector<16xf32>,
    %get3A_3451 = vector.shape_cast %get3A_3450 : vector<16xf32> to vector<16xf32>
    %get3A_3452 = arith.constant 7104 : index
    %get3A_3453 = tpu.vector_load %arg6[%get3A_3452] {strides = array<i32>} : memref<13312xf32, #tpu.memory_space<vmem>>, vector<16xf32>,
    %get3A_3454 = vector.shape_cast %get3A_3453 : vector<16xf32> to vector<16xf32>
    %add3A_3455 = arith.addf %get3A_3451, %get3A_3454 : vector<16xf32>
    %get3A_3456 = arith.constant 7616 : index
    %get3A_3457 = tpu.vector_load %arg6[%get3A_3456] {strides = array<i32>} : memref<13312xf32, #tpu.memory_space<vmem>>, vector<16xf32>,
    %get3A_3458 = vector.shape_cast %get3A_3457 : vector<16xf32> to vector<16xf32>
    %add3A_3459 = arith.addf %add3A_3455, %get3A_3458 : vector<16xf32>
    %get3A_3460 = arith.constant 8128 : index
    %get3A_3461 = tpu.vector_load %arg6[%get3A_3460] {strides = array<i32>} : memref<13312xf32, #tpu.memory_space<vmem>>, vector<16xf32>,
    %get3A_3462 = vector.shape_cast %get3A_3461 : vector<16xf32> to vector<16xf32>
    %add3A_3463 = arith.addf %add3A_3459, %get3A_3462 : vector<16xf32>
    %get3A_3464 = arith.constant 8640 : index
    %get3A_3465 = tpu.vector_load %arg6[%get3A_3464] {strides = array<i32>} : memref<13312xf32, #tpu.memory_space<vmem>>, vector<16xf32>,
    %get3A_3466 = vector.shape_cast %get3A_3465 : vector<16xf32> to vector<16xf32>
    %add3A_3467 = arith.addf %add3A_3463, %get3A_3466 : vector<16xf32>
    %get3A_3468 = arith.constant 9152 : index
    %get3A_3469 = tpu.vector_load %arg6[%get3A_3468] {strides = array<i32>} : memref<13312xf32, #tpu.memory_space<vmem>>, vector<16xf32>,
    %get3A_3470 = vector.shape_cast %get3A_3469 : vector<16xf32> to vector<16xf32>
    %add3A_3471 = arith.addf %add3A_3467, %get3A_3470 : vector<16xf32>
    %get3A_3472 = arith.constant 9664 : index
    %get3A_3473 = tpu.vector_load %arg6[%get3A_3472] {strides = array<i32>} : memref<13312xf32, #tpu.memory_space<vmem>>, vector<16xf32>,
    %get3A_3474 = vector.shape_cast %get3A_3473 : vector<16xf32> to vector<16xf32>
    %add3A_3475 = arith.addf %add3A_3471, %get3A_3474 : vector<16xf32>
    %get3A_3476 = arith.constant 10176 : index
    %get3A_3477 = tpu.vector_load %arg6[%get3A_3476] {strides = array<i32>} : memref<13312xf32, #tpu.memory_space<vmem>>, vector<16xf32>,
    %get3A_3478 = vector.shape_cast %get3A_3477 : vector<16xf32> to vector<16xf32>
    %add3A_3479 = arith.addf %add3A_3475, %get3A_3478 : vector<16xf32>
    %get3A_3480 = arith.constant 10688 : index
    %get3A_3481 = tpu.vector_load %arg6[%get3A_3480] {strides = array<i32>} : memref<13312xf32, #tpu.memory_space<vmem>>, vector<16xf32>,
    %get3A_3482 = vector.shape_cast %get3A_3481 : vector<16xf32> to vector<16xf32>
    %add3A_3483 = arith.addf %add3A_3479, %get3A_3482 : vector<16xf32>
    %get3A_3484 = arith.constant 11200 : index
    %get3A_3485 = tpu.vector_load %arg6[%get3A_3484] {strides = array<i32>} : memref<13312xf32, #tpu.memory_space<vmem>>, vector<16xf32>,
    %get3A_3486 = vector.shape_cast %get3A_3485 : vector<16xf32> to vector<16xf32>
    %add3A_3487 = arith.addf %add3A_3483, %get3A_3486 : vector<16xf32>
    %get3A_3488 = arith.constant 11712 : index
    %get3A_3489 = tpu.vector_load %arg6[%get3A_3488] {strides = array<i32>} : memref<13312xf32, #tpu.memory_space<vmem>>, vector<16xf32>,
    %get3A_3490 = vector.shape_cast %get3A_3489 : vector<16xf32> to vector<16xf32>
    %add3A_3491 = arith.addf %add3A_3487, %get3A_3490 : vector<16xf32>
    %get3A_3492 = arith.constant 12224 : index
    %get3A_3493 = tpu.vector_load %arg6[%get3A_3492] {strides = array<i32>} : memref<13312xf32, #tpu.memory_space<vmem>>, vector<16xf32>,
    %get3A_3494 = vector.shape_cast %get3A_3493 : vector<16xf32> to vector<16xf32>
    %add3A_3495 = arith.addf %add3A_3491, %get3A_3494 : vector<16xf32>
    %get3A_3496 = arith.constant 12736 : index
    %get3A_3497 = tpu.vector_load %arg6[%get3A_3496] {strides = array<i32>} : memref<13312xf32, #tpu.memory_space<vmem>>, vector<16xf32>,
    %get3A_3498 = vector.shape_cast %get3A_3497 : vector<16xf32> to vector<16xf32>
    %add3A_3499 = arith.addf %add3A_3495, %get3A_3498 : vector<16xf32>
    %get3A_3500 = arith.constant 13248 : index
    %get3A_3501 = tpu.vector_load %arg6[%get3A_3500] {strides = array<i32>} : memref<13312xf32, #tpu.memory_space<vmem>>, vector<16xf32>,
    %get3A_3502 = vector.shape_cast %get3A_3501 : vector<16xf32> to vector<16xf32>
    %add3A_3503 = arith.addf %add3A_3499, %get3A_3502 : vector<16xf32>
    %swap3A_3504 = arith.constant 448 : index
    %swap3A_3505 = tpu.vector_load %arg7[%swap3A_3504] {strides = array<i32>} : memref<512xf32, #tpu.memory_space<vmem>>, vector<16xf32>,
    %swap3A_3506 = vector.shape_cast %swap3A_3505 : vector<16xf32> to vector<16xf32>
    %swap3A_3507 = vector.shape_cast %add3A_3503 : vector<16xf32> to vector<16xf32>
    tpu.vector_store %arg7[%swap3A_3504], %swap3A_3507 {strides = array<i32>} : memref<512xf32, #tpu.memory_space<vmem>>, vector<16xf32>,
    %get3A_3508 = arith.constant 464 : index
    %get3A_3509 = tpu.vector_load %arg7[%get3A_3508] {strides = array<i32>} : memref<512xf32, #tpu.memory_space<vmem>>, vector<16xf32>,
    %get3A_3510 = vector.shape_cast %get3A_3509 : vector<16xf32> to vector<16xf32>
    %get3A_3511 = arith.constant 7120 : index
    %get3A_3512 = tpu.vector_load %arg6[%get3A_3511] {strides = array<i32>} : memref<13312xf32, #tpu.memory_space<vmem>>, vector<16xf32>,
    %get3A_3513 = vector.shape_cast %get3A_3512 : vector<16xf32> to vector<16xf32>
    %add3A_3514 = arith.addf %get3A_3510, %get3A_3513 : vector<16xf32>
    %get3A_3515 = arith.constant 7632 : index
    %get3A_3516 = tpu.vector_load %arg6[%get3A_3515] {strides = array<i32>} : memref<13312xf32, #tpu.memory_space<vmem>>, vector<16xf32>,
    %get3A_3517 = vector.shape_cast %get3A_3516 : vector<16xf32> to vector<16xf32>
    %add3A_3518 = arith.addf %add3A_3514, %get3A_3517 : vector<16xf32>
    %get3A_3519 = arith.constant 8144 : index
    %get3A_3520 = tpu.vector_load %arg6[%get3A_3519] {strides = array<i32>} : memref<13312xf32, #tpu.memory_space<vmem>>, vector<16xf32>,
    %get3A_3521 = vector.shape_cast %get3A_3520 : vector<16xf32> to vector<16xf32>
    %add3A_3522 = arith.addf %add3A_3518, %get3A_3521 : vector<16xf32>
    %get3A_3523 = arith.constant 8656 : index
    %get3A_3524 = tpu.vector_load %arg6[%get3A_3523] {strides = array<i32>} : memref<13312xf32, #tpu.memory_space<vmem>>, vector<16xf32>,
    %get3A_3525 = vector.shape_cast %get3A_3524 : vector<16xf32> to vector<16xf32>
    %add3A_3526 = arith.addf %add3A_3522, %get3A_3525 : vector<16xf32>
    %get3A_3527 = arith.constant 9168 : index
    %get3A_3528 = tpu.vector_load %arg6[%get3A_3527] {strides = array<i32>} : memref<13312xf32, #tpu.memory_space<vmem>>, vector<16xf32>,
    %get3A_3529 = vector.shape_cast %get3A_3528 : vector<16xf32> to vector<16xf32>
    %add3A_3530 = arith.addf %add3A_3526, %get3A_3529 : vector<16xf32>
    %get3A_3531 = arith.constant 9680 : index
    %get3A_3532 = tpu.vector_load %arg6[%get3A_3531] {strides = array<i32>} : memref<13312xf32, #tpu.memory_space<vmem>>, vector<16xf32>,
    %get3A_3533 = vector.shape_cast %get3A_3532 : vector<16xf32> to vector<16xf32>
    %add3A_3534 = arith.addf %add3A_3530, %get3A_3533 : vector<16xf32>
    %get3A_3535 = arith.constant 10192 : index
    %get3A_3536 = tpu.vector_load %arg6[%get3A_3535] {strides = array<i32>} : memref<13312xf32, #tpu.memory_space<vmem>>, vector<16xf32>,
    %get3A_3537 = vector.shape_cast %get3A_3536 : vector<16xf32> to vector<16xf32>
    %add3A_3538 = arith.addf %add3A_3534, %get3A_3537 : vector<16xf32>
    %get3A_3539 = arith.constant 10704 : index
    %get3A_3540 = tpu.vector_load %arg6[%get3A_3539] {strides = array<i32>} : memref<13312xf32, #tpu.memory_space<vmem>>, vector<16xf32>,
    %get3A_3541 = vector.shape_cast %get3A_3540 : vector<16xf32> to vector<16xf32>
    %add3A_3542 = arith.addf %add3A_3538, %get3A_3541 : vector<16xf32>
    %get3A_3543 = arith.constant 11216 : index
    %get3A_3544 = tpu.vector_load %arg6[%get3A_3543] {strides = array<i32>} : memref<13312xf32, #tpu.memory_space<vmem>>, vector<16xf32>,
    %get3A_3545 = vector.shape_cast %get3A_3544 : vector<16xf32> to vector<16xf32>
    %add3A_3546 = arith.addf %add3A_3542, %get3A_3545 : vector<16xf32>
    %get3A_3547 = arith.constant 11728 : index
    %get3A_3548 = tpu.vector_load %arg6[%get3A_3547] {strides = array<i32>} : memref<13312xf32, #tpu.memory_space<vmem>>, vector<16xf32>,
    %get3A_3549 = vector.shape_cast %get3A_3548 : vector<16xf32> to vector<16xf32>
    %add3A_3550 = arith.addf %add3A_3546, %get3A_3549 : vector<16xf32>
    %get3A_3551 = arith.constant 12240 : index
    %get3A_3552 = tpu.vector_load %arg6[%get3A_3551] {strides = array<i32>} : memref<13312xf32, #tpu.memory_space<vmem>>, vector<16xf32>,
    %get3A_3553 = vector.shape_cast %get3A_3552 : vector<16xf32> to vector<16xf32>
    %add3A_3554 = arith.addf %add3A_3550, %get3A_3553 : vector<16xf32>
    %get3A_3555 = arith.constant 12752 : index
    %get3A_3556 = tpu.vector_load %arg6[%get3A_3555] {strides = array<i32>} : memref<13312xf32, #tpu.memory_space<vmem>>, vector<16xf32>,
    %get3A_3557 = vector.shape_cast %get3A_3556 : vector<16xf32> to vector<16xf32>
    %add3A_3558 = arith.addf %add3A_3554, %get3A_3557 : vector<16xf32>
    %get3A_3559 = arith.constant 13264 : index
    %get3A_3560 = tpu.vector_load %arg6[%get3A_3559] {strides = array<i32>} : memref<13312xf32, #tpu.memory_space<vmem>>, vector<16xf32>,
    %get3A_3561 = vector.shape_cast %get3A_3560 : vector<16xf32> to vector<16xf32>
    %add3A_3562 = arith.addf %add3A_3558, %get3A_3561 : vector<16xf32>
    %swap3A_3563 = arith.constant 464 : index
    %swap3A_3564 = tpu.vector_load %arg7[%swap3A_3563] {strides = array<i32>} : memref<512xf32, #tpu.memory_space<vmem>>, vector<16xf32>,
    %swap3A_3565 = vector.shape_cast %swap3A_3564 : vector<16xf32> to vector<16xf32>
    %swap3A_3566 = vector.shape_cast %add3A_3562 : vector<16xf32> to vector<16xf32>
    tpu.vector_store %arg7[%swap3A_3563], %swap3A_3566 {strides = array<i32>} : memref<512xf32, #tpu.memory_space<vmem>>, vector<16xf32>,
    %get3A_3567 = arith.constant 480 : index
    %get3A_3568 = tpu.vector_load %arg7[%get3A_3567] {strides = array<i32>} : memref<512xf32, #tpu.memory_space<vmem>>, vector<16xf32>,
    %get3A_3569 = vector.shape_cast %get3A_3568 : vector<16xf32> to vector<16xf32>
    %get3A_3570 = arith.constant 7136 : index
    %get3A_3571 = tpu.vector_load %arg6[%get3A_3570] {strides = array<i32>} : memref<13312xf32, #tpu.memory_space<vmem>>, vector<16xf32>,
    %get3A_3572 = vector.shape_cast %get3A_3571 : vector<16xf32> to vector<16xf32>
    %add3A_3573 = arith.addf %get3A_3569, %get3A_3572 : vector<16xf32>
    %get3A_3574 = arith.constant 7648 : index
    %get3A_3575 = tpu.vector_load %arg6[%get3A_3574] {strides = array<i32>} : memref<13312xf32, #tpu.memory_space<vmem>>, vector<16xf32>,
    %get3A_3576 = vector.shape_cast %get3A_3575 : vector<16xf32> to vector<16xf32>
    %add3A_3577 = arith.addf %add3A_3573, %get3A_3576 : vector<16xf32>
    %get3A_3578 = arith.constant 8160 : index
    %get3A_3579 = tpu.vector_load %arg6[%get3A_3578] {strides = array<i32>} : memref<13312xf32, #tpu.memory_space<vmem>>, vector<16xf32>,
    %get3A_3580 = vector.shape_cast %get3A_3579 : vector<16xf32> to vector<16xf32>
    %add3A_3581 = arith.addf %add3A_3577, %get3A_3580 : vector<16xf32>
    %get3A_3582 = arith.constant 8672 : index
    %get3A_3583 = tpu.vector_load %arg6[%get3A_3582] {strides = array<i32>} : memref<13312xf32, #tpu.memory_space<vmem>>, vector<16xf32>,
    %get3A_3584 = vector.shape_cast %get3A_3583 : vector<16xf32> to vector<16xf32>
    %add3A_3585 = arith.addf %add3A_3581, %get3A_3584 : vector<16xf32>
    %get3A_3586 = arith.constant 9184 : index
    %get3A_3587 = tpu.vector_load %arg6[%get3A_3586] {strides = array<i32>} : memref<13312xf32, #tpu.memory_space<vmem>>, vector<16xf32>,
    %get3A_3588 = vector.shape_cast %get3A_3587 : vector<16xf32> to vector<16xf32>
    %add3A_3589 = arith.addf %add3A_3585, %get3A_3588 : vector<16xf32>
    %get3A_3590 = arith.constant 9696 : index
    %get3A_3591 = tpu.vector_load %arg6[%get3A_3590] {strides = array<i32>} : memref<13312xf32, #tpu.memory_space<vmem>>, vector<16xf32>,
    %get3A_3592 = vector.shape_cast %get3A_3591 : vector<16xf32> to vector<16xf32>
    %add3A_3593 = arith.addf %add3A_3589, %get3A_3592 : vector<16xf32>
    %get3A_3594 = arith.constant 10208 : index
    %get3A_3595 = tpu.vector_load %arg6[%get3A_3594] {strides = array<i32>} : memref<13312xf32, #tpu.memory_space<vmem>>, vector<16xf32>,
    %get3A_3596 = vector.shape_cast %get3A_3595 : vector<16xf32> to vector<16xf32>
    %add3A_3597 = arith.addf %add3A_3593, %get3A_3596 : vector<16xf32>
    %get3A_3598 = arith.constant 10720 : index
    %get3A_3599 = tpu.vector_load %arg6[%get3A_3598] {strides = array<i32>} : memref<13312xf32, #tpu.memory_space<vmem>>, vector<16xf32>,
    %get3A_3600 = vector.shape_cast %get3A_3599 : vector<16xf32> to vector<16xf32>
    %add3A_3601 = arith.addf %add3A_3597, %get3A_3600 : vector<16xf32>
    %get3A_3602 = arith.constant 11232 : index
    %get3A_3603 = tpu.vector_load %arg6[%get3A_3602] {strides = array<i32>} : memref<13312xf32, #tpu.memory_space<vmem>>, vector<16xf32>,
    %get3A_3604 = vector.shape_cast %get3A_3603 : vector<16xf32> to vector<16xf32>
    %add3A_3605 = arith.addf %add3A_3601, %get3A_3604 : vector<16xf32>
    %get3A_3606 = arith.constant 11744 : index
    %get3A_3607 = tpu.vector_load %arg6[%get3A_3606] {strides = array<i32>} : memref<13312xf32, #tpu.memory_space<vmem>>, vector<16xf32>,
    %get3A_3608 = vector.shape_cast %get3A_3607 : vector<16xf32> to vector<16xf32>
    %add3A_3609 = arith.addf %add3A_3605, %get3A_3608 : vector<16xf32>
    %get3A_3610 = arith.constant 12256 : index
    %get3A_3611 = tpu.vector_load %arg6[%get3A_3610] {strides = array<i32>} : memref<13312xf32, #tpu.memory_space<vmem>>, vector<16xf32>,
    %get3A_3612 = vector.shape_cast %get3A_3611 : vector<16xf32> to vector<16xf32>
    %add3A_3613 = arith.addf %add3A_3609, %get3A_3612 : vector<16xf32>
    %get3A_3614 = arith.constant 12768 : index
    %get3A_3615 = tpu.vector_load %arg6[%get3A_3614] {strides = array<i32>} : memref<13312xf32, #tpu.memory_space<vmem>>, vector<16xf32>,
    %get3A_3616 = vector.shape_cast %get3A_3615 : vector<16xf32> to vector<16xf32>
    %add3A_3617 = arith.addf %add3A_3613, %get3A_3616 : vector<16xf32>
    %get3A_3618 = arith.constant 13280 : index
    %get3A_3619 = tpu.vector_load %arg6[%get3A_3618] {strides = array<i32>} : memref<13312xf32, #tpu.memory_space<vmem>>, vector<16xf32>,
    %get3A_3620 = vector.shape_cast %get3A_3619 : vector<16xf32> to vector<16xf32>
    %add3A_3621 = arith.addf %add3A_3617, %get3A_3620 : vector<16xf32>
    %swap3A_3622 = arith.constant 480 : index
    %swap3A_3623 = tpu.vector_load %arg7[%swap3A_3622] {strides = array<i32>} : memref<512xf32, #tpu.memory_space<vmem>>, vector<16xf32>,
    %swap3A_3624 = vector.shape_cast %swap3A_3623 : vector<16xf32> to vector<16xf32>
    %swap3A_3625 = vector.shape_cast %add3A_3621 : vector<16xf32> to vector<16xf32>
    tpu.vector_store %arg7[%swap3A_3622], %swap3A_3625 {strides = array<i32>} : memref<512xf32, #tpu.memory_space<vmem>>, vector<16xf32>,
    %get3A_3626 = arith.constant 496 : index
    %get3A_3627 = tpu.vector_load %arg7[%get3A_3626] {strides = array<i32>} : memref<512xf32, #tpu.memory_space<vmem>>, vector<16xf32>,
    %get3A_3628 = vector.shape_cast %get3A_3627 : vector<16xf32> to vector<16xf32>
    %get3A_3629 = arith.constant 7152 : index
    %get3A_3630 = tpu.vector_load %arg6[%get3A_3629] {strides = array<i32>} : memref<13312xf32, #tpu.memory_space<vmem>>, vector<16xf32>,
    %get3A_3631 = vector.shape_cast %get3A_3630 : vector<16xf32> to vector<16xf32>
    %add3A_3632 = arith.addf %get3A_3628, %get3A_3631 : vector<16xf32>
    %get3A_3633 = arith.constant 7664 : index
    %get3A_3634 = tpu.vector_load %arg6[%get3A_3633] {strides = array<i32>} : memref<13312xf32, #tpu.memory_space<vmem>>, vector<16xf32>,
    %get3A_3635 = vector.shape_cast %get3A_3634 : vector<16xf32> to vector<16xf32>
    %add3A_3636 = arith.addf %add3A_3632, %get3A_3635 : vector<16xf32>
    %get3A_3637 = arith.constant 8176 : index
    %get3A_3638 = tpu.vector_load %arg6[%get3A_3637] {strides = array<i32>} : memref<13312xf32, #tpu.memory_space<vmem>>, vector<16xf32>,
    %get3A_3639 = vector.shape_cast %get3A_3638 : vector<16xf32> to vector<16xf32>
    %add3A_3640 = arith.addf %add3A_3636, %get3A_3639 : vector<16xf32>
    %get3A_3641 = arith.constant 8688 : index
    %get3A_3642 = tpu.vector_load %arg6[%get3A_3641] {strides = array<i32>} : memref<13312xf32, #tpu.memory_space<vmem>>, vector<16xf32>,
    %get3A_3643 = vector.shape_cast %get3A_3642 : vector<16xf32> to vector<16xf32>
    %add3A_3644 = arith.addf %add3A_3640, %get3A_3643 : vector<16xf32>
    %get3A_3645 = arith.constant 9200 : index
    %get3A_3646 = tpu.vector_load %arg6[%get3A_3645] {strides = array<i32>} : memref<13312xf32, #tpu.memory_space<vmem>>, vector<16xf32>,
    %get3A_3647 = vector.shape_cast %get3A_3646 : vector<16xf32> to vector<16xf32>
    %add3A_3648 = arith.addf %add3A_3644, %get3A_3647 : vector<16xf32>
    %get3A_3649 = arith.constant 9712 : index
    %get3A_3650 = tpu.vector_load %arg6[%get3A_3649] {strides = array<i32>} : memref<13312xf32, #tpu.memory_space<vmem>>, vector<16xf32>,
    %get3A_3651 = vector.shape_cast %get3A_3650 : vector<16xf32> to vector<16xf32>
    %add3A_3652 = arith.addf %add3A_3648, %get3A_3651 : vector<16xf32>
    %get3A_3653 = arith.constant 10224 : index
    %get3A_3654 = tpu.vector_load %arg6[%get3A_3653] {strides = array<i32>} : memref<13312xf32, #tpu.memory_space<vmem>>, vector<16xf32>,
    %get3A_3655 = vector.shape_cast %get3A_3654 : vector<16xf32> to vector<16xf32>
    %add3A_3656 = arith.addf %add3A_3652, %get3A_3655 : vector<16xf32>
    %get3A_3657 = arith.constant 10736 : index
    %get3A_3658 = tpu.vector_load %arg6[%get3A_3657] {strides = array<i32>} : memref<13312xf32, #tpu.memory_space<vmem>>, vector<16xf32>,
    %get3A_3659 = vector.shape_cast %get3A_3658 : vector<16xf32> to vector<16xf32>
    %add3A_3660 = arith.addf %add3A_3656, %get3A_3659 : vector<16xf32>
    %get3A_3661 = arith.constant 11248 : index
    %get3A_3662 = tpu.vector_load %arg6[%get3A_3661] {strides = array<i32>} : memref<13312xf32, #tpu.memory_space<vmem>>, vector<16xf32>,
    %get3A_3663 = vector.shape_cast %get3A_3662 : vector<16xf32> to vector<16xf32>
    %add3A_3664 = arith.addf %add3A_3660, %get3A_3663 : vector<16xf32>
    %get3A_3665 = arith.constant 11760 : index
    %get3A_3666 = tpu.vector_load %arg6[%get3A_3665] {strides = array<i32>} : memref<13312xf32, #tpu.memory_space<vmem>>, vector<16xf32>,
    %get3A_3667 = vector.shape_cast %get3A_3666 : vector<16xf32> to vector<16xf32>
    %add3A_3668 = arith.addf %add3A_3664, %get3A_3667 : vector<16xf32>
    %get3A_3669 = arith.constant 12272 : index
    %get3A_3670 = tpu.vector_load %arg6[%get3A_3669] {strides = array<i32>} : memref<13312xf32, #tpu.memory_space<vmem>>, vector<16xf32>,
    %get3A_3671 = vector.shape_cast %get3A_3670 : vector<16xf32> to vector<16xf32>
    %add3A_3672 = arith.addf %add3A_3668, %get3A_3671 : vector<16xf32>
    %get3A_3673 = arith.constant 12784 : index
    %get3A_3674 = tpu.vector_load %arg6[%get3A_3673] {strides = array<i32>} : memref<13312xf32, #tpu.memory_space<vmem>>, vector<16xf32>,
    %get3A_3675 = vector.shape_cast %get3A_3674 : vector<16xf32> to vector<16xf32>
    %add3A_3676 = arith.addf %add3A_3672, %get3A_3675 : vector<16xf32>
    %get3A_3677 = arith.constant 13296 : index
    %get3A_3678 = tpu.vector_load %arg6[%get3A_3677] {strides = array<i32>} : memref<13312xf32, #tpu.memory_space<vmem>>, vector<16xf32>,
    %get3A_3679 = vector.shape_cast %get3A_3678 : vector<16xf32> to vector<16xf32>
    %add3A_3680 = arith.addf %add3A_3676, %get3A_3679 : vector<16xf32>
    %swap3A_3681 = arith.constant 496 : index
    %swap3A_3682 = tpu.vector_load %arg7[%swap3A_3681] {strides = array<i32>} : memref<512xf32, #tpu.memory_space<vmem>>, vector<16xf32>,
    %swap3A_3683 = vector.shape_cast %swap3A_3682 : vector<16xf32> to vector<16xf32>
    %swap3A_3684 = vector.shape_cast %add3A_3680 : vector<16xf32> to vector<16xf32>
    tpu.vector_store %arg7[%swap3A_3681], %swap3A_3684 {strides = array<i32>} : memref<512xf32, #tpu.memory_space<vmem>>, vector<16xf32>,
    %mul3A_3685 = arith.constant 512 : i32
    %mul3A_3686 = arith.muli %add3A, %mul3A_3685 : i32
    "tpu.region"() ({
      %run_scoped3A = tpu.sem_alloc : memref<!tpu.dma_semaphore, #tpu.memory_space<semaphore_mem>>
      %dma_start3A_3687 = tpu.memref_slice %arg4[%mul3A_3686] : memref<16384xf32, #tpu.memory_space<hbm>> -> memref<512xf32, #tpu.memory_space<hbm>>
      %dma_start3A_3688 = tpu.memref_slice %arg4[%mul3A_3686] : memref<16384xf32, #tpu.memory_space<hbm>> -> memref<512xf32, #tpu.memory_space<hbm>>
      tpu.enqueue_dma source(%arg7 : memref<512xf32, #tpu.memory_space<vmem>>) target(%dma_start3A_3688 : memref<512xf32, #tpu.memory_space<hbm>>) target_semaphore(%run_scoped3A : memref<!tpu.dma_semaphore, #tpu.memory_space<semaphore_mem>>)
      %dma_wait3A_3689 = tpu.memref_slice %arg4[%mul3A_3686] : memref<16384xf32, #tpu.memory_space<hbm>> -> memref<512xf32, #tpu.memory_space<hbm>>
      %dma_wait3A_3690 = tpu.memref_slice %arg4[%mul3A_3686] : memref<16384xf32, #tpu.memory_space<hbm>> -> memref<512xf32, #tpu.memory_space<hbm>>
      tpu.wait_dma2 semaphore(%run_scoped3A : memref<!tpu.dma_semaphore, #tpu.memory_space<semaphore_mem>>) src(%arg7 : memref<512xf32, #tpu.memory_space<vmem>>) dst(%dma_wait3A_3690 : memref<512xf32, #tpu.memory_space<hbm>>)
      tpu.yield
    }) : () -> ()
    return
  }
}

</mosaic_0001>

<sc_bundles>
// kernel: kernel.3.cloned.1.call-start
scs
__scs_entry_jumppad:
0x0: {  	(pc) =	sbr.rel $0x88, $3  }
0x1: {  	(tag) =	ssettag $0x0;
	lr =	simm.s32 $0x1  }
0x2: {  	[smem:$0x3F9F] =	sst lr;
	_ =	strace $0xD0000000  }
0x3: {  	_ = 	snop  }
0x4: {  	_ = 	snop  }
0x5: {  	_ = 	snop  }
0x6: {  	_ = 	snop  }
0x7: {  	_ = 	snop  }
__scs_overlays_trampoline_lowered:
0x8: {  	[smem:$0x3FAE] =	sst s0  }
0x9: {  	[smem:$0x3FAF] =	sst s1  }
0xa: {  	[smem:$0x3FB0] =	sst s2  }
0xb: {  	[smem:$0x3FB1] =	sst s3  }
0xc: {  	[smem:$0x3FB2] =	sst s4  }
0xd: {  	[smem:$0x3FB3] =	sst s5  }
0xe: {  	[smem:$0x3FB4] =	sst s6  }
0xf: {  	[smem:$0x3FB5] =	sst s7  }
0x10: {  	[smem:$0x3FB6] =	sst s8  }
0x11: {  	[smem:$0x3FB7] =	sst s9;
	s0 =	simm.s32 @!p0 $0x0  }
0x12: {  	s1 =	sld [smem:$0x3F9D];
	s0 =	simm.s32 @p0 $0x1  }
0x13: {  	[smem:$0x3FB8] =	sst s0;
	s0 =	simm.s32 @!p1 $0x0  }
0x14: {  	s2 =	sld [smem:$0x3F9C];
	s0 =	simm.s32 @p1 $0x1  }
0x15: {  	[smem:$0x3FB9] =	sst s0;
	s0 =	simm.s32 @!p2 $0x0  }
0x16: {  	s3 =	sld [smem:$0x3FDB];
	s0 =	simm.s32 @p2 $0x1  }
0x17: {  	s4 =	simm.s32 $0x1BF5;
	[smem:$0x3FBB] =	sst s0  }
0x18: {  	s0 =	sld [smem:$0x3F9E];
	_ =	swait.ge [sflag:s4], $0x0  }
0x19: {  	s7 =	sld [smem:$0x3F9F]  }
0x1a: {  	s8 =	sadd.s32 $0xFFFFE003, lr  }
0x1b: {  	s9 =	sadd.s32 $0xFFFFFEF7, lr;
	s5 =	simm.s32 $0xFFFFFFFF;
	p2 =	slt.u32 s8, $0xFFFFF086  }
0x1c: {  	p1 =	slt.u32 s9, $0xF7A;
	s5 =	simm.s32 @!p2 $0x0  }
0x1d: {  	s5 =	simm.s32 @p1 $0x1;
	p0 =	seq.s32 s7, s2  }
0x1e: {  	s7 =	smul.u32 @!p0 $0xF7A, s2;
	p2 =	seq.s32 @!p0 s5, $0x0  }
0x1f: {  	s9 =	smul.u32 $0xF7A, s1;
	s8 =	simm.s32 @!p0 $0x1BF5;
	p2 =	por !p2, p0  }
0x20: {  	[sflag:s8] =	ssyncset.s32 @!p0 $0xFFFFF086;
	s6 =	sadd.s32 @!p0 s3, s7;
	s7 =	simm.s32 @!p0 $0x108  }
0x21: {  	s3 =	sadd.s32 s3, s9;
	s6 =	sadd.s32 @!p0 $0x88, s6;
	s7 =	simm.s32 @p2 $0x1082  }
0x22: {  	[simem:s7], [sflag:s8] =	dma.local @!p0 [hbm:s6], $0xF7A  }
0x23: {  	s9 =	sor.u32 $0xD0000000, s2;
	s6 =	simm.s32 $0x108;
	_ =	swait.ge @!p0 [sflag:s8], $0x0  }
0x24: {  	s3 =	sadd.s32 $0x88, s3;
	s6 =	simm.s32 @!p1 $0x1082;
	[sflag:s4] =	ssyncset.s32 $0xFFFFF086  }
0x25: {  	[simem:s6], [sflag:s4] =	dma.local [hbm:s3], $0xF7A  }
0x26: {  	[smem:$0x3F9F] =	sst s1;
	(tag) =	ssettag s2;
	_ =	strace s9  }
0x27: {  	s1 =	sld [smem:$0x3FAF]  }
0x28: {  	s2 =	sld [smem:$0x3FB0]  }
0x29: {  	s4 =	sld [smem:$0x3FB2]  }
0x2a: {  	p0 =	seq.s32 s5, $0x0;
	s5 =	sld [smem:$0x3FB3]  }
0x2b: {  	s6 =	sld [smem:$0x3FB4]  }
0x2c: {  	s7 =	sld [smem:$0x3FB5]  }
0x2d: {  	s3 =	simm.s32 $0x108;
	s8 =	sld [smem:$0x3FB6]  }
0x2e: {  	s3 =	simm.s32 @!p0 $0x1082;
	s9 =	sld [smem:$0x3FB7]  }
0x2f: {  	lr =	sadd.s32 s0, s3;
	s0 =	sld [smem:$0x3FAE]  }
0x30: {  	s3 =	sld [smem:$0x3FB1]  }
0x31: {  	[smem:$0x3FBA] =	sst s10  }
0x32: {  	s10 =	sld [smem:$0x3FB8];
	_ =	sdelay $0x3  }
0x33: {  	p0 =	seq.s32 s10, $0x1;
	s10 =	sld [smem:$0x3FBA];
	_ =	sdelay $0x3  }
0x34: {  	[smem:$0x3FBA] =	sst s10  }
0x35: {  	s10 =	sld [smem:$0x3FB9];
	_ =	sdelay $0x3  }
0x36: {  	p1 =	seq.s32 s10, $0x1;
	s10 =	sld [smem:$0x3FBA];
	_ =	sdelay $0x3  }
0x37: {  	[smem:$0x3FBA] =	sst s10  }
0x38: {  	s10 =	sld [smem:$0x3FBB]  }
0x39: {  	_ = 	snop;
	(pc) =	sbr.ind lr, $3  }
0x3a: {  	_ = 	snop  }
0x3b: {  	_ = 	snop  }
0x3c: {  	p2 =	seq.s32 s10, $0x1;
	s10 =	sld [smem:$0x3FBA]  }
0x3d: {  	_ =	shalt  }
0x3e: {  	_ =	shalt  }
0x3f: {  	_ =	shalt  }
0x40: {  	_ =	shalt  }
0x41: {  	_ =	shalt  }
0x42: {  	_ =	shalt  }
0x43: {  	_ =	shalt  }
0x44: {  	_ =	shalt  }
0x45: {  	_ =	shalt  }
0x46: {  	_ =	shalt  }
0x47: {  	_ =	shalt  }
0x48: {  	_ =	shalt  }
0x49: {  	_ =	shalt  }
0x4a: {  	_ =	shalt  }
0x4b: {  	_ =	shalt  }
0x4c: {  	_ =	shalt  }
0x4d: {  	_ =	shalt  }
0x4e: {  	_ =	shalt  }
0x4f: {  	_ =	shalt  }
0x50: {  	_ =	shalt  }
0x51: {  	_ =	shalt  }
0x52: {  	_ =	shalt  }
0x53: {  	_ =	shalt  }
0x54: {  	_ =	shalt  }
0x55: {  	_ =	shalt  }
0x56: {  	_ =	shalt  }
0x57: {  	_ =	shalt  }
0x58: {  	_ =	shalt  }
0x59: {  	_ =	shalt  }
0x5a: {  	_ =	shalt  }
0x5b: {  	_ =	shalt  }
0x5c: {  	_ =	shalt  }
0x5d: {  	_ =	shalt  }
0x5e: {  	_ =	shalt  }
0x5f: {  	_ =	shalt  }
0x60: {  	_ =	shalt  }
0x61: {  	_ =	shalt  }
0x62: {  	_ =	shalt  }
0x63: {  	_ =	shalt  }
0x64: {  	_ =	shalt  }
0x65: {  	_ =	shalt  }
0x66: {  	_ =	shalt  }
0x67: {  	_ =	shalt  }
0x68: {  	_ =	shalt  }
0x69: {  	_ =	shalt  }
0x6a: {  	_ =	shalt  }
0x6b: {  	_ =	shalt  }
0x6c: {  	_ =	shalt  }
0x6d: {  	_ =	shalt  }
0x6e: {  	_ =	shalt  }
0x6f: {  	_ =	shalt  }
0x70: {  	_ =	shalt  }
0x71: {  	_ =	shalt  }
0x72: {  	_ =	shalt  }
0x73: {  	_ =	shalt  }
0x74: {  	_ =	shalt  }
0x75: {  	_ =	shalt  }
0x76: {  	_ =	shalt  }
0x77: {  	_ =	shalt  }
0x78: {  	_ =	shalt  }
0x79: {  	_ =	shalt  }
0x7a: {  	_ =	shalt  }
0x7b: {  	_ =	shalt  }
0x7c: {  	_ =	shalt  }
0x7d: {  	_ =	shalt  }
0x7e: {  	_ =	shalt  }
0x7f: {  	_ =	shalt  }
0x80: {  	_ =	shalt  }
0x81: {  	_ =	shalt  }
0x82: {  	_ =	shalt  }
0x83: {  	_ =	shalt  }
0x84: {  	_ =	shalt  }
0x85: {  	_ =	shalt  }
0x86: {  	_ =	shalt  }
0x87: {  	_ =	shalt  }
.Lfunc_end0:
.L_simem_size_0:
called_computation_lowered:
.L_overlay_start_0:
0x88: {  	s2 =	sld [smem:$0x3FD9]  }
0x89: {  	s3 =	sld [smem:$0x3FFE];
	_ =	sdelay $0x1  }
0x8a: {  	s1 =	srdreg.scid  }
0x8b: {  	s0 =	sand.u32 $0x1, s1  }
0x8c: {  	s17 =	sshll.u32 s0, $0xA;
	s2 =	sadd.s32 s3, s2  }
0x8d: {  	s2 =	sadd.s32 s2, s17  }
0x8e: {  	[smem:$0x3FC6] =	sst s2  }
0x8f: {  	_ = 	snop  }
0x90: {  	s2 =	sld [smem:$0x3FC8]  }
0x91: {  	s18 =	sld [smem:$0x3FD0];
	(tm) =	ssettm $0x1  }
0x92: {  	s4 =	sld [smem:$0x3FFB];
	_ =	sdelay $0x3  }
0x93: {  	_ =	strace s4  }
0x94: {  	s4 =	sld [smem:$0x3FFC];
	_ =	sdelay $0x3  }
0x95: {  	_ =	strace s4  }
0x96: {  	s4 =	sld [smem:$0x3FFD];
	_ =	sdelay $0x3  }
0x97: {  	_ =	strace s4  }
0x98: {  	_ =	strace $0x8FFFFFFF  }
0x99: {  	s19 =	sld [smem:$0x3FDB];
	_ =	sdelay $0x1  }
0x9a: {  	s5 =	simm.s32 $_scs_section_size  }
0x9b: {  	s6 =	simm.s32 $_size__tile_overlayer_lowered;
	s7 =	simm.s32 $_tile_overlayer_lowered  }
0x9c: {  	s22 =	simm.s32 $0x1BFF;
	s21 =	sshll.u32 s7, $0x1;
	s4 =	sadd.s32 s5, s19  }
0x9d: {  	s8 =	simm.s32 $0x0;
	s20 =	sshll.u32 s6, $0x1;
	s6 =	sadd.s32 s21, s4  }
0x9e: {  	[timem:s8], [sflag:s22] =	dma.local [hbm:s6], s20  }
0x9f: {  	_ =	swait.ge [sflag:s22], s20  }
0xa0: {  	s5 =	ssub.s32 $0x0, s20;
	[sflag:s22] =	ssyncset.done $0x0  }
0xa1: {  	[sflag:s22] =	ssyncadd.s32 s5;
	_ =	sdelay $0x1  }
0xa2: {  	s23 =	simm.s32 $0x1B8B  }
0xa3: {  	_ =	swait.ge [sflag:s23], $0x1  }
0xa4: {  	[sflag:s23] =	ssyncset.done $0x0  }
0xa5: {  	s25 =	simm.s32 $0x1B8E;
	s24 =	sld [smem:$0x3FFE];
	[sflag:s23] =	ssyncadd.s32 $0xFFFFFFFF  }
0xa6: {  	s26 =	simm.s32 $execute0_lowered;
	[smem:$0x3FD2] =	sst s25  }
0xa7: {  	s6 =	sshll.u32 s26, $0x1;
	_ =	strace $0x80000046;
	[dreg:$0x1] =	wrdreg $0xFFFFFFFF  }
0xa8: {  	s28 =	simm.s32 $_size_execute0_lowered;
	s4 =	sadd.s32 s4, s6;
	[dreg:$0x0] =	wrdreg $0x0  }
0xa9: {  	s6 =	sshll.u32 s28, $0x1;
	[dreg:$0x2] =	wrdreg s4  }
0xaa: {  	[dreg:$0x3] =	wrdreg s6  }
0xab: {  	[dreg:$0x4] =	wrdreg $0xC0  }
0xac: {  	_ =	task [dreg:s8], $0x5FFFF  }
0xad: {  	[dreg:$0x1] =	wrdreg $0xFFFFFFFF  }
0xae: {  	[dreg:$0x0] =	wrdreg $0x60  }
0xaf: {  	[dreg:$0x2] =	wrdreg s24  }
0xb0: {  	[dreg:$0x3] =	wrdreg s2  }
0xb1: {  	[dreg:$0x4] =	wrdreg s18  }
0xb2: {  	[dreg:$0x5] =	wrdreg $0x9  }
0xb3: {  	_ =	task.clear_ibuf [dreg:s8], $0x6FFFF;
	_ =	strace $0x90000046  }
0xb4: {  	s29 =	simm.s32 $0x9;
	_ =	strace $0x80000048  }
0xb5: {  	_ =	swait.ge [sflag:s29], $0x1  }
0xb6: {  	[sflag:s29] =	ssyncadd.s32 $0xFFFFFFFF  }
0xb7: {  	_ =	strace $0x90000048  }
0xb8: {  	_ =	sfence  }
0xb9: {  	s30 =	sld [smem:$0x0];
	_ =	sdelay $0x2  }
0xba: {  	s31 =	sshll.u32 s1, $0xD;
	s1 =	sshrl.u32 s1, $0x2  }
0xbb: {  	s3 =	sand.u32 $0x4000, s31;
	s1 =	sadd.s32 s1, s30  }
0xbc: {  	s0 =	sor.u32 s3, s0;
	s1 =	sshll.u32 s1, $0x11  }
0xbd: {  	s0 =	sor.u32 s1, s0  }
0xbe: {  	s0 =	sadd.s32 $0x8F2B, s0  }
0xbf: {  	[sflag:s0] =	ssyncadd.remote.s32 $0x1  }
0xc0: {  	_ =	sfence.sel $0xFFFF  }
0xc1: {  	[dreg:$0x0] =	wrdreg $0xFFFFFFFF;
	(pc) =	sbr.abs _section_cstart, $3  }
0xc2: {  	[dreg:$0x1] =	wrdreg $0xFFFFFFFF  }
0xc3: {  	_ =	task.clear_ibuf [dreg:s8], $0x2FFFF;
	_ =	strace $0x9FFFFFFF  }
0xc4: {  	(tm) =	ssettm $0x7FFFFFFF  }
0xc5: {  	_ =	shalt  }
tec
execute0_lowered:
.L_overlay_start_1:
0x0: {  	(tag) =	ssettag $0x1  }
0x1: {  	s4 =	rddreg [dreg:$0x0]  }
0x2: {  	s1 =	srdreg.scid;
	s2 =	rddreg [dreg:$0x1]  }
0x3: {  	s0 =	stileid.u32;
	s7 =	rddreg [dreg:$0x2]  }
0x4: {  	s3 =	simm.s32 $0x0;
	s10 =	simm.s32 $0x1A00;
	s11 =	simm.s32 $0x3400  }
0x5: {  	s12 =	simm.s32 $0x4E00;
	s13 =	simm.s32 $0x1;
	s14 =	simm.s32 $0x2  }
0x6: {  	s15 =	simm.s32 $0x6800;
	s5 =	sand.u32 $0x1, s1;
	s26 =	sshll.u32 s0, $0x1  }
0x7: {  	s28 =	sshrl.u32 s0, $0x2;
	s1 =	rddreg [dreg:$0x3];
	s6 =	sor.u32 s5, s26  }
0x8: {  	[smem:$0x7FF] =	sst s3;
	s8 =	smul.u32 $0x1A000, s28;
	s9 =	sshll.u32 s6, $0x7  }
0x9: {  	s5 =	ssub.s32 $0x2, s5;
	_ =	strace $0x80000047;
	s9 =	sand.u32 $0x380, s9  }
0xa: {  	s29 =	sshrl.u32 s5, $0x1;
	s31 =	sshll.u32 s6, $0x6;
	s8 =	sor.u32 s8, s9  }
0xb: {  	s30 =	ssub.s32 s5, s29;
	s5 =	sadd.s32 s7, s31;
	s8 =	sshrl.u32 s8, $0x3  }
0xc: {  	s7 =	simm.s32 $0x80;
	s6 =	smax.u32 s30, $0x1;
	s4 =	sadd.s32 s8, s4  }
0xd: {  	s9 =	simm.s32 $0x3;
	s8 =	simm.s32 $0x400;
	s4 =	sadd.s32 $0x400, s4  }
.LBB2_1:
0xe: {  	[tilespmem:s3], [sflag:$0x3] =	stream.strided.gather [hbm4b:s4+s7], $0x3400, s8, s7, $0x38;
	[tilespmem:$0x6A00] =	vst v63  }
0xf: {  	_ =	swait.ge [sflag:s9], $0x3400  }
0x10: {  	[sflag:s9] =	ssyncset.done $0x0  }
0x11: {  	[sflag:s9] =	ssyncadd.s32 $0xFFFFCC00  }
0x12: {  	[tilespmem:s11], [sflag:$0x1] =	stream.indirect.gather [hbm4b:s2+s10], $0x1, s3, s10, $0xb8;
	[tilespmem:$0x6A00] =	vst v63  }
0x13: {  	_ = 	snop  }
0x14: {  	[tilespmem:s12], [sflag:$0x2] =	stream.indirect.gather [hbm4b:s2+s10], $0x1, s10, s10, $0xb8;
	[tilespmem:$0x6A00] =	vst v63  }
0x15: {  	_ =	swait.ge [sflag:s13], $0x1A00  }
0x16: {  	[sflag:s13] =	ssyncset.done $0x0  }
0x17: {  	[sflag:s13] =	ssyncadd.s32 $0xFFFFE600  }
0x18: {  	v25 =	vld [tilespmem:$0x3400]  }
0x19: {  	v24 =	vld [tilespmem:$0x3600]  }
0x1a: {  	v26 =	vld [tilespmem:$0x3800]  }
0x1b: {  	v32 =	vld [tilespmem:$0x3A00]  }
0x1c: {  	v42 =	vld [tilespmem:$0x3C00]  }
0x1d: {  	v62 =	vld [tilespmem:$0x4600]  }
0x1e: {  	v52 =	vld [tilespmem:$0x3E00]  }
0x1f: {  	v0 =	vld [tilespmem:$0x4000]  }
0x20: {  	v60 =	vld [tilespmem:$0x4200]  }
0x21: {  	v61 =	vld [tilespmem:$0x4400]  }
0x22: {  	[tilespmem:$0x1E530] =	vst v62;
	v62 =	vld [tilespmem:$0x4060]  }
0x23: {  	v63 =	vld [tilespmem:$0x4800]  }
0x24: {  	v4 =	vld [tilespmem:$0x4A00]  }
0x25: {  	v5 =	vld [tilespmem:$0x4C00]  }
0x26: {  	v12 =	vld [tilespmem:$0x3410]  }
0x27: {  	[tilespmem:$0x1E670] =	vst v62;
	v62 =	vld [tilespmem:$0x3680]  }
0x28: {  	v8 =	vld [tilespmem:$0x3610]  }
0x29: {  	v14 =	vld [tilespmem:$0x3810]  }
0x2a: {  	v18 =	vld [tilespmem:$0x3A10]  }
0x2b: {  	v27 =	vld [tilespmem:$0x3C10]  }
0x2c: {  	[tilespmem:$0x1E7E0] =	vst v62;
	v62 =	vld [tilespmem:$0x4280]  }
0x2d: {  	v33 =	vld [tilespmem:$0x3E10]  }
0x2e: {  	v44 =	vld [tilespmem:$0x4010]  }
0x2f: {  	v51 =	vld [tilespmem:$0x4210]  }
0x30: {  	v6 =	vld [tilespmem:$0x4410]  }
0x31: {  	[tilespmem:$0x1E920] =	vst v62;
	v62 =	vld [tilespmem:$0x3490]  }
0x32: {  	v7 =	vld [tilespmem:$0x4610]  }
0x33: {  	v9 =	vld [tilespmem:$0x4810]  }
0x34: {  	v10 =	vld [tilespmem:$0x4A10]  }
0x35: {  	v11 =	vld [tilespmem:$0x4C10]  }
0x36: {  	[tilespmem:$0x1E800] =	vst v62;
	v62 =	vld [tilespmem:$0x4090]  }
0x37: {  	v15 =	vld [tilespmem:$0x3C20]  }
0x38: {  	v20 =	vld [tilespmem:$0x3E20]  }
0x39: {  	v28 =	vld [tilespmem:$0x4020]  }
0x3a: {  	v35 =	vld [tilespmem:$0x4220]  }
0x3b: {  	[tilespmem:$0x1E900] =	vst v62;
	v62 =	vld [tilespmem:$0x4C90]  }
0x3c: {  	v49 =	vld [tilespmem:$0x4420]  }
0x3d: {  	v56 =	vld [tilespmem:$0x4620]  }
0x3e: {  	v13 =	vld [tilespmem:$0x4820]  }
0x3f: {  	v16 =	vld [tilespmem:$0x4A20]  }
0x40: {  	[tilespmem:$0x1EA80] =	vst v62;
	v62 =	vld [tilespmem:$0x3EA0]  }
0x41: {  	v17 =	vld [tilespmem:$0x4C20]  }
0x42: {  	v1 =	vld [tilespmem:$0x3430]  }
0x43: {  	v2 =	vld [tilespmem:$0x3830]  }
0x44: {  	v3 =	vld [tilespmem:$0x3A30]  }
0x45: {  	[tilespmem:$0x1E8F0] =	vst v62;
	v62 =	vld [tilespmem:$0x46A0]  }
0x46: {  	v21 =	vld [tilespmem:$0x4230]  }
0x47: {  	v29 =	vld [tilespmem:$0x4430]  }
0x48: {  	v37 =	vld [tilespmem:$0x4630]  }
0x49: {  	v45 =	vld [tilespmem:$0x4830]  }
0x4a: {  	[tilespmem:$0x1E9F0] =	vst v62;
	v62 =	vld [tilespmem:$0x3CB0]  }
0x4b: {  	v57 =	vld [tilespmem:$0x4A30]  }
0x4c: {  	v58 =	vld [tilespmem:$0x3640]  }
0x4d: {  	v19 =	vld [tilespmem:$0x3A40]  }
0x4e: {  	v22 =	vld [tilespmem:$0x3C40]  }
0x4f: {  	[tilespmem:$0x1E8D0] =	vst v62;
	v62 =	vld [tilespmem:$0x3EB0]  }
0x50: {  	v23 =	vld [tilespmem:$0x3E40]  }
0x51: {  	v30 =	vld [tilespmem:$0x4040]  }
0x52: {  	v31 =	vld [tilespmem:$0x4240]  }
0x53: {  	v34 =	vld [tilespmem:$0x4440]  }
0x54: {  	[tilespmem:$0x1E910] =	vst v62;
	v62 =	vld [tilespmem:$0x40B0]  }
0x55: {  	v36 =	vld [tilespmem:$0x4640]  }
0x56: {  	v38 =	vld [tilespmem:$0x4840]  }
0x57: {  	v39 =	vld [tilespmem:$0x4A40]  }
0x58: {  	v40 =	vld [tilespmem:$0x4C40]  }
0x59: {  	[tilespmem:$0x1E950] =	vst v62;
	v62 =	vld [tilespmem:$0x42B0]  }
0x5a: {  	v43 =	vld [tilespmem:$0x3850]  }
0x5b: {  	v50 =	vld [tilespmem:$0x3A50]  }
0x5c: {  	v41 =	vld [tilespmem:$0x3C50]  }
0x5d: {  	v46 =	vld [tilespmem:$0x3E50]  }
0x5e: {  	[tilespmem:$0x1E990] =	vst v62;
	v62 =	vld [tilespmem:$0x44B0]  }
0x5f: {  	v47 =	vld [tilespmem:$0x4050]  }
0x60: {  	v48 =	vld [tilespmem:$0x4250]  }
0x61: {  	v53 =	vld [tilespmem:$0x4450]  }
0x62: {  	v54 =	vld [tilespmem:$0x4650]  }
0x63: {  	[tilespmem:$0x1E9D0] =	vst v62;
	v62 =	vld [tilespmem:$0x46B0]  }
0x64: {  	v55 =	vld [tilespmem:$0x4850]  }
0x65: {  	v59 =	vld [tilespmem:$0x4A50];
	[tilespmem:$0x1E4F0] =	vst v0  }
0x66: {  	[tilespmem:$0x1E5A0] =	vst v5;
	v5 =	vld [tilespmem:$0x3420]  }
0x67: {  	[tilespmem:$0x1E570] =	vst v4;
	v4 =	vld [tilespmem:$0x3620]  }
0x68: {  	[tilespmem:$0x1EA10] =	vst v62;
	v62 =	vld [tilespmem:$0x48B0]  }
0x69: {  	[tilespmem:$0x1E520] =	vst v6;
	v6 =	vld [tilespmem:$0x3820]  }
0x6a: {  	[tilespmem:$0x1E560] =	vst v9;
	v9 =	vld [tilespmem:$0x3A20]  }
0x6b: {  	[tilespmem:$0x1E500] =	vst v60;
	v0 =	vld [tilespmem:$0x3630]  }
0x6c: {  	[tilespmem:$0x1E540] =	vst v7;
	v7 =	vld [tilespmem:$0x3C30]  }
0x6d: {  	[tilespmem:$0x1EA50] =	vst v62;
	v62 =	vld [tilespmem:$0x4AB0]  }
0x6e: {  	[tilespmem:$0x1E590] =	vst v10;
	v10 =	vld [tilespmem:$0x3E30]  }
0x6f: {  	[tilespmem:$0x1E5B0] =	vst v16;
	v16 =	vld [tilespmem:$0x4030]  }
0x70: {  	[tilespmem:$0x1E5C0] =	vst v11;
	v11 =	vld [tilespmem:$0x4C30]  }
0x71: {  	[tilespmem:$0x1E510] =	vst v61;
	v60 =	vld [tilespmem:$0x3440]  }
0x72: {  	[tilespmem:$0x1EA90] =	vst v62;
	v62 =	vld [tilespmem:$0x4CB0]  }
0x73: {  	[tilespmem:$0x1E550] =	vst v63;
	v63 =	vld [tilespmem:$0x3840]  }
0x74: {  	[tilespmem:$0x1E780] =	vst v40;
	v40 =	vld [tilespmem:$0x3450]  }
0x75: {  	[tilespmem:$0x1E700] =	vst v38;
	v38 =	vld [tilespmem:$0x3650]  }
0x76: {  	[tilespmem:$0x1E580] =	vst v13;
	v61 =	vld [tilespmem:$0x4C50]  }
0x77: {  	[tilespmem:$0x1EAD0] =	vst v62;
	v62 =	vld [tilespmem:$0x34C0]  }
0x78: {  	[tilespmem:$0x1E620] =	vst v23;
	v23 =	vld [tilespmem:$0x3460]  }
0x79: {  	[tilespmem:$0x1E600] =	vst v22;
	v22 =	vld [tilespmem:$0x3660]  }
0x7a: {  	[tilespmem:$0x1E640] =	vst v30;
	v30 =	vld [tilespmem:$0x3860]  }
0x7b: {  	[tilespmem:$0x1E740] =	vst v39;
	v39 =	vld [tilespmem:$0x3A60]  }
0x7c: {  	[tilespmem:$0x1EAB0] =	vst v62;
	v62 =	vld [tilespmem:$0x36C0]  }
0x7d: {  	[tilespmem:$0x1E680] =	vst v48;
	v48 =	vld [tilespmem:$0x3C60]  }
0x7e: {  	[tilespmem:$0x1E760] =	vst v59;
	v59 =	vld [tilespmem:$0x3E60]  }
0x7f: {  	[tilespmem:$0x1E5D0] =	vst v17;
	v13 =	vld [tilespmem:$0x4260]  }
0x80: {  	[tilespmem:$0x1E5F0] =	vst v19;
	v17 =	vld [tilespmem:$0x4460]  }
0x81: {  	[tilespmem:$0x1EAC0] =	vst v62;
	v62 =	vld [tilespmem:$0x38C0]  }
0x82: {  	[tilespmem:$0x1E660] =	vst v31;
	v19 =	vld [tilespmem:$0x4660]  }
0x83: {  	[tilespmem:$0x1E690] =	vst v34;
	v31 =	vld [tilespmem:$0x4860]  }
0x84: {  	[tilespmem:$0x1E6C0] =	vst v36;
	v34 =	vld [tilespmem:$0x4A60]  }
0x85: {  	[tilespmem:$0x1E610] =	vst v41;
	v36 =	vld [tilespmem:$0x4C60]  }
0x86: {  	[tilespmem:$0x1EB00] =	vst v62;
	v62 =	vld [tilespmem:$0x3AC0]  }
0x87: {  	[tilespmem:$0x1E650] =	vst v47;
	v47 =	vld [tilespmem:$0x4070]  }
0x88: {  	[tilespmem:$0x1E6B0] =	vst v53;
	v53 =	vld [tilespmem:$0x4270]  }
0x89: {  	[tilespmem:$0x1E630] =	vst v46;
	v41 =	vld [tilespmem:$0x4670]  }
0x8a: {  	[tilespmem:$0x1E6E0] =	vst v54;
	v46 =	vld [tilespmem:$0x4870]  }
0x8b: {  	[tilespmem:$0x1EB60] =	vst v62;
	v62 =	vld [tilespmem:$0x3CC0]  }
0x8c: {  	[tilespmem:$0x1E720] =	vst v55;
	v54 =	vld [tilespmem:$0x4A70]  }
0x8d: {  	v55 =	vld [tilespmem:$0x4C70];
	[tilespmem:$0x1E5E0] =	vst v11  }
0x8e: {  	[tilespmem:$0x1E6A0] =	vst v13;
	v13 =	vld [tilespmem:$0x3470]  }
0x8f: {  	[tilespmem:$0x1E7A0] =	vst v61;
	v11 =	vld [tilespmem:$0x3670]  }
0x90: {  	[tilespmem:$0x1EBA0] =	vst v62;
	v62 =	vld [tilespmem:$0x3EC0]  }
0x91: {  	[tilespmem:$0x1E6D0] =	vst v17;
	v17 =	vld [tilespmem:$0x3870]  }
0x92: {  	[tilespmem:$0x1E710] =	vst v19;
	v19 =	vld [tilespmem:$0x3A70]  }
0x93: {  	[tilespmem:$0x1E750] =	vst v31;
	v31 =	vld [tilespmem:$0x3C70]  }
0x94: {  	[tilespmem:$0x1E790] =	vst v34;
	v34 =	vld [tilespmem:$0x3E70]  }
0x95: {  	[tilespmem:$0x1EBE0] =	vst v62;
	v62 =	vld [tilespmem:$0x40C0]  }
0x96: {  	[tilespmem:$0x1E7C0] =	vst v36;
	v36 =	vld [tilespmem:$0x4470]  }
0x97: {  	[tilespmem:$0x1E730] =	vst v41;
	v61 =	vld [tilespmem:$0x3480]  }
0x98: {  	[tilespmem:$0x1E770] =	vst v46;
	v41 =	vld [tilespmem:$0x3880]  }
0x99: {  	[tilespmem:$0x1E7B0] =	vst v54;
	v46 =	vld [tilespmem:$0x3A80]  }
0x9a: {  	[tilespmem:$0x1EC20] =	vst v62;
	v62 =	vld [tilespmem:$0x42C0]  }
0x9b: {  	[tilespmem:$0x1E7F0] =	vst v55;
	v54 =	vld [tilespmem:$0x3C80]  }
0x9c: {  	v55 =	vld [tilespmem:$0x3E80];
	[tilespmem:$0x1E6F0] =	vst v36  }
0x9d: {  	[tilespmem:$0x1E7D0] =	vst v61;
	v61 =	vld [tilespmem:$0x4080]  }
0x9e: {  	[tilespmem:$0x1E820] =	vst v41;
	v41 =	vld [tilespmem:$0x4480]  }
0x9f: {  	[tilespmem:$0x1EC60] =	vst v62;
	v62 =	vld [tilespmem:$0x44C0]  }
0xa0: {  	[tilespmem:$0x1E840] =	vst v46;
	v46 =	vld [tilespmem:$0x4680]  }
0xa1: {  	[tilespmem:$0x1E870] =	vst v54;
	v54 =	vld [tilespmem:$0x4880]  }
0xa2: {  	[tilespmem:$0x1E8A0] =	vst v55;
	v55 =	vld [tilespmem:$0x4A80]  }
0xa3: {  	v36 =	vld [tilespmem:$0x36B0];
	[tilespmem:$0x1E8E0] =	vst v61  }
0xa4: {  	[tilespmem:$0x1ECA0] =	vst v62;
	v62 =	vld [tilespmem:$0x46C0]  }
0xa5: {  	[tilespmem:$0x1E960] =	vst v41;
	v61 =	vld [tilespmem:$0x4C80]  }
0xa6: {  	[tilespmem:$0x1E9A0] =	vst v46;
	v41 =	vld [tilespmem:$0x3690]  }
0xa7: {  	[tilespmem:$0x1E9E0] =	vst v54;
	v46 =	vld [tilespmem:$0x3890]  }
0xa8: {  	[tilespmem:$0x1EA20] =	vst v55;
	v55 =	vld [tilespmem:$0x3C90]  }
0xa9: {  	[tilespmem:$0x1ECE0] =	vst v62;
	v62 =	vld [tilespmem:$0x48C0]  }
0xaa: {  	v54 =	vld [tilespmem:$0x3A90];
	[tilespmem:$0x1EA60] =	vst v61  }
0xab: {  	[tilespmem:$0x1E810] =	vst v41;
	v41 =	vld [tilespmem:$0x4290]  }
0xac: {  	[tilespmem:$0x1E830] =	vst v46;
	v46 =	vld [tilespmem:$0x4490]  }
0xad: {  	[tilespmem:$0x1E890] =	vst v55;
	v55 =	vld [tilespmem:$0x4890]  }
0xae: {  	[tilespmem:$0x1ED20] =	vst v62;
	v62 =	vld [tilespmem:$0x4AC0]  }
0xaf: {  	[tilespmem:$0x1E860] =	vst v54;
	v61 =	vld [tilespmem:$0x3E90]  }
0xb0: {  	[tilespmem:$0x1E940] =	vst v41;
	v41 =	vld [tilespmem:$0x38A0]  }
0xb1: {  	[tilespmem:$0x1E980] =	vst v46;
	v46 =	vld [tilespmem:$0x3AA0]  }
0xb2: {  	[tilespmem:$0x1EA00] =	vst v55;
	v55 =	vld [tilespmem:$0x3CA0]  }
0xb3: {  	[tilespmem:$0x1ED50] =	vst v62;
	v62 =	vld [tilespmem:$0x4CC0]  }
0xb4: {  	v54 =	vld [tilespmem:$0x4690];
	[tilespmem:$0x1E8C0] =	vst v61  }
0xb5: {  	[tilespmem:$0x1E850] =	vst v41;
	v41 =	vld [tilespmem:$0x40A0]  }
0xb6: {  	[tilespmem:$0x1E880] =	vst v46;
	v46 =	vld [tilespmem:$0x42A0]  }
0xb7: {  	[tilespmem:$0x1E8B0] =	vst v55;
	v55 =	vld [tilespmem:$0x44A0]  }
0xb8: {  	[tilespmem:$0x1ED80] =	vst v62;
	v62 =	vld [tilespmem:$0x34D0]  }
0xb9: {  	[tilespmem:$0x1E9C0] =	vst v54;
	v61 =	vld [tilespmem:$0x4A90]  }
0xba: {  	[tilespmem:$0x1E930] =	vst v41;
	v41 =	vld [tilespmem:$0x48A0]  }
0xbb: {  	[tilespmem:$0x1E970] =	vst v46;
	v46 =	vld [tilespmem:$0x4AA0]  }
0xbc: {  	[tilespmem:$0x1E9B0] =	vst v55;
	v55 =	vld [tilespmem:$0x4CA0]  }
0xbd: {  	[tilespmem:$0x1EAE0] =	vst v62;
	v62 =	vld [tilespmem:$0x36D0]  }
0xbe: {  	v54 =	vld [tilespmem:$0x36A0];
	[tilespmem:$0x1EA40] =	vst v61  }
0xbf: {  	v61 =	vld [tilespmem:$0x34A0];
	[tilespmem:$0x1EA30] =	vst v41  }
0xc0: {  	[tilespmem:$0x1EA70] =	vst v46;
	v41 =	vld [tilespmem:$0x34B0]  }
0xc1: {  	[tilespmem:$0x1EAA0] =	vst v55;
	v46 =	vld [tilespmem:$0x38B0]  }
0xc2: {  	v55 =	vld [tilespmem:$0x3AB0];
	[tilespmem:$0x1EAF0] =	vst v62  }
0xc3: {  	v62 =	vld [tilespmem:$0x38D0];
	_ =	sdelay $0x4  }
0xc4: {  	[tilespmem:$0x1EB30] =	vst v62;
	v62 =	vld [tilespmem:$0x3AD0];
	_ =	sdelay $0x4  }
0xc5: {  	[tilespmem:$0x1EB80] =	vst v62;
	v62 =	vld [tilespmem:$0x3CD0];
	_ =	sdelay $0x4  }
0xc6: {  	[tilespmem:$0x1EBC0] =	vst v62;
	v62 =	vld [tilespmem:$0x3ED0];
	_ =	sdelay $0x4  }
0xc7: {  	[tilespmem:$0x1EC00] =	vst v62;
	v62 =	vld [tilespmem:$0x40D0];
	_ =	sdelay $0x4  }
0xc8: {  	[tilespmem:$0x1EC40] =	vst v62;
	v62 =	vld [tilespmem:$0x42D0];
	_ =	sdelay $0x4  }
0xc9: {  	[tilespmem:$0x1EC80] =	vst v62;
	v62 =	vld [tilespmem:$0x44D0];
	_ =	sdelay $0x4  }
0xca: {  	[tilespmem:$0x1ECC0] =	vst v62;
	v62 =	vld [tilespmem:$0x46D0];
	_ =	sdelay $0x4  }
0xcb: {  	[tilespmem:$0x1ED00] =	vst v62;
	v62 =	vld [tilespmem:$0x48D0];
	_ =	sdelay $0x4  }
0xcc: {  	[tilespmem:$0x1ED40] =	vst v62;
	v62 =	vld [tilespmem:$0x4AD0];
	_ =	sdelay $0x4  }
0xcd: {  	[tilespmem:$0x1ED70] =	vst v62;
	v62 =	vld [tilespmem:$0x4CD0];
	_ =	sdelay $0x4  }
0xce: {  	[tilespmem:$0x1EDA0] =	vst v62;
	v62 =	vld [tilespmem:$0x34E0];
	_ =	sdelay $0x4  }
0xcf: {  	[tilespmem:$0x1EB10] =	vst v62;
	v62 =	vld [tilespmem:$0x36E0];
	_ =	sdelay $0x4  }
0xd0: {  	[tilespmem:$0x1EB20] =	vst v62;
	v62 =	vld [tilespmem:$0x38E0];
	_ =	sdelay $0x4  }
0xd1: {  	[tilespmem:$0x1EB70] =	vst v62;
	v62 =	vld [tilespmem:$0x3AE0];
	_ =	sdelay $0x4  }
0xd2: {  	[tilespmem:$0x1EBB0] =	vst v62;
	v62 =	vld [tilespmem:$0x3CE0];
	_ =	sdelay $0x4  }
0xd3: {  	[tilespmem:$0x1EBF0] =	vst v62;
	v62 =	vld [tilespmem:$0x3EE0];
	_ =	sdelay $0x4  }
0xd4: {  	[tilespmem:$0x1EC30] =	vst v62;
	v62 =	vld [tilespmem:$0x40E0];
	_ =	sdelay $0x4  }
0xd5: {  	[tilespmem:$0x1EC70] =	vst v62;
	v62 =	vld [tilespmem:$0x42E0];
	_ =	sdelay $0x4  }
0xd6: {  	[tilespmem:$0x1ECB0] =	vst v62;
	v62 =	vld [tilespmem:$0x44E0];
	_ =	sdelay $0x4  }
0xd7: {  	[tilespmem:$0x1ECF0] =	vst v62;
	v62 =	vld [tilespmem:$0x46E0];
	_ =	sdelay $0x4  }
0xd8: {  	[tilespmem:$0x1ED30] =	vst v62;
	v62 =	vld [tilespmem:$0x48E0]  }
0xd9: {  	v0 =	vadd.f32 v0, v1;
	_ =	sdelay $0x1  }
0xda: {  	v0 =	vadd.f32 v2, v0  }
0xdb: {  	v4 =	vadd.f32 v4, v5  }
0xdc: {  	v24 =	vadd.f32 v24, v25;
	v0 =	vadd.f32 v3, v0;
	[tilespmem:$0x1ED60] =	vst v62;
	v62 =	vld [tilespmem:$0x4AE0]  }
0xdd: {  	v4 =	vadd.f32 v6, v4  }
0xde: {  	v25 =	vadd.f32 v26, v24;
	v0 =	vadd.f32 v7, v0;
	v26 =	vld [tilespmem:$0x44F0]  }
0xdf: {  	v8 =	vadd.f32 v8, v12;
	v12 =	vadd.f32 v9, v4;
	v9 =	vld [tilespmem:$0x3D00]  }
0xe0: {  	v0 =	vadd.f32 v10, v0;
	v10 =	vld [tilespmem:$0x1E500]  }
0xe1: {  	[tilespmem:$0x1ED90] =	vst v62;
	v62 =	vld [tilespmem:$0x4CE0]  }
0xe2: {  	v2 =	vadd.f32 v15, v12;
	v12 =	vld [tilespmem:$0x3F00]  }
0xe3: {  	v15 =	vld [tilespmem:$0x4100]  }
0xe4: {  	v0 =	vadd.f32 v16, v0;
	v16 =	vld [tilespmem:$0x1E510]  }
0xe5: {  	v2 =	vadd.f32 v20, v2;
	v20 =	vld [tilespmem:$0x1E520]  }
0xe6: {  	[tilespmem:$0x1EDB0] =	vst v62;
	v62 =	vld [tilespmem:$0x34F0]  }
0xe7: {  	v0 =	vadd.f32 v21, v0;
	v21 =	vld [tilespmem:$0x4500]  }
0xe8: {  	v2 =	vadd.f32 v28, v2;
	v28 =	vld [tilespmem:$0x4900]  }
0xe9: {  	v0 =	vadd.f32 v29, v0;
	v29 =	vld [tilespmem:$0x1E550]  }
0xea: {  	v2 =	vadd.f32 v35, v2;
	v35 =	vld [tilespmem:$0x1E560]  }
0xeb: {  	[tilespmem:$0x1EB40] =	vst v62;
	v62 =	vld [tilespmem:$0x36F0]  }
0xec: {  	v2 =	vadd.f32 v49, v2;
	v0 =	vadd.f32 v37, v0;
	v49 =	vld [tilespmem:$0x4D00]  }
0xed: {  	v37 =	vld [tilespmem:$0x1E570]  }
0xee: {  	v0 =	vadd.f32 v45, v0;
	v45 =	vld [tilespmem:$0x1E5A0]  }
0xef: {  	v2 =	vadd.f32 v56, v2;
	v56 =	vld [tilespmem:$0x1E5C0]  }
0xf0: {  	[tilespmem:$0x1EB50] =	vst v62;
	v62 =	vld [tilespmem:$0x38F0]  }
0xf1: {  	v0 =	vadd.f32 v57, v0;
	v57 =	vld [tilespmem:$0x3B10]  }
0xf2: {  	v6 =	vld [tilespmem:$0x1E5E0]  }
0xf3: {  	v7 =	vadd.f32 v38, v40;
	v38 =	vld [tilespmem:$0x1E6B0]  }
0xf4: {  	v40 =	vld [tilespmem:$0x4120]  }
0xf5: {  	[tilespmem:$0x1EB90] =	vst v62;
	v62 =	vld [tilespmem:$0x3AF0]  }
0xf6: {  	v4 =	vadd.f32 v58, v60;
	v58 =	vld [tilespmem:$0x1E750]  }
0xf7: {  	v60 =	vld [tilespmem:$0x1E760]  }
0xf8: {  	v13 =	vadd.f32 v11, v13;
	v11 =	vld [tilespmem:$0x1E7B0]  }
0xf9: {  	[tilespmem:$0x1ED10] =	vst v26;
	v26 =	vld [tilespmem:$0x3500]  }
0xfa: {  	[tilespmem:$0x1EBD0] =	vst v62;
	v62 =	vld [tilespmem:$0x3CF0]  }
0xfb: {  	[tilespmem:$0x1EE50] =	vst v12;
	v12 =	vld [tilespmem:$0x3710]  }
0xfc: {  	[tilespmem:$0x1EE70] =	vst v15;
	v15 =	vld [tilespmem:$0x4310]  }
0xfd: {  	[tilespmem:$0x1EEB0] =	vst v21;
	v21 =	vld [tilespmem:$0x1E600]  }
0xfe: {  	[tilespmem:$0x1EE30] =	vst v9;
	v9 =	vadd.f32 v22, v23;
	v22 =	vld [tilespmem:$0x4910]  }
0xff: {  	[tilespmem:$0x1EC10] =	vst v62;
	v62 =	vld [tilespmem:$0x3EF0]  }
0x100: {  	v23 =	vld [tilespmem:$0x1E610]  }
0x101: {  	[tilespmem:$0x1EEF0] =	vst v28;
	v0 =	vadd.f32 v6, v0;
	v28 =	vld [tilespmem:$0x1E640]  }
0x102: {  	[tilespmem:$0x1EE20] =	vst v57;
	v57 =	vld [tilespmem:$0x1E740]  }
0x103: {  	[tilespmem:$0x1F030] =	vst v0;
	v0 =	vadd.f32 v43, v7;
	v43 =	vld [tilespmem:$0x1E6E0]  }
0x104: {  	[tilespmem:$0x1EC50] =	vst v62;
	v62 =	vld [tilespmem:$0x40F0]  }
0x105: {  	v0 =	vadd.f32 v50, v0;
	v50 =	vld [tilespmem:$0x1E720]  }
0x106: {  	[tilespmem:$0x1EDC0] =	vst v26;
	v26 =	vld [tilespmem:$0x4700]  }
0x107: {  	[tilespmem:$0x1EEA0] =	vst v15;
	v15 =	vld [tilespmem:$0x3520]  }
0x108: {  	[tilespmem:$0x1EF00] =	vst v22;
	v22 =	vld [tilespmem:$0x3920]  }
0x109: {  	[tilespmem:$0x1EC90] =	vst v62;
	v62 =	vld [tilespmem:$0x42F0]  }
0x10a: {  	v0 =	vadd.f32 v23, v0;
	v23 =	vld [tilespmem:$0x1E800]  }
0x10b: {  	[tilespmem:$0x1EED0] =	vst v26;
	v26 =	vld [tilespmem:$0x1E620]  }
0x10c: {  	v6 =	vld [tilespmem:$0x1EC00]  }
0x10d: {  	v7 =	vld [tilespmem:$0x1EC10]  }
0x10e: {  	[tilespmem:$0x1ECD0] =	vst v62;
	v62 =	vadd.f32 v14, v8;
	v14 =	vld [tilespmem:$0x46F0]  }
0x10f: {  	v8 =	vadd.f32 v32, v25;
	v25 =	vld [tilespmem:$0x48F0]  }
0x110: {  	v32 =	vld [tilespmem:$0x4AF0]  }
0x111: {  	v5 =	vadd.f32 v18, v62;
	v18 =	vld [tilespmem:$0x4CF0]  }
0x112: {  	v62 =	vld [tilespmem:$0x1E4F0]  }
0x113: {  	v1 =	vadd.f32 v42, v8;
	v8 =	vld [tilespmem:$0x3B00]  }
0x114: {  	v24 =	vadd.f32 v27, v5;
	v27 =	vld [tilespmem:$0x3700]  }
0x115: {  	v1 =	vadd.f32 v52, v1;
	v52 =	vld [tilespmem:$0x3900]  }
0x116: {  	v5 =	vld [tilespmem:$0x3D10]  }
0x117: {  	v42 =	vadd.f32 v33, v24;
	v24 =	vld [tilespmem:$0x1E530]  }
0x118: {  	v33 =	vld [tilespmem:$0x4B00]  }
0x119: {  	[tilespmem:$0x1EDE0] =	vst v18;
	v18 =	vld [tilespmem:$0x4300]  }
0x11a: {  	v1 =	vadd.f32 v62, v1;
	v62 =	vld [tilespmem:$0x1E5D0]  }
0x11b: {  	[tilespmem:$0x1EE10] =	vst v8;
	v8 =	vld [tilespmem:$0x3F10]  }
0x11c: {  	v3 =	vadd.f32 v44, v42;
	v42 =	vld [tilespmem:$0x1E580]  }
0x11d: {  	v44 =	vld [tilespmem:$0x1E590]  }
0x11e: {  	[tilespmem:$0x1EDD0] =	vst v27;
	v27 =	vld [tilespmem:$0x1E540]  }
0x11f: {  	[tilespmem:$0x1EDF0] =	vst v52;
	v52 =	vld [tilespmem:$0x3910]  }
0x120: {  	v1 =	vadd.f32 v10, v1;
	v10 =	vld [tilespmem:$0x4110]  }
0x121: {  	[tilespmem:$0x1EE40] =	vst v5;
	v5 =	vld [tilespmem:$0x3760]  }
0x122: {  	v3 =	vadd.f32 v51, v3;
	v51 =	vld [tilespmem:$0x1E5B0]  }
0x123: {  	[tilespmem:$0x1EF10] =	vst v33;
	v33 =	vld [tilespmem:$0x3510]  }
0x124: {  	v1 =	vadd.f32 v16, v1;
	v16 =	vld [tilespmem:$0x1E5F0]  }
0x125: {  	[tilespmem:$0x1EE90] =	vst v18;
	v18 =	vld [tilespmem:$0x4510]  }
0x126: {  	v3 =	vadd.f32 v20, v3;
	v20 =	vld [tilespmem:$0x4710]  }
0x127: {  	[tilespmem:$0x1EE60] =	vst v8;
	v8 =	vld [tilespmem:$0x1E780]  }
0x128: {  	v1 =	vadd.f32 v24, v1;
	v24 =	vld [tilespmem:$0x4B10]  }
0x129: {  	v2 =	vadd.f32 v42, v2;
	v42 =	vld [tilespmem:$0x1E6D0]  }
0x12a: {  	v3 =	vadd.f32 v27, v3;
	v27 =	vld [tilespmem:$0x1E630]  }
0x12b: {  	[tilespmem:$0x1EE00] =	vst v52;
	v52 =	vld [tilespmem:$0x1E730]  }
0x12c: {  	[tilespmem:$0x1EE80] =	vst v10;
	v10 =	vld [tilespmem:$0x1E7A0]  }
0x12d: {  	v1 =	vadd.f32 v29, v1;
	v29 =	vld [tilespmem:$0x1E650]  }
0x12e: {  	v3 =	vadd.f32 v35, v3;
	v35 =	vld [tilespmem:$0x1E690]  }
0x12f: {  	v1 =	vadd.f32 v37, v1;
	v37 =	vld [tilespmem:$0x1E6A0]  }
0x130: {  	[tilespmem:$0x1EEC0] =	vst v18;
	v18 =	vld [tilespmem:$0x1E7D0]  }
0x131: {  	[tilespmem:$0x1EEE0] =	vst v20;
	v20 =	vld [tilespmem:$0x1E7F0]  }
0x132: {  	v3 =	vadd.f32 v44, v3;
	v44 =	vld [tilespmem:$0x1E6F0]  }
0x133: {  	[tilespmem:$0x1EF30] =	vst v24;
	v24 =	vld [tilespmem:$0x1E810];
	v1 =	vadd.f32 v45, v1  }
0x134: {  	v45 =	vld [tilespmem:$0x4320]  }
0x135: {  	v0 =	vadd.f32 v27, v0;
	v27 =	vld [tilespmem:$0x1E820];
	[tilespmem:$0x1F000] =	vst v1;
	v1 =	vadd.f32 v51, v2  }
0x136: {  	v2 =	vadd.f32 v56, v3;
	v3 =	vadd.f32 v17, v13;
	v13 =	vld [tilespmem:$0x4D10]  }
0x137: {  	v17 =	vld [tilespmem:$0x3D20]  }
0x138: {  	v0 =	vadd.f32 v29, v0;
	v29 =	vld [tilespmem:$0x3F20]  }
0x139: {  	v51 =	vld [tilespmem:$0x4520]  }
0x13a: {  	v56 =	vld [tilespmem:$0x4720]  }
0x13b: {  	[tilespmem:$0x1F010] =	vst v2;
	v2 =	vadd.f32 v30, v9;
	v30 =	vld [tilespmem:$0x1E660]  }
0x13c: {  	v1 =	vadd.f32 v62, v1;
	v62 =	vld [tilespmem:$0x1E770]  }
0x13d: {  	v3 =	vadd.f32 v19, v3;
	v9 =	vld [tilespmem:$0x1E790]  }
0x13e: {  	v19 =	vld [tilespmem:$0x1E7E0]  }
0x13f: {  	v3 =	vadd.f32 v31, v3;
	v31 =	vld [tilespmem:$0x1E670]  }
0x140: {  	v2 =	vadd.f32 v39, v2;
	v39 =	vld [tilespmem:$0x1E6C0]  }
0x141: {  	[tilespmem:$0x1F020] =	vst v1;
	v1 =	vadd.f32 v63, v4;
	v63 =	vld [tilespmem:$0x4D20]  }
0x142: {  	v3 =	vadd.f32 v34, v3;
	v34 =	vld [tilespmem:$0x1E680]  }
0x143: {  	v1 =	vadd.f32 v16, v1;
	v2 =	vadd.f32 v48, v2;
	v48 =	vld [tilespmem:$0x1E710]  }
0x144: {  	v16 =	vld [tilespmem:$0x1E7C0]  }
0x145: {  	v1 =	vadd.f32 v21, v1;
	v21 =	vld [tilespmem:$0x3B20]  }
0x146: {  	v3 =	vadd.f32 v47, v3;
	v47 =	vld [tilespmem:$0x1E700]  }
0x147: {  	v2 =	vadd.f32 v59, v2;
	v59 =	vld [tilespmem:$0x4B20]  }
0x148: {  	[tilespmem:$0x1EF50] =	vst v63;
	v63 =	vld [tilespmem:$0x1E940]  }
0x149: {  	v1 =	vadd.f32 v26, v1;
	v26 =	vld [tilespmem:$0x3720]  }
0x14a: {  	v3 =	vadd.f32 v53, v3;
	v53 =	vld [tilespmem:$0x4920]  }
0x14b: {  	v2 =	vadd.f32 v31, v2;
	v31 =	vadd.f32 v36, v41;
	v41 =	vld [tilespmem:$0x3F30]  }
0x14c: {  	v36 =	vld [tilespmem:$0x1E860]  }
0x14d: {  	v0 =	vadd.f32 v34, v0;
	v34 =	vld [tilespmem:$0x1E840]  }
0x14e: {  	v2 =	vadd.f32 v37, v2;
	v37 =	vld [tilespmem:$0x1E870]  }
0x14f: {  	v3 =	vadd.f32 v44, v3;
	v44 =	vld [tilespmem:$0x1E8B0]  }
0x150: {  	v1 =	vadd.f32 v28, v1;
	v28 =	vadd.f32 v54, v61;
	v54 =	vld [tilespmem:$0x1E8F0]  }
0x151: {  	v61 =	vld [tilespmem:$0x1E920]  }
0x152: {  	[tilespmem:$0x1EF40] =	vst v59;
	v59 =	vld [tilespmem:$0x3730]  }
0x153: {  	v0 =	vadd.f32 v38, v0;
	v38 =	vld [tilespmem:$0x1E880]  }
0x154: {  	v3 =	vadd.f32 v52, v3;
	v52 =	vld [tilespmem:$0x3B30]  }
0x155: {  	v1 =	vadd.f32 v30, v1;
	v30 =	vld [tilespmem:$0x1E830]  }
0x156: {  	v2 =	vadd.f32 v42, v2;
	v42 =	vld [tilespmem:$0x1E890]  }
0x157: {  	v0 =	vadd.f32 v43, v0;
	v43 =	vld [tilespmem:$0x1E8A0]  }
0x158: {  	[tilespmem:$0x1EF20] =	vst v53;
	v53 =	vld [tilespmem:$0x1E8E0]  }
0x159: {  	v15 =	vadd.f32 v26, v15;
	v26 =	vld [tilespmem:$0x3570]  }
0x15a: {  	v2 =	vadd.f32 v48, v2;
	v48 =	vld [tilespmem:$0x3D30]  }
0x15b: {  	v1 =	vadd.f32 v35, v1;
	v35 =	vld [tilespmem:$0x1E850]  }
0x15c: {  	v3 =	vadd.f32 v62, v3;
	v62 =	vld [tilespmem:$0x1E930]  }
0x15d: {  	v0 =	vadd.f32 v50, v0;
	v50 =	vld [tilespmem:$0x1E8D0]  }
0x15e: {  	v15 =	vadd.f32 v22, v15;
	v22 =	vld [tilespmem:$0x3970]  }
0x15f: {  	v2 =	vadd.f32 v58, v2;
	v58 =	vld [tilespmem:$0x3930]  }
0x160: {  	v1 =	vadd.f32 v39, v1;
	v39 =	vld [tilespmem:$0x4330]  }
0x161: {  	v0 =	vadd.f32 v60, v0;
	v60 =	vld [tilespmem:$0x1E910]  }
0x162: {  	v15 =	vadd.f32 v21, v15;
	v21 =	vld [tilespmem:$0x3D70]  }
0x163: {  	v1 =	vadd.f32 v47, v1;
	v47 =	vld [tilespmem:$0x4130]  }
0x164: {  	v0 =	vadd.f32 v10, v0;
	v10 =	vld [tilespmem:$0x1E970]  }
0x165: {  	v15 =	vadd.f32 v17, v15;
	v17 =	vld [tilespmem:$0x4170]  }
0x166: {  	v1 =	vadd.f32 v57, v1;
	v57 =	vld [tilespmem:$0x3530]  }
0x167: {  	[tilespmem:$0x1F110] =	vst v0;
	v0 =	vadd.f32 v11, v3;
	v3 =	vadd.f32 v46, v31;
	v46 =	vld [tilespmem:$0x1E8C0]  }
0x168: {  	v11 =	vld [tilespmem:$0x1E980]  }
0x169: {  	v31 =	vld [tilespmem:$0x3F40]  }
0x16a: {  	v15 =	vadd.f32 v29, v15;
	v29 =	vld [tilespmem:$0x4570]  }
0x16b: {  	v1 =	vadd.f32 v8, v1;
	v8 =	vld [tilespmem:$0x1E950]  }
0x16c: {  	v3 =	vadd.f32 v55, v3;
	v55 =	vld [tilespmem:$0x1E900]  }
0x16d: {  	v0 =	vadd.f32 v20, v0;
	v20 =	vld [tilespmem:$0x3740]  }
0x16e: {  	v15 =	vadd.f32 v40, v15;
	v40 =	vld [tilespmem:$0x4970]  }
0x16f: {  	[tilespmem:$0x1F100] =	vst v1;
	v1 =	vadd.f32 v9, v2;
	v2 =	vadd.f32 v35, v28;
	v35 =	vld [tilespmem:$0x4930]  }
0x170: {  	v9 =	vld [tilespmem:$0x1E960]  }
0x171: {  	v28 =	vld [tilespmem:$0x3D40]  }
0x172: {  	[tilespmem:$0x1F130] =	vst v0;
	v0 =	vadd.f32 v24, v23;
	v23 =	vld [tilespmem:$0x3540]  }
0x173: {  	v24 =	vld [tilespmem:$0x3B40]  }
0x174: {  	v3 =	vadd.f32 v50, v3;
	v50 =	vld [tilespmem:$0x4340]  }
0x175: {  	v57 =	vadd.f32 v59, v57;
	v59 =	vld [tilespmem:$0x3770]  }
0x176: {  	v15 =	vadd.f32 v45, v15;
	v45 =	vld [tilespmem:$0x4D70]  }
0x177: {  	v2 =	vadd.f32 v38, v2;
	v38 =	vld [tilespmem:$0x3940]  }
0x178: {  	v1 =	vadd.f32 v16, v1;
	v16 =	vld [tilespmem:$0x1E990]  }
0x179: {  	[tilespmem:$0x1EF60] =	vst v31;
	v31 =	vld [tilespmem:$0x4D40]  }
0x17a: {  	v0 =	vadd.f32 v30, v0;
	v30 =	vld [tilespmem:$0x4B30]  }
0x17b: {  	v3 =	vadd.f32 v60, v3;
	v60 =	vld [tilespmem:$0x1EA20]  }
0x17c: {  	v57 =	vadd.f32 v58, v57;
	v58 =	vld [tilespmem:$0x3B70]  }
0x17d: {  	v15 =	vadd.f32 v51, v15;
	v51 =	vld [tilespmem:$0x3780]  }
0x17e: {  	v2 =	vadd.f32 v44, v2;
	v44 =	vld [tilespmem:$0x4D30]  }
0x17f: {  	[tilespmem:$0x1F120] =	vst v1;
	v1 =	vadd.f32 v19, v18;
	v18 =	vld [tilespmem:$0x1E9A0]  }
0x180: {  	v19 =	vld [tilespmem:$0x1E9B0]  }
0x181: {  	v0 =	vadd.f32 v36, v0;
	v36 =	vld [tilespmem:$0x4530]  }
0x182: {  	v3 =	vadd.f32 v8, v3;
	v8 =	vld [tilespmem:$0x1EA50]  }
0x183: {  	v52 =	vadd.f32 v52, v57;
	v57 =	vld [tilespmem:$0x3F70]  }
0x184: {  	v15 =	vadd.f32 v56, v15;
	v56 =	vld [tilespmem:$0x3B80]  }
0x185: {  	v1 =	vadd.f32 v27, v1;
	v27 =	vld [tilespmem:$0x4730]  }
0x186: {  	v2 =	vadd.f32 v54, v2;
	v54 =	vld [tilespmem:$0x1EA10]  }
0x187: {  	[tilespmem:$0x1EF80] =	vst v50;
	v50 =	vld [tilespmem:$0x1EAF0]  }
0x188: {  	v0 =	vadd.f32 v42, v0;
	v42 =	vld [tilespmem:$0x4140]  }
0x189: {  	v3 =	vadd.f32 v16, v3;
	v16 =	vld [tilespmem:$0x4B40]  }
0x18a: {  	v48 =	vadd.f32 v48, v52;
	v52 =	vld [tilespmem:$0x4370]  }
0x18b: {  	v1 =	vadd.f32 v34, v1;
	v34 =	vld [tilespmem:$0x1E9C0]  }
0x18c: {  	v2 =	vadd.f32 v62, v2;
	v62 =	vld [tilespmem:$0x4740]  }
0x18d: {  	v0 =	vadd.f32 v46, v0;
	v46 =	vld [tilespmem:$0x1E9F0]  }
0x18e: {  	v41 =	vadd.f32 v41, v48;
	v48 =	vld [tilespmem:$0x4770]  }
0x18f: {  	v1 =	vadd.f32 v37, v1;
	v37 =	vld [tilespmem:$0x1E9D0]  }
0x190: {  	v2 =	vadd.f32 v10, v2;
	v10 =	vld [tilespmem:$0x1EA60]  }
0x191: {  	v0 =	vadd.f32 v55, v0;
	v55 =	vld [tilespmem:$0x4540]  }
0x192: {  	v41 =	vadd.f32 v47, v41;
	v47 =	vld [tilespmem:$0x4B70]  }
0x193: {  	v1 =	vadd.f32 v43, v1;
	v43 =	vld [tilespmem:$0x1E9E0]  }
0x194: {  	v2 =	vadd.f32 v19, v2;
	v19 =	vld [tilespmem:$0x1EA90]  }
0x195: {  	[tilespmem:$0x1EF70] =	vst v42;
	v42 =	vld [tilespmem:$0x1EAC0]  }
0x196: {  	[tilespmem:$0x1EFC0] =	vst v16;
	v16 =	vld [tilespmem:$0x1EB80]  }
0x197: {  	v0 =	vadd.f32 v63, v0;
	v63 =	vld [tilespmem:$0x1EA40]  }
0x198: {  	v1 =	vadd.f32 v53, v1;
	v53 =	vld [tilespmem:$0x1EA00]  }
0x199: {  	v2 =	vadd.f32 v46, v2;
	v46 =	vld [tilespmem:$0x1EAE0]  }
0x19a: {  	v0 =	vadd.f32 v11, v0;
	v11 =	vld [tilespmem:$0x1EA70]  }
0x19b: {  	v3 =	vadd.f32 v37, v3;
	v37 =	vld [tilespmem:$0x1EAB0]  }
0x19c: {  	v1 =	vadd.f32 v61, v1;
	v61 =	vld [tilespmem:$0x1EA30]  }
0x19d: {  	[tilespmem:$0x1EF90] =	vst v55;
	v55 =	vld [tilespmem:$0x1EB20]  }
0x19e: {  	v0 =	vadd.f32 v34, v0;
	v34 =	vld [tilespmem:$0x1EAA0]  }
0x19f: {  	v3 =	vadd.f32 v54, v3;
	v54 =	vld [tilespmem:$0x1EB10];
	v1 =	vadd.f32 v9, v1  }
0x1a0: {  	v9 =	vld [tilespmem:$0x4940]  }
0x1a1: {  	v1 =	vadd.f32 v18, v1;
	v18 =	vld [tilespmem:$0x1EA80]  }
0x1a2: {  	v0 =	vadd.f32 v53, v0;
	v53 =	vld [tilespmem:$0x1EB00]  }
0x1a3: {  	v3 =	vadd.f32 v8, v3;
	v8 =	vld [tilespmem:$0x1EB50];
	v1 =	vadd.f32 v43, v1  }
0x1a4: {  	v2 =	vadd.f32 v61, v2;
	v0 =	vadd.f32 v63, v0;
	v61 =	vld [tilespmem:$0x1EB40]  }
0x1a5: {  	v43 =	vld [tilespmem:$0x1EAD0];
	v1 =	vadd.f32 v60, v1  }
0x1a6: {  	v60 =	vld [tilespmem:$0x1EB30];
	v0 =	vadd.f32 v18, v0  }
0x1a7: {  	v18 =	vld [tilespmem:$0x1EB90];
	v1 =	vadd.f32 v10, v1  }
0x1a8: {  	v10 =	vld [tilespmem:$0x1EB60];
	[tilespmem:$0x1F360] =	vst v0;
	v0 =	vadd.f32 v19, v3  }
0x1a9: {  	[tilespmem:$0x1F330] =	vst v1;
	v1 =	vadd.f32 v11, v2;
	v11 =	vld [tilespmem:$0x1EB70]  }
0x1aa: {  	[tilespmem:$0x1EFB0] =	vst v9;
	v9 =	vadd.f32 v8, v61;
	v0 =	vadd.f32 v43, v0;
	v43 =	vld [tilespmem:$0x1EBD0]  }
0x1ab: {  	v1 =	vadd.f32 v34, v1;
	v34 =	vld [tilespmem:$0x1EBA0]  }
0x1ac: {  	[tilespmem:$0x1EFE0] =	vst v31;
	v31 =	vadd.f32 v18, v9;
	v9 =	vld [tilespmem:$0x1EC20]  }
0x1ad: {  	v18 =	vld [tilespmem:$0x4B50]  }
0x1ae: {  	[tilespmem:$0x1F3C0] =	vst v0;
	v0 =	vadd.f32 v50, v46;
	v46 =	vld [tilespmem:$0x1EBE0]  }
0x1af: {  	v50 =	vld [tilespmem:$0x1EBF0]  }
0x1b0: {  	v2 =	vadd.f32 v55, v54;
	[tilespmem:$0x1F390] =	vst v1;
	v1 =	vadd.f32 v42, v37;
	v37 =	vld [tilespmem:$0x1EBB0]  }
0x1b1: {  	v42 =	vld [tilespmem:$0x1EBC0]  }
0x1b2: {  	v0 =	vadd.f32 v60, v0;
	v2 =	vadd.f32 v11, v2;
	v11 =	vld [tilespmem:$0x1EC40]  }
0x1b3: {  	v31 =	vadd.f32 v43, v31;
	v43 =	vld [tilespmem:$0x4D50]  }
0x1b4: {  	v1 =	vadd.f32 v53, v1;
	v0 =	vadd.f32 v16, v0;
	v16 =	vld [tilespmem:$0x1EC50]  }
0x1b5: {  	[tilespmem:$0x1EFD0] =	vst v18;
	v18 =	vld [tilespmem:$0x1ECE0]  }
0x1b6: {  	v1 =	vadd.f32 v10, v1;
	v10 =	vld [tilespmem:$0x1EC30]  }
0x1b7: {  	v2 =	vadd.f32 v37, v2;
	v37 =	vld [tilespmem:$0x1EC60]  }
0x1b8: {  	v0 =	vadd.f32 v42, v0;
	v42 =	vld [tilespmem:$0x1EC70];
	v1 =	vadd.f32 v34, v1  }
0x1b9: {  	v8 =	vadd.f32 v7, v31;
	[tilespmem:$0x1EFF0] =	vst v43;
	v43 =	vld [tilespmem:$0x1ED10]  }
0x1ba: {  	v1 =	vadd.f32 v46, v1;
	v46 =	vld [tilespmem:$0x1EC80]  }
0x1bb: {  	v2 =	vadd.f32 v50, v2;
	v3 =	vadd.f32 v16, v8;
	v8 =	vld [tilespmem:$0x1EC90]  }
0x1bc: {  	v0 =	vadd.f32 v6, v0;
	v16 =	vld [tilespmem:$0x1ECD0]  }
0x1bd: {  	v2 =	vadd.f32 v10, v2;
	v10 =	vld [tilespmem:$0x1ECB0]  }
0x1be: {  	v0 =	vadd.f32 v11, v0;
	v11 =	vld [tilespmem:$0x1ECC0]  }
0x1bf: {  	v1 =	vadd.f32 v9, v1;
	v9 =	vld [tilespmem:$0x1ECA0]  }
0x1c0: {  	v2 =	vadd.f32 v42, v2;
	v42 =	vld [tilespmem:$0x1ED00]  }
0x1c1: {  	v1 =	vadd.f32 v37, v1;
	v37 =	vld [tilespmem:$0x1ECF0];
	v3 =	vadd.f32 v8, v3  }
0x1c2: {  	v0 =	vadd.f32 v46, v0;
	v46 =	vld [tilespmem:$0x1ED20]  }
0x1c3: {  	v2 =	vadd.f32 v10, v2;
	v10 =	vld [tilespmem:$0x1ED30];
	v3 =	vadd.f32 v16, v3  }
0x1c4: {  	v1 =	vadd.f32 v9, v1;
	v0 =	vadd.f32 v11, v0;
	v11 =	vld [tilespmem:$0x1ED40]  }
0x1c5: {  	v16 =	vld [tilespmem:$0x1ED60];
	v3 =	vadd.f32 v43, v3  }
0x1c6: {  	v1 =	vadd.f32 v18, v1;
	v18 =	vld [tilespmem:$0x1ED70]  }
0x1c7: {  	v3 =	vadd.f32 v14, v3;
	v14 =	vld [tilespmem:$0x1ED50]  }
0x1c8: {  	v2 =	vadd.f32 v37, v2;
	v37 =	vld [tilespmem:$0x1ED80]  }
0x1c9: {  	v39 =	vadd.f32 v39, v41;
	v0 =	vadd.f32 v42, v0;
	v42 =	vld [tilespmem:$0x1ED90]  }
0x1ca: {  	v43 =	vld [tilespmem:$0x1EDA0];
	v1 =	vadd.f32 v46, v1;
	v2 =	vadd.f32 v10, v2  }
0x1cb: {  	[tilespmem:$0x1EFA0] =	vst v62;
	v62 =	vld [tilespmem:$0x3550];
	v36 =	vadd.f32 v36, v39;
	v0 =	vadd.f32 v11, v0  }
0x1cc: {  	v46 =	vld [tilespmem:$0x1EDB0];
	v2 =	vadd.f32 v16, v2;
	v1 =	vadd.f32 v14, v1  }
0x1cd: {  	v41 =	vld [tilespmem:$0x3580];
	v3 =	vadd.f32 v25, v3;
	v4 =	vadd.f32 v18, v0  }
0x1ce: {  	v39 =	vld [tilespmem:$0x3980];
	v0 =	vadd.f32 v42, v2;
	v18 =	vadd.f32 v37, v1  }
0x1cf: {  	v37 =	vadd.f32 v43, v4;
	v4 =	vadd.f32 v32, v3;
	v32 =	vld [tilespmem:$0x1EDC0]  }
0x1d0: {  	v43 =	vld [tilespmem:$0x1EDD0]  }
0x1d1: {  	v27 =	vadd.f32 v27, v36;
	v42 =	vadd.f32 v46, v0;
	v46 =	vld [tilespmem:$0x1EDE0]  }
0x1d2: {  	v36 =	vld [tilespmem:$0x3D80]  }
0x1d3: {  	v27 =	vadd.f32 v35, v27;
	v35 =	vld [tilespmem:$0x4180]  }
0x1d4: {  	v63 =	vld [tilespmem:$0x3950]  }
0x1d5: {  	v61 =	vld [tilespmem:$0x3B50];
	v0 =	vadd.f32 v43, v32  }
0x1d6: {  	v43 =	vadd.f32 v46, v4;
	v4 =	vadd.f32 v12, v33;
	v12 =	vld [tilespmem:$0x1EDF0]  }
0x1d7: {  	v46 =	vld [tilespmem:$0x1EE00]  }
0x1d8: {  	v19 =	vld [tilespmem:$0x3750]  }
0x1d9: {  	v55 =	vld [tilespmem:$0x3F50]  }
0x1da: {  	v54 =	vld [tilespmem:$0x4150]  }
0x1db: {  	v0 =	vadd.f32 v12, v0;
	v12 =	vld [tilespmem:$0x1EE10]  }
0x1dc: {  	v4 =	vadd.f32 v46, v4;
	v46 =	vld [tilespmem:$0x1EE20]  }
0x1dd: {  	v60 =	vld [tilespmem:$0x3D50]  }
0x1de: {  	v53 =	vld [tilespmem:$0x4350]  }
0x1df: {  	v31 =	vld [tilespmem:$0x4750]  }
0x1e0: {  	v0 =	vadd.f32 v12, v0;
	v12 =	vld [tilespmem:$0x1EE30]  }
0x1e1: {  	v4 =	vadd.f32 v46, v4;
	v46 =	vld [tilespmem:$0x1EE40]  }
0x1e2: {  	v7 =	vld [tilespmem:$0x3560]  }
0x1e3: {  	v34 =	vld [tilespmem:$0x4950]  }
0x1e4: {  	v6 =	vld [tilespmem:$0x3960]  }
0x1e5: {  	v0 =	vadd.f32 v12, v0;
	v12 =	vld [tilespmem:$0x1EE50]  }
0x1e6: {  	v4 =	vadd.f32 v46, v4;
	v46 =	vld [tilespmem:$0x1EE60]  }
0x1e7: {  	v50 =	vld [tilespmem:$0x4550];
	v5 =	vadd.f32 v5, v7  }
0x1e8: {  	v8 =	vld [tilespmem:$0x3B60]  }
0x1e9: {  	v5 =	vadd.f32 v6, v5;
	v6 =	vld [tilespmem:$0x3590]  }
0x1ea: {  	v0 =	vadd.f32 v12, v0;
	v12 =	vld [tilespmem:$0x1EE70]  }
0x1eb: {  	v4 =	vadd.f32 v46, v4;
	v46 =	vld [tilespmem:$0x1EE80]  }
0x1ec: {  	v9 =	vld [tilespmem:$0x3D60]  }
0x1ed: {  	v5 =	vadd.f32 v8, v5;
	v8 =	vld [tilespmem:$0x3990]  }
0x1ee: {  	v10 =	vld [tilespmem:$0x3F60]  }
0x1ef: {  	v0 =	vadd.f32 v12, v0;
	v12 =	vld [tilespmem:$0x1EE90]  }
0x1f0: {  	v4 =	vadd.f32 v46, v4;
	v46 =	vld [tilespmem:$0x1EEA0]  }
0x1f1: {  	v11 =	vld [tilespmem:$0x4160]  }
0x1f2: {  	v5 =	vadd.f32 v9, v5;
	v9 =	vld [tilespmem:$0x3D90]  }
0x1f3: {  	v16 =	vld [tilespmem:$0x4560]  }
0x1f4: {  	v0 =	vadd.f32 v12, v0;
	v12 =	vld [tilespmem:$0x1EEB0]  }
0x1f5: {  	v4 =	vadd.f32 v46, v4;
	v46 =	vld [tilespmem:$0x1EEC0]  }
0x1f6: {  	v25 =	vld [tilespmem:$0x4760]  }
0x1f7: {  	v2 =	vld [tilespmem:$0x4380]  }
0x1f8: {  	v14 =	vld [tilespmem:$0x4360]  }
0x1f9: {  	v0 =	vadd.f32 v12, v0;
	v12 =	vld [tilespmem:$0x1EED0]  }
0x1fa: {  	v4 =	vadd.f32 v46, v4;
	v46 =	vld [tilespmem:$0x1EEE0]  }
0x1fb: {  	v5 =	vadd.f32 v10, v5;
	v10 =	vld [tilespmem:$0x4190]  }
0x1fc: {  	v3 =	vld [tilespmem:$0x4960]  }
0x1fd: {  	v1 =	vld [tilespmem:$0x3F80]  }
0x1fe: {  	v0 =	vadd.f32 v12, v0;
	v12 =	vld [tilespmem:$0x1EEF0]  }
0x1ff: {  	[tilespmem:$0x1F6E0] =	vst v42;
	v4 =	vadd.f32 v46, v4;
	v46 =	vld [tilespmem:$0x1EF00]  }
0x200: {  	v5 =	vadd.f32 v11, v5;
	v11 =	vld [tilespmem:$0x4590];
	[tilespmem:$0x68E0] =	vst v42  }
0x201: {  	v42 =	vld [tilespmem:$0x37C0];
	[tilespmem:$0x1F6B0] =	vst v37  }
0x202: {  	[tilespmem:$0x68D0] =	vst v37;
	v37 =	vld [tilespmem:$0x49B0]  }
0x203: {  	v0 =	vadd.f32 v12, v0;
	v12 =	vld [tilespmem:$0x1EF10]  }
0x204: {  	v4 =	vadd.f32 v46, v4;
	v46 =	vld [tilespmem:$0x1EF20]  }
0x205: {  	v5 =	vadd.f32 v14, v5;
	v14 =	vld [tilespmem:$0x37A0]  }
0x206: {  	v32 =	vld [tilespmem:$0x4B60]  }
0x207: {  	v33 =	vld [tilespmem:$0x4D60]  }
0x208: {  	v5 =	vadd.f32 v16, v5;
	v0 =	vadd.f32 v12, v0;
	v12 =	vld [tilespmem:$0x1EF30]  }
0x209: {  	v15 =	vadd.f32 v46, v15;
	v46 =	vld [tilespmem:$0x1EF40]  }
0x20a: {  	[tilespmem:$0x1F710] =	vst v43;
	v5 =	vadd.f32 v25, v5;
	v25 =	vld [tilespmem:$0x49A0]  }
0x20b: {  	[tilespmem:$0x68F0] =	vst v43;
	v43 =	vld [tilespmem:$0x39C0]  }
0x20c: {  	v3 =	vadd.f32 v3, v5;
	v5 =	vld [tilespmem:$0x3BA0]  }
0x20d: {  	v4 =	vadd.f32 v12, v4;
	v12 =	vadd.f32 v49, v0;
	v49 =	vld [tilespmem:$0x1EF50]  }
0x20e: {  	v0 =	vadd.f32 v46, v15;
	v46 =	vld [tilespmem:$0x4780]  }
0x20f: {  	v13 =	vadd.f32 v13, v4;
	v4 =	vadd.f32 v30, v27;
	v27 =	vld [tilespmem:$0x4580]  }
0x210: {  	v30 =	vadd.f32 v20, v23;
	v23 =	vld [tilespmem:$0x3790]  }
0x211: {  	v20 =	vld [tilespmem:$0x4790]  }
0x212: {  	v4 =	vadd.f32 v44, v4;
	v44 =	vadd.f32 v19, v62;
	v62 =	vld [tilespmem:$0x4B80]  }
0x213: {  	v19 =	vadd.f32 v38, v30;
	v30 =	vld [tilespmem:$0x1EFA0]  }
0x214: {  	v15 =	vadd.f32 v49, v0;
	v49 =	vld [tilespmem:$0x4980]  }
0x215: {  	v0 =	vld [tilespmem:$0x4D80];
	v38 =	vadd.f32 v63, v44  }
0x216: {  	v44 =	vadd.f32 v59, v26;
	v59 =	vadd.f32 v24, v19;
	v24 =	vld [tilespmem:$0x4390]  }
0x217: {  	v63 =	vld [tilespmem:$0x1EF80]  }
0x218: {  	v6 =	vadd.f32 v23, v6;
	v23 =	vld [tilespmem:$0x1F3C0]  }
0x219: {  	v26 =	vadd.f32 v28, v59;
	v28 =	vld [tilespmem:$0x3B90]  }
0x21a: {  	v7 =	vadd.f32 v61, v38;
	v61 =	vld [tilespmem:$0x1EF70]  }
0x21b: {  	v22 =	vadd.f32 v22, v44;
	v38 =	vld [tilespmem:$0x4990]  }
0x21c: {  	v44 =	vld [tilespmem:$0x4D90]  }
0x21d: {  	v59 =	vld [tilespmem:$0x3DA0];
	v7 =	vadd.f32 v60, v7;
	v22 =	vadd.f32 v58, v22  }
0x21e: {  	v60 =	vld [tilespmem:$0x1EF60]  }
0x21f: {  	v7 =	vadd.f32 v55, v7;
	v21 =	vadd.f32 v21, v22;
	v22 =	vld [tilespmem:$0x3F90]  }
0x220: {  	v55 =	vld [tilespmem:$0x37B0]  }
0x221: {  	v7 =	vadd.f32 v54, v7;
	v54 =	vld [tilespmem:$0x1EFE0]  }
0x222: {  	v6 =	vadd.f32 v8, v6;
	v21 =	vadd.f32 v57, v21;
	v57 =	vld [tilespmem:$0x1EFF0]  }
0x223: {  	v19 =	vadd.f32 v60, v26;
	v26 =	vld [tilespmem:$0x1EF90]  }
0x224: {  	v6 =	vadd.f32 v28, v6;
	v60 =	vld [tilespmem:$0x1F000]  }
0x225: {  	v17 =	vadd.f32 v17, v21;
	v21 =	vld [tilespmem:$0x4B90]  }
0x226: {  	v6 =	vadd.f32 v9, v6;
	v7 =	vadd.f32 v53, v7;
	v53 =	vld [tilespmem:$0x35B0]  }
0x227: {  	v19 =	vadd.f32 v61, v19;
	v61 =	vadd.f32 v51, v41;
	v41 =	vld [tilespmem:$0x3BB0]  }
0x228: {  	v51 =	vld [tilespmem:$0x1F110]  }
0x229: {  	v3 =	vadd.f32 v32, v3;
	v6 =	vadd.f32 v22, v6;
	v22 =	vld [tilespmem:$0x43B0]  }
0x22a: {  	v7 =	vadd.f32 v50, v7;
	v50 =	vld [tilespmem:$0x1EFC0]  }
0x22b: {  	[tilespmem:$0x1F680] =	vst v18;
	v33 =	vadd.f32 v33, v3;
	v17 =	vadd.f32 v52, v17;
	v52 =	vld [tilespmem:$0x1EFD0]  }
0x22c: {  	[tilespmem:$0x68C0] =	vst v18;
	v19 =	vadd.f32 v63, v19;
	v63 =	vld [tilespmem:$0x39B0]  }
0x22d: {  	[tilespmem:$0x1FCB0] =	vst v33;
	v3 =	vadd.f32 v39, v61;
	v61 =	vld [tilespmem:$0x47A0]  }
0x22e: {  	[tilespmem:$0x1FA00] =	vst v12;
	v39 =	vld [tilespmem:$0x4BB0]  }
0x22f: {  	[tilespmem:$0x6900] =	vst v12;
	v7 =	vadd.f32 v31, v7;
	v31 =	vld [tilespmem:$0x1EFB0]  }
0x230: {  	[tilespmem:$0x1FA30] =	vst v13;
	v17 =	vadd.f32 v29, v17;
	v29 =	vld [tilespmem:$0x39A0]  }
0x231: {  	[tilespmem:$0x6800] =	vst v60;
	v60 =	vld [tilespmem:$0x1F360]  }
0x232: {  	[tilespmem:$0x6910] =	vst v13;
	v19 =	vadd.f32 v26, v19;
	v26 =	vld [tilespmem:$0x35A0]  }
0x233: {  	[tilespmem:$0x1FA80] =	vst v4;
	v16 =	vadd.f32 v55, v53;
	v53 =	vld [tilespmem:$0x1F120]  }
0x234: {  	[tilespmem:$0x6930] =	vst v4;
	v55 =	vld [tilespmem:$0x1F130]  }
0x235: {  	[tilespmem:$0x1FA60] =	vst v15;
	v3 =	vadd.f32 v56, v3;
	v56 =	vld [tilespmem:$0x45A0]  }
0x236: {  	[tilespmem:$0x6920] =	vst v15;
	v7 =	vadd.f32 v34, v7;
	v34 =	vld [tilespmem:$0x1F010]  }
0x237: {  	[tilespmem:$0x68B0] =	vst v23;
	v17 =	vadd.f32 v48, v17;
	v48 =	vld [tilespmem:$0x1F100]  }
0x238: {  	[tilespmem:$0x6850] =	vst v51;
	v19 =	vadd.f32 v30, v19;
	v30 =	vld [tilespmem:$0x4BA0]  }
0x239: {  	v6 =	vadd.f32 v10, v6;
	v3 =	vadd.f32 v36, v3;
	v36 =	vld [tilespmem:$0x4DA0];
	[tilespmem:$0x6890] =	vst v60  }
0x23a: {  	v7 =	vadd.f32 v52, v7;
	v17 =	vadd.f32 v40, v17;
	v40 =	vld [tilespmem:$0x1F020];
	[tilespmem:$0x6860] =	vst v53  }
0x23b: {  	v6 =	vadd.f32 v24, v6;
	v52 =	vld [tilespmem:$0x43A0];
	[tilespmem:$0x6870] =	vst v55  }
0x23c: {  	v16 =	vadd.f32 v63, v16;
	v63 =	vld [tilespmem:$0x1F390];
	v32 =	vadd.f32 v57, v7;
	[tilespmem:$0x6810] =	vst v34  }
0x23d: {  	v6 =	vadd.f32 v11, v6;
	v19 =	vadd.f32 v31, v19;
	v7 =	vld [tilespmem:$0x3FA0];
	[tilespmem:$0x6840] =	vst v48  }
0x23e: {  	v1 =	vadd.f32 v1, v3;
	v58 =	vadd.f32 v47, v17;
	v47 =	vld [tilespmem:$0x41A0];
	[tilespmem:$0x1FC90] =	vst v32  }
0x23f: {  	v6 =	vadd.f32 v20, v6;
	v57 =	vld [tilespmem:$0x1F330];
	v19 =	vadd.f32 v50, v19;
	[tilespmem:$0x6950] =	vst v32  }
0x240: {  	v16 =	vadd.f32 v41, v16;
	v41 =	vld [tilespmem:$0x35C0];
	v34 =	vadd.f32 v45, v58;
	[tilespmem:$0x6820] =	vst v40  }
0x241: {  	v14 =	vadd.f32 v14, v26;
	v45 =	vld [tilespmem:$0x1F030];
	v31 =	vadd.f32 v54, v19;
	[tilespmem:$0x68A0] =	vst v63  }
0x242: {  	v50 =	vld [tilespmem:$0x3DB0];
	v1 =	vadd.f32 v35, v1;
	[tilespmem:$0x1FCD0] =	vst v34  }
0x243: {  	v35 =	vld [tilespmem:$0x47B0];
	v6 =	vadd.f32 v38, v6;
	v14 =	vadd.f32 v29, v14;
	[tilespmem:$0x1FC60] =	vst v31  }
0x244: {  	v29 =	vld [tilespmem:$0x45B0];
	[tilespmem:$0x6880] =	vst v57  }
0x245: {  	v54 =	vld [tilespmem:$0x3FB0];
	v6 =	vadd.f32 v21, v6;
	v5 =	vadd.f32 v5, v14;
	[tilespmem:$0x6940] =	vst v31  }
0x246: {  	v40 =	vld [tilespmem:$0x4DB0];
	[tilespmem:$0x6830] =	vst v45  }
0x247: {  	v6 =	vadd.f32 v44, v6;
	v58 =	vadd.f32 v59, v5;
	v59 =	vld [tilespmem:$0x41B0];
	[tilespmem:$0x6960] =	vst v33  }
0x248: {  	v51 =	vld [tilespmem:$0x3FC0]  }
0x249: {  	[tilespmem:$0x1FE70] =	vst v6;
	v53 =	vld [tilespmem:$0x41C0]  }
0x24a: {  	[tilespmem:$0x6990] =	vst v6;
	v6 =	vld [tilespmem:$0x45C0]  }
0x24b: {  	v8 =	vld [tilespmem:$0x47C0]  }
0x24c: {  	v9 =	vld [tilespmem:$0x49C0]  }
0x24d: {  	v16 =	vadd.f32 v50, v16;
	v10 =	vld [tilespmem:$0x4BC0]  }
0x24e: {  	v11 =	vld [tilespmem:$0x4DC0]  }
0x24f: {  	v14 =	vadd.f32 v54, v16;
	v54 =	vld [tilespmem:$0x35D0]  }
0x250: {  	v55 =	vld [tilespmem:$0x37D0]  }
0x251: {  	v57 =	vld [tilespmem:$0x3BD0]  }
0x252: {  	v3 =	vadd.f32 v7, v58;
	v58 =	vld [tilespmem:$0x3DD0]  }
0x253: {  	v60 =	vld [tilespmem:$0x41D0]  }
0x254: {  	v63 =	vld [tilespmem:$0x47D0]  }
0x255: {  	v23 =	vld [tilespmem:$0x49D0]  }
0x256: {  	v1 =	vadd.f32 v2, v1;
	v24 =	vld [tilespmem:$0x4BD0]  }
0x257: {  	v33 =	vld [tilespmem:$0x35E0];
	v28 =	vadd.f32 v47, v3  }
0x258: {  	v1 =	vadd.f32 v27, v1;
	[tilespmem:$0x6970] =	vst v34;
	v34 =	vld [tilespmem:$0x37E0]  }
0x259: {  	v4 =	vadd.f32 v42, v41;
	v38 =	vld [tilespmem:$0x39F0];
	v2 =	vadd.f32 v52, v28  }
0x25a: {  	v1 =	vadd.f32 v46, v1;
	v41 =	vld [tilespmem:$0x3BF0];
	v5 =	vadd.f32 v59, v14  }
0x25b: {  	v42 =	vld [tilespmem:$0x3DE0];
	v2 =	vadd.f32 v56, v2  }
0x25c: {  	v1 =	vadd.f32 v49, v1;
	v49 =	vld [tilespmem:$0x3DC0];
	v5 =	vadd.f32 v22, v5  }
0x25d: {  	v47 =	vld [tilespmem:$0x3BC0];
	v2 =	vadd.f32 v61, v2  }
0x25e: {  	v59 =	vld [tilespmem:$0x3FD0];
	v3 =	vadd.f32 v29, v5  }
0x25f: {  	v1 =	vadd.f32 v62, v1;
	v62 =	vld [tilespmem:$0x45D0];
	v2 =	vadd.f32 v25, v2  }
0x260: {  	v56 =	vld [tilespmem:$0x39D0];
	v3 =	vadd.f32 v35, v3  }
0x261: {  	v35 =	vld [tilespmem:$0x35F0];
	v46 =	vadd.f32 v30, v2  }
0x262: {  	v4 =	vadd.f32 v43, v4;
	v3 =	vadd.f32 v37, v3;
	v37 =	vld [tilespmem:$0x39E0]  }
0x263: {  	v13 =	vadd.f32 v55, v54;
	v50 =	vadd.f32 v36, v46;
	v36 =	vld [tilespmem:$0x37F0]  }
0x264: {  	v45 =	vadd.f32 v0, v1;
	v55 =	vld [tilespmem:$0x45E0];
	v48 =	vadd.f32 v39, v3  }
0x265: {  	v1 =	vadd.f32 v47, v4;
	v13 =	vadd.f32 v56, v13;
	v39 =	vld [tilespmem:$0x3BE0]  }
0x266: {  	[tilespmem:$0x1FE60] =	vst v45;
	v5 =	vld [tilespmem:$0x43C0];
	v52 =	vadd.f32 v40, v48;
	v40 =	vadd.f32 v34, v33  }
0x267: {  	[tilespmem:$0x6980] =	vst v45;
	v45 =	vld [tilespmem:$0x3DF0];
	v1 =	vadd.f32 v49, v1;
	v13 =	vadd.f32 v57, v13  }
0x268: {  	v61 =	vld [tilespmem:$0x43D0];
	v44 =	vadd.f32 v37, v40;
	v43 =	vadd.f32 v36, v35  }
0x269: {  	v0 =	vadd.f32 v51, v1;
	v46 =	vld [tilespmem:$0x3FE0];
	v13 =	vadd.f32 v58, v13  }
0x26a: {  	v49 =	vld [tilespmem:$0x41E0];
	[tilespmem:$0x1FE80] =	vst v50;
	v47 =	vadd.f32 v39, v44;
	v12 =	vadd.f32 v38, v43  }
0x26b: {  	v0 =	vadd.f32 v53, v0;
	v48 =	vld [tilespmem:$0x3FF0];
	[tilespmem:$0x69A0] =	vst v50;
	v13 =	vadd.f32 v59, v13  }
0x26c: {  	v51 =	vld [tilespmem:$0x41F0];
	[tilespmem:$0x1FE90] =	vst v52;
	v50 =	vadd.f32 v42, v47;
	v12 =	vadd.f32 v41, v12  }
0x26d: {  	v0 =	vadd.f32 v5, v0;
	[tilespmem:$0x69B0] =	vst v52;
	v52 =	vld [tilespmem:$0x43E0];
	v54 =	vadd.f32 v60, v13  }
0x26e: {  	v25 =	vld [tilespmem:$0x4DD0];
	v1 =	vadd.f32 v46, v50;
	v7 =	vadd.f32 v45, v12  }
0x26f: {  	v53 =	vld [tilespmem:$0x43F0];
	v0 =	vadd.f32 v6, v0;
	v57 =	vadd.f32 v61, v54  }
0x270: {  	v56 =	vld [tilespmem:$0x45F0];
	v1 =	vadd.f32 v49, v1;
	v4 =	vadd.f32 v48, v7  }
0x271: {  	v58 =	vld [tilespmem:$0x47E0];
	v0 =	vadd.f32 v8, v0;
	v60 =	vadd.f32 v62, v57  }
0x272: {  	v59 =	vld [tilespmem:$0x47F0];
	v1 =	vadd.f32 v52, v1;
	v3 =	vadd.f32 v51, v4  }
0x273: {  	v61 =	vld [tilespmem:$0x49E0];
	v0 =	vadd.f32 v9, v0;
	v6 =	vadd.f32 v63, v60  }
0x274: {  	v62 =	vld [tilespmem:$0x49F0];
	v1 =	vadd.f32 v55, v1;
	v2 =	vadd.f32 v53, v3  }
0x275: {  	v0 =	vadd.f32 v10, v0;
	v63 =	vld [tilespmem:$0x4BE0];
	v6 =	vadd.f32 v23, v6  }
0x276: {  	v13 =	vld [tilespmem:$0x4DE0];
	v1 =	vadd.f32 v58, v1;
	v2 =	vadd.f32 v56, v2  }
0x277: {  	v12 =	vld [tilespmem:$0x4BF0];
	v15 =	vadd.f32 v11, v0;
	v6 =	vadd.f32 v24, v6  }
0x278: {  	v1 =	vadd.f32 v61, v1;
	v2 =	vadd.f32 v59, v2  }
0x279: {  	v14 =	vld [tilespmem:$0x4DF0];
	v17 =	vadd.f32 v25, v6  }
0x27a: {  	[tilespmem:$0x1FEF0] =	vst v15;
	v16 =	vadd.f32 v63, v1;
	v2 =	vadd.f32 v62, v2  }
0x27b: {  	[tilespmem:$0x69C0] =	vst v15  }
0x27c: {  	[tilespmem:$0x1FF10] =	vst v17;
	v19 =	vadd.f32 v13, v16;
	v18 =	vadd.f32 v12, v2  }
0x27d: {  	[tilespmem:$0x69D0] =	vst v17  }
0x27e: {  	[tilespmem:$0x1FF30] =	vst v19;
	v20 =	vadd.f32 v14, v18  }
0x27f: {  	[tilespmem:$0x69E0] =	vst v19  }
0x280: {  	[tilespmem:$0x1FF50] =	vst v20  }
0x281: {  	[tilespmem:$0x69F0] =	vst v20  }
0x282: {  	_ =	swait.ge [sflag:s14], $0x1A00  }
0x283: {  	[sflag:s14] =	ssyncset.done $0x0  }
0x284: {  	[sflag:s14] =	ssyncadd.s32 $0xFFFFE600  }
0x285: {  	v62 =	vld [tilespmem:$0x5850];
	_ =	sdelay $0x4  }
0x286: {  	[tilespmem:$0x1F190] =	vst v62;
	v62 =	vld [tilespmem:$0x6660];
	_ =	sdelay $0x4  }
0x287: {  	[tilespmem:$0x1F320] =	vst v62;
	v62 =	vld [tilespmem:$0x6270];
	_ =	sdelay $0x4  }
0x288: {  	[tilespmem:$0x1F2D0] =	vst v62;
	v62 =	vld [tilespmem:$0x4E80];
	_ =	sdelay $0x4  }
0x289: {  	[tilespmem:$0x1F340] =	vst v62;
	v62 =	vld [tilespmem:$0x5480];
	_ =	sdelay $0x4  }
0x28a: {  	[tilespmem:$0x1F400] =	vst v62;
	v62 =	vld [tilespmem:$0x5A80];
	_ =	sdelay $0x4  }
0x28b: {  	[tilespmem:$0x1F4B0] =	vst v62;
	v62 =	vld [tilespmem:$0x6080];
	_ =	sdelay $0x4  }
0x28c: {  	[tilespmem:$0x1F570] =	vst v62;
	v62 =	vld [tilespmem:$0x6680];
	_ =	sdelay $0x4  }
0x28d: {  	[tilespmem:$0x1F630] =	vst v62;
	v62 =	vld [tilespmem:$0x5290];
	_ =	sdelay $0x4  }
0x28e: {  	[tilespmem:$0x1F3F0] =	vst v62;
	v62 =	vld [tilespmem:$0x5890];
	_ =	sdelay $0x4  }
0x28f: {  	[tilespmem:$0x1F490] =	vst v62;
	v62 =	vld [tilespmem:$0x5E90];
	_ =	sdelay $0x4  }
0x290: {  	[tilespmem:$0x1F550] =	vst v62;
	v62 =	vld [tilespmem:$0x6490];
	_ =	sdelay $0x4  }
0x291: {  	[tilespmem:$0x1F610] =	vst v62;
	v62 =	vld [tilespmem:$0x50A0];
	_ =	sdelay $0x4  }
0x292: {  	[tilespmem:$0x1F3E0] =	vst v62;
	v62 =	vld [tilespmem:$0x56A0];
	_ =	sdelay $0x4  }
0x293: {  	[tilespmem:$0x1F480] =	vst v62;
	v62 =	vld [tilespmem:$0x5CA0];
	_ =	sdelay $0x4  }
0x294: {  	[tilespmem:$0x1F540] =	vst v62;
	v62 =	vld [tilespmem:$0x62A0];
	_ =	sdelay $0x4  }
0x295: {  	[tilespmem:$0x1F600] =	vst v62;
	v62 =	vld [tilespmem:$0x54B0];
	_ =	sdelay $0x4  }
0x296: {  	[tilespmem:$0x1F460] =	vst v62;
	v62 =	vld [tilespmem:$0x56B0];
	_ =	sdelay $0x4  }
0x297: {  	[tilespmem:$0x1F4A0] =	vst v62;
	v62 =	vld [tilespmem:$0x58B0];
	_ =	sdelay $0x4  }
0x298: {  	[tilespmem:$0x1F4E0] =	vst v62;
	v62 =	vld [tilespmem:$0x5AB0];
	_ =	sdelay $0x4  }
0x299: {  	[tilespmem:$0x1F520] =	vst v62;
	v62 =	vld [tilespmem:$0x5CB0];
	_ =	sdelay $0x4  }
0x29a: {  	[tilespmem:$0x1F560] =	vst v62;
	v62 =	vld [tilespmem:$0x5EB0];
	_ =	sdelay $0x4  }
0x29b: {  	[tilespmem:$0x1F5A0] =	vst v62;
	v62 =	vld [tilespmem:$0x60B0];
	_ =	sdelay $0x4  }
0x29c: {  	[tilespmem:$0x1F5E0] =	vst v62;
	v62 =	vld [tilespmem:$0x62B0];
	_ =	sdelay $0x4  }
0x29d: {  	[tilespmem:$0x1F620] =	vst v62;
	v62 =	vld [tilespmem:$0x64B0];
	_ =	sdelay $0x4  }
0x29e: {  	[tilespmem:$0x1F660] =	vst v62;
	v62 =	vld [tilespmem:$0x66B0];
	_ =	sdelay $0x4  }
0x29f: {  	[tilespmem:$0x1F6A0] =	vst v62;
	v62 =	vld [tilespmem:$0x4EC0];
	_ =	sdelay $0x4  }
0x2a0: {  	[tilespmem:$0x1F690] =	vst v62;
	v62 =	vld [tilespmem:$0x50C0];
	_ =	sdelay $0x4  }
0x2a1: {  	[tilespmem:$0x1F6D0] =	vst v62;
	v62 =	vld [tilespmem:$0x52C0];
	_ =	sdelay $0x4  }
0x2a2: {  	[tilespmem:$0x1F730] =	vst v62;
	v62 =	vld [tilespmem:$0x54C0];
	_ =	sdelay $0x4  }
0x2a3: {  	[tilespmem:$0x1F770] =	vst v62;
	v62 =	vld [tilespmem:$0x56C0];
	_ =	sdelay $0x4  }
0x2a4: {  	[tilespmem:$0x1F7B0] =	vst v62;
	v62 =	vld [tilespmem:$0x58C0];
	_ =	sdelay $0x4  }
0x2a5: {  	[tilespmem:$0x1F7F0] =	vst v62;
	v62 =	vld [tilespmem:$0x5AC0];
	_ =	sdelay $0x4  }
0x2a6: {  	[tilespmem:$0x1F830] =	vst v62;
	v62 =	vld [tilespmem:$0x5CC0];
	_ =	sdelay $0x4  }
0x2a7: {  	[tilespmem:$0x1F870] =	vst v62;
	v62 =	vld [tilespmem:$0x5EC0];
	_ =	sdelay $0x4  }
0x2a8: {  	[tilespmem:$0x1F8B0] =	vst v62;
	v62 =	vld [tilespmem:$0x60C0];
	_ =	sdelay $0x4  }
0x2a9: {  	[tilespmem:$0x1F8F0] =	vst v62;
	v62 =	vld [tilespmem:$0x62C0];
	_ =	sdelay $0x4  }
0x2aa: {  	[tilespmem:$0x1F930] =	vst v62;
	v62 =	vld [tilespmem:$0x64C0];
	_ =	sdelay $0x4  }
0x2ab: {  	[tilespmem:$0x1F970] =	vst v62;
	v62 =	vld [tilespmem:$0x66C0];
	_ =	sdelay $0x4  }
0x2ac: {  	[tilespmem:$0x1F9B0] =	vst v62;
	v62 =	vld [tilespmem:$0x4ED0];
	_ =	sdelay $0x4  }
0x2ad: {  	[tilespmem:$0x1F6C0] =	vst v62;
	v62 =	vld [tilespmem:$0x50D0];
	_ =	sdelay $0x4  }
0x2ae: {  	[tilespmem:$0x1F700] =	vst v62;
	v62 =	vld [tilespmem:$0x52D0];
	_ =	sdelay $0x4  }
0x2af: {  	[tilespmem:$0x1F750] =	vst v62;
	v62 =	vld [tilespmem:$0x54D0];
	_ =	sdelay $0x4  }
0x2b0: {  	[tilespmem:$0x1F790] =	vst v62;
	v62 =	vld [tilespmem:$0x56D0];
	_ =	sdelay $0x4  }
0x2b1: {  	[tilespmem:$0x1F7D0] =	vst v62;
	v62 =	vld [tilespmem:$0x58D0];
	_ =	sdelay $0x4  }
0x2b2: {  	[tilespmem:$0x1F810] =	vst v62;
	v62 =	vld [tilespmem:$0x5AD0];
	_ =	sdelay $0x4  }
0x2b3: {  	[tilespmem:$0x1F850] =	vst v62;
	v62 =	vld [tilespmem:$0x5CD0];
	_ =	sdelay $0x4  }
0x2b4: {  	[tilespmem:$0x1F890] =	vst v62;
	v62 =	vld [tilespmem:$0x5ED0];
	_ =	sdelay $0x4  }
0x2b5: {  	[tilespmem:$0x1F8D0] =	vst v62;
	v62 =	vld [tilespmem:$0x60D0];
	_ =	sdelay $0x4  }
0x2b6: {  	[tilespmem:$0x1F910] =	vst v62;
	v62 =	vld [tilespmem:$0x62D0];
	_ =	sdelay $0x4  }
0x2b7: {  	[tilespmem:$0x1F950] =	vst v62;
	v62 =	vld [tilespmem:$0x64D0];
	_ =	sdelay $0x4  }
0x2b8: {  	[tilespmem:$0x1F990] =	vst v62;
	v62 =	vld [tilespmem:$0x66D0];
	_ =	sdelay $0x4  }
0x2b9: {  	[tilespmem:$0x1F9D0] =	vst v62;
	v62 =	vld [tilespmem:$0x4EE0];
	_ =	sdelay $0x4  }
0x2ba: {  	[tilespmem:$0x1F6F0] =	vst v62;
	v62 =	vld [tilespmem:$0x50E0]  }
0x2bb: {  	v16 =	vld [tilespmem:$0x4E00]  }
0x2bc: {  	v18 =	vld [tilespmem:$0x5000]  }
0x2bd: {  	v24 =	vld [tilespmem:$0x5200]  }
0x2be: {  	v30 =	vld [tilespmem:$0x5400]  }
0x2bf: {  	[tilespmem:$0x1F740] =	vst v62;
	v62 =	vld [tilespmem:$0x52E0]  }
0x2c0: {  	v38 =	vld [tilespmem:$0x5600]  }
0x2c1: {  	v45 =	vld [tilespmem:$0x5800]  }
0x2c2: {  	v55 =	vld [tilespmem:$0x5A00]  }
0x2c3: {  	v21 =	vld [tilespmem:$0x5C00]  }
0x2c4: {  	[tilespmem:$0x1F780] =	vst v62;
	v62 =	vld [tilespmem:$0x54E0]  }
0x2c5: {  	v22 =	vld [tilespmem:$0x5E00]  }
0x2c6: {  	v23 =	vld [tilespmem:$0x6000]  }
0x2c7: {  	v25 =	vld [tilespmem:$0x6200]  }
0x2c8: {  	v26 =	vld [tilespmem:$0x6400]  }
0x2c9: {  	[tilespmem:$0x1F7C0] =	vst v62;
	v62 =	vld [tilespmem:$0x56E0]  }
0x2ca: {  	v27 =	vld [tilespmem:$0x6600]  }
0x2cb: {  	v6 =	vld [tilespmem:$0x4E10]  }
0x2cc: {  	v9 =	vld [tilespmem:$0x5010]  }
0x2cd: {  	v13 =	vld [tilespmem:$0x5210]  }
0x2ce: {  	[tilespmem:$0x1F800] =	vst v62;
	v62 =	vld [tilespmem:$0x58E0]  }
0x2cf: {  	v19 =	vld [tilespmem:$0x5410]  }
0x2d0: {  	v31 =	vld [tilespmem:$0x5810]  }
0x2d1: {  	v37 =	vld [tilespmem:$0x5A10]  }
0x2d2: {  	v46 =	vld [tilespmem:$0x5C10]  }
0x2d3: {  	[tilespmem:$0x1F840] =	vst v62;
	v62 =	vld [tilespmem:$0x5AE0]  }
0x2d4: {  	v56 =	vld [tilespmem:$0x5E10]  }
0x2d5: {  	v28 =	vld [tilespmem:$0x6010]  }
0x2d6: {  	v29 =	vld [tilespmem:$0x6210]  }
0x2d7: {  	v32 =	vld [tilespmem:$0x6410]  }
0x2d8: {  	[tilespmem:$0x1F880] =	vst v62;
	v62 =	vld [tilespmem:$0x5CE0]  }
0x2d9: {  	v33 =	vld [tilespmem:$0x6610]  }
0x2da: {  	v2 =	vld [tilespmem:$0x4E20]  }
0x2db: {  	v4 =	vld [tilespmem:$0x5020]  }
0x2dc: {  	v7 =	vld [tilespmem:$0x5220]  }
0x2dd: {  	[tilespmem:$0x1F8C0] =	vst v62;
	v62 =	vld [tilespmem:$0x5EE0]  }
0x2de: {  	v10 =	vld [tilespmem:$0x5420]  }
0x2df: {  	v14 =	vld [tilespmem:$0x5620]  }
0x2e0: {  	v20 =	vld [tilespmem:$0x5820]  }
0x2e1: {  	v39 =	vld [tilespmem:$0x5E20]  }
0x2e2: {  	[tilespmem:$0x1F900] =	vst v62;
	v62 =	vld [tilespmem:$0x60E0]  }
0x2e3: {  	v48 =	vld [tilespmem:$0x6020]  }
0x2e4: {  	v57 =	vld [tilespmem:$0x6220]  }
0x2e5: {  	v34 =	vld [tilespmem:$0x6420]  }
0x2e6: {  	v35 =	vld [tilespmem:$0x6620]  }
0x2e7: {  	[tilespmem:$0x1F940] =	vst v62;
	v62 =	vld [tilespmem:$0x62E0]  }
0x2e8: {  	v0 =	vld [tilespmem:$0x4E30]  }
0x2e9: {  	v1 =	vld [tilespmem:$0x5030]  }
0x2ea: {  	v3 =	vld [tilespmem:$0x5230]  }
0x2eb: {  	v5 =	vld [tilespmem:$0x5430]  }
0x2ec: {  	[tilespmem:$0x1F980] =	vst v62;
	v62 =	vld [tilespmem:$0x64E0]  }
0x2ed: {  	v8 =	vld [tilespmem:$0x5630]  }
0x2ee: {  	v11 =	vld [tilespmem:$0x5830]  }
0x2ef: {  	v15 =	vld [tilespmem:$0x5A30]  }
0x2f0: {  	v40 =	vld [tilespmem:$0x6230]  }
0x2f1: {  	[tilespmem:$0x1F9C0] =	vst v62;
	v62 =	vld [tilespmem:$0x66E0]  }
0x2f2: {  	v49 =	vld [tilespmem:$0x6430]  }
0x2f3: {  	v54 =	vld [tilespmem:$0x6630]  }
0x2f4: {  	v51 =	vld [tilespmem:$0x4E40]  }
0x2f5: {  	v58 =	vld [tilespmem:$0x5040]  }
0x2f6: {  	[tilespmem:$0x1F9F0] =	vst v62;
	v62 =	vld [tilespmem:$0x4EF0]  }
0x2f7: {  	v36 =	vld [tilespmem:$0x5240]  }
0x2f8: {  	v41 =	vld [tilespmem:$0x5440]  }
0x2f9: {  	v42 =	vld [tilespmem:$0x5640]  }
0x2fa: {  	v43 =	vld [tilespmem:$0x5840]  }
0x2fb: {  	[tilespmem:$0x1F720] =	vst v62;
	v62 =	vld [tilespmem:$0x50F0]  }
0x2fc: {  	v44 =	vld [tilespmem:$0x5A40]  }
0x2fd: {  	v47 =	vld [tilespmem:$0x5C40]  }
0x2fe: {  	v50 =	vld [tilespmem:$0x5E40]  }
0x2ff: {  	v52 =	vld [tilespmem:$0x6040]  }
0x300: {  	[tilespmem:$0x1F760] =	vst v62;
	v62 =	vld [tilespmem:$0x52F0]  }
0x301: {  	v53 =	vld [tilespmem:$0x6240]  }
0x302: {  	v59 =	vld [tilespmem:$0x6440]  }
0x303: {  	v60 =	vld [tilespmem:$0x6640]  }
0x304: {  	v61 =	vld [tilespmem:$0x5650]  }
0x305: {  	[tilespmem:$0x1F7A0] =	vst v62;
	v62 =	vld [tilespmem:$0x54F0]  }
0x306: {  	v63 =	vld [tilespmem:$0x5A50]  }
0x307: {  	v17 =	vld [tilespmem:$0x5C50]  }
0x308: {  	v12 =	vld [tilespmem:$0x4E70]  }
0x309: {  	[tilespmem:$0x1F080] =	vst v25;
	v25 =	vld [tilespmem:$0x5610]  }
0x30a: {  	[tilespmem:$0x1F7E0] =	vst v62;
	v62 =	vld [tilespmem:$0x56F0]  }
0x30b: {  	[tilespmem:$0x1F0A0] =	vst v26;
	v26 =	vld [tilespmem:$0x5A20]  }
0x30c: {  	[tilespmem:$0x1F0B0] =	vst v32;
	v32 =	vld [tilespmem:$0x5C20]  }
0x30d: {  	[tilespmem:$0x1F040] =	vst v21;
	v21 =	vld [tilespmem:$0x5C30]  }
0x30e: {  	[tilespmem:$0x1F0C0] =	vst v27;
	v27 =	vld [tilespmem:$0x5E30]  }
0x30f: {  	[tilespmem:$0x1F820] =	vst v62;
	v62 =	vld [tilespmem:$0x58F0]  }
0x310: {  	[tilespmem:$0x1F260] =	vst v53;
	v53 =	vld [tilespmem:$0x6260]  }
0x311: {  	[tilespmem:$0x1F1B0] =	vst v63;
	v63 =	vld [tilespmem:$0x5E70]  }
0x312: {  	[tilespmem:$0x1F0E0] =	vst v33;
	v33 =	vld [tilespmem:$0x6030]  }
0x313: {  	[tilespmem:$0x1F140] =	vst v36;
	v36 =	vld [tilespmem:$0x4E50]  }
0x314: {  	[tilespmem:$0x1F860] =	vst v62;
	v62 =	vld [tilespmem:$0x5AF0]  }
0x315: {  	[tilespmem:$0x1F2B0] =	vst v53;
	v53 =	vld [tilespmem:$0x6070]  }
0x316: {  	[tilespmem:$0x1F250] =	vst v63;
	v63 =	vld [tilespmem:$0x6470]  }
0x317: {  	[tilespmem:$0x1F150] =	vst v41;
	v41 =	vld [tilespmem:$0x5050]  }
0x318: {  	[tilespmem:$0x1F1C0] =	vst v47;
	v47 =	vld [tilespmem:$0x5250]  }
0x319: {  	[tilespmem:$0x1F8A0] =	vst v62;
	v62 =	vld [tilespmem:$0x5CF0]  }
0x31a: {  	[tilespmem:$0x1F290] =	vst v53;
	v53 =	vld [tilespmem:$0x6670]  }
0x31b: {  	[tilespmem:$0x1F310] =	vst v63;
	v63 =	vld [tilespmem:$0x5080]  }
0x31c: {  	[tilespmem:$0x1F2A0] =	vst v59;
	v59 =	vld [tilespmem:$0x5450]  }
0x31d: {  	[tilespmem:$0x1F050] =	vst v22;
	v22 =	vld [tilespmem:$0x5E50]  }
0x31e: {  	[tilespmem:$0x1F8E0] =	vst v62;
	v62 =	vld [tilespmem:$0x5EF0]  }
0x31f: {  	[tilespmem:$0x1F350] =	vst v53;
	v53 =	vld [tilespmem:$0x5280]  }
0x320: {  	[tilespmem:$0x1F380] =	vst v63;
	v63 =	vld [tilespmem:$0x5680]  }
0x321: {  	[tilespmem:$0x1F060] =	vst v23;
	v23 =	vld [tilespmem:$0x6050]  }
0x322: {  	[tilespmem:$0x1F070] =	vst v28;
	v28 =	vld [tilespmem:$0x6250]  }
0x323: {  	[tilespmem:$0x1F920] =	vst v62;
	v62 =	vld [tilespmem:$0x60F0]  }
0x324: {  	[tilespmem:$0x1F3D0] =	vst v53;
	v53 =	vld [tilespmem:$0x5880]  }
0x325: {  	[tilespmem:$0x1F430] =	vst v63;
	v63 =	vld [tilespmem:$0x5C80]  }
0x326: {  	[tilespmem:$0x1F090] =	vst v29;
	v29 =	vld [tilespmem:$0x6450]  }
0x327: {  	[tilespmem:$0x1F0D0] =	vst v34;
	v34 =	vld [tilespmem:$0x6650]  }
0x328: {  	[tilespmem:$0x1F960] =	vst v62;
	v62 =	vld [tilespmem:$0x62F0]  }
0x329: {  	[tilespmem:$0x1F470] =	vst v53;
	v53 =	vld [tilespmem:$0x5E80]  }
0x32a: {  	[tilespmem:$0x1F4F0] =	vst v63;
	v63 =	vld [tilespmem:$0x6280]  }
0x32b: {  	[tilespmem:$0x1F160] =	vst v42;
	v42 =	vld [tilespmem:$0x5460]  }
0x32c: {  	[tilespmem:$0x1F220] =	vst v52;
	v52 =	vld [tilespmem:$0x5660]  }
0x32d: {  	[tilespmem:$0x1F9A0] =	vst v62;
	v62 =	vld [tilespmem:$0x64F0]  }
0x32e: {  	[tilespmem:$0x1F530] =	vst v53;
	v53 =	vld [tilespmem:$0x6480]  }
0x32f: {  	[tilespmem:$0x1F5B0] =	vst v63;
	v63 =	vld [tilespmem:$0x4E90]  }
0x330: {  	[tilespmem:$0x1F2E0] =	vst v60;
	v60 =	vld [tilespmem:$0x5860]  }
0x331: {  	[tilespmem:$0x1F0F0] =	vst v35;
	v35 =	vld [tilespmem:$0x5A60]  }
0x332: {  	[tilespmem:$0x1F9E0] =	vst v62;
	v62 =	vld [tilespmem:$0x66F0]  }
0x333: {  	[tilespmem:$0x1F5F0] =	vst v53;
	v53 =	vld [tilespmem:$0x5090]  }
0x334: {  	[tilespmem:$0x1F370] =	vst v63;
	v63 =	vld [tilespmem:$0x5490]  }
0x335: {  	[tilespmem:$0x1F180] =	vst v43;
	v43 =	vld [tilespmem:$0x5C60]  }
0x336: {  	[tilespmem:$0x1F1A0] =	vst v44;
	v44 =	vld [tilespmem:$0x5E60]  }
0x337: {  	[tilespmem:$0x1FA20] =	vst v62;
	v62 =	vld [tilespmem:$0x4F00]  }
0x338: {  	[tilespmem:$0x1F3B0] =	vst v53;
	v53 =	vld [tilespmem:$0x5690]  }
0x339: {  	[tilespmem:$0x1F420] =	vst v63;
	v63 =	vld [tilespmem:$0x5A90]  }
0x33a: {  	[tilespmem:$0x1F1F0] =	vst v50;
	v50 =	vld [tilespmem:$0x6060]  }
0x33b: {  	[tilespmem:$0x1F170] =	vst v61;
	v61 =	vld [tilespmem:$0x6460]  }
0x33c: {  	[tilespmem:$0x1FA10] =	vst v62;
	v62 =	vld [tilespmem:$0x5100]  }
0x33d: {  	[tilespmem:$0x1F450] =	vst v53;
	v53 =	vld [tilespmem:$0x5C90]  }
0x33e: {  	[tilespmem:$0x1F4D0] =	vst v63;
	v63 =	vld [tilespmem:$0x6090]  }
0x33f: {  	[tilespmem:$0x1F1E0] =	vst v17;
	v17 =	vld [tilespmem:$0x5070]  }
0x340: {  	[tilespmem:$0x1F210] =	vst v22;
	v22 =	vld [tilespmem:$0x4E60]  }
0x341: {  	[tilespmem:$0x1FA50] =	vst v62;
	v62 =	vld [tilespmem:$0x5300]  }
0x342: {  	[tilespmem:$0x1F510] =	vst v53;
	v53 =	vld [tilespmem:$0x6290]  }
0x343: {  	[tilespmem:$0x1F590] =	vst v63;
	v63 =	vld [tilespmem:$0x6690]  }
0x344: {  	[tilespmem:$0x1F280] =	vst v28;
	v28 =	vld [tilespmem:$0x5060]  }
0x345: {  	[tilespmem:$0x1F300] =	vst v34;
	v34 =	vld [tilespmem:$0x5260]  }
0x346: {  	[tilespmem:$0x1FA90] =	vst v62;
	v62 =	vld [tilespmem:$0x1F000]  }
0x347: {  	[tilespmem:$0x1F5D0] =	vst v53;
	v53 =	vld [tilespmem:$0x4EA0]  }
0x348: {  	[tilespmem:$0x1F650] =	vst v63;
	v63 =	vld [tilespmem:$0x52A0]  }
0x349: {  	[tilespmem:$0x1F240] =	vst v23;
	v23 =	vld [tilespmem:$0x5270]  }
0x34a: {  	[tilespmem:$0x1F2C0] =	vst v29;
	v29 =	vld [tilespmem:$0x5470]  }
0x34b: {  	v16 =	vadd.f32 v16, v62;
	v62 =	vld [tilespmem:$0x5500]  }
0x34c: {  	[tilespmem:$0x1F3A0] =	vst v53;
	v53 =	vld [tilespmem:$0x54A0]  }
0x34d: {  	[tilespmem:$0x1F410] =	vst v63;
	v63 =	vld [tilespmem:$0x58A0]  }
0x34e: {  	[tilespmem:$0x1F1D0] =	vst v35;
	v35 =	vld [tilespmem:$0x5670]  }
0x34f: {  	[tilespmem:$0x1F200] =	vst v43;
	v43 =	vld [tilespmem:$0x5870]  }
0x350: {  	[tilespmem:$0x1FAB0] =	vst v62;
	v62 =	vld [tilespmem:$0x1F010]  }
0x351: {  	[tilespmem:$0x1F440] =	vst v53;
	v53 =	vld [tilespmem:$0x5AA0]  }
0x352: {  	[tilespmem:$0x1F4C0] =	vst v63;
	v63 =	vld [tilespmem:$0x5EA0]  }
0x353: {  	[tilespmem:$0x1F270] =	vst v50;
	v50 =	vld [tilespmem:$0x5A70]  }
0x354: {  	[tilespmem:$0x1F2F0] =	vst v61;
	v61 =	vld [tilespmem:$0x5C70]  }
0x355: {  	v6 =	vadd.f32 v6, v62;
	v62 =	vld [tilespmem:$0x5700]  }
0x356: {  	[tilespmem:$0x1F500] =	vst v53;
	v53 =	vld [tilespmem:$0x60A0]  }
0x357: {  	[tilespmem:$0x1F580] =	vst v63;
	v63 =	vld [tilespmem:$0x64A0]  }
0x358: {  	[tilespmem:$0x1F230] =	vst v44;
	v44 =	vld [tilespmem:$0x4EB0]  }
0x359: {  	v16 =	vadd.f32 v18, v16;
	v18 =	vld [tilespmem:$0x5B00]  }
0x35a: {  	[tilespmem:$0x1FAD0] =	vst v62;
	v62 =	vld [tilespmem:$0x1F020]  }
0x35b: {  	[tilespmem:$0x1F5C0] =	vst v53;
	v53 =	vld [tilespmem:$0x66A0]  }
0x35c: {  	[tilespmem:$0x1F640] =	vst v63;
	v63 =	vld [tilespmem:$0x52B0];
	v6 =	vadd.f32 v9, v6  }
0x35d: {  	v9 =	vld [tilespmem:$0x6300]  }
0x35e: {  	[tilespmem:$0x1FB30] =	vst v18;
	v18 =	vadd.f32 v13, v6;
	v13 =	vld [tilespmem:$0x6700]  }
0x35f: {  	v2 =	vadd.f32 v2, v62;
	v62 =	vld [tilespmem:$0x5900]  }
0x360: {  	[tilespmem:$0x1F670] =	vst v53;
	v53 =	vld [tilespmem:$0x50B0]  }
0x361: {  	v6 =	vld [tilespmem:$0x5120]  }
0x362: {  	[tilespmem:$0x1FBC0] =	vst v9;
	v9 =	vld [tilespmem:$0x1F0E0];
	v2 =	vadd.f32 v4, v2  }
0x363: {  	[tilespmem:$0x1FC10] =	vst v13;
	v13 =	vld [tilespmem:$0x1F100]  }
0x364: {  	v2 =	vadd.f32 v7, v2;
	[tilespmem:$0x1FB00] =	vst v62;
	v62 =	vld [tilespmem:$0x1F030]  }
0x365: {  	v4 =	vadd.f32 v19, v18;
	v18 =	vld [tilespmem:$0x5310]  }
0x366: {  	v19 =	vld [tilespmem:$0x5510];
	v2 =	vadd.f32 v10, v2  }
0x367: {  	v10 =	vadd.f32 v25, v4;
	v25 =	vld [tilespmem:$0x5910]  }
0x368: {  	v2 =	vadd.f32 v14, v2;
	v14 =	vld [tilespmem:$0x4F10]  }
0x369: {  	v0 =	vadd.f32 v0, v62;
	v62 =	vadd.f32 v24, v16;
	v16 =	vld [tilespmem:$0x5D00]  }
0x36a: {  	v24 =	vld [tilespmem:$0x5F00]  }
0x36b: {  	v2 =	vadd.f32 v20, v2;
	v20 =	vld [tilespmem:$0x1F040]  }
0x36c: {  	v30 =	vadd.f32 v30, v62;
	v62 =	vld [tilespmem:$0x6100]  }
0x36d: {  	v0 =	vadd.f32 v1, v0;
	v2 =	vadd.f32 v26, v2;
	v26 =	vld [tilespmem:$0x1F050]  }
0x36e: {  	v1 =	vadd.f32 v38, v30;
	v30 =	vld [tilespmem:$0x1F060]  }
0x36f: {  	v0 =	vadd.f32 v3, v0;
	v3 =	vadd.f32 v31, v10;
	v31 =	vld [tilespmem:$0x5F10]  }
0x370: {  	v2 =	vadd.f32 v32, v2;
	v32 =	vld [tilespmem:$0x1F070]  }
0x371: {  	v38 =	vld [tilespmem:$0x1F080];
	v1 =	vadd.f32 v45, v1  }
0x372: {  	[tilespmem:$0x1FB50] =	vst v16;
	v16 =	vld [tilespmem:$0x5110];
	v0 =	vadd.f32 v5, v0  }
0x373: {  	[tilespmem:$0x1FB70] =	vst v24;
	v24 =	vld [tilespmem:$0x5710];
	v1 =	vadd.f32 v55, v1  }
0x374: {  	v3 =	vadd.f32 v37, v3;
	v37 =	vld [tilespmem:$0x6110];
	v0 =	vadd.f32 v8, v0  }
0x375: {  	v2 =	vadd.f32 v39, v2;
	v39 =	vld [tilespmem:$0x1F090];
	v1 =	vadd.f32 v20, v1  }
0x376: {  	[tilespmem:$0x1FAA0] =	vst v18;
	v45 =	vld [tilespmem:$0x6510];
	v0 =	vadd.f32 v11, v0  }
0x377: {  	[tilespmem:$0x1FAC0] =	vst v19;
	v3 =	vadd.f32 v46, v3;
	v46 =	vld [tilespmem:$0x1F0A0];
	v1 =	vadd.f32 v26, v1  }
0x378: {  	[tilespmem:$0x1FB20] =	vst v25;
	v2 =	vadd.f32 v48, v2;
	v48 =	vld [tilespmem:$0x6710];
	v0 =	vadd.f32 v15, v0  }
0x379: {  	[tilespmem:$0x1FA40] =	vst v14;
	v55 =	vld [tilespmem:$0x1F0B0];
	v3 =	vadd.f32 v56, v3;
	v1 =	vadd.f32 v30, v1  }
0x37a: {  	[tilespmem:$0x1FBA0] =	vst v62;
	v2 =	vadd.f32 v57, v2;
	v57 =	vld [tilespmem:$0x1F0C0];
	v0 =	vadd.f32 v21, v0  }
0x37b: {  	v8 =	vld [tilespmem:$0x1F0D0];
	[tilespmem:$0x1FB90] =	vst v31;
	v1 =	vadd.f32 v38, v1  }
0x37c: {  	[tilespmem:$0x1FA70] =	vst v16;
	v11 =	vld [tilespmem:$0x1F0F0];
	v3 =	vadd.f32 v32, v3;
	v0 =	vadd.f32 v27, v0  }
0x37d: {  	[tilespmem:$0x1FAF0] =	vst v24;
	v16 =	vld [tilespmem:$0x5520];
	v1 =	vadd.f32 v46, v1  }
0x37e: {  	v20 =	vld [tilespmem:$0x5720];
	[tilespmem:$0x1FBB0] =	vst v37;
	v3 =	vadd.f32 v39, v3;
	v0 =	vadd.f32 v33, v0  }
0x37f: {  	v19 =	vld [tilespmem:$0x5D10];
	[tilespmem:$0x1FBF0] =	vst v45;
	v1 =	vadd.f32 v57, v1  }
0x380: {  	v18 =	vld [tilespmem:$0x1F110];
	[tilespmem:$0x1FC30] =	vst v48;
	v3 =	vadd.f32 v55, v3;
	v56 =	vadd.f32 v40, v0  }
0x381: {  	v14 =	vld [tilespmem:$0x5320];
	[tilespmem:$0x1FEB0] =	vst v1;
	v1 =	vadd.f32 v8, v2  }
0x382: {  	v62 =	vld [tilespmem:$0x6500];
	[tilespmem:$0x1FAE0] =	vst v16;
	v2 =	vadd.f32 v9, v3;
	v10 =	vadd.f32 v49, v56  }
0x383: {  	v31 =	vld [tilespmem:$0x6310];
	[tilespmem:$0x1FB10] =	vst v20;
	v1 =	vadd.f32 v11, v1  }
0x384: {  	v15 =	vld [tilespmem:$0x5B10];
	[tilespmem:$0x1FED0] =	vst v2;
	v2 =	vadd.f32 v54, v10  }
0x385: {  	v21 =	vld [tilespmem:$0x1F120];
	[tilespmem:$0x1FEE0] =	vst v1  }
0x386: {  	v0 =	vld [tilespmem:$0x4F20];
	[tilespmem:$0x1FF00] =	vst v2  }
0x387: {  	v24 =	vld [tilespmem:$0x5920]  }
0x388: {  	v25 =	vld [tilespmem:$0x1F130]  }
0x389: {  	v26 =	vld [tilespmem:$0x5B20]  }
0x38a: {  	v27 =	vld [tilespmem:$0x1F140]  }
0x38b: {  	v3 =	vadd.f32 v22, v21;
	v30 =	vld [tilespmem:$0x5D20]  }
0x38c: {  	v48 =	vld [tilespmem:$0x5F20]  }
0x38d: {  	v3 =	vadd.f32 v28, v3;
	v32 =	vld [tilespmem:$0x1F150]  }
0x38e: {  	v33 =	vld [tilespmem:$0x6120]  }
0x38f: {  	v3 =	vadd.f32 v34, v3;
	v34 =	vld [tilespmem:$0x6320]  }
0x390: {  	v2 =	vadd.f32 v36, v18;
	v36 =	vld [tilespmem:$0x1F160]  }
0x391: {  	v37 =	vld [tilespmem:$0x6520]  }
0x392: {  	v38 =	vld [tilespmem:$0x1F170]  }
0x393: {  	v39 =	vld [tilespmem:$0x6720]  }
0x394: {  	v40 =	vld [tilespmem:$0x1F180]  }
0x395: {  	v20 =	vld [tilespmem:$0x5330]  }
0x396: {  	v45 =	vld [tilespmem:$0x1F1B0]  }
0x397: {  	v46 =	vld [tilespmem:$0x1F1C0]  }
0x398: {  	v49 =	vld [tilespmem:$0x1F1E0]  }
0x399: {  	v1 =	vadd.f32 v51, v13;
	v51 =	vld [tilespmem:$0x1F1F0]  }
0x39a: {  	v54 =	vld [tilespmem:$0x1F210]  }
0x39b: {  	v55 =	vld [tilespmem:$0x1F220]  }
0x39c: {  	v56 =	vld [tilespmem:$0x1F230]  }
0x39d: {  	v57 =	vld [tilespmem:$0x1F240]  }
0x39e: {  	v9 =	vld [tilespmem:$0x1F270]  }
0x39f: {  	v10 =	vld [tilespmem:$0x6330]  }
0x3a0: {  	v11 =	vld [tilespmem:$0x1F280]  }
0x3a1: {  	v13 =	vld [tilespmem:$0x1F290]  }
0x3a2: {  	v16 =	vld [tilespmem:$0x6530]  }
0x3a3: {  	v18 =	vld [tilespmem:$0x1F2B0]  }
0x3a4: {  	v21 =	vld [tilespmem:$0x6730]  }
0x3a5: {  	v22 =	vld [tilespmem:$0x1F2C0]  }
0x3a6: {  	v28 =	vld [tilespmem:$0x1F300]  }
0x3a7: {  	v8 =	vld [tilespmem:$0x1F920]  }
0x3a8: {  	v1 =	vadd.f32 v58, v1;
	v58 =	vld [tilespmem:$0x4F30]  }
0x3a9: {  	v2 =	vadd.f32 v41, v2;
	v41 =	vld [tilespmem:$0x1F190]  }
0x3aa: {  	v3 =	vadd.f32 v42, v3;
	v42 =	vld [tilespmem:$0x1F1A0]  }
0x3ab: {  	v2 =	vadd.f32 v47, v2;
	v47 =	vld [tilespmem:$0x1F1D0]  }
0x3ac: {  	v3 =	vadd.f32 v52, v3;
	v52 =	vld [tilespmem:$0x1F200]  }
0x3ad: {  	v4 =	vadd.f32 v12, v25;
	v12 =	vld [tilespmem:$0x5130]  }
0x3ae: {  	v3 =	vadd.f32 v60, v3;
	v60 =	vld [tilespmem:$0x5D30]  }
0x3af: {  	v2 =	vadd.f32 v59, v2;
	v59 =	vld [tilespmem:$0x1F250]  }
0x3b0: {  	[tilespmem:$0x1FB40] =	vst v24;
	v24 =	vld [tilespmem:$0x4F40]  }
0x3b1: {  	v25 =	vld [tilespmem:$0x1F2E0]  }
0x3b2: {  	[tilespmem:$0x1FB60] =	vst v26;
	v26 =	vld [tilespmem:$0x1F2F0]  }
0x3b3: {  	v1 =	vadd.f32 v27, v1;
	v27 =	vld [tilespmem:$0x5140]  }
0x3b4: {  	[tilespmem:$0x1FB80] =	vst v30;
	v30 =	vld [tilespmem:$0x5340]  }
0x3b5: {  	[tilespmem:$0x1FBD0] =	vst v33;
	v33 =	vld [tilespmem:$0x1F330]  }
0x3b6: {  	[tilespmem:$0x1FBE0] =	vst v34;
	v34 =	vld [tilespmem:$0x1F340]  }
0x3b7: {  	[tilespmem:$0x1FC20] =	vst v37;
	v37 =	vld [tilespmem:$0x1F350]  }
0x3b8: {  	[tilespmem:$0x1FC50] =	vst v39;
	v39 =	vld [tilespmem:$0x1F370]  }
0x3b9: {  	[tilespmem:$0x1FC00] =	vst v10;
	v10 =	vld [tilespmem:$0x1F410]  }
0x3ba: {  	[tilespmem:$0x1FC40] =	vst v16;
	v16 =	vld [tilespmem:$0x6340]  }
0x3bb: {  	[tilespmem:$0x1FC80] =	vst v21;
	v21 =	vld [tilespmem:$0x6540]  }
0x3bc: {  	v4 =	vadd.f32 v17, v4;
	v17 =	vld [tilespmem:$0x1F2A0]  }
0x3bd: {  	v1 =	vadd.f32 v32, v1;
	v32 =	vld [tilespmem:$0x1F320]  }
0x3be: {  	v2 =	vadd.f32 v38, v2;
	v38 =	vld [tilespmem:$0x1F360]  }
0x3bf: {  	v3 =	vadd.f32 v47, v3;
	v47 =	vld [tilespmem:$0x5940]  }
0x3c0: {  	v4 =	vadd.f32 v23, v4;
	v23 =	vld [tilespmem:$0x1F2D0]  }
0x3c1: {  	v1 =	vadd.f32 v36, v1;
	v36 =	vld [tilespmem:$0x5540]  }
0x3c2: {  	v2 =	vadd.f32 v41, v2;
	v41 =	vld [tilespmem:$0x5740]  }
0x3c3: {  	v3 =	vadd.f32 v52, v3;
	v52 =	vld [tilespmem:$0x1F3D0]  }
0x3c4: {  	[tilespmem:$0x1FC70] =	vst v24;
	v24 =	vld [tilespmem:$0x6740]  }
0x3c5: {  	[tilespmem:$0x1FCA0] =	vst v27;
	v27 =	vld [tilespmem:$0x1F490]  }
0x3c6: {  	[tilespmem:$0x1FCE0] =	vst v30;
	v30 =	vld [tilespmem:$0x1F4B0]  }
0x3c7: {  	[tilespmem:$0x1FDE0] =	vst v16;
	v16 =	vld [tilespmem:$0x1F5D0]  }
0x3c8: {  	[tilespmem:$0x1FE00] =	vst v21;
	v21 =	vld [tilespmem:$0x1F5F0]  }
0x3c9: {  	v1 =	vadd.f32 v40, v1;
	v40 =	vld [tilespmem:$0x5730]  }
0x3ca: {  	v4 =	vadd.f32 v29, v4;
	v29 =	vld [tilespmem:$0x1F310]  }
0x3cb: {  	v2 =	vadd.f32 v45, v2;
	v45 =	vld [tilespmem:$0x1F390]  }
0x3cc: {  	v3 =	vadd.f32 v56, v3;
	v56 =	vld [tilespmem:$0x6130]  }
0x3cd: {  	v5 =	vadd.f32 v42, v1;
	v1 =	vld [tilespmem:$0x5530]  }
0x3ce: {  	v4 =	vadd.f32 v35, v4;
	v35 =	vld [tilespmem:$0x5B30]  }
0x3cf: {  	v42 =	vld [tilespmem:$0x1F380]  }
0x3d0: {  	v2 =	vadd.f32 v49, v2;
	v49 =	vld [tilespmem:$0x1F3B0]  }
0x3d1: {  	[tilespmem:$0x1FD40] =	vst v47;
	v47 =	vld [tilespmem:$0x1F540]  }
0x3d2: {  	v3 =	vadd.f32 v9, v3;
	v9 =	vld [tilespmem:$0x1F400]  }
0x3d3: {  	[tilespmem:$0x1FD00] =	vst v36;
	v36 =	vld [tilespmem:$0x1F4E0]  }
0x3d4: {  	[tilespmem:$0x1FD20] =	vst v41;
	v41 =	vld [tilespmem:$0x5750]  }
0x3d5: {  	v4 =	vadd.f32 v43, v4;
	v43 =	vld [tilespmem:$0x5930]  }
0x3d6: {  	v2 =	vadd.f32 v54, v2;
	v54 =	vld [tilespmem:$0x5F30]  }
0x3d7: {  	v5 =	vadd.f32 v46, v5;
	v46 =	vld [tilespmem:$0x1F3A0]  }
0x3d8: {  	[tilespmem:$0x1FE20] =	vst v24;
	v24 =	vld [tilespmem:$0x1F610]  }
0x3d9: {  	v3 =	vadd.f32 v18, v3;
	v18 =	vld [tilespmem:$0x1F440]  }
0x3da: {  	v4 =	vadd.f32 v50, v4;
	v50 =	vld [tilespmem:$0x1F3C0]  }
0x3db: {  	v5 =	vadd.f32 v51, v5;
	v51 =	vld [tilespmem:$0x5B40]  }
0x3dc: {  	v2 =	vadd.f32 v57, v2;
	v57 =	vld [tilespmem:$0x5D40]  }
0x3dd: {  	v3 =	vadd.f32 v26, v3;
	v26 =	vld [tilespmem:$0x1F480]  }
0x3de: {  	v4 =	vadd.f32 v61, v4;
	v61 =	vld [tilespmem:$0x1F260]  }
0x3df: {  	v5 =	vadd.f32 v55, v5;
	v55 =	vld [tilespmem:$0x1F3E0]  }
0x3e0: {  	v2 =	vadd.f32 v11, v2;
	v11 =	vld [tilespmem:$0x6140]  }
0x3e1: {  	[tilespmem:$0x1FD30] =	vst v41;
	v41 =	vld [tilespmem:$0x5560]  }
0x3e2: {  	v3 =	vadd.f32 v32, v3;
	v32 =	vld [tilespmem:$0x1F4C0]  }
0x3e3: {  	v4 =	vadd.f32 v59, v4;
	v59 =	vld [tilespmem:$0x1F3F0]  }
0x3e4: {  	v2 =	vadd.f32 v22, v2;
	v22 =	vld [tilespmem:$0x1F450]  }
0x3e5: {  	[tilespmem:$0x1FF60] =	vst v3;
	v3 =	vadd.f32 v34, v33;
	v33 =	vld [tilespmem:$0x5350]  }
0x3e6: {  	v34 =	vld [tilespmem:$0x1F4D0]  }
0x3e7: {  	[tilespmem:$0x1FD60] =	vst v51;
	v51 =	vld [tilespmem:$0x1F560]  }
0x3e8: {  	[tilespmem:$0x1FD80] =	vst v57;
	v57 =	vld [tilespmem:$0x1F580]  }
0x3e9: {  	v4 =	vadd.f32 v13, v4;
	v13 =	vld [tilespmem:$0x1F420]  }
0x3ea: {  	v2 =	vadd.f32 v28, v2;
	v28 =	vld [tilespmem:$0x1F4A0]  }
0x3eb: {  	v5 =	vadd.f32 v61, v5;
	v61 =	vld [tilespmem:$0x5F40]  }
0x3ec: {  	v3 =	vadd.f32 v42, v3;
	v42 =	vld [tilespmem:$0x1F510]  }
0x3ed: {  	[tilespmem:$0x1FDC0] =	vst v11;
	v11 =	vld [tilespmem:$0x1F5C0]  }
0x3ee: {  	v4 =	vadd.f32 v23, v4;
	v23 =	vld [tilespmem:$0x1F460]  }
0x3ef: {  	v5 =	vadd.f32 v17, v5;
	v17 =	vld [tilespmem:$0x1F430]  }
0x3f0: {  	v3 =	vadd.f32 v52, v3;
	v52 =	vld [tilespmem:$0x4F50]  }
0x3f1: {  	[tilespmem:$0x1FF40] =	vst v2;
	v2 =	vadd.f32 v29, v4;
	v29 =	vld [tilespmem:$0x5150]  }
0x3f2: {  	v4 =	vadd.f32 v46, v45;
	v45 =	vld [tilespmem:$0x5950]  }
0x3f3: {  	v46 =	vld [tilespmem:$0x1F530]  }
0x3f4: {  	[tilespmem:$0x1FCF0] =	vst v33;
	v33 =	vld [tilespmem:$0x1F690]  }
0x3f5: {  	v5 =	vadd.f32 v25, v5;
	v25 =	vld [tilespmem:$0x1F470]  }
0x3f6: {  	v3 =	vadd.f32 v9, v3;
	v9 =	vld [tilespmem:$0x6150]  }
0x3f7: {  	v2 =	vadd.f32 v37, v2;
	v37 =	vld [tilespmem:$0x5550]  }
0x3f8: {  	v4 =	vadd.f32 v55, v4;
	v55 =	vld [tilespmem:$0x1F570]  }
0x3f9: {  	[tilespmem:$0x1FDA0] =	vst v61;
	v61 =	vld [tilespmem:$0x1F590]  }
0x3fa: {  	[tilespmem:$0x1FF20] =	vst v5;
	v5 =	vadd.f32 v44, v50;
	v44 =	vld [tilespmem:$0x1F520]  }
0x3fb: {  	v50 =	vld [tilespmem:$0x1F550]  }
0x3fc: {  	[tilespmem:$0x1FF70] =	vst v2;
	v2 =	vadd.f32 v39, v38;
	v38 =	vld [tilespmem:$0x1F4F0]  }
0x3fd: {  	v39 =	vld [tilespmem:$0x1F500]  }
0x3fe: {  	v4 =	vadd.f32 v10, v4;
	v10 =	vld [tilespmem:$0x1F5B0]  }
0x3ff: {  	v3 =	vadd.f32 v17, v3;
	v17 =	vld [tilespmem:$0x1F5E0]  }
0x400: {  	v5 =	vadd.f32 v53, v5;
	v53 =	vld [tilespmem:$0x5D50]  }
0x401: {  	[tilespmem:$0x1FCC0] =	vst v29;
	v29 =	vld [tilespmem:$0x1F660]  }
0x402: {  	[tilespmem:$0x1FD50] =	vst v45;
	v45 =	vld [tilespmem:$0x5760]  }
0x403: {  	v2 =	vadd.f32 v49, v2;
	v49 =	vld [tilespmem:$0x5B50]  }
0x404: {  	v4 =	vadd.f32 v18, v4;
	v18 =	vld [tilespmem:$0x6550]  }
0x405: {  	v3 =	vadd.f32 v25, v3;
	v25 =	vld [tilespmem:$0x1F620]  }
0x406: {  	[tilespmem:$0x1FDD0] =	vst v9;
	v9 =	vld [tilespmem:$0x1F7A0]  }
0x407: {  	v5 =	vadd.f32 v63, v5;
	v63 =	vld [tilespmem:$0x1F5A0]  }
0x408: {  	[tilespmem:$0x1FD10] =	vst v37;
	v37 =	vld [tilespmem:$0x1F6B0]  }
0x409: {  	v2 =	vadd.f32 v59, v2;
	v59 =	vld [tilespmem:$0x5F50]  }
0x40a: {  	v4 =	vadd.f32 v26, v4;
	v26 =	vld [tilespmem:$0x1F630]  }
0x40b: {  	v3 =	vadd.f32 v30, v3;
	v30 =	vld [tilespmem:$0x1F670]  }
0x40c: {  	v5 =	vadd.f32 v23, v5;
	v23 =	vld [tilespmem:$0x6750]  }
0x40d: {  	v2 =	vadd.f32 v13, v2;
	v13 =	vld [tilespmem:$0x6350]  }
0x40e: {  	v3 =	vadd.f32 v38, v3;
	v38 =	vld [tilespmem:$0x5360]  }
0x40f: {  	v4 =	vadd.f32 v32, v4;
	v32 =	vld [tilespmem:$0x1F680]  }
0x410: {  	[tilespmem:$0x1FD90] =	vst v53;
	v53 =	vld [tilespmem:$0x1F740]  }
0x411: {  	v5 =	vadd.f32 v28, v5;
	v28 =	vld [tilespmem:$0x1F650]  }
0x412: {  	[tilespmem:$0x1FD70] =	vst v49;
	v49 =	vld [tilespmem:$0x1F710]  }
0x413: {  	[tilespmem:$0x1FE10] =	vst v18;
	v18 =	vld [tilespmem:$0x6760]  }
0x414: {  	v2 =	vadd.f32 v22, v2;
	v22 =	vld [tilespmem:$0x1F600]  }
0x415: {  	v4 =	vadd.f32 v39, v4;
	v39 =	vld [tilespmem:$0x1F6C0]  }
0x416: {  	v3 =	vadd.f32 v46, v3;
	v46 =	vld [tilespmem:$0x1F6F0]  }
0x417: {  	v5 =	vadd.f32 v36, v5;
	v36 =	vld [tilespmem:$0x5160]  }
0x418: {  	[tilespmem:$0x1FDB0] =	vst v59;
	v59 =	vld [tilespmem:$0x1F770]  }
0x419: {  	v2 =	vadd.f32 v27, v2;
	v27 =	vld [tilespmem:$0x1F640]  }
0x41a: {  	v4 =	vadd.f32 v47, v4;
	v47 =	vld [tilespmem:$0x1F700]  }
0x41b: {  	v3 =	vadd.f32 v55, v3;
	v55 =	vld [tilespmem:$0x1F750]  }
0x41c: {  	v5 =	vadd.f32 v44, v5;
	v44 =	vld [tilespmem:$0x1F6E0]  }
0x41d: {  	[tilespmem:$0x1FDF0] =	vst v13;
	v13 =	vld [tilespmem:$0x6560]  }
0x41e: {  	v2 =	vadd.f32 v34, v2;
	v34 =	vld [tilespmem:$0x1F6A0]  }
0x41f: {  	v4 =	vadd.f32 v57, v4;
	v57 =	vld [tilespmem:$0x1F760]  }
0x420: {  	v3 =	vadd.f32 v10, v3;
	v10 =	vld [tilespmem:$0x1F7B0]  }
0x421: {  	[tilespmem:$0x1FE50] =	vst v18;
	v18 =	vld [tilespmem:$0x5370]  }
0x422: {  	v5 =	vadd.f32 v51, v5;
	v51 =	vld [tilespmem:$0x1F730]  }
0x423: {  	v2 =	vadd.f32 v42, v2;
	v42 =	vld [tilespmem:$0x1F6D0]  }
0x424: {  	v4 =	vadd.f32 v11, v4;
	v11 =	vld [tilespmem:$0x1F7C0]  }
0x425: {  	v3 =	vadd.f32 v21, v3;
	v21 =	vld [tilespmem:$0x1F7F0]  }
0x426: {  	v5 =	vadd.f32 v63, v5;
	v63 =	vld [tilespmem:$0x1F790]  }
0x427: {  	v2 =	vadd.f32 v50, v2;
	v50 =	vld [tilespmem:$0x1F720]  }
0x428: {  	v4 =	vadd.f32 v22, v4;
	v22 =	vld [tilespmem:$0x1F800]  }
0x429: {  	v3 =	vadd.f32 v26, v3;
	[tilespmem:$0x1FE30] =	vst v13;
	v13 =	vld [tilespmem:$0x4F70]  }
0x42a: {  	v5 =	vadd.f32 v17, v5;
	v17 =	vld [tilespmem:$0x1F7E0]  }
0x42b: {  	[tilespmem:$0x1FF80] =	vst v3;
	v3 =	vadd.f32 v27, v4;
	v4 =	vadd.f32 v46, v44;
	v46 =	vld [tilespmem:$0x5960]  }
0x42c: {  	v2 =	vadd.f32 v61, v2;
	v61 =	vld [tilespmem:$0x1F780]  }
0x42d: {  	v27 =	vld [tilespmem:$0x1F820]  }
0x42e: {  	v44 =	vld [tilespmem:$0x1F8A0]  }
0x42f: {  	v5 =	vadd.f32 v25, v5;
	v25 =	vld [tilespmem:$0x1F810]  }
0x430: {  	v2 =	vadd.f32 v16, v2;
	v16 =	vld [tilespmem:$0x1F7D0]  }
0x431: {  	v3 =	vadd.f32 v30, v3;
	v4 =	vadd.f32 v53, v4;
	v53 =	vld [tilespmem:$0x1F8C0]  }
0x432: {  	v2 =	vadd.f32 v24, v2;
	v24 =	vld [tilespmem:$0x4F60]  }
0x433: {  	[tilespmem:$0x1FFA0] =	vst v3;
	v3 =	vadd.f32 v33, v32;
	v32 =	vld [tilespmem:$0x1F850]  }
0x434: {  	v33 =	vld [tilespmem:$0x1F860]  }
0x435: {  	v4 =	vadd.f32 v61, v4;
	v61 =	vld [tilespmem:$0x1F8E0]  }
0x436: {  	v2 =	vadd.f32 v28, v2;
	v28 =	vld [tilespmem:$0x1F830]  }
0x437: {  	v3 =	vadd.f32 v42, v3;
	v42 =	vld [tilespmem:$0x1F890]  }
0x438: {  	[tilespmem:$0x1FF90] =	vst v2;
	v2 =	vadd.f32 v29, v5;
	v5 =	vadd.f32 v50, v49;
	v50 =	vld [tilespmem:$0x5D60]  }
0x439: {  	v3 =	vadd.f32 v51, v3;
	v51 =	vld [tilespmem:$0x5F60]  }
0x43a: {  	v4 =	vadd.f32 v11, v4;
	v29 =	vld [tilespmem:$0x1F840]  }
0x43b: {  	v49 =	vld [tilespmem:$0x1F8B0]  }
0x43c: {  	[tilespmem:$0x1FE40] =	vst v23;
	v23 =	vadd.f32 v22, v4;
	v22 =	vld [tilespmem:$0x5770]  }
0x43d: {  	v4 =	vld [tilespmem:$0x1F900]  }
0x43e: {  	v3 =	vadd.f32 v59, v3;
	v59 =	vld [tilespmem:$0x6160]  }
0x43f: {  	v2 =	vadd.f32 v34, v2;
	v5 =	vadd.f32 v57, v5;
	v57 =	vld [tilespmem:$0x6360]  }
0x440: {  	v34 =	vld [tilespmem:$0x1F870]  }
0x441: {  	[tilespmem:$0x1FFB0] =	vst v2;
	v2 =	vadd.f32 v39, v37;
	v37 =	vld [tilespmem:$0x1F880]  }
0x442: {  	v3 =	vadd.f32 v10, v3;
	v10 =	vld [tilespmem:$0x1F930]  }
0x443: {  	v30 =	vadd.f32 v29, v23;
	v29 =	vld [tilespmem:$0x6170]  }
0x444: {  	v23 =	vld [tilespmem:$0x1F950]  }
0x445: {  	v5 =	vadd.f32 v9, v5;
	v2 =	vadd.f32 v47, v2;
	v47 =	vld [tilespmem:$0x5B60]  }
0x446: {  	v3 =	vadd.f32 v21, v3;
	v21 =	vld [tilespmem:$0x5570]  }
0x447: {  	v5 =	vadd.f32 v17, v5;
	v17 =	vld [tilespmem:$0x1F940]  }
0x448: {  	v2 =	vadd.f32 v55, v2;
	v55 =	vld [tilespmem:$0x1F8D0]  }
0x449: {  	v5 =	vadd.f32 v27, v5;
	v27 =	vld [tilespmem:$0x5D70]  }
0x44a: {  	v3 =	vadd.f32 v28, v3;
	v28 =	vld [tilespmem:$0x5F70]  }
0x44b: {  	v39 =	vadd.f32 v37, v30;
	v30 =	vld [tilespmem:$0x1F960]  }
0x44c: {  	v37 =	vld [tilespmem:$0x1F980]  }
0x44d: {  	v2 =	vadd.f32 v63, v2;
	v63 =	vld [tilespmem:$0x1F8F0]  }
0x44e: {  	v3 =	vadd.f32 v34, v3;
	v34 =	vld [tilespmem:$0x6570]  }
0x44f: {  	v5 =	vadd.f32 v33, v5;
	v33 =	vld [tilespmem:$0x1F970]  }
0x450: {  	v11 =	vadd.f32 v53, v39;
	v39 =	vld [tilespmem:$0x1F990]  }
0x451: {  	v7 =	vadd.f32 v16, v2;
	v16 =	vld [tilespmem:$0x5170]  }
0x452: {  	v5 =	vadd.f32 v44, v5;
	v44 =	vld [tilespmem:$0x1F9B0]  }
0x453: {  	v3 =	vadd.f32 v49, v3;
	v49 =	vld [tilespmem:$0x1F9C0]  }
0x454: {  	v11 =	vadd.f32 v4, v11;
	v4 =	vld [tilespmem:$0x1F9F0]  }
0x455: {  	v26 =	vadd.f32 v25, v7;
	v25 =	vld [tilespmem:$0x5970]  }
0x456: {  	v7 =	vld [tilespmem:$0x1F910]  }
0x457: {  	v5 =	vadd.f32 v61, v5;
	v61 =	vld [tilespmem:$0x1F9D0]  }
0x458: {  	v3 =	vadd.f32 v63, v3;
	v63 =	vld [tilespmem:$0x1F9E0]  }
0x459: {  	v9 =	vadd.f32 v32, v26;
	v26 =	vld [tilespmem:$0x5B70]  }
0x45a: {  	v11 =	vadd.f32 v17, v11;
	v32 =	vld [tilespmem:$0x6370]  }
0x45b: {  	v5 =	vadd.f32 v8, v5;
	v8 =	vld [tilespmem:$0x1FA10]  }
0x45c: {  	v11 =	vadd.f32 v37, v11;
	v37 =	vld [tilespmem:$0x5380]  }
0x45d: {  	v3 =	vadd.f32 v10, v3;
	v10 =	vld [tilespmem:$0x1FA30]  }
0x45e: {  	v9 =	vadd.f32 v42, v9;
	v42 =	vld [tilespmem:$0x1F9A0]  }
0x45f: {  	v5 =	vadd.f32 v30, v5;
	v30 =	vld [tilespmem:$0x4F80]  }
0x460: {  	v3 =	vadd.f32 v33, v3;
	v33 =	vld [tilespmem:$0x5180]  }
0x461: {  	v53 =	vadd.f32 v49, v11;
	v11 =	vld [tilespmem:$0x1FA40]  }
0x462: {  	v49 =	vld [tilespmem:$0x1FA70];
	v9 =	vadd.f32 v55, v9  }
0x463: {  	v55 =	vld [tilespmem:$0x6770]  }
0x464: {  	v2 =	vadd.f32 v44, v3;
	v44 =	vld [tilespmem:$0x1FA60];
	v9 =	vadd.f32 v7, v9  }
0x465: {  	v7 =	vld [tilespmem:$0x1FA00]  }
0x466: {  	v5 =	vadd.f32 v42, v5;
	v42 =	vld [tilespmem:$0x5780];
	v9 =	vadd.f32 v23, v9  }
0x467: {  	v23 =	vld [tilespmem:$0x1FA50]  }
0x468: {  	v17 =	vadd.f32 v11, v10;
	v10 =	vld [tilespmem:$0x1FAD0];
	v9 =	vadd.f32 v39, v9  }
0x469: {  	v11 =	vld [tilespmem:$0x1FAE0]  }
0x46a: {  	[tilespmem:$0x1FFC0] =	vst v2;
	v5 =	vadd.f32 v63, v5;
	v63 =	vld [tilespmem:$0x1FA90];
	v2 =	vadd.f32 v61, v9  }
0x46b: {  	v39 =	vld [tilespmem:$0x5580]  }
0x46c: {  	[tilespmem:$0x1FFD0] =	vst v2;
	v2 =	vadd.f32 v4, v53;
	v53 =	vld [tilespmem:$0x1FA80]  }
0x46d: {  	v0 =	vadd.f32 v0, v44;
	v44 =	vld [tilespmem:$0x5980]  }
0x46e: {  	v3 =	vadd.f32 v8, v7;
	v9 =	vld [tilespmem:$0x1FA20]  }
0x46f: {  	v7 =	vld [tilespmem:$0x6180];
	v0 =	vadd.f32 v6, v0  }
0x470: {  	v6 =	vld [tilespmem:$0x1FAB0];
	v3 =	vadd.f32 v23, v3  }
0x471: {  	v0 =	vadd.f32 v14, v0;
	v14 =	vld [tilespmem:$0x6780];
	v58 =	vadd.f32 v58, v53  }
0x472: {  	v8 =	vld [tilespmem:$0x1FAC0];
	v3 =	vadd.f32 v63, v3  }
0x473: {  	v4 =	vld [tilespmem:$0x1FAA0];
	[tilespmem:$0x1FFE0] =	vst v2;
	v2 =	vadd.f32 v9, v5;
	v9 =	vadd.f32 v12, v58  }
0x474: {  	v5 =	vadd.f32 v49, v17;
	v17 =	vld [tilespmem:$0x1FB00]  }
0x475: {  	v61 =	vld [tilespmem:$0x6580];
	v3 =	vadd.f32 v6, v3;
	v9 =	vadd.f32 v20, v9  }
0x476: {  	[tilespmem:$0x1FEC0] =	vst v14;
	v14 =	vld [tilespmem:$0x1FB20]  }
0x477: {  	v3 =	vadd.f32 v10, v3;
	v20 =	vld [tilespmem:$0x1FB10];
	v1 =	vadd.f32 v1, v9  }
0x478: {  	v5 =	vadd.f32 v4, v5;
	v12 =	vld [tilespmem:$0x1FAF0]  }
0x479: {  	v4 =	vld [tilespmem:$0x1FB40];
	v3 =	vadd.f32 v17, v3;
	v17 =	vadd.f32 v40, v1  }
0x47a: {  	v0 =	vadd.f32 v11, v0;
	v40 =	vld [tilespmem:$0x1FB30]  }
0x47b: {  	v5 =	vadd.f32 v8, v5;
	v8 =	vadd.f32 v43, v17;
	v43 =	vld [tilespmem:$0x1FB60]  }
0x47c: {  	v63 =	vld [tilespmem:$0x5D80];
	v23 =	vadd.f32 v20, v0  }
0x47d: {  	v6 =	vld [tilespmem:$0x1FB80];
	v5 =	vadd.f32 v12, v5  }
0x47e: {  	v49 =	vld [tilespmem:$0x5B80];
	v9 =	vadd.f32 v4, v23  }
0x47f: {  	v53 =	vld [tilespmem:$0x6380];
	v5 =	vadd.f32 v14, v5  }
0x480: {  	v11 =	vadd.f32 v40, v3;
	v40 =	vld [tilespmem:$0x1FB50];
	v9 =	vadd.f32 v43, v9  }
0x481: {  	v35 =	vadd.f32 v35, v8;
	v8 =	vld [tilespmem:$0x1FB90]  }
0x482: {  	[tilespmem:$0x1FEA0] =	vst v7;
	v5 =	vadd.f32 v15, v5;
	v4 =	vld [tilespmem:$0x1FB70];
	v7 =	vadd.f32 v6, v9  }
0x483: {  	v9 =	vld [tilespmem:$0x1FBA0]  }
0x484: {  	v20 =	vadd.f32 v19, v5;
	v43 =	vadd.f32 v48, v7;
	v48 =	vld [tilespmem:$0x1FBB0]  }
0x485: {  	v6 =	vld [tilespmem:$0x1FBD0];
	v11 =	vadd.f32 v40, v11  }
0x486: {  	v20 =	vadd.f32 v8, v20;
	v8 =	vld [tilespmem:$0x1FBE0]  }
0x487: {  	v5 =	vadd.f32 v4, v11;
	v4 =	vld [tilespmem:$0x1FBC0]  }
0x488: {  	v10 =	vld [tilespmem:$0x4F90]  }
0x489: {  	[tilespmem:$0x1FFF0] =	vst v2;
	v2 =	vld [tilespmem:$0x4FA0];
	v20 =	vadd.f32 v48, v20  }
0x48a: {  	v40 =	vadd.f32 v9, v5;
	v43 =	vadd.f32 v6, v43;
	v6 =	vld [tilespmem:$0x1FC30]  }
0x48b: {  	v7 =	vadd.f32 v31, v20;
	v20 =	vld [tilespmem:$0x1FBF0]  }
0x48c: {  	v9 =	vadd.f32 v8, v43;
	v43 =	vld [tilespmem:$0x1FC00];
	v5 =	vadd.f32 v4, v40  }
0x48d: {  	v35 =	vadd.f32 v60, v35;
	v8 =	vld [tilespmem:$0x1FC50]  }
0x48e: {  	v48 =	vadd.f32 v62, v5;
	v5 =	vld [tilespmem:$0x1FC20]  }
0x48f: {  	v35 =	vadd.f32 v54, v35;
	v4 =	vld [tilespmem:$0x1FC10]  }
0x490: {  	v0 =	vadd.f32 v20, v7;
	v7 =	vld [tilespmem:$0x1FC40]  }
0x491: {  	v58 =	vld [tilespmem:$0x5F80];
	v56 =	vadd.f32 v56, v35  }
0x492: {  	v20 =	vld [tilespmem:$0x1FC70]  }
0x493: {  	v56 =	vadd.f32 v43, v56;
	v62 =	vadd.f32 v5, v9;
	v9 =	vld [tilespmem:$0x1FC60]  }
0x494: {  	v12 =	vld [tilespmem:$0x5190];
	v43 =	vadd.f32 v4, v48;
	v48 =	vadd.f32 v6, v0  }
0x495: {  	v0 =	vadd.f32 v7, v56;
	v56 =	vadd.f32 v8, v62;
	v62 =	vld [tilespmem:$0x1FC80]  }
0x496: {  	v7 =	vld [tilespmem:$0x1FC90]  }
0x497: {  	v14 =	vld [tilespmem:$0x5390]  }
0x498: {  	v1 =	vadd.f32 v20, v9;
	v20 =	vld [tilespmem:$0x1FCC0]  }
0x499: {  	v9 =	vld [tilespmem:$0x1FCB0]  }
0x49a: {  	v8 =	vld [tilespmem:$0x1FCA0]  }
0x49b: {  	v17 =	vld [tilespmem:$0x5790];
	v62 =	vadd.f32 v62, v0;
	v0 =	vadd.f32 v52, v7  }
0x49c: {  	v15 =	vld [tilespmem:$0x5590]  }
0x49d: {  	v0 =	vadd.f32 v20, v0;
	v20 =	vld [tilespmem:$0x1FCF0]  }
0x49e: {  	v24 =	vadd.f32 v24, v9;
	v9 =	vld [tilespmem:$0x1FCE0]  }
0x49f: {  	v1 =	vadd.f32 v8, v1;
	v8 =	vld [tilespmem:$0x1FCD0]  }
0x4a0: {  	v23 =	vld [tilespmem:$0x5D90]  }
0x4a1: {  	v19 =	vld [tilespmem:$0x5990]  }
0x4a2: {  	v0 =	vadd.f32 v20, v0;
	v20 =	vld [tilespmem:$0x1FD10]  }
0x4a3: {  	v1 =	vadd.f32 v9, v1;
	v9 =	vld [tilespmem:$0x1FD00]  }
0x4a4: {  	v3 =	vld [tilespmem:$0x51C0];
	v13 =	vadd.f32 v13, v8  }
0x4a5: {  	v60 =	vld [tilespmem:$0x5F90]  }
0x4a6: {  	v54 =	vld [tilespmem:$0x6190];
	v13 =	vadd.f32 v16, v13  }
0x4a7: {  	v0 =	vadd.f32 v20, v0;
	v20 =	vld [tilespmem:$0x1FD30]  }
0x4a8: {  	v13 =	vadd.f32 v18, v13;
	v1 =	vadd.f32 v9, v1;
	v9 =	vld [tilespmem:$0x1FD20]  }
0x4a9: {  	v35 =	vld [tilespmem:$0x6590]  }
0x4aa: {  	v13 =	vadd.f32 v21, v13;
	v21 =	vld [tilespmem:$0x1FD40]  }
0x4ab: {  	v11 =	vld [tilespmem:$0x5B90]  }
0x4ac: {  	v0 =	vadd.f32 v20, v0;
	v20 =	vld [tilespmem:$0x1FD60]  }
0x4ad: {  	v40 =	vld [tilespmem:$0x6390];
	v1 =	vadd.f32 v9, v1  }
0x4ae: {  	v31 =	vld [tilespmem:$0x6790]  }
0x4af: {  	v4 =	vld [tilespmem:$0x51A0];
	v1 =	vadd.f32 v21, v1  }
0x4b0: {  	v5 =	vld [tilespmem:$0x53A0]  }
0x4b1: {  	v1 =	vadd.f32 v20, v1;
	v20 =	vld [tilespmem:$0x1FD80]  }
0x4b2: {  	v6 =	vld [tilespmem:$0x55A0]  }
0x4b3: {  	[tilespmem:$0x6910] =	vst v48;
	v48 =	vld [tilespmem:$0x61E0]  }
0x4b4: {  	v52 =	vld [tilespmem:$0x57A0]  }
0x4b5: {  	v7 =	vld [tilespmem:$0x59A0]  }
0x4b6: {  	v1 =	vadd.f32 v20, v1;
	v20 =	vld [tilespmem:$0x1FDA0]  }
0x4b7: {  	v24 =	vadd.f32 v36, v24;
	v36 =	vld [tilespmem:$0x5DA0]  }
0x4b8: {  	v8 =	vld [tilespmem:$0x5BA0]  }
0x4b9: {  	v24 =	vadd.f32 v38, v24;
	v38 =	vld [tilespmem:$0x61A0]  }
0x4ba: {  	v16 =	vld [tilespmem:$0x5FA0]  }
0x4bb: {  	v1 =	vadd.f32 v20, v1;
	v20 =	vld [tilespmem:$0x1FDC0]  }
0x4bc: {  	v41 =	vadd.f32 v41, v24;
	v24 =	vld [tilespmem:$0x67A0];
	v13 =	vadd.f32 v22, v13  }
0x4bd: {  	v18 =	vld [tilespmem:$0x63A0]  }
0x4be: {  	v22 =	vld [tilespmem:$0x1FD70];
	v13 =	vadd.f32 v25, v13  }
0x4bf: {  	v25 =	vld [tilespmem:$0x1FD90]  }
0x4c0: {  	v13 =	vadd.f32 v26, v13;
	v1 =	vadd.f32 v20, v1;
	v20 =	vld [tilespmem:$0x1FDE0]  }
0x4c1: {  	v21 =	vadd.f32 v45, v41;
	v45 =	vld [tilespmem:$0x1FD50]  }
0x4c2: {  	v9 =	vld [tilespmem:$0x65A0];
	v13 =	vadd.f32 v27, v13  }
0x4c3: {  	v26 =	vld [tilespmem:$0x1FDB0];
	v21 =	vadd.f32 v46, v21  }
0x4c4: {  	v41 =	vld [tilespmem:$0x4FB0];
	v13 =	vadd.f32 v28, v13  }
0x4c5: {  	v21 =	vadd.f32 v47, v21;
	v1 =	vadd.f32 v20, v1;
	v20 =	vld [tilespmem:$0x1FE00]  }
0x4c6: {  	v27 =	vld [tilespmem:$0x1FDD0];
	v0 =	vadd.f32 v45, v0  }
0x4c7: {  	v46 =	vld [tilespmem:$0x53B0];
	v13 =	vadd.f32 v29, v13;
	v21 =	vadd.f32 v50, v21  }
0x4c8: {  	v28 =	vld [tilespmem:$0x1FDF0];
	v0 =	vadd.f32 v22, v0  }
0x4c9: {  	v13 =	vadd.f32 v32, v13;
	v32 =	vld [tilespmem:$0x1FE30];
	v21 =	vadd.f32 v51, v21  }
0x4ca: {  	v0 =	vadd.f32 v25, v0;
	v1 =	vadd.f32 v20, v1;
	v20 =	vld [tilespmem:$0x1FE20]  }
0x4cb: {  	v47 =	vld [tilespmem:$0x57B0];
	v21 =	vadd.f32 v59, v21  }
0x4cc: {  	v45 =	vld [tilespmem:$0x51B0];
	v0 =	vadd.f32 v26, v0  }
0x4cd: {  	v29 =	vld [tilespmem:$0x1FE10];
	v21 =	vadd.f32 v57, v21  }
0x4ce: {  	v50 =	vld [tilespmem:$0x5BB0];
	v0 =	vadd.f32 v27, v0  }
0x4cf: {  	v20 =	vadd.f32 v20, v1;
	v1 =	vadd.f32 v32, v21;
	v32 =	vld [tilespmem:$0x1FE40]  }
0x4d0: {  	v22 =	vld [tilespmem:$0x55B0];
	v0 =	vadd.f32 v28, v0  }
0x4d1: {  	v51 =	vld [tilespmem:$0x5FB0]  }
0x4d2: {  	v25 =	vld [tilespmem:$0x59B0];
	v0 =	vadd.f32 v29, v0  }
0x4d3: {  	v59 =	vld [tilespmem:$0x63B0]  }
0x4d4: {  	v21 =	vadd.f32 v32, v0;
	v32 =	vld [tilespmem:$0x1FE50]  }
0x4d5: {  	v0 =	vadd.f32 v34, v13;
	v13 =	vld [tilespmem:$0x1FE60]  }
0x4d6: {  	v26 =	vld [tilespmem:$0x5DB0]  }
0x4d7: {  	v57 =	vld [tilespmem:$0x67B0]  }
0x4d8: {  	v27 =	vld [tilespmem:$0x61B0]  }
0x4d9: {  	v28 =	vld [tilespmem:$0x65B0];
	v32 =	vadd.f32 v32, v1  }
0x4da: {  	v1 =	vadd.f32 v30, v13;
	v13 =	vadd.f32 v55, v0;
	v55 =	vld [tilespmem:$0x1FE70]  }
0x4db: {  	v29 =	vld [tilespmem:$0x4FC0]  }
0x4dc: {  	v34 =	vld [tilespmem:$0x53C0]  }
0x4dd: {  	v30 =	vld [tilespmem:$0x55C0];
	v1 =	vadd.f32 v33, v1  }
0x4de: {  	v33 =	vld [tilespmem:$0x59C0]  }
0x4df: {  	v1 =	vadd.f32 v37, v1;
	v0 =	vadd.f32 v10, v55;
	v55 =	vld [tilespmem:$0x1FE80]  }
0x4e0: {  	v37 =	vld [tilespmem:$0x5FC0]  }
0x4e1: {  	v10 =	vld [tilespmem:$0x57C0];
	v1 =	vadd.f32 v39, v1;
	v0 =	vadd.f32 v12, v0  }
0x4e2: {  	v39 =	vld [tilespmem:$0x1FF10]  }
0x4e3: {  	v42 =	vadd.f32 v42, v1;
	v1 =	vld [tilespmem:$0x65C0];
	v0 =	vadd.f32 v14, v0  }
0x4e4: {  	v2 =	vadd.f32 v2, v55;
	v55 =	vld [tilespmem:$0x1FE90]  }
0x4e5: {  	v0 =	vadd.f32 v15, v0;
	v15 =	vadd.f32 v44, v42;
	v42 =	vld [tilespmem:$0x1FF20]  }
0x4e6: {  	v44 =	vld [tilespmem:$0x1FF30];
	v2 =	vadd.f32 v4, v2  }
0x4e7: {  	v4 =	vld [tilespmem:$0x5DC0]  }
0x4e8: {  	v15 =	vadd.f32 v49, v15;
	v5 =	vadd.f32 v5, v2;
	v2 =	vld [tilespmem:$0x63C0]  }
0x4e9: {  	v12 =	vadd.f32 v41, v55;
	v41 =	vld [tilespmem:$0x5BC0]  }
0x4ea: {  	v15 =	vadd.f32 v63, v15;
	v63 =	vld [tilespmem:$0x51F0]  }
0x4eb: {  	[tilespmem:$0x6840] =	vst v42;
	v42 =	vld [tilespmem:$0x5DF0]  }
0x4ec: {  	v55 =	vadd.f32 v45, v12;
	v12 =	vld [tilespmem:$0x61C0]  }
0x4ed: {  	v5 =	vadd.f32 v6, v5;
	v45 =	vadd.f32 v17, v0;
	v0 =	vld [tilespmem:$0x67C0]  }
0x4ee: {  	v15 =	vadd.f32 v58, v15;
	v58 =	vld [tilespmem:$0x1FED0]  }
0x4ef: {  	v5 =	vadd.f32 v52, v5;
	v52 =	vld [tilespmem:$0x4FE0]  }
0x4f0: {  	v14 =	vadd.f32 v46, v55;
	v46 =	vld [tilespmem:$0x4FD0]  }
0x4f1: {  	v55 =	vld [tilespmem:$0x4FF0]  }
0x4f2: {  	v6 =	vadd.f32 v19, v45;
	v45 =	vld [tilespmem:$0x53F0]  }
0x4f3: {  	v5 =	vadd.f32 v7, v5;
	v7 =	vld [tilespmem:$0x53D0]  }
0x4f4: {  	v14 =	vadd.f32 v22, v14;
	v22 =	vld [tilespmem:$0x59D0]  }
0x4f5: {  	v5 =	vadd.f32 v8, v5;
	v8 =	vld [tilespmem:$0x57D0]  }
0x4f6: {  	v6 =	vadd.f32 v11, v6;
	[tilespmem:$0x6810] =	vst v58;
	v58 =	vld [tilespmem:$0x59E0]  }
0x4f7: {  	v14 =	vadd.f32 v47, v14;
	v47 =	vld [tilespmem:$0x51D0]  }
0x4f8: {  	v6 =	vadd.f32 v23, v6;
	v23 =	vld [tilespmem:$0x5BD0]  }
0x4f9: {  	v5 =	vadd.f32 v36, v5;
	v36 =	vld [tilespmem:$0x63D0]  }
0x4fa: {  	v17 =	vadd.f32 v46, v39;
	v46 =	vld [tilespmem:$0x1FF40]  }
0x4fb: {  	v39 =	vld [tilespmem:$0x5DE0]  }
0x4fc: {  	v49 =	vadd.f32 v25, v14;
	v14 =	vld [tilespmem:$0x55D0]  }
0x4fd: {  	v25 =	vld [tilespmem:$0x5DD0]  }
0x4fe: {  	v6 =	vadd.f32 v60, v6;
	v60 =	vld [tilespmem:$0x1FEE0]  }
0x4ff: {  	v5 =	vadd.f32 v16, v5;
	v16 =	vld [tilespmem:$0x5FD0]  }
0x500: {  	v11 =	vadd.f32 v50, v49;
	v50 =	vld [tilespmem:$0x1FEA0]  }
0x501: {  	v6 =	vadd.f32 v54, v6;
	v54 =	vld [tilespmem:$0x1FEC0]  }
0x502: {  	v49 =	vld [tilespmem:$0x55E0]  }
0x503: {  	v5 =	vadd.f32 v38, v5;
	v38 =	vld [tilespmem:$0x1FF00]  }
0x504: {  	v17 =	vadd.f32 v47, v17;
	v47 =	vld [tilespmem:$0x1FF50]  }
0x505: {  	v11 =	vadd.f32 v26, v11;
	v26 =	vld [tilespmem:$0x61D0]  }
0x506: {  	v6 =	vadd.f32 v40, v6;
	v40 =	vld [tilespmem:$0x53E0];
	v15 =	vadd.f32 v50, v15  }
0x507: {  	v5 =	vadd.f32 v18, v5;
	v18 =	vld [tilespmem:$0x67D0]  }
0x508: {  	v11 =	vadd.f32 v51, v11;
	v51 =	vld [tilespmem:$0x55F0];
	v15 =	vadd.f32 v53, v15  }
0x509: {  	v6 =	vadd.f32 v35, v6;
	v35 =	vld [tilespmem:$0x5BF0]  }
0x50a: {  	v15 =	vadd.f32 v61, v15;
	v61 =	vld [tilespmem:$0x1FEF0]  }
0x50b: {  	v50 =	vld [tilespmem:$0x1FF60]  }
0x50c: {  	v7 =	vadd.f32 v7, v17;
	v11 =	vadd.f32 v27, v11;
	v27 =	vld [tilespmem:$0x65D0]  }
0x50d: {  	v5 =	vadd.f32 v9, v5;
	v9 =	vadd.f32 v55, v47;
	v55 =	vld [tilespmem:$0x57F0]  }
0x50e: {  	v7 =	vadd.f32 v14, v7;
	v11 =	vadd.f32 v59, v11;
	v59 =	vld [tilespmem:$0x51E0]  }
0x50f: {  	[tilespmem:$0x6900] =	vst v43;
	v53 =	vld [tilespmem:$0x1FEB0];
	v5 =	vadd.f32 v24, v5;
	v24 =	vadd.f32 v29, v61  }
0x510: {  	[tilespmem:$0x6920] =	vst v56;
	v6 =	vadd.f32 v31, v6;
	v31 =	vld [tilespmem:$0x5BE0];
	v7 =	vadd.f32 v8, v7  }
0x511: {  	[tilespmem:$0x6830] =	vst v38;
	v38 =	vld [tilespmem:$0x1FFD0];
	v3 =	vadd.f32 v3, v24;
	v24 =	vadd.f32 v52, v44  }
0x512: {  	[tilespmem:$0x6930] =	vst v62;
	v47 =	vld [tilespmem:$0x5FF0];
	v9 =	vadd.f32 v63, v9;
	v7 =	vadd.f32 v22, v7  }
0x513: {  	[tilespmem:$0x6940] =	vst v20;
	v63 =	vld [tilespmem:$0x1FFB0];
	v3 =	vadd.f32 v34, v3;
	v24 =	vadd.f32 v59, v24  }
0x514: {  	v11 =	vadd.f32 v28, v11;
	v9 =	vadd.f32 v45, v9;
	[tilespmem:$0x6800] =	vst v53;
	v53 =	vld [tilespmem:$0x57E0]  }
0x515: {  	[tilespmem:$0x6950] =	vst v21;
	v61 =	vld [tilespmem:$0x59F0];
	v3 =	vadd.f32 v30, v3;
	v24 =	vadd.f32 v40, v24  }
0x516: {  	[tilespmem:$0x6960] =	vst v32;
	v45 =	vld [tilespmem:$0x5FE0];
	v15 =	vadd.f32 v54, v15;
	v30 =	vadd.f32 v51, v9  }
0x517: {  	[tilespmem:$0x6820] =	vst v60;
	v54 =	vld [tilespmem:$0x1FF80];
	v3 =	vadd.f32 v10, v3;
	v60 =	vadd.f32 v49, v24  }
0x518: {  	[tilespmem:$0x6860] =	vst v50;
	v50 =	vld [tilespmem:$0x63E0];
	v11 =	vadd.f32 v57, v11;
	v8 =	vadd.f32 v55, v30  }
0x519: {  	[tilespmem:$0x6970] =	vst v13;
	v57 =	vld [tilespmem:$0x1FF90];
	v3 =	vadd.f32 v33, v3;
	v10 =	vadd.f32 v53, v60  }
0x51a: {  	[tilespmem:$0x6850] =	vst v46;
	v7 =	vadd.f32 v23, v7;
	v52 =	vld [tilespmem:$0x1FF70];
	v8 =	vadd.f32 v61, v8  }
0x51b: {  	[tilespmem:$0x6990] =	vst v6;
	v44 =	vld [tilespmem:$0x1FFF0];
	v3 =	vadd.f32 v41, v3;
	v10 =	vadd.f32 v58, v10  }
0x51c: {  	v7 =	vadd.f32 v25, v7;
	[tilespmem:$0x6880] =	vst v54;
	v54 =	vld [tilespmem:$0x65F0];
	v8 =	vadd.f32 v35, v8  }
0x51d: {  	[tilespmem:$0x69A0] =	vst v5;
	v49 =	vld [tilespmem:$0x61F0];
	v3 =	vadd.f32 v4, v3;
	v46 =	vadd.f32 v31, v10  }
0x51e: {  	[tilespmem:$0x68D0] =	vst v38;
	v7 =	vadd.f32 v16, v7;
	v59 =	vld [tilespmem:$0x1FFA0];
	v8 =	vadd.f32 v42, v8  }
0x51f: {  	[tilespmem:$0x68B0] =	vst v63;
	v51 =	vld [tilespmem:$0x63F0];
	v3 =	vadd.f32 v37, v3;
	v4 =	vadd.f32 v39, v46  }
0x520: {  	[tilespmem:$0x6980] =	vst v15;
	v7 =	vadd.f32 v26, v7;
	v34 =	vld [tilespmem:$0x1FFC0];
	v8 =	vadd.f32 v47, v8  }
0x521: {  	[tilespmem:$0x69B0] =	vst v11;
	v40 =	vld [tilespmem:$0x1FFE0];
	v3 =	vadd.f32 v12, v3;
	v4 =	vadd.f32 v45, v4  }
0x522: {  	v7 =	vadd.f32 v36, v7;
	[tilespmem:$0x6870] =	vst v52;
	v52 =	vld [tilespmem:$0x65E0];
	v8 =	vadd.f32 v49, v8  }
0x523: {  	[tilespmem:$0x6890] =	vst v57;
	v57 =	vld [tilespmem:$0x67F0];
	v2 =	vadd.f32 v2, v3;
	v53 =	vadd.f32 v48, v4  }
0x524: {  	v55 =	vld [tilespmem:$0x67E0];
	[tilespmem:$0x68A0] =	vst v59;
	v58 =	vadd.f32 v27, v7;
	v59 =	vadd.f32 v51, v8  }
0x525: {  	[tilespmem:$0x68F0] =	vst v44;
	v1 =	vadd.f32 v1, v2;
	v56 =	vadd.f32 v50, v53  }
0x526: {  	[tilespmem:$0x68C0] =	vst v34;
	v61 =	vadd.f32 v18, v58;
	v4 =	vadd.f32 v54, v59  }
0x527: {  	[tilespmem:$0x68E0] =	vst v40;
	v0 =	vadd.f32 v0, v1;
	v60 =	vadd.f32 v52, v56  }
0x528: {  	[tilespmem:$0x69D0] =	vst v61;
	v63 =	vadd.f32 v57, v4  }
0x529: {  	[tilespmem:$0x69C0] =	vst v0;
	v62 =	vadd.f32 v55, v60  }
0x52a: {  	p0 =	sne.s32 s6, $0x1;
	[tilespmem:$0x69F0] =	vst v63  }
.Ltmp0:
0x52b: {  	[tilespmem:$0x69E0] =	vst v62;
	(pc) =	sbr.rel @p0 .LBB2_1-.Ltmp0, $4  }
0x52c: {  	[hbm4b:s5+s3] =	stream.linear.scatter [tilespmem:s15], [sflag:$0x3], $0x200, $0x38;
	[tilespmem:$0x6A00] =	vst v63  }
0x52d: {  	_ =	swait.ge [sflag:s9], $0x200  }
0x52e: {  	[sflag:s9] =	ssyncset.done $0x0  }
0x52f: {  	s6 =	sadd.s32 $0xFFFFFFFF, s6;
	[sflag:s9] =	ssyncadd.s32 $0xFFFFFE00  }
0x530: {  	_ =	sfence.sel $0x180000  }
0x531: {  	[bflag:$0x0] =	sbarrier.arrive $0xFFFF  }
0x532: {  	p0 =	sne.s32 s0, $0x0;
	_ =	strace $0x90000047  }
0x533: {  	s0 =	sadd.s32 @!p0 $0x100000, s1;
	[bflag:$0x2] =	sbarrier.arrive $0xFFFF  }
0x534: {  	[sflag:s0] =	ssyncadd.tile.s32 @!p0 $0x1;
	_ =	shalt  }
.Lfunc_end2:
_tile_overlayer_lowered:
.L_overlay_start_2:
0x535: {  	(tag) =	ssettag $0x2  }
0x536: {  	s0 =	rddreg [dreg:$0x0];
	s2 =	stileid.u32  }
0x537: {  	s1 =	rddreg [dreg:$0x1];
	p0 =	sne.s32 s2, $0x0  }
0x538: {  	s3 =	rddreg [dreg:$0x2];
	[bflag:$0x3] =	sbarrier.arrive $0xFFFF;
	s2 =	simm.s32 @!p0 $0x1C03  }
0x539: {  	[timem:s3], [sflag:s2] =	dma.local @!p0 [hbm:s0], s1  }
0x53a: {  	s0 =	simm.s32 @!p0 $0x3  }
0x53b: {  	_ =	swait.ge @!p0 [sflag:s0], s1  }
0x53c: {  	s1 =	ssub.s32 @!p0 $0x0, s1;
	[sflag:s0] =	ssyncset.done @!p0 $0x0  }
0x53d: {  	[sflag:s0] =	ssyncadd.s32 @!p0 s1  }
0x53e: {  	[bflag:$0x3] =	sbarrier.arrive $0xFFFF  }
0x53f: {  	_ =	shalt  }

</sc_bundles>
